<compile_context>
chip_gen: v7x
topology: tpu7x:2x2x1
jax: 0.10.2.dev20260603
libtpu: 0.0.44.dev20260713+nightly
codegen_flags: <defaults>
</compile_context>

<pallas_src>
import functools

import jax
import jax.numpy as jnp
from jax import lax
from jax.experimental import pallas as pl
from jax.experimental.pallas import tpu as pltpu
from jax.experimental.pallas import tpu_sc as plsc

N_MED = 1000
L = 16
MT = N_MED // 8
W = 32
NW = 32
LAST_OFF = N_MED - W
N_D, N_P, N_S = 16, 8, 12
NPAR = 16
NBUF = 4

N_DIAG, N_PROC, N_SYM = 20000, 10000, 5000
NT_D, EW_D = N_DIAG // 128, N_DIAG % 128
NT_P, EW_P = N_PROC // 128, N_PROC % 128
N_FULL_MED = N_MED // 128
EW_M = N_MED % 128


def _body(diag_hbm, proc_hbm, sym_hbm, d_idx_hbm, p_idx_hbm, s_idx_hbm,
          par_hbm, out_hbm,
          d_idx_v, p_idx_v, s_idx_v, b0, b1, b2, b3, ed, ep, sbufa, sbufb,
          sym_acc, par_v, out_v, sem, sem_e, sem_s):
    wid = lax.axis_index("s") * 2 + lax.axis_index("c")
    ring = (b0, b1, b2, b3)

    pltpu.sync_copy(d_idx_hbm, d_idx_v)
    pltpu.sync_copy(p_idx_hbm, p_idx_v)
    pltpu.sync_copy(s_idx_hbm, s_idx_v)
    pltpu.sync_copy(par_hbm, par_v)

    out_off = jnp.minimum(wid * W, LAST_OFF)
    out_off = pl.multiple_of(out_off, 8)
    mt0 = out_off >> 3

    lane = lax.iota(jnp.int32, L)
    izero = jnp.zeros((L,), jnp.int32)
    zero = jnp.zeros((L,), jnp.float32)
    one = jnp.ones((L,), jnp.float32)

    d_vec = plsc.load_gather(d_idx_v, [lane])
    p_vec = plsc.load_gather(
        p_idx_v, [lax.rem(lane, jnp.full((L,), N_P, jnp.int32))])
    s_vec = plsc.load_gather(
        s_idx_v, [lax.rem(lane, jnp.full((L,), N_S, jnp.int32))])

    def extract(vec, r):
        fvec = plsc.bitcast(jnp.where(lane == r, vec, izero), jnp.float32)
        return lax.bitcast_convert_type(jnp.max(fvec), jnp.int32)

    cp_ed = pltpu.async_copy(
        diag_hbm.at[pl.ds(mt0, 4), :, pl.ds(NT_D * 128, EW_D)], ed, sem_e)
    cp_ep = pltpu.async_copy(
        proc_hbm.at[pl.ds(mt0, 4), :, pl.ds(NT_P * 128, EW_P)], ep, sem_e)

    strips = ([(diag_hbm, d_vec, r, NT_D, ed, EW_D) for r in range(N_D)]
              + [(proc_hbm, p_vec, r, NT_P, ep, EW_P) for r in range(N_P)])
    n_strips = len(strips)

    def fire(k):
        tbl, vec, r, nt, _, _ = strips[k]
        ct = extract(vec, r) >> 7
        ct = jnp.where(ct >= nt, nt - 1, ct)
        col0 = pl.multiple_of(ct << 7, 128)
        return pltpu.async_copy(
            tbl.at[pl.ds(mt0, 4), :, pl.ds(col0, 128)], ring[k % NBUF],
            sem)

    acc = [[zero, zero], [zero, zero]]
    tbl_of = [0] * N_D + [1] * N_P

    def process(k):
        tbl, vec, r, nt, ebuf, ew = strips[k]
        idxb = jnp.full((L,), extract(vec, r), jnp.int32)
        c_n = idxb & 127
        c_e = idxb & (ew - 1)
        is_edge = idxb >= (nt << 7)
        buf = ring[k % NBUF]
        t = tbl_of[k]
        for ci, c0 in enumerate((0, L)):
            m_loc = lane + c0
            mt_loc = m_loc >> 3
            rr = m_loc & 7
            v_n = plsc.load_gather(buf, [mt_loc, rr, c_n])
            v_e = plsc.load_gather(ebuf, [mt_loc, rr, c_e])
            v = jnp.where(is_edge, v_e, v_n)
            acc[t][ci] = jnp.maximum(acc[t][ci], v)

    s_tile = [extract(s_vec, r) for r in range(N_S)]
    s_off = [jnp.full((L,), extract(s_vec & 7, r), jnp.int32)
             for r in range(N_S)]

    def sym_do(buf, colb, colb_vec):
        cps_s = [pltpu.async_copy(sym_hbm.at[s_tile[r] >> 3, :, colb],
                                  buf.at[r + 1], sem_s)
                 for r in range(N_S)]
        for cp in cps_s:
            cp.wait()
        for ci, c0 in enumerate((0, L)):
            col_in = lane + c0 + colb_vec
            m = None
            for r in range(N_S):
                v = plsc.load_gather(
                    buf, [jnp.full((L,), r + 1, jnp.int32), s_off[r],
                          col_in])
                m = v if m is None else jnp.maximum(m, v)
            sym_acc[ci, :] = m

    in_tail = out_off >= N_FULL_MED * 128

    @pl.when(jnp.logical_not(in_tail))
    def _sym_main():
        colb = pl.multiple_of((out_off >> 7) << 7, 128)
        sym_do(sbufa, pl.ds(colb, 128),
               jnp.full((L,), out_off - colb, jnp.int32))

    @pl.when(in_tail)
    def _sym_tail():
        sym_do(sbufb, pl.ds(N_FULL_MED * 128, N_MED - N_FULL_MED * 128),
               jnp.full((L,), out_off - N_FULL_MED * 128, jnp.int32))

    cps = [fire(k) for k in range(NBUF)]
    cp_ed.wait()
    cp_ep.wait()
    for k in range(n_strips):
        cps[k].wait()
        if k + NBUF < n_strips:
            cps.append(fire(k + NBUF))
        process(k)

    def bcast(j):
        return plsc.load_gather(par_v, [jnp.full((L,), j, jnp.int32)])

    hi = (bcast(8), bcast(9), bcast(10))
    lo = (bcast(11), bcast(12), bcast(13))
    neg_w, pos_w = bcast(14), bcast(15)

    for ci, c0 in enumerate((0, L)):
        md, mp, ms = acc[0][ci], acc[1][ci], sym_acc[ci, :]
        low = (jnp.where(md < lo[0], one, zero)
               * jnp.where(mp < lo[1], one, zero)
               * jnp.where(ms < lo[2], one, zero))
        anyhigh = jnp.maximum(
            jnp.where(md > hi[0], one, zero),
            jnp.maximum(jnp.where(mp > hi[1], one, zero),
                        jnp.where(ms > hi[2], one, zero)))
        high = (one - low) * anyhigh
        adj = neg_w * low + pos_w * high
        pre = par_v[pl.ds(NPAR + out_off + c0, L)]
        out_v[pl.ds(c0, L)] = pre + adj

    pltpu.sync_copy(out_v, out_hbm.at[pl.ds(out_off, W)])
    return None


_sc_review = functools.partial(
    pl.kernel,
    out_type=jax.ShapeDtypeStruct((N_MED,), jnp.float32),
    mesh=plsc.VectorSubcoreMesh(core_axis_name="c", subcore_axis_name="s"),
    compiler_params=pltpu.CompilerParams(needs_layout_passes=False),
    scratch_types=[
        pltpu.VMEM((N_D,), jnp.int32),
        pltpu.VMEM((N_P,), jnp.int32),
        pltpu.VMEM((N_S,), jnp.int32),
        pltpu.VMEM((4, 8, 128), jnp.float32),
        pltpu.VMEM((4, 8, 128), jnp.float32),
        pltpu.VMEM((4, 8, 128), jnp.float32),
        pltpu.VMEM((4, 8, 128), jnp.float32),
        pltpu.VMEM((4, 8, EW_D), jnp.float32),
        pltpu.VMEM((4, 8, EW_P), jnp.float32),
        pltpu.VMEM((N_S + 1, 8, 128), jnp.float32),
        pltpu.VMEM((N_S + 1, 8, EW_M), jnp.float32),
        pltpu.VMEM((2, L), jnp.float32),
        pltpu.VMEM((NPAR + N_MED,), jnp.float32),
        pltpu.VMEM((W,), jnp.float32),
        pltpu.SemaphoreType.DMA,
        pltpu.SemaphoreType.DMA,
        pltpu.SemaphoreType.DMA,
    ],
)(_body)


@jax.jit
def kernel(pre_prob, diags, procs, syms, C_diag, C_proc, C_sym,
           c1_high_limit, c1_low_limit, c1_minus_weight, c1_plus_weight):
    par = jnp.concatenate([
        jnp.zeros((8,), jnp.float32),
        c1_high_limit.astype(jnp.float32),
        c1_low_limit.astype(jnp.float32),
        jnp.stack([-c1_minus_weight, c1_plus_weight]).astype(jnp.float32),
        pre_prob.reshape(N_MED),
    ])
    out = _sc_review(C_diag.T.reshape(MT, 8, N_DIAG),
                     C_proc.T.reshape(MT, 8, N_PROC),
                     C_sym.reshape(N_SYM // 8, 8, N_MED),
                     diags.astype(jnp.int32), procs.astype(jnp.int32),
                     syms.astype(jnp.int32), par)
    return out.reshape(1, N_MED)

# --- scband reference (transcript-rebuilt; emitter-appended) ---
"""Pipeline reference for scband-causalty-review-2267742733042 (READ-ONLY COPY).

The authoritative reference and input builder live on the scoring server;
editing this copy changes nothing except your own understanding.
"""

import jax, jax.numpy as jnp
import numpy as np

N_DIAG = 20000
N_PROC = 10000
N_SYM = 5000
NUM_MED = 1000

def setup_inputs(seed: int = 0) -> dict:
    key = jax.random.key(seed)
    ks = jax.random.split(key, 8)
    pre_prob = jax.random.uniform(ks[0], (1, NUM_MED), dtype=jnp.float32)
    diags = jax.random.randint(ks[1], (16,), 0, N_DIAG, dtype=jnp.int64)
    procs = jax.random.randint(ks[2], (8,), 0, N_PROC, dtype=jnp.int64)
    syms = jax.random.randint(ks[3], (12,), 0, N_SYM, dtype=jnp.int64)
    # Mock CausalGraph: dense effect matrices, entries in [0,1]
    C_diag = jax.random.uniform(ks[4], (N_DIAG, NUM_MED), dtype=jnp.float32)
    C_proc = jax.random.uniform(ks[5], (N_PROC, NUM_MED), dtype=jnp.float32)
    C_sym = jax.random.uniform(ks[6], (N_SYM, NUM_MED), dtype=jnp.float32)
    # Parameters initialized from get_threshold_effect(0.97/0.9, ...): uniform quantiles
    c1_high_limit = jnp.array([0.97, 0.97, 0.97], dtype=jnp.float32)
    c1_low_limit = jnp.array([0.90, 0.90, 0.90], dtype=jnp.float32)
    c1_minus_weight = jnp.asarray(0.01, dtype=jnp.float32)
    c1_plus_weight = jnp.asarray(0.01, dtype=jnp.float32)
    return {
        'pre_prob': pre_prob,
        'diags': diags,
        'procs': procs,
        'syms': syms,
        'C_diag': C_diag,
        'C_proc': C_proc,
        'C_sym': C_sym,
        'c1_high_limit': c1_high_limit,
        'c1_low_limit': c1_low_limit,
        'c1_minus_weight': c1_minus_weight,
        'c1_plus_weight': c1_plus_weight,
    }

def reference(pre_prob, diags, procs, syms, C_diag, C_proc, C_sym,
              c1_high_limit, c1_low_limit, c1_minus_weight, c1_plus_weight):
    # For each med m: max causal effect over the visit's diag/proc/sym codes
    max_cdm = jnp.max(jnp.take(C_diag, diags, axis=0), axis=0)  # [NUM_MED]
    max_cpm = jnp.max(jnp.take(C_proc, procs, axis=0), axis=0)  # [NUM_MED]
    max_csm = jnp.max(jnp.take(C_sym, syms, axis=0), axis=0)    # [NUM_MED]
    low_mask = (max_cdm < c1_low_limit[0]) & (max_cpm < c1_low_limit[1]) & (max_csm < c1_low_limit[2])
    high_mask = jnp.logical_not(low_mask) & (
        (max_cdm > c1_high_limit[0]) | (max_cpm > c1_high_limit[1]) | (max_csm > c1_high_limit[2])
    )
    adjust = -c1_minus_weight * low_mask.astype(jnp.float32) + c1_plus_weight * high_mask.astype(jnp.float32)
    reviewed_prob = pre_prob + adjust[None, :]
    return reviewed_prob

if __name__ == "__main__":
    import jax
    _d = setup_inputs()
    print(jax.jit(kernel)(*tuple(_d.values())))

</pallas_src>

<mosaic_0001>
#map = affine_map<(d0, d1) -> (0, 0, 0)>
#map1 = affine_map<(d0, d1) -> (0)>
module attributes {stable_mosaic.version = 14 : i64} {
  func.func @_body(%arg0: i32, %arg1: i32, %arg2: memref<125x8x20000xf32, #tpu.memory_space<hbm>>, %arg3: memref<125x8x10000xf32, #tpu.memory_space<hbm>>, %arg4: memref<625x8x1000xf32, #tpu.memory_space<hbm>>, %arg5: memref<16xi32, #tpu.memory_space<hbm>>, %arg6: memref<8xi32, #tpu.memory_space<hbm>>, %arg7: memref<12xi32, #tpu.memory_space<hbm>>, %arg8: memref<1016xf32, #tpu.memory_space<hbm>>, %arg9: memref<1000xf32, #tpu.memory_space<hbm>>, %arg10: memref<16xi32, #tpu.memory_space<vmem>>, %arg11: memref<8xi32, #tpu.memory_space<vmem>>, %arg12: memref<12xi32, #tpu.memory_space<vmem>>, %arg13: memref<4x8x128xf32, #tpu.memory_space<vmem>>, %arg14: memref<4x8x128xf32, #tpu.memory_space<vmem>>, %arg15: memref<4x8x128xf32, #tpu.memory_space<vmem>>, %arg16: memref<4x8x128xf32, #tpu.memory_space<vmem>>, %arg17: memref<4x8x32xf32, #tpu.memory_space<vmem>>, %arg18: memref<4x8x16xf32, #tpu.memory_space<vmem>>, %arg19: memref<13x8x128xf32, #tpu.memory_space<vmem>>, %arg20: memref<13x8x104xf32, #tpu.memory_space<vmem>>, %arg21: memref<2x16xf32, #tpu.memory_space<vmem>>, %arg22: memref<1016xf32, #tpu.memory_space<vmem>>, %arg23: memref<32xf32, #tpu.memory_space<vmem>>, %arg24: memref<!tpu.dma_semaphore, #tpu.memory_space<semaphore_mem>>, %arg25: memref<!tpu.dma_semaphore, #tpu.memory_space<semaphore_mem>>, %arg26: memref<!tpu.dma_semaphore, #tpu.memory_space<semaphore_mem>>) attributes {dimension_semantics = [#tpu.dimension_semantics<core_parallel>, #tpu.dimension_semantics<subcore_parallel>], iteration_bounds = array<i64: 2, 16>, scalar_prefetch = 0 : i64, scratch_operands = 17 : i64, tpu.core_type = #tpu.core_type<sc_vector_subcore>, window_params = [{transform_indices = #map}, {transform_indices = #map}, {transform_indices = #map}, {transform_indices = #map1}, {transform_indices = #map1}, {transform_indices = #map1}, {transform_indices = #map1}, {transform_indices = #map1}]} {
    %mul3A = arith.constant 2 : i32
    %mul3A_0 = arith.muli %arg1, %mul3A : i32
    %add3A = arith.addi %mul3A_0, %arg0 : i32
    "tpu.region"() ({
      %run_scoped3A = tpu.sem_alloc : memref<!tpu.dma_semaphore, #tpu.memory_space<semaphore_mem>>
      tpu.enqueue_dma source(%arg5 : memref<16xi32, #tpu.memory_space<hbm>>) target(%arg10 : memref<16xi32, #tpu.memory_space<vmem>>) target_semaphore(%run_scoped3A : memref<!tpu.dma_semaphore, #tpu.memory_space<semaphore_mem>>)
      tpu.wait_dma2 semaphore(%run_scoped3A : memref<!tpu.dma_semaphore, #tpu.memory_space<semaphore_mem>>) src(%arg5 : memref<16xi32, #tpu.memory_space<hbm>>) dst(%arg10 : memref<16xi32, #tpu.memory_space<vmem>>)
      tpu.yield
    }) : () -> ()
    "tpu.region"() ({
      %run_scoped3A = tpu.sem_alloc : memref<!tpu.dma_semaphore, #tpu.memory_space<semaphore_mem>>
      tpu.enqueue_dma source(%arg6 : memref<8xi32, #tpu.memory_space<hbm>>) target(%arg11 : memref<8xi32, #tpu.memory_space<vmem>>) target_semaphore(%run_scoped3A : memref<!tpu.dma_semaphore, #tpu.memory_space<semaphore_mem>>)
      tpu.wait_dma2 semaphore(%run_scoped3A : memref<!tpu.dma_semaphore, #tpu.memory_space<semaphore_mem>>) src(%arg6 : memref<8xi32, #tpu.memory_space<hbm>>) dst(%arg11 : memref<8xi32, #tpu.memory_space<vmem>>)
      tpu.yield
    }) : () -> ()
    "tpu.region"() ({
      %run_scoped3A = tpu.sem_alloc : memref<!tpu.dma_semaphore, #tpu.memory_space<semaphore_mem>>
      tpu.enqueue_dma source(%arg7 : memref<12xi32, #tpu.memory_space<hbm>>) target(%arg12 : memref<12xi32, #tpu.memory_space<vmem>>) target_semaphore(%run_scoped3A : memref<!tpu.dma_semaphore, #tpu.memory_space<semaphore_mem>>)
      tpu.wait_dma2 semaphore(%run_scoped3A : memref<!tpu.dma_semaphore, #tpu.memory_space<semaphore_mem>>) src(%arg7 : memref<12xi32, #tpu.memory_space<hbm>>) dst(%arg12 : memref<12xi32, #tpu.memory_space<vmem>>)
      tpu.yield
    }) : () -> ()
    "tpu.region"() ({
      %run_scoped3A = tpu.sem_alloc : memref<!tpu.dma_semaphore, #tpu.memory_space<semaphore_mem>>
      tpu.enqueue_dma source(%arg8 : memref<1016xf32, #tpu.memory_space<hbm>>) target(%arg22 : memref<1016xf32, #tpu.memory_space<vmem>>) target_semaphore(%run_scoped3A : memref<!tpu.dma_semaphore, #tpu.memory_space<semaphore_mem>>)
      tpu.wait_dma2 semaphore(%run_scoped3A : memref<!tpu.dma_semaphore, #tpu.memory_space<semaphore_mem>>) src(%arg8 : memref<1016xf32, #tpu.memory_space<hbm>>) dst(%arg22 : memref<1016xf32, #tpu.memory_space<vmem>>)
      tpu.yield
    }) : () -> ()
    %mul3A_1 = arith.constant 32 : i32
    %mul3A_2 = arith.muli %add3A, %mul3A_1 : i32
    %min3A = arith.constant 968 : i32
    %min3A_3 = arith.minsi %mul3A_2, %min3A : i32
    %multiple_of3A = tpu.assume_multiple %min3A_3, 8 : i32
    %shift_right_arithmetic3A = arith.constant 3 : i32
    %shift_right_arithmetic3A_4 = arith.shrsi %multiple_of3A, %shift_right_arithmetic3A : i32
    %iota3A = tpu.iota {dimensions = array<i32: 0>} : vector<16xi32>
    %broadcast_in_dim3A = arith.constant 0 : i32
    %broadcast_in_dim3A_5 = vector.broadcast %broadcast_in_dim3A : i32 to vector<16xi32>
    %broadcast_in_dim3A_6 = arith.constant 0.000000e+00 : f32
    %broadcast_in_dim3A_7 = vector.broadcast %broadcast_in_dim3A_6 : f32 to vector<16xf32>
    %broadcast_in_dim3A_8 = arith.constant 1.000000e+00 : f32
    %broadcast_in_dim3A_9 = vector.broadcast %broadcast_in_dim3A_8 : f32 to vector<16xf32>
    %gather3A = tpu.vector_load_idx %arg10[%iota3A] : memref<16xi32, #tpu.memory_space<vmem>>[vector<16xi32>], vector<16xi32>,
    %broadcast_in_dim3A_10 = arith.constant 8 : i32
    %broadcast_in_dim3A_11 = vector.broadcast %broadcast_in_dim3A_10 : i32 to vector<16xi32>
    %rem3A = arith.remsi %iota3A, %broadcast_in_dim3A_11 : vector<16xi32>
    %gather3A_12 = tpu.vector_load_idx %arg11[%rem3A] : memref<8xi32, #tpu.memory_space<vmem>>[vector<16xi32>], vector<16xi32>,
    %broadcast_in_dim3A_13 = arith.constant 12 : i32
    %broadcast_in_dim3A_14 = vector.broadcast %broadcast_in_dim3A_13 : i32 to vector<16xi32>
    %rem3A_15 = arith.remsi %iota3A, %broadcast_in_dim3A_14 : vector<16xi32>
    %gather3A_16 = tpu.vector_load_idx %arg12[%rem3A_15] : memref<12xi32, #tpu.memory_space<vmem>>[vector<16xi32>], vector<16xi32>,
    %dma_start3A = arith.constant 0 : i32
    %dma_start3A_17 = arith.constant 19968 : i32
    %dma_start3A_18 = tpu.memref_slice %arg2[%shift_right_arithmetic3A_4, %dma_start3A, %dma_start3A_17] : memref<125x8x20000xf32, #tpu.memory_space<hbm>> -> memref<4x8x32xf32, #tpu.memory_space<hbm>>
    %dma_start3A_19 = arith.constant 0 : i32
    %dma_start3A_20 = arith.constant 19968 : i32
    %dma_start3A_21 = tpu.memref_slice %arg2[%shift_right_arithmetic3A_4, %dma_start3A_19, %dma_start3A_20] : memref<125x8x20000xf32, #tpu.memory_space<hbm>> -> memref<4x8x32xf32, #tpu.memory_space<hbm>>
    tpu.enqueue_dma source(%dma_start3A_21 : memref<4x8x32xf32, #tpu.memory_space<hbm>>) target(%arg17 : memref<4x8x32xf32, #tpu.memory_space<vmem>>) target_semaphore(%arg25 : memref<!tpu.dma_semaphore, #tpu.memory_space<semaphore_mem>>)
    %dma_start3A_22 = arith.constant 0 : i32
    %dma_start3A_23 = arith.constant 9984 : i32
    %dma_start3A_24 = tpu.memref_slice %arg3[%shift_right_arithmetic3A_4, %dma_start3A_22, %dma_start3A_23] : memref<125x8x10000xf32, #tpu.memory_space<hbm>> -> memref<4x8x16xf32, #tpu.memory_space<hbm>>
    %dma_start3A_25 = arith.constant 0 : i32
    %dma_start3A_26 = arith.constant 9984 : i32
    %dma_start3A_27 = tpu.memref_slice %arg3[%shift_right_arithmetic3A_4, %dma_start3A_25, %dma_start3A_26] : memref<125x8x10000xf32, #tpu.memory_space<hbm>> -> memref<4x8x16xf32, #tpu.memory_space<hbm>>
    tpu.enqueue_dma source(%dma_start3A_27 : memref<4x8x16xf32, #tpu.memory_space<hbm>>) target(%arg18 : memref<4x8x16xf32, #tpu.memory_space<vmem>>) target_semaphore(%arg25 : memref<!tpu.dma_semaphore, #tpu.memory_space<semaphore_mem>>)
    %eq3A = arith.constant 0 : i32
    %eq3A_28 = vector.broadcast %eq3A : i32 to vector<16xi32>
    %eq3A_29 = arith.cmpi eq, %iota3A, %eq3A_28 : vector<16xi32>
    %select_n3A = arith.select %eq3A_29, %gather3A_16, %broadcast_in_dim3A_5 : vector<16xi1>, vector<16xi32>
    %bitcast3A = vector.bitcast %select_n3A : vector<16xi32> to vector<16xf32>
    %reduce_max3A = arith.constant true
    %reduce_max3A_30 = vector.broadcast %reduce_max3A : i1 to vector<16xi1>
    %reduce_max3A_31 = tpu.scan <max>, %bitcast3A masked %reduce_max3A_30 : vector<16xf32>, vector<16xi1> -> vector<16xf32>
    %reduce_max3A_32 = vector.extract %reduce_max3A_31[15] : f32 from vector<16xf32>
    %bitcast_convert_type3A = arith.bitcast %reduce_max3A_32 : f32 to i32
    %eq3A_33 = arith.constant 1 : i32
    %eq3A_34 = vector.broadcast %eq3A_33 : i32 to vector<16xi32>
    %eq3A_35 = arith.cmpi eq, %iota3A, %eq3A_34 : vector<16xi32>
    %select_n3A_36 = arith.select %eq3A_35, %gather3A_16, %broadcast_in_dim3A_5 : vector<16xi1>, vector<16xi32>
    %bitcast3A_37 = vector.bitcast %select_n3A_36 : vector<16xi32> to vector<16xf32>
    %reduce_max3A_38 = arith.constant true
    %reduce_max3A_39 = vector.broadcast %reduce_max3A_38 : i1 to vector<16xi1>
    %reduce_max3A_40 = tpu.scan <max>, %bitcast3A_37 masked %reduce_max3A_39 : vector<16xf32>, vector<16xi1> -> vector<16xf32>
    %reduce_max3A_41 = vector.extract %reduce_max3A_40[15] : f32 from vector<16xf32>
    %bitcast_convert_type3A_42 = arith.bitcast %reduce_max3A_41 : f32 to i32
    %eq3A_43 = arith.constant 2 : i32
    %eq3A_44 = vector.broadcast %eq3A_43 : i32 to vector<16xi32>
    %eq3A_45 = arith.cmpi eq, %iota3A, %eq3A_44 : vector<16xi32>
    %select_n3A_46 = arith.select %eq3A_45, %gather3A_16, %broadcast_in_dim3A_5 : vector<16xi1>, vector<16xi32>
    %bitcast3A_47 = vector.bitcast %select_n3A_46 : vector<16xi32> to vector<16xf32>
    %reduce_max3A_48 = arith.constant true
    %reduce_max3A_49 = vector.broadcast %reduce_max3A_48 : i1 to vector<16xi1>
    %reduce_max3A_50 = tpu.scan <max>, %bitcast3A_47 masked %reduce_max3A_49 : vector<16xf32>, vector<16xi1> -> vector<16xf32>
    %reduce_max3A_51 = vector.extract %reduce_max3A_50[15] : f32 from vector<16xf32>
    %bitcast_convert_type3A_52 = arith.bitcast %reduce_max3A_51 : f32 to i32
    %eq3A_53 = arith.constant 3 : i32
    %eq3A_54 = vector.broadcast %eq3A_53 : i32 to vector<16xi32>
    %eq3A_55 = arith.cmpi eq, %iota3A, %eq3A_54 : vector<16xi32>
    %select_n3A_56 = arith.select %eq3A_55, %gather3A_16, %broadcast_in_dim3A_5 : vector<16xi1>, vector<16xi32>
    %bitcast3A_57 = vector.bitcast %select_n3A_56 : vector<16xi32> to vector<16xf32>
    %reduce_max3A_58 = arith.constant true
    %reduce_max3A_59 = vector.broadcast %reduce_max3A_58 : i1 to vector<16xi1>
    %reduce_max3A_60 = tpu.scan <max>, %bitcast3A_57 masked %reduce_max3A_59 : vector<16xf32>, vector<16xi1> -> vector<16xf32>
    %reduce_max3A_61 = vector.extract %reduce_max3A_60[15] : f32 from vector<16xf32>
    %bitcast_convert_type3A_62 = arith.bitcast %reduce_max3A_61 : f32 to i32
    %eq3A_63 = arith.constant 4 : i32
    %eq3A_64 = vector.broadcast %eq3A_63 : i32 to vector<16xi32>
    %eq3A_65 = arith.cmpi eq, %iota3A, %eq3A_64 : vector<16xi32>
    %select_n3A_66 = arith.select %eq3A_65, %gather3A_16, %broadcast_in_dim3A_5 : vector<16xi1>, vector<16xi32>
    %bitcast3A_67 = vector.bitcast %select_n3A_66 : vector<16xi32> to vector<16xf32>
    %reduce_max3A_68 = arith.constant true
    %reduce_max3A_69 = vector.broadcast %reduce_max3A_68 : i1 to vector<16xi1>
    %reduce_max3A_70 = tpu.scan <max>, %bitcast3A_67 masked %reduce_max3A_69 : vector<16xf32>, vector<16xi1> -> vector<16xf32>
    %reduce_max3A_71 = vector.extract %reduce_max3A_70[15] : f32 from vector<16xf32>
    %bitcast_convert_type3A_72 = arith.bitcast %reduce_max3A_71 : f32 to i32
    %eq3A_73 = arith.constant 5 : i32
    %eq3A_74 = vector.broadcast %eq3A_73 : i32 to vector<16xi32>
    %eq3A_75 = arith.cmpi eq, %iota3A, %eq3A_74 : vector<16xi32>
    %select_n3A_76 = arith.select %eq3A_75, %gather3A_16, %broadcast_in_dim3A_5 : vector<16xi1>, vector<16xi32>
    %bitcast3A_77 = vector.bitcast %select_n3A_76 : vector<16xi32> to vector<16xf32>
    %reduce_max3A_78 = arith.constant true
    %reduce_max3A_79 = vector.broadcast %reduce_max3A_78 : i1 to vector<16xi1>
    %reduce_max3A_80 = tpu.scan <max>, %bitcast3A_77 masked %reduce_max3A_79 : vector<16xf32>, vector<16xi1> -> vector<16xf32>
    %reduce_max3A_81 = vector.extract %reduce_max3A_80[15] : f32 from vector<16xf32>
    %bitcast_convert_type3A_82 = arith.bitcast %reduce_max3A_81 : f32 to i32
    %eq3A_83 = arith.constant 6 : i32
    %eq3A_84 = vector.broadcast %eq3A_83 : i32 to vector<16xi32>
    %eq3A_85 = arith.cmpi eq, %iota3A, %eq3A_84 : vector<16xi32>
    %select_n3A_86 = arith.select %eq3A_85, %gather3A_16, %broadcast_in_dim3A_5 : vector<16xi1>, vector<16xi32>
    %bitcast3A_87 = vector.bitcast %select_n3A_86 : vector<16xi32> to vector<16xf32>
    %reduce_max3A_88 = arith.constant true
    %reduce_max3A_89 = vector.broadcast %reduce_max3A_88 : i1 to vector<16xi1>
    %reduce_max3A_90 = tpu.scan <max>, %bitcast3A_87 masked %reduce_max3A_89 : vector<16xf32>, vector<16xi1> -> vector<16xf32>
    %reduce_max3A_91 = vector.extract %reduce_max3A_90[15] : f32 from vector<16xf32>
    %bitcast_convert_type3A_92 = arith.bitcast %reduce_max3A_91 : f32 to i32
    %eq3A_93 = arith.constant 7 : i32
    %eq3A_94 = vector.broadcast %eq3A_93 : i32 to vector<16xi32>
    %eq3A_95 = arith.cmpi eq, %iota3A, %eq3A_94 : vector<16xi32>
    %select_n3A_96 = arith.select %eq3A_95, %gather3A_16, %broadcast_in_dim3A_5 : vector<16xi1>, vector<16xi32>
    %bitcast3A_97 = vector.bitcast %select_n3A_96 : vector<16xi32> to vector<16xf32>
    %reduce_max3A_98 = arith.constant true
    %reduce_max3A_99 = vector.broadcast %reduce_max3A_98 : i1 to vector<16xi1>
    %reduce_max3A_100 = tpu.scan <max>, %bitcast3A_97 masked %reduce_max3A_99 : vector<16xf32>, vector<16xi1> -> vector<16xf32>
    %reduce_max3A_101 = vector.extract %reduce_max3A_100[15] : f32 from vector<16xf32>
    %bitcast_convert_type3A_102 = arith.bitcast %reduce_max3A_101 : f32 to i32
    %eq3A_103 = arith.constant 8 : i32
    %eq3A_104 = vector.broadcast %eq3A_103 : i32 to vector<16xi32>
    %eq3A_105 = arith.cmpi eq, %iota3A, %eq3A_104 : vector<16xi32>
    %select_n3A_106 = arith.select %eq3A_105, %gather3A_16, %broadcast_in_dim3A_5 : vector<16xi1>, vector<16xi32>
    %bitcast3A_107 = vector.bitcast %select_n3A_106 : vector<16xi32> to vector<16xf32>
    %reduce_max3A_108 = arith.constant true
    %reduce_max3A_109 = vector.broadcast %reduce_max3A_108 : i1 to vector<16xi1>
    %reduce_max3A_110 = tpu.scan <max>, %bitcast3A_107 masked %reduce_max3A_109 : vector<16xf32>, vector<16xi1> -> vector<16xf32>
    %reduce_max3A_111 = vector.extract %reduce_max3A_110[15] : f32 from vector<16xf32>
    %bitcast_convert_type3A_112 = arith.bitcast %reduce_max3A_111 : f32 to i32
    %eq3A_113 = arith.constant 9 : i32
    %eq3A_114 = vector.broadcast %eq3A_113 : i32 to vector<16xi32>
    %eq3A_115 = arith.cmpi eq, %iota3A, %eq3A_114 : vector<16xi32>
    %select_n3A_116 = arith.select %eq3A_115, %gather3A_16, %broadcast_in_dim3A_5 : vector<16xi1>, vector<16xi32>
    %bitcast3A_117 = vector.bitcast %select_n3A_116 : vector<16xi32> to vector<16xf32>
    %reduce_max3A_118 = arith.constant true
    %reduce_max3A_119 = vector.broadcast %reduce_max3A_118 : i1 to vector<16xi1>
    %reduce_max3A_120 = tpu.scan <max>, %bitcast3A_117 masked %reduce_max3A_119 : vector<16xf32>, vector<16xi1> -> vector<16xf32>
    %reduce_max3A_121 = vector.extract %reduce_max3A_120[15] : f32 from vector<16xf32>
    %bitcast_convert_type3A_122 = arith.bitcast %reduce_max3A_121 : f32 to i32
    %eq3A_123 = arith.constant 10 : i32
    %eq3A_124 = vector.broadcast %eq3A_123 : i32 to vector<16xi32>
    %eq3A_125 = arith.cmpi eq, %iota3A, %eq3A_124 : vector<16xi32>
    %select_n3A_126 = arith.select %eq3A_125, %gather3A_16, %broadcast_in_dim3A_5 : vector<16xi1>, vector<16xi32>
    %bitcast3A_127 = vector.bitcast %select_n3A_126 : vector<16xi32> to vector<16xf32>
    %reduce_max3A_128 = arith.constant true
    %reduce_max3A_129 = vector.broadcast %reduce_max3A_128 : i1 to vector<16xi1>
    %reduce_max3A_130 = tpu.scan <max>, %bitcast3A_127 masked %reduce_max3A_129 : vector<16xf32>, vector<16xi1> -> vector<16xf32>
    %reduce_max3A_131 = vector.extract %reduce_max3A_130[15] : f32 from vector<16xf32>
    %bitcast_convert_type3A_132 = arith.bitcast %reduce_max3A_131 : f32 to i32
    %eq3A_133 = arith.constant 11 : i32
    %eq3A_134 = vector.broadcast %eq3A_133 : i32 to vector<16xi32>
    %eq3A_135 = arith.cmpi eq, %iota3A, %eq3A_134 : vector<16xi32>
    %select_n3A_136 = arith.select %eq3A_135, %gather3A_16, %broadcast_in_dim3A_5 : vector<16xi1>, vector<16xi32>
    %bitcast3A_137 = vector.bitcast %select_n3A_136 : vector<16xi32> to vector<16xf32>
    %reduce_max3A_138 = arith.constant true
    %reduce_max3A_139 = vector.broadcast %reduce_max3A_138 : i1 to vector<16xi1>
    %reduce_max3A_140 = tpu.scan <max>, %bitcast3A_137 masked %reduce_max3A_139 : vector<16xf32>, vector<16xi1> -> vector<16xf32>
    %reduce_max3A_141 = vector.extract %reduce_max3A_140[15] : f32 from vector<16xf32>
    %bitcast_convert_type3A_142 = arith.bitcast %reduce_max3A_141 : f32 to i32
    %and3A = arith.constant 7 : i32
    %and3A_143 = vector.broadcast %and3A : i32 to vector<16xi32>
    %and3A_144 = arith.andi %gather3A_16, %and3A_143 : vector<16xi32>
    %eq3A_145 = arith.constant 0 : i32
    %eq3A_146 = vector.broadcast %eq3A_145 : i32 to vector<16xi32>
    %eq3A_147 = arith.cmpi eq, %iota3A, %eq3A_146 : vector<16xi32>
    %select_n3A_148 = arith.select %eq3A_147, %and3A_144, %broadcast_in_dim3A_5 : vector<16xi1>, vector<16xi32>
    %bitcast3A_149 = vector.bitcast %select_n3A_148 : vector<16xi32> to vector<16xf32>
    %reduce_max3A_150 = arith.constant true
    %reduce_max3A_151 = vector.broadcast %reduce_max3A_150 : i1 to vector<16xi1>
    %reduce_max3A_152 = tpu.scan <max>, %bitcast3A_149 masked %reduce_max3A_151 : vector<16xf32>, vector<16xi1> -> vector<16xf32>
    %reduce_max3A_153 = vector.extract %reduce_max3A_152[15] : f32 from vector<16xf32>
    %bitcast_convert_type3A_154 = arith.bitcast %reduce_max3A_153 : f32 to i32
    %broadcast_in_dim3A_155 = vector.broadcast %bitcast_convert_type3A_154 : i32 to vector<16xi32>
    %and3A_156 = arith.constant 7 : i32
    %and3A_157 = vector.broadcast %and3A_156 : i32 to vector<16xi32>
    %and3A_158 = arith.andi %gather3A_16, %and3A_157 : vector<16xi32>
    %eq3A_159 = arith.constant 1 : i32
    %eq3A_160 = vector.broadcast %eq3A_159 : i32 to vector<16xi32>
    %eq3A_161 = arith.cmpi eq, %iota3A, %eq3A_160 : vector<16xi32>
    %select_n3A_162 = arith.select %eq3A_161, %and3A_158, %broadcast_in_dim3A_5 : vector<16xi1>, vector<16xi32>
    %bitcast3A_163 = vector.bitcast %select_n3A_162 : vector<16xi32> to vector<16xf32>
    %reduce_max3A_164 = arith.constant true
    %reduce_max3A_165 = vector.broadcast %reduce_max3A_164 : i1 to vector<16xi1>
    %reduce_max3A_166 = tpu.scan <max>, %bitcast3A_163 masked %reduce_max3A_165 : vector<16xf32>, vector<16xi1> -> vector<16xf32>
    %reduce_max3A_167 = vector.extract %reduce_max3A_166[15] : f32 from vector<16xf32>
    %bitcast_convert_type3A_168 = arith.bitcast %reduce_max3A_167 : f32 to i32
    %broadcast_in_dim3A_169 = vector.broadcast %bitcast_convert_type3A_168 : i32 to vector<16xi32>
    %and3A_170 = arith.constant 7 : i32
    %and3A_171 = vector.broadcast %and3A_170 : i32 to vector<16xi32>
    %and3A_172 = arith.andi %gather3A_16, %and3A_171 : vector<16xi32>
    %eq3A_173 = arith.constant 2 : i32
    %eq3A_174 = vector.broadcast %eq3A_173 : i32 to vector<16xi32>
    %eq3A_175 = arith.cmpi eq, %iota3A, %eq3A_174 : vector<16xi32>
    %select_n3A_176 = arith.select %eq3A_175, %and3A_172, %broadcast_in_dim3A_5 : vector<16xi1>, vector<16xi32>
    %bitcast3A_177 = vector.bitcast %select_n3A_176 : vector<16xi32> to vector<16xf32>
    %reduce_max3A_178 = arith.constant true
    %reduce_max3A_179 = vector.broadcast %reduce_max3A_178 : i1 to vector<16xi1>
    %reduce_max3A_180 = tpu.scan <max>, %bitcast3A_177 masked %reduce_max3A_179 : vector<16xf32>, vector<16xi1> -> vector<16xf32>
    %reduce_max3A_181 = vector.extract %reduce_max3A_180[15] : f32 from vector<16xf32>
    %bitcast_convert_type3A_182 = arith.bitcast %reduce_max3A_181 : f32 to i32
    %broadcast_in_dim3A_183 = vector.broadcast %bitcast_convert_type3A_182 : i32 to vector<16xi32>
    %and3A_184 = arith.constant 7 : i32
    %and3A_185 = vector.broadcast %and3A_184 : i32 to vector<16xi32>
    %and3A_186 = arith.andi %gather3A_16, %and3A_185 : vector<16xi32>
    %eq3A_187 = arith.constant 3 : i32
    %eq3A_188 = vector.broadcast %eq3A_187 : i32 to vector<16xi32>
    %eq3A_189 = arith.cmpi eq, %iota3A, %eq3A_188 : vector<16xi32>
    %select_n3A_190 = arith.select %eq3A_189, %and3A_186, %broadcast_in_dim3A_5 : vector<16xi1>, vector<16xi32>
    %bitcast3A_191 = vector.bitcast %select_n3A_190 : vector<16xi32> to vector<16xf32>
    %reduce_max3A_192 = arith.constant true
    %reduce_max3A_193 = vector.broadcast %reduce_max3A_192 : i1 to vector<16xi1>
    %reduce_max3A_194 = tpu.scan <max>, %bitcast3A_191 masked %reduce_max3A_193 : vector<16xf32>, vector<16xi1> -> vector<16xf32>
    %reduce_max3A_195 = vector.extract %reduce_max3A_194[15] : f32 from vector<16xf32>
    %bitcast_convert_type3A_196 = arith.bitcast %reduce_max3A_195 : f32 to i32
    %broadcast_in_dim3A_197 = vector.broadcast %bitcast_convert_type3A_196 : i32 to vector<16xi32>
    %and3A_198 = arith.constant 7 : i32
    %and3A_199 = vector.broadcast %and3A_198 : i32 to vector<16xi32>
    %and3A_200 = arith.andi %gather3A_16, %and3A_199 : vector<16xi32>
    %eq3A_201 = arith.constant 4 : i32
    %eq3A_202 = vector.broadcast %eq3A_201 : i32 to vector<16xi32>
    %eq3A_203 = arith.cmpi eq, %iota3A, %eq3A_202 : vector<16xi32>
    %select_n3A_204 = arith.select %eq3A_203, %and3A_200, %broadcast_in_dim3A_5 : vector<16xi1>, vector<16xi32>
    %bitcast3A_205 = vector.bitcast %select_n3A_204 : vector<16xi32> to vector<16xf32>
    %reduce_max3A_206 = arith.constant true
    %reduce_max3A_207 = vector.broadcast %reduce_max3A_206 : i1 to vector<16xi1>
    %reduce_max3A_208 = tpu.scan <max>, %bitcast3A_205 masked %reduce_max3A_207 : vector<16xf32>, vector<16xi1> -> vector<16xf32>
    %reduce_max3A_209 = vector.extract %reduce_max3A_208[15] : f32 from vector<16xf32>
    %bitcast_convert_type3A_210 = arith.bitcast %reduce_max3A_209 : f32 to i32
    %broadcast_in_dim3A_211 = vector.broadcast %bitcast_convert_type3A_210 : i32 to vector<16xi32>
    %and3A_212 = arith.constant 7 : i32
    %and3A_213 = vector.broadcast %and3A_212 : i32 to vector<16xi32>
    %and3A_214 = arith.andi %gather3A_16, %and3A_213 : vector<16xi32>
    %eq3A_215 = arith.constant 5 : i32
    %eq3A_216 = vector.broadcast %eq3A_215 : i32 to vector<16xi32>
    %eq3A_217 = arith.cmpi eq, %iota3A, %eq3A_216 : vector<16xi32>
    %select_n3A_218 = arith.select %eq3A_217, %and3A_214, %broadcast_in_dim3A_5 : vector<16xi1>, vector<16xi32>
    %bitcast3A_219 = vector.bitcast %select_n3A_218 : vector<16xi32> to vector<16xf32>
    %reduce_max3A_220 = arith.constant true
    %reduce_max3A_221 = vector.broadcast %reduce_max3A_220 : i1 to vector<16xi1>
    %reduce_max3A_222 = tpu.scan <max>, %bitcast3A_219 masked %reduce_max3A_221 : vector<16xf32>, vector<16xi1> -> vector<16xf32>
    %reduce_max3A_223 = vector.extract %reduce_max3A_222[15] : f32 from vector<16xf32>
    %bitcast_convert_type3A_224 = arith.bitcast %reduce_max3A_223 : f32 to i32
    %broadcast_in_dim3A_225 = vector.broadcast %bitcast_convert_type3A_224 : i32 to vector<16xi32>
    %and3A_226 = arith.constant 7 : i32
    %and3A_227 = vector.broadcast %and3A_226 : i32 to vector<16xi32>
    %and3A_228 = arith.andi %gather3A_16, %and3A_227 : vector<16xi32>
    %eq3A_229 = arith.constant 6 : i32
    %eq3A_230 = vector.broadcast %eq3A_229 : i32 to vector<16xi32>
    %eq3A_231 = arith.cmpi eq, %iota3A, %eq3A_230 : vector<16xi32>
    %select_n3A_232 = arith.select %eq3A_231, %and3A_228, %broadcast_in_dim3A_5 : vector<16xi1>, vector<16xi32>
    %bitcast3A_233 = vector.bitcast %select_n3A_232 : vector<16xi32> to vector<16xf32>
    %reduce_max3A_234 = arith.constant true
    %reduce_max3A_235 = vector.broadcast %reduce_max3A_234 : i1 to vector<16xi1>
    %reduce_max3A_236 = tpu.scan <max>, %bitcast3A_233 masked %reduce_max3A_235 : vector<16xf32>, vector<16xi1> -> vector<16xf32>
    %reduce_max3A_237 = vector.extract %reduce_max3A_236[15] : f32 from vector<16xf32>
    %bitcast_convert_type3A_238 = arith.bitcast %reduce_max3A_237 : f32 to i32
    %broadcast_in_dim3A_239 = vector.broadcast %bitcast_convert_type3A_238 : i32 to vector<16xi32>
    %and3A_240 = arith.constant 7 : i32
    %and3A_241 = vector.broadcast %and3A_240 : i32 to vector<16xi32>
    %and3A_242 = arith.andi %gather3A_16, %and3A_241 : vector<16xi32>
    %eq3A_243 = arith.constant 7 : i32
    %eq3A_244 = vector.broadcast %eq3A_243 : i32 to vector<16xi32>
    %eq3A_245 = arith.cmpi eq, %iota3A, %eq3A_244 : vector<16xi32>
    %select_n3A_246 = arith.select %eq3A_245, %and3A_242, %broadcast_in_dim3A_5 : vector<16xi1>, vector<16xi32>
    %bitcast3A_247 = vector.bitcast %select_n3A_246 : vector<16xi32> to vector<16xf32>
    %reduce_max3A_248 = arith.constant true
    %reduce_max3A_249 = vector.broadcast %reduce_max3A_248 : i1 to vector<16xi1>
    %reduce_max3A_250 = tpu.scan <max>, %bitcast3A_247 masked %reduce_max3A_249 : vector<16xf32>, vector<16xi1> -> vector<16xf32>
    %reduce_max3A_251 = vector.extract %reduce_max3A_250[15] : f32 from vector<16xf32>
    %bitcast_convert_type3A_252 = arith.bitcast %reduce_max3A_251 : f32 to i32
    %broadcast_in_dim3A_253 = vector.broadcast %bitcast_convert_type3A_252 : i32 to vector<16xi32>
    %and3A_254 = arith.constant 7 : i32
    %and3A_255 = vector.broadcast %and3A_254 : i32 to vector<16xi32>
    %and3A_256 = arith.andi %gather3A_16, %and3A_255 : vector<16xi32>
    %eq3A_257 = arith.constant 8 : i32
    %eq3A_258 = vector.broadcast %eq3A_257 : i32 to vector<16xi32>
    %eq3A_259 = arith.cmpi eq, %iota3A, %eq3A_258 : vector<16xi32>
    %select_n3A_260 = arith.select %eq3A_259, %and3A_256, %broadcast_in_dim3A_5 : vector<16xi1>, vector<16xi32>
    %bitcast3A_261 = vector.bitcast %select_n3A_260 : vector<16xi32> to vector<16xf32>
    %reduce_max3A_262 = arith.constant true
    %reduce_max3A_263 = vector.broadcast %reduce_max3A_262 : i1 to vector<16xi1>
    %reduce_max3A_264 = tpu.scan <max>, %bitcast3A_261 masked %reduce_max3A_263 : vector<16xf32>, vector<16xi1> -> vector<16xf32>
    %reduce_max3A_265 = vector.extract %reduce_max3A_264[15] : f32 from vector<16xf32>
    %bitcast_convert_type3A_266 = arith.bitcast %reduce_max3A_265 : f32 to i32
    %broadcast_in_dim3A_267 = vector.broadcast %bitcast_convert_type3A_266 : i32 to vector<16xi32>
    %and3A_268 = arith.constant 7 : i32
    %and3A_269 = vector.broadcast %and3A_268 : i32 to vector<16xi32>
    %and3A_270 = arith.andi %gather3A_16, %and3A_269 : vector<16xi32>
    %eq3A_271 = arith.constant 9 : i32
    %eq3A_272 = vector.broadcast %eq3A_271 : i32 to vector<16xi32>
    %eq3A_273 = arith.cmpi eq, %iota3A, %eq3A_272 : vector<16xi32>
    %select_n3A_274 = arith.select %eq3A_273, %and3A_270, %broadcast_in_dim3A_5 : vector<16xi1>, vector<16xi32>
    %bitcast3A_275 = vector.bitcast %select_n3A_274 : vector<16xi32> to vector<16xf32>
    %reduce_max3A_276 = arith.constant true
    %reduce_max3A_277 = vector.broadcast %reduce_max3A_276 : i1 to vector<16xi1>
    %reduce_max3A_278 = tpu.scan <max>, %bitcast3A_275 masked %reduce_max3A_277 : vector<16xf32>, vector<16xi1> -> vector<16xf32>
    %reduce_max3A_279 = vector.extract %reduce_max3A_278[15] : f32 from vector<16xf32>
    %bitcast_convert_type3A_280 = arith.bitcast %reduce_max3A_279 : f32 to i32
    %broadcast_in_dim3A_281 = vector.broadcast %bitcast_convert_type3A_280 : i32 to vector<16xi32>
    %and3A_282 = arith.constant 7 : i32
    %and3A_283 = vector.broadcast %and3A_282 : i32 to vector<16xi32>
    %and3A_284 = arith.andi %gather3A_16, %and3A_283 : vector<16xi32>
    %eq3A_285 = arith.constant 10 : i32
    %eq3A_286 = vector.broadcast %eq3A_285 : i32 to vector<16xi32>
    %eq3A_287 = arith.cmpi eq, %iota3A, %eq3A_286 : vector<16xi32>
    %select_n3A_288 = arith.select %eq3A_287, %and3A_284, %broadcast_in_dim3A_5 : vector<16xi1>, vector<16xi32>
    %bitcast3A_289 = vector.bitcast %select_n3A_288 : vector<16xi32> to vector<16xf32>
    %reduce_max3A_290 = arith.constant true
    %reduce_max3A_291 = vector.broadcast %reduce_max3A_290 : i1 to vector<16xi1>
    %reduce_max3A_292 = tpu.scan <max>, %bitcast3A_289 masked %reduce_max3A_291 : vector<16xf32>, vector<16xi1> -> vector<16xf32>
    %reduce_max3A_293 = vector.extract %reduce_max3A_292[15] : f32 from vector<16xf32>
    %bitcast_convert_type3A_294 = arith.bitcast %reduce_max3A_293 : f32 to i32
    %broadcast_in_dim3A_295 = vector.broadcast %bitcast_convert_type3A_294 : i32 to vector<16xi32>
    %and3A_296 = arith.constant 7 : i32
    %and3A_297 = vector.broadcast %and3A_296 : i32 to vector<16xi32>
    %and3A_298 = arith.andi %gather3A_16, %and3A_297 : vector<16xi32>
    %eq3A_299 = arith.constant 11 : i32
    %eq3A_300 = vector.broadcast %eq3A_299 : i32 to vector<16xi32>
    %eq3A_301 = arith.cmpi eq, %iota3A, %eq3A_300 : vector<16xi32>
    %select_n3A_302 = arith.select %eq3A_301, %and3A_298, %broadcast_in_dim3A_5 : vector<16xi1>, vector<16xi32>
    %bitcast3A_303 = vector.bitcast %select_n3A_302 : vector<16xi32> to vector<16xf32>
    %reduce_max3A_304 = arith.constant true
    %reduce_max3A_305 = vector.broadcast %reduce_max3A_304 : i1 to vector<16xi1>
    %reduce_max3A_306 = tpu.scan <max>, %bitcast3A_303 masked %reduce_max3A_305 : vector<16xf32>, vector<16xi1> -> vector<16xf32>
    %reduce_max3A_307 = vector.extract %reduce_max3A_306[15] : f32 from vector<16xf32>
    %bitcast_convert_type3A_308 = arith.bitcast %reduce_max3A_307 : f32 to i32
    %broadcast_in_dim3A_309 = vector.broadcast %bitcast_convert_type3A_308 : i32 to vector<16xi32>
    %ge3A = arith.constant 896 : i32
    %ge3A_310 = arith.cmpi sge, %multiple_of3A, %ge3A : i32
    %not3A = arith.constant true
    %not3A_311 = arith.xori %ge3A_310, %not3A : i1
    %convert_element_type3A = arith.extui %not3A_311 : i1 to i32
    %cond3A = arith.constant 0 : i32
    %cond3A_312 = arith.cmpi ne, %convert_element_type3A, %cond3A : i32
    scf.if %cond3A_312 {
      %shift_right_arithmetic3A_2163 = arith.constant 7 : i32
      %shift_right_arithmetic3A_2164 = arith.shrsi %multiple_of3A, %shift_right_arithmetic3A_2163 : i32
      %shift_left3A_2165 = arith.constant 7 : i32
      %shift_left3A_2166 = arith.shli %shift_right_arithmetic3A_2164, %shift_left3A_2165 : i32
      %multiple_of3A_2167 = tpu.assume_multiple %shift_left3A_2166, 128 : i32
      %sub3A_2168 = arith.subi %multiple_of3A, %multiple_of3A_2167 : i32
      %broadcast_in_dim3A_2169 = vector.broadcast %sub3A_2168 : i32 to vector<16xi32>
      %shift_right_arithmetic3A_2170 = arith.constant 3 : i32
      %shift_right_arithmetic3A_2171 = arith.shrsi %bitcast_convert_type3A, %shift_right_arithmetic3A_2170 : i32
      %dma_start3A_2172 = arith.constant 1 : i32
      %dma_start3A_2173 = arith.constant 0 : i32
      %dma_start3A_2174 = arith.constant 0 : i32
      %dma_start3A_2175 = tpu.memref_slice %arg19[%dma_start3A_2172, %dma_start3A_2173, %dma_start3A_2174] : memref<13x8x128xf32, #tpu.memory_space<vmem>> -> memref<1x8x128xf32, #tpu.memory_space<vmem>>
      %dma_start3A_2176 = tpu.memref_squeeze %dma_start3A_2175 : memref<1x8x128xf32, #tpu.memory_space<vmem>> -> memref<8x128xf32, #tpu.memory_space<vmem>>
      %dma_start3A_2177 = arith.constant 0 : i32
      %dma_start3A_2178 = tpu.memref_slice %arg4[%shift_right_arithmetic3A_2171, %dma_start3A_2177, %multiple_of3A_2167] : memref<625x8x1000xf32, #tpu.memory_space<hbm>> -> memref<1x8x128xf32, #tpu.memory_space<hbm>>
      %dma_start3A_2179 = tpu.memref_squeeze %dma_start3A_2178 : memref<1x8x128xf32, #tpu.memory_space<hbm>> -> memref<8x128xf32, #tpu.memory_space<hbm>>
      %dma_start3A_2180 = arith.constant 0 : i32
      %dma_start3A_2181 = arith.constant 0 : i32
      %dma_start3A_2182 = tpu.memref_slice %arg19[%dma_start3A_2172, %dma_start3A_2180, %dma_start3A_2181] : memref<13x8x128xf32, #tpu.memory_space<vmem>> -> memref<1x8x128xf32, #tpu.memory_space<vmem>>
      %dma_start3A_2183 = tpu.memref_squeeze %dma_start3A_2182 : memref<1x8x128xf32, #tpu.memory_space<vmem>> -> memref<8x128xf32, #tpu.memory_space<vmem>>
      %dma_start3A_2184 = arith.constant 0 : i32
      %dma_start3A_2185 = tpu.memref_slice %arg4[%shift_right_arithmetic3A_2171, %dma_start3A_2184, %multiple_of3A_2167] : memref<625x8x1000xf32, #tpu.memory_space<hbm>> -> memref<1x8x128xf32, #tpu.memory_space<hbm>>
      %dma_start3A_2186 = tpu.memref_squeeze %dma_start3A_2185 : memref<1x8x128xf32, #tpu.memory_space<hbm>> -> memref<8x128xf32, #tpu.memory_space<hbm>>
      tpu.enqueue_dma source(%dma_start3A_2186 : memref<8x128xf32, #tpu.memory_space<hbm>>) target(%dma_start3A_2183 : memref<8x128xf32, #tpu.memory_space<vmem>>) target_semaphore(%arg26 : memref<!tpu.dma_semaphore, #tpu.memory_space<semaphore_mem>>)
      %shift_right_arithmetic3A_2187 = arith.constant 3 : i32
      %shift_right_arithmetic3A_2188 = arith.shrsi %bitcast_convert_type3A_42, %shift_right_arithmetic3A_2187 : i32
      %dma_start3A_2189 = arith.constant 2 : i32
      %dma_start3A_2190 = arith.constant 0 : i32
      %dma_start3A_2191 = arith.constant 0 : i32
      %dma_start3A_2192 = tpu.memref_slice %arg19[%dma_start3A_2189, %dma_start3A_2190, %dma_start3A_2191] : memref<13x8x128xf32, #tpu.memory_space<vmem>> -> memref<1x8x128xf32, #tpu.memory_space<vmem>>
      %dma_start3A_2193 = tpu.memref_squeeze %dma_start3A_2192 : memref<1x8x128xf32, #tpu.memory_space<vmem>> -> memref<8x128xf32, #tpu.memory_space<vmem>>
      %dma_start3A_2194 = arith.constant 0 : i32
      %dma_start3A_2195 = tpu.memref_slice %arg4[%shift_right_arithmetic3A_2188, %dma_start3A_2194, %multiple_of3A_2167] : memref<625x8x1000xf32, #tpu.memory_space<hbm>> -> memref<1x8x128xf32, #tpu.memory_space<hbm>>
      %dma_start3A_2196 = tpu.memref_squeeze %dma_start3A_2195 : memref<1x8x128xf32, #tpu.memory_space<hbm>> -> memref<8x128xf32, #tpu.memory_space<hbm>>
      %dma_start3A_2197 = arith.constant 0 : i32
      %dma_start3A_2198 = arith.constant 0 : i32
      %dma_start3A_2199 = tpu.memref_slice %arg19[%dma_start3A_2189, %dma_start3A_2197, %dma_start3A_2198] : memref<13x8x128xf32, #tpu.memory_space<vmem>> -> memref<1x8x128xf32, #tpu.memory_space<vmem>>
      %dma_start3A_2200 = tpu.memref_squeeze %dma_start3A_2199 : memref<1x8x128xf32, #tpu.memory_space<vmem>> -> memref<8x128xf32, #tpu.memory_space<vmem>>
      %dma_start3A_2201 = arith.constant 0 : i32
      %dma_start3A_2202 = tpu.memref_slice %arg4[%shift_right_arithmetic3A_2188, %dma_start3A_2201, %multiple_of3A_2167] : memref<625x8x1000xf32, #tpu.memory_space<hbm>> -> memref<1x8x128xf32, #tpu.memory_space<hbm>>
      %dma_start3A_2203 = tpu.memref_squeeze %dma_start3A_2202 : memref<1x8x128xf32, #tpu.memory_space<hbm>> -> memref<8x128xf32, #tpu.memory_space<hbm>>
      tpu.enqueue_dma source(%dma_start3A_2203 : memref<8x128xf32, #tpu.memory_space<hbm>>) target(%dma_start3A_2200 : memref<8x128xf32, #tpu.memory_space<vmem>>) target_semaphore(%arg26 : memref<!tpu.dma_semaphore, #tpu.memory_space<semaphore_mem>>)
      %shift_right_arithmetic3A_2204 = arith.constant 3 : i32
      %shift_right_arithmetic3A_2205 = arith.shrsi %bitcast_convert_type3A_52, %shift_right_arithmetic3A_2204 : i32
      %dma_start3A_2206 = arith.constant 3 : i32
      %dma_start3A_2207 = arith.constant 0 : i32
      %dma_start3A_2208 = arith.constant 0 : i32
      %dma_start3A_2209 = tpu.memref_slice %arg19[%dma_start3A_2206, %dma_start3A_2207, %dma_start3A_2208] : memref<13x8x128xf32, #tpu.memory_space<vmem>> -> memref<1x8x128xf32, #tpu.memory_space<vmem>>
      %dma_start3A_2210 = tpu.memref_squeeze %dma_start3A_2209 : memref<1x8x128xf32, #tpu.memory_space<vmem>> -> memref<8x128xf32, #tpu.memory_space<vmem>>
      %dma_start3A_2211 = arith.constant 0 : i32
      %dma_start3A_2212 = tpu.memref_slice %arg4[%shift_right_arithmetic3A_2205, %dma_start3A_2211, %multiple_of3A_2167] : memref<625x8x1000xf32, #tpu.memory_space<hbm>> -> memref<1x8x128xf32, #tpu.memory_space<hbm>>
      %dma_start3A_2213 = tpu.memref_squeeze %dma_start3A_2212 : memref<1x8x128xf32, #tpu.memory_space<hbm>> -> memref<8x128xf32, #tpu.memory_space<hbm>>
      %dma_start3A_2214 = arith.constant 0 : i32
      %dma_start3A_2215 = arith.constant 0 : i32
      %dma_start3A_2216 = tpu.memref_slice %arg19[%dma_start3A_2206, %dma_start3A_2214, %dma_start3A_2215] : memref<13x8x128xf32, #tpu.memory_space<vmem>> -> memref<1x8x128xf32, #tpu.memory_space<vmem>>
      %dma_start3A_2217 = tpu.memref_squeeze %dma_start3A_2216 : memref<1x8x128xf32, #tpu.memory_space<vmem>> -> memref<8x128xf32, #tpu.memory_space<vmem>>
      %dma_start3A_2218 = arith.constant 0 : i32
      %dma_start3A_2219 = tpu.memref_slice %arg4[%shift_right_arithmetic3A_2205, %dma_start3A_2218, %multiple_of3A_2167] : memref<625x8x1000xf32, #tpu.memory_space<hbm>> -> memref<1x8x128xf32, #tpu.memory_space<hbm>>
      %dma_start3A_2220 = tpu.memref_squeeze %dma_start3A_2219 : memref<1x8x128xf32, #tpu.memory_space<hbm>> -> memref<8x128xf32, #tpu.memory_space<hbm>>
      tpu.enqueue_dma source(%dma_start3A_2220 : memref<8x128xf32, #tpu.memory_space<hbm>>) target(%dma_start3A_2217 : memref<8x128xf32, #tpu.memory_space<vmem>>) target_semaphore(%arg26 : memref<!tpu.dma_semaphore, #tpu.memory_space<semaphore_mem>>)
      %shift_right_arithmetic3A_2221 = arith.constant 3 : i32
      %shift_right_arithmetic3A_2222 = arith.shrsi %bitcast_convert_type3A_62, %shift_right_arithmetic3A_2221 : i32
      %dma_start3A_2223 = arith.constant 4 : i32
      %dma_start3A_2224 = arith.constant 0 : i32
      %dma_start3A_2225 = arith.constant 0 : i32
      %dma_start3A_2226 = tpu.memref_slice %arg19[%dma_start3A_2223, %dma_start3A_2224, %dma_start3A_2225] : memref<13x8x128xf32, #tpu.memory_space<vmem>> -> memref<1x8x128xf32, #tpu.memory_space<vmem>>
      %dma_start3A_2227 = tpu.memref_squeeze %dma_start3A_2226 : memref<1x8x128xf32, #tpu.memory_space<vmem>> -> memref<8x128xf32, #tpu.memory_space<vmem>>
      %dma_start3A_2228 = arith.constant 0 : i32
      %dma_start3A_2229 = tpu.memref_slice %arg4[%shift_right_arithmetic3A_2222, %dma_start3A_2228, %multiple_of3A_2167] : memref<625x8x1000xf32, #tpu.memory_space<hbm>> -> memref<1x8x128xf32, #tpu.memory_space<hbm>>
      %dma_start3A_2230 = tpu.memref_squeeze %dma_start3A_2229 : memref<1x8x128xf32, #tpu.memory_space<hbm>> -> memref<8x128xf32, #tpu.memory_space<hbm>>
      %dma_start3A_2231 = arith.constant 0 : i32
      %dma_start3A_2232 = arith.constant 0 : i32
      %dma_start3A_2233 = tpu.memref_slice %arg19[%dma_start3A_2223, %dma_start3A_2231, %dma_start3A_2232] : memref<13x8x128xf32, #tpu.memory_space<vmem>> -> memref<1x8x128xf32, #tpu.memory_space<vmem>>
      %dma_start3A_2234 = tpu.memref_squeeze %dma_start3A_2233 : memref<1x8x128xf32, #tpu.memory_space<vmem>> -> memref<8x128xf32, #tpu.memory_space<vmem>>
      %dma_start3A_2235 = arith.constant 0 : i32
      %dma_start3A_2236 = tpu.memref_slice %arg4[%shift_right_arithmetic3A_2222, %dma_start3A_2235, %multiple_of3A_2167] : memref<625x8x1000xf32, #tpu.memory_space<hbm>> -> memref<1x8x128xf32, #tpu.memory_space<hbm>>
      %dma_start3A_2237 = tpu.memref_squeeze %dma_start3A_2236 : memref<1x8x128xf32, #tpu.memory_space<hbm>> -> memref<8x128xf32, #tpu.memory_space<hbm>>
      tpu.enqueue_dma source(%dma_start3A_2237 : memref<8x128xf32, #tpu.memory_space<hbm>>) target(%dma_start3A_2234 : memref<8x128xf32, #tpu.memory_space<vmem>>) target_semaphore(%arg26 : memref<!tpu.dma_semaphore, #tpu.memory_space<semaphore_mem>>)
      %shift_right_arithmetic3A_2238 = arith.constant 3 : i32
      %shift_right_arithmetic3A_2239 = arith.shrsi %bitcast_convert_type3A_72, %shift_right_arithmetic3A_2238 : i32
      %dma_start3A_2240 = arith.constant 5 : i32
      %dma_start3A_2241 = arith.constant 0 : i32
      %dma_start3A_2242 = arith.constant 0 : i32
      %dma_start3A_2243 = tpu.memref_slice %arg19[%dma_start3A_2240, %dma_start3A_2241, %dma_start3A_2242] : memref<13x8x128xf32, #tpu.memory_space<vmem>> -> memref<1x8x128xf32, #tpu.memory_space<vmem>>
      %dma_start3A_2244 = tpu.memref_squeeze %dma_start3A_2243 : memref<1x8x128xf32, #tpu.memory_space<vmem>> -> memref<8x128xf32, #tpu.memory_space<vmem>>
      %dma_start3A_2245 = arith.constant 0 : i32
      %dma_start3A_2246 = tpu.memref_slice %arg4[%shift_right_arithmetic3A_2239, %dma_start3A_2245, %multiple_of3A_2167] : memref<625x8x1000xf32, #tpu.memory_space<hbm>> -> memref<1x8x128xf32, #tpu.memory_space<hbm>>
      %dma_start3A_2247 = tpu.memref_squeeze %dma_start3A_2246 : memref<1x8x128xf32, #tpu.memory_space<hbm>> -> memref<8x128xf32, #tpu.memory_space<hbm>>
      %dma_start3A_2248 = arith.constant 0 : i32
      %dma_start3A_2249 = arith.constant 0 : i32
      %dma_start3A_2250 = tpu.memref_slice %arg19[%dma_start3A_2240, %dma_start3A_2248, %dma_start3A_2249] : memref<13x8x128xf32, #tpu.memory_space<vmem>> -> memref<1x8x128xf32, #tpu.memory_space<vmem>>
      %dma_start3A_2251 = tpu.memref_squeeze %dma_start3A_2250 : memref<1x8x128xf32, #tpu.memory_space<vmem>> -> memref<8x128xf32, #tpu.memory_space<vmem>>
      %dma_start3A_2252 = arith.constant 0 : i32
      %dma_start3A_2253 = tpu.memref_slice %arg4[%shift_right_arithmetic3A_2239, %dma_start3A_2252, %multiple_of3A_2167] : memref<625x8x1000xf32, #tpu.memory_space<hbm>> -> memref<1x8x128xf32, #tpu.memory_space<hbm>>
      %dma_start3A_2254 = tpu.memref_squeeze %dma_start3A_2253 : memref<1x8x128xf32, #tpu.memory_space<hbm>> -> memref<8x128xf32, #tpu.memory_space<hbm>>
      tpu.enqueue_dma source(%dma_start3A_2254 : memref<8x128xf32, #tpu.memory_space<hbm>>) target(%dma_start3A_2251 : memref<8x128xf32, #tpu.memory_space<vmem>>) target_semaphore(%arg26 : memref<!tpu.dma_semaphore, #tpu.memory_space<semaphore_mem>>)
      %shift_right_arithmetic3A_2255 = arith.constant 3 : i32
      %shift_right_arithmetic3A_2256 = arith.shrsi %bitcast_convert_type3A_82, %shift_right_arithmetic3A_2255 : i32
      %dma_start3A_2257 = arith.constant 6 : i32
      %dma_start3A_2258 = arith.constant 0 : i32
      %dma_start3A_2259 = arith.constant 0 : i32
      %dma_start3A_2260 = tpu.memref_slice %arg19[%dma_start3A_2257, %dma_start3A_2258, %dma_start3A_2259] : memref<13x8x128xf32, #tpu.memory_space<vmem>> -> memref<1x8x128xf32, #tpu.memory_space<vmem>>
      %dma_start3A_2261 = tpu.memref_squeeze %dma_start3A_2260 : memref<1x8x128xf32, #tpu.memory_space<vmem>> -> memref<8x128xf32, #tpu.memory_space<vmem>>
      %dma_start3A_2262 = arith.constant 0 : i32
      %dma_start3A_2263 = tpu.memref_slice %arg4[%shift_right_arithmetic3A_2256, %dma_start3A_2262, %multiple_of3A_2167] : memref<625x8x1000xf32, #tpu.memory_space<hbm>> -> memref<1x8x128xf32, #tpu.memory_space<hbm>>
      %dma_start3A_2264 = tpu.memref_squeeze %dma_start3A_2263 : memref<1x8x128xf32, #tpu.memory_space<hbm>> -> memref<8x128xf32, #tpu.memory_space<hbm>>
      %dma_start3A_2265 = arith.constant 0 : i32
      %dma_start3A_2266 = arith.constant 0 : i32
      %dma_start3A_2267 = tpu.memref_slice %arg19[%dma_start3A_2257, %dma_start3A_2265, %dma_start3A_2266] : memref<13x8x128xf32, #tpu.memory_space<vmem>> -> memref<1x8x128xf32, #tpu.memory_space<vmem>>
      %dma_start3A_2268 = tpu.memref_squeeze %dma_start3A_2267 : memref<1x8x128xf32, #tpu.memory_space<vmem>> -> memref<8x128xf32, #tpu.memory_space<vmem>>
      %dma_start3A_2269 = arith.constant 0 : i32
      %dma_start3A_2270 = tpu.memref_slice %arg4[%shift_right_arithmetic3A_2256, %dma_start3A_2269, %multiple_of3A_2167] : memref<625x8x1000xf32, #tpu.memory_space<hbm>> -> memref<1x8x128xf32, #tpu.memory_space<hbm>>
      %dma_start3A_2271 = tpu.memref_squeeze %dma_start3A_2270 : memref<1x8x128xf32, #tpu.memory_space<hbm>> -> memref<8x128xf32, #tpu.memory_space<hbm>>
      tpu.enqueue_dma source(%dma_start3A_2271 : memref<8x128xf32, #tpu.memory_space<hbm>>) target(%dma_start3A_2268 : memref<8x128xf32, #tpu.memory_space<vmem>>) target_semaphore(%arg26 : memref<!tpu.dma_semaphore, #tpu.memory_space<semaphore_mem>>)
      %shift_right_arithmetic3A_2272 = arith.constant 3 : i32
      %shift_right_arithmetic3A_2273 = arith.shrsi %bitcast_convert_type3A_92, %shift_right_arithmetic3A_2272 : i32
      %dma_start3A_2274 = arith.constant 7 : i32
      %dma_start3A_2275 = arith.constant 0 : i32
      %dma_start3A_2276 = arith.constant 0 : i32
      %dma_start3A_2277 = tpu.memref_slice %arg19[%dma_start3A_2274, %dma_start3A_2275, %dma_start3A_2276] : memref<13x8x128xf32, #tpu.memory_space<vmem>> -> memref<1x8x128xf32, #tpu.memory_space<vmem>>
      %dma_start3A_2278 = tpu.memref_squeeze %dma_start3A_2277 : memref<1x8x128xf32, #tpu.memory_space<vmem>> -> memref<8x128xf32, #tpu.memory_space<vmem>>
      %dma_start3A_2279 = arith.constant 0 : i32
      %dma_start3A_2280 = tpu.memref_slice %arg4[%shift_right_arithmetic3A_2273, %dma_start3A_2279, %multiple_of3A_2167] : memref<625x8x1000xf32, #tpu.memory_space<hbm>> -> memref<1x8x128xf32, #tpu.memory_space<hbm>>
      %dma_start3A_2281 = tpu.memref_squeeze %dma_start3A_2280 : memref<1x8x128xf32, #tpu.memory_space<hbm>> -> memref<8x128xf32, #tpu.memory_space<hbm>>
      %dma_start3A_2282 = arith.constant 0 : i32
      %dma_start3A_2283 = arith.constant 0 : i32
      %dma_start3A_2284 = tpu.memref_slice %arg19[%dma_start3A_2274, %dma_start3A_2282, %dma_start3A_2283] : memref<13x8x128xf32, #tpu.memory_space<vmem>> -> memref<1x8x128xf32, #tpu.memory_space<vmem>>
      %dma_start3A_2285 = tpu.memref_squeeze %dma_start3A_2284 : memref<1x8x128xf32, #tpu.memory_space<vmem>> -> memref<8x128xf32, #tpu.memory_space<vmem>>
      %dma_start3A_2286 = arith.constant 0 : i32
      %dma_start3A_2287 = tpu.memref_slice %arg4[%shift_right_arithmetic3A_2273, %dma_start3A_2286, %multiple_of3A_2167] : memref<625x8x1000xf32, #tpu.memory_space<hbm>> -> memref<1x8x128xf32, #tpu.memory_space<hbm>>
      %dma_start3A_2288 = tpu.memref_squeeze %dma_start3A_2287 : memref<1x8x128xf32, #tpu.memory_space<hbm>> -> memref<8x128xf32, #tpu.memory_space<hbm>>
      tpu.enqueue_dma source(%dma_start3A_2288 : memref<8x128xf32, #tpu.memory_space<hbm>>) target(%dma_start3A_2285 : memref<8x128xf32, #tpu.memory_space<vmem>>) target_semaphore(%arg26 : memref<!tpu.dma_semaphore, #tpu.memory_space<semaphore_mem>>)
      %shift_right_arithmetic3A_2289 = arith.constant 3 : i32
      %shift_right_arithmetic3A_2290 = arith.shrsi %bitcast_convert_type3A_102, %shift_right_arithmetic3A_2289 : i32
      %dma_start3A_2291 = arith.constant 8 : i32
      %dma_start3A_2292 = arith.constant 0 : i32
      %dma_start3A_2293 = arith.constant 0 : i32
      %dma_start3A_2294 = tpu.memref_slice %arg19[%dma_start3A_2291, %dma_start3A_2292, %dma_start3A_2293] : memref<13x8x128xf32, #tpu.memory_space<vmem>> -> memref<1x8x128xf32, #tpu.memory_space<vmem>>
      %dma_start3A_2295 = tpu.memref_squeeze %dma_start3A_2294 : memref<1x8x128xf32, #tpu.memory_space<vmem>> -> memref<8x128xf32, #tpu.memory_space<vmem>>
      %dma_start3A_2296 = arith.constant 0 : i32
      %dma_start3A_2297 = tpu.memref_slice %arg4[%shift_right_arithmetic3A_2290, %dma_start3A_2296, %multiple_of3A_2167] : memref<625x8x1000xf32, #tpu.memory_space<hbm>> -> memref<1x8x128xf32, #tpu.memory_space<hbm>>
      %dma_start3A_2298 = tpu.memref_squeeze %dma_start3A_2297 : memref<1x8x128xf32, #tpu.memory_space<hbm>> -> memref<8x128xf32, #tpu.memory_space<hbm>>
      %dma_start3A_2299 = arith.constant 0 : i32
      %dma_start3A_2300 = arith.constant 0 : i32
      %dma_start3A_2301 = tpu.memref_slice %arg19[%dma_start3A_2291, %dma_start3A_2299, %dma_start3A_2300] : memref<13x8x128xf32, #tpu.memory_space<vmem>> -> memref<1x8x128xf32, #tpu.memory_space<vmem>>
      %dma_start3A_2302 = tpu.memref_squeeze %dma_start3A_2301 : memref<1x8x128xf32, #tpu.memory_space<vmem>> -> memref<8x128xf32, #tpu.memory_space<vmem>>
      %dma_start3A_2303 = arith.constant 0 : i32
      %dma_start3A_2304 = tpu.memref_slice %arg4[%shift_right_arithmetic3A_2290, %dma_start3A_2303, %multiple_of3A_2167] : memref<625x8x1000xf32, #tpu.memory_space<hbm>> -> memref<1x8x128xf32, #tpu.memory_space<hbm>>
      %dma_start3A_2305 = tpu.memref_squeeze %dma_start3A_2304 : memref<1x8x128xf32, #tpu.memory_space<hbm>> -> memref<8x128xf32, #tpu.memory_space<hbm>>
      tpu.enqueue_dma source(%dma_start3A_2305 : memref<8x128xf32, #tpu.memory_space<hbm>>) target(%dma_start3A_2302 : memref<8x128xf32, #tpu.memory_space<vmem>>) target_semaphore(%arg26 : memref<!tpu.dma_semaphore, #tpu.memory_space<semaphore_mem>>)
      %shift_right_arithmetic3A_2306 = arith.constant 3 : i32
      %shift_right_arithmetic3A_2307 = arith.shrsi %bitcast_convert_type3A_112, %shift_right_arithmetic3A_2306 : i32
      %dma_start3A_2308 = arith.constant 9 : i32
      %dma_start3A_2309 = arith.constant 0 : i32
      %dma_start3A_2310 = arith.constant 0 : i32
      %dma_start3A_2311 = tpu.memref_slice %arg19[%dma_start3A_2308, %dma_start3A_2309, %dma_start3A_2310] : memref<13x8x128xf32, #tpu.memory_space<vmem>> -> memref<1x8x128xf32, #tpu.memory_space<vmem>>
      %dma_start3A_2312 = tpu.memref_squeeze %dma_start3A_2311 : memref<1x8x128xf32, #tpu.memory_space<vmem>> -> memref<8x128xf32, #tpu.memory_space<vmem>>
      %dma_start3A_2313 = arith.constant 0 : i32
      %dma_start3A_2314 = tpu.memref_slice %arg4[%shift_right_arithmetic3A_2307, %dma_start3A_2313, %multiple_of3A_2167] : memref<625x8x1000xf32, #tpu.memory_space<hbm>> -> memref<1x8x128xf32, #tpu.memory_space<hbm>>
      %dma_start3A_2315 = tpu.memref_squeeze %dma_start3A_2314 : memref<1x8x128xf32, #tpu.memory_space<hbm>> -> memref<8x128xf32, #tpu.memory_space<hbm>>
      %dma_start3A_2316 = arith.constant 0 : i32
      %dma_start3A_2317 = arith.constant 0 : i32
      %dma_start3A_2318 = tpu.memref_slice %arg19[%dma_start3A_2308, %dma_start3A_2316, %dma_start3A_2317] : memref<13x8x128xf32, #tpu.memory_space<vmem>> -> memref<1x8x128xf32, #tpu.memory_space<vmem>>
      %dma_start3A_2319 = tpu.memref_squeeze %dma_start3A_2318 : memref<1x8x128xf32, #tpu.memory_space<vmem>> -> memref<8x128xf32, #tpu.memory_space<vmem>>
      %dma_start3A_2320 = arith.constant 0 : i32
      %dma_start3A_2321 = tpu.memref_slice %arg4[%shift_right_arithmetic3A_2307, %dma_start3A_2320, %multiple_of3A_2167] : memref<625x8x1000xf32, #tpu.memory_space<hbm>> -> memref<1x8x128xf32, #tpu.memory_space<hbm>>
      %dma_start3A_2322 = tpu.memref_squeeze %dma_start3A_2321 : memref<1x8x128xf32, #tpu.memory_space<hbm>> -> memref<8x128xf32, #tpu.memory_space<hbm>>
      tpu.enqueue_dma source(%dma_start3A_2322 : memref<8x128xf32, #tpu.memory_space<hbm>>) target(%dma_start3A_2319 : memref<8x128xf32, #tpu.memory_space<vmem>>) target_semaphore(%arg26 : memref<!tpu.dma_semaphore, #tpu.memory_space<semaphore_mem>>)
      %shift_right_arithmetic3A_2323 = arith.constant 3 : i32
      %shift_right_arithmetic3A_2324 = arith.shrsi %bitcast_convert_type3A_122, %shift_right_arithmetic3A_2323 : i32
      %dma_start3A_2325 = arith.constant 10 : i32
      %dma_start3A_2326 = arith.constant 0 : i32
      %dma_start3A_2327 = arith.constant 0 : i32
      %dma_start3A_2328 = tpu.memref_slice %arg19[%dma_start3A_2325, %dma_start3A_2326, %dma_start3A_2327] : memref<13x8x128xf32, #tpu.memory_space<vmem>> -> memref<1x8x128xf32, #tpu.memory_space<vmem>>
      %dma_start3A_2329 = tpu.memref_squeeze %dma_start3A_2328 : memref<1x8x128xf32, #tpu.memory_space<vmem>> -> memref<8x128xf32, #tpu.memory_space<vmem>>
      %dma_start3A_2330 = arith.constant 0 : i32
      %dma_start3A_2331 = tpu.memref_slice %arg4[%shift_right_arithmetic3A_2324, %dma_start3A_2330, %multiple_of3A_2167] : memref<625x8x1000xf32, #tpu.memory_space<hbm>> -> memref<1x8x128xf32, #tpu.memory_space<hbm>>
      %dma_start3A_2332 = tpu.memref_squeeze %dma_start3A_2331 : memref<1x8x128xf32, #tpu.memory_space<hbm>> -> memref<8x128xf32, #tpu.memory_space<hbm>>
      %dma_start3A_2333 = arith.constant 0 : i32
      %dma_start3A_2334 = arith.constant 0 : i32
      %dma_start3A_2335 = tpu.memref_slice %arg19[%dma_start3A_2325, %dma_start3A_2333, %dma_start3A_2334] : memref<13x8x128xf32, #tpu.memory_space<vmem>> -> memref<1x8x128xf32, #tpu.memory_space<vmem>>
      %dma_start3A_2336 = tpu.memref_squeeze %dma_start3A_2335 : memref<1x8x128xf32, #tpu.memory_space<vmem>> -> memref<8x128xf32, #tpu.memory_space<vmem>>
      %dma_start3A_2337 = arith.constant 0 : i32
      %dma_start3A_2338 = tpu.memref_slice %arg4[%shift_right_arithmetic3A_2324, %dma_start3A_2337, %multiple_of3A_2167] : memref<625x8x1000xf32, #tpu.memory_space<hbm>> -> memref<1x8x128xf32, #tpu.memory_space<hbm>>
      %dma_start3A_2339 = tpu.memref_squeeze %dma_start3A_2338 : memref<1x8x128xf32, #tpu.memory_space<hbm>> -> memref<8x128xf32, #tpu.memory_space<hbm>>
      tpu.enqueue_dma source(%dma_start3A_2339 : memref<8x128xf32, #tpu.memory_space<hbm>>) target(%dma_start3A_2336 : memref<8x128xf32, #tpu.memory_space<vmem>>) target_semaphore(%arg26 : memref<!tpu.dma_semaphore, #tpu.memory_space<semaphore_mem>>)
      %shift_right_arithmetic3A_2340 = arith.constant 3 : i32
      %shift_right_arithmetic3A_2341 = arith.shrsi %bitcast_convert_type3A_132, %shift_right_arithmetic3A_2340 : i32
      %dma_start3A_2342 = arith.constant 11 : i32
      %dma_start3A_2343 = arith.constant 0 : i32
      %dma_start3A_2344 = arith.constant 0 : i32
      %dma_start3A_2345 = tpu.memref_slice %arg19[%dma_start3A_2342, %dma_start3A_2343, %dma_start3A_2344] : memref<13x8x128xf32, #tpu.memory_space<vmem>> -> memref<1x8x128xf32, #tpu.memory_space<vmem>>
      %dma_start3A_2346 = tpu.memref_squeeze %dma_start3A_2345 : memref<1x8x128xf32, #tpu.memory_space<vmem>> -> memref<8x128xf32, #tpu.memory_space<vmem>>
      %dma_start3A_2347 = arith.constant 0 : i32
      %dma_start3A_2348 = tpu.memref_slice %arg4[%shift_right_arithmetic3A_2341, %dma_start3A_2347, %multiple_of3A_2167] : memref<625x8x1000xf32, #tpu.memory_space<hbm>> -> memref<1x8x128xf32, #tpu.memory_space<hbm>>
      %dma_start3A_2349 = tpu.memref_squeeze %dma_start3A_2348 : memref<1x8x128xf32, #tpu.memory_space<hbm>> -> memref<8x128xf32, #tpu.memory_space<hbm>>
      %dma_start3A_2350 = arith.constant 0 : i32
      %dma_start3A_2351 = arith.constant 0 : i32
      %dma_start3A_2352 = tpu.memref_slice %arg19[%dma_start3A_2342, %dma_start3A_2350, %dma_start3A_2351] : memref<13x8x128xf32, #tpu.memory_space<vmem>> -> memref<1x8x128xf32, #tpu.memory_space<vmem>>
      %dma_start3A_2353 = tpu.memref_squeeze %dma_start3A_2352 : memref<1x8x128xf32, #tpu.memory_space<vmem>> -> memref<8x128xf32, #tpu.memory_space<vmem>>
      %dma_start3A_2354 = arith.constant 0 : i32
      %dma_start3A_2355 = tpu.memref_slice %arg4[%shift_right_arithmetic3A_2341, %dma_start3A_2354, %multiple_of3A_2167] : memref<625x8x1000xf32, #tpu.memory_space<hbm>> -> memref<1x8x128xf32, #tpu.memory_space<hbm>>
      %dma_start3A_2356 = tpu.memref_squeeze %dma_start3A_2355 : memref<1x8x128xf32, #tpu.memory_space<hbm>> -> memref<8x128xf32, #tpu.memory_space<hbm>>
      tpu.enqueue_dma source(%dma_start3A_2356 : memref<8x128xf32, #tpu.memory_space<hbm>>) target(%dma_start3A_2353 : memref<8x128xf32, #tpu.memory_space<vmem>>) target_semaphore(%arg26 : memref<!tpu.dma_semaphore, #tpu.memory_space<semaphore_mem>>)
      %shift_right_arithmetic3A_2357 = arith.constant 3 : i32
      %shift_right_arithmetic3A_2358 = arith.shrsi %bitcast_convert_type3A_142, %shift_right_arithmetic3A_2357 : i32
      %dma_start3A_2359 = arith.constant 12 : i32
      %dma_start3A_2360 = arith.constant 0 : i32
      %dma_start3A_2361 = arith.constant 0 : i32
      %dma_start3A_2362 = tpu.memref_slice %arg19[%dma_start3A_2359, %dma_start3A_2360, %dma_start3A_2361] : memref<13x8x128xf32, #tpu.memory_space<vmem>> -> memref<1x8x128xf32, #tpu.memory_space<vmem>>
      %dma_start3A_2363 = tpu.memref_squeeze %dma_start3A_2362 : memref<1x8x128xf32, #tpu.memory_space<vmem>> -> memref<8x128xf32, #tpu.memory_space<vmem>>
      %dma_start3A_2364 = arith.constant 0 : i32
      %dma_start3A_2365 = tpu.memref_slice %arg4[%shift_right_arithmetic3A_2358, %dma_start3A_2364, %multiple_of3A_2167] : memref<625x8x1000xf32, #tpu.memory_space<hbm>> -> memref<1x8x128xf32, #tpu.memory_space<hbm>>
      %dma_start3A_2366 = tpu.memref_squeeze %dma_start3A_2365 : memref<1x8x128xf32, #tpu.memory_space<hbm>> -> memref<8x128xf32, #tpu.memory_space<hbm>>
      %dma_start3A_2367 = arith.constant 0 : i32
      %dma_start3A_2368 = arith.constant 0 : i32
      %dma_start3A_2369 = tpu.memref_slice %arg19[%dma_start3A_2359, %dma_start3A_2367, %dma_start3A_2368] : memref<13x8x128xf32, #tpu.memory_space<vmem>> -> memref<1x8x128xf32, #tpu.memory_space<vmem>>
      %dma_start3A_2370 = tpu.memref_squeeze %dma_start3A_2369 : memref<1x8x128xf32, #tpu.memory_space<vmem>> -> memref<8x128xf32, #tpu.memory_space<vmem>>
      %dma_start3A_2371 = arith.constant 0 : i32
      %dma_start3A_2372 = tpu.memref_slice %arg4[%shift_right_arithmetic3A_2358, %dma_start3A_2371, %multiple_of3A_2167] : memref<625x8x1000xf32, #tpu.memory_space<hbm>> -> memref<1x8x128xf32, #tpu.memory_space<hbm>>
      %dma_start3A_2373 = tpu.memref_squeeze %dma_start3A_2372 : memref<1x8x128xf32, #tpu.memory_space<hbm>> -> memref<8x128xf32, #tpu.memory_space<hbm>>
      tpu.enqueue_dma source(%dma_start3A_2373 : memref<8x128xf32, #tpu.memory_space<hbm>>) target(%dma_start3A_2370 : memref<8x128xf32, #tpu.memory_space<vmem>>) target_semaphore(%arg26 : memref<!tpu.dma_semaphore, #tpu.memory_space<semaphore_mem>>)
      %dma_wait3A_2374 = arith.constant 1 : i32
      %dma_wait3A_2375 = arith.constant 0 : i32
      %dma_wait3A_2376 = arith.constant 0 : i32
      %dma_wait3A_2377 = tpu.memref_slice %arg19[%dma_wait3A_2374, %dma_wait3A_2375, %dma_wait3A_2376] : memref<13x8x128xf32, #tpu.memory_space<vmem>> -> memref<1x8x128xf32, #tpu.memory_space<vmem>>
      %dma_wait3A_2378 = tpu.memref_squeeze %dma_wait3A_2377 : memref<1x8x128xf32, #tpu.memory_space<vmem>> -> memref<8x128xf32, #tpu.memory_space<vmem>>
      %dma_wait3A_2379 = arith.constant 0 : i32
      %dma_wait3A_2380 = tpu.memref_slice %arg4[%shift_right_arithmetic3A_2171, %dma_wait3A_2379, %multiple_of3A_2167] : memref<625x8x1000xf32, #tpu.memory_space<hbm>> -> memref<1x8x128xf32, #tpu.memory_space<hbm>>
      %dma_wait3A_2381 = tpu.memref_squeeze %dma_wait3A_2380 : memref<1x8x128xf32, #tpu.memory_space<hbm>> -> memref<8x128xf32, #tpu.memory_space<hbm>>
      %dma_wait3A_2382 = arith.constant 0 : i32
      %dma_wait3A_2383 = arith.constant 0 : i32
      %dma_wait3A_2384 = tpu.memref_slice %arg19[%dma_wait3A_2374, %dma_wait3A_2382, %dma_wait3A_2383] : memref<13x8x128xf32, #tpu.memory_space<vmem>> -> memref<1x8x128xf32, #tpu.memory_space<vmem>>
      %dma_wait3A_2385 = tpu.memref_squeeze %dma_wait3A_2384 : memref<1x8x128xf32, #tpu.memory_space<vmem>> -> memref<8x128xf32, #tpu.memory_space<vmem>>
      %dma_wait3A_2386 = arith.constant 0 : i32
      %dma_wait3A_2387 = tpu.memref_slice %arg4[%shift_right_arithmetic3A_2171, %dma_wait3A_2386, %multiple_of3A_2167] : memref<625x8x1000xf32, #tpu.memory_space<hbm>> -> memref<1x8x128xf32, #tpu.memory_space<hbm>>
      %dma_wait3A_2388 = tpu.memref_squeeze %dma_wait3A_2387 : memref<1x8x128xf32, #tpu.memory_space<hbm>> -> memref<8x128xf32, #tpu.memory_space<hbm>>
      tpu.wait_dma2 semaphore(%arg26 : memref<!tpu.dma_semaphore, #tpu.memory_space<semaphore_mem>>) src(%dma_wait3A_2388 : memref<8x128xf32, #tpu.memory_space<hbm>>) dst(%dma_wait3A_2385 : memref<8x128xf32, #tpu.memory_space<vmem>>)
      %dma_wait3A_2389 = arith.constant 2 : i32
      %dma_wait3A_2390 = arith.constant 0 : i32
      %dma_wait3A_2391 = arith.constant 0 : i32
      %dma_wait3A_2392 = tpu.memref_slice %arg19[%dma_wait3A_2389, %dma_wait3A_2390, %dma_wait3A_2391] : memref<13x8x128xf32, #tpu.memory_space<vmem>> -> memref<1x8x128xf32, #tpu.memory_space<vmem>>
      %dma_wait3A_2393 = tpu.memref_squeeze %dma_wait3A_2392 : memref<1x8x128xf32, #tpu.memory_space<vmem>> -> memref<8x128xf32, #tpu.memory_space<vmem>>
      %dma_wait3A_2394 = arith.constant 0 : i32
      %dma_wait3A_2395 = tpu.memref_slice %arg4[%shift_right_arithmetic3A_2188, %dma_wait3A_2394, %multiple_of3A_2167] : memref<625x8x1000xf32, #tpu.memory_space<hbm>> -> memref<1x8x128xf32, #tpu.memory_space<hbm>>
      %dma_wait3A_2396 = tpu.memref_squeeze %dma_wait3A_2395 : memref<1x8x128xf32, #tpu.memory_space<hbm>> -> memref<8x128xf32, #tpu.memory_space<hbm>>
      %dma_wait3A_2397 = arith.constant 0 : i32
      %dma_wait3A_2398 = arith.constant 0 : i32
      %dma_wait3A_2399 = tpu.memref_slice %arg19[%dma_wait3A_2389, %dma_wait3A_2397, %dma_wait3A_2398] : memref<13x8x128xf32, #tpu.memory_space<vmem>> -> memref<1x8x128xf32, #tpu.memory_space<vmem>>
      %dma_wait3A_2400 = tpu.memref_squeeze %dma_wait3A_2399 : memref<1x8x128xf32, #tpu.memory_space<vmem>> -> memref<8x128xf32, #tpu.memory_space<vmem>>
      %dma_wait3A_2401 = arith.constant 0 : i32
      %dma_wait3A_2402 = tpu.memref_slice %arg4[%shift_right_arithmetic3A_2188, %dma_wait3A_2401, %multiple_of3A_2167] : memref<625x8x1000xf32, #tpu.memory_space<hbm>> -> memref<1x8x128xf32, #tpu.memory_space<hbm>>
      %dma_wait3A_2403 = tpu.memref_squeeze %dma_wait3A_2402 : memref<1x8x128xf32, #tpu.memory_space<hbm>> -> memref<8x128xf32, #tpu.memory_space<hbm>>
      tpu.wait_dma2 semaphore(%arg26 : memref<!tpu.dma_semaphore, #tpu.memory_space<semaphore_mem>>) src(%dma_wait3A_2403 : memref<8x128xf32, #tpu.memory_space<hbm>>) dst(%dma_wait3A_2400 : memref<8x128xf32, #tpu.memory_space<vmem>>)
      %dma_wait3A_2404 = arith.constant 3 : i32
      %dma_wait3A_2405 = arith.constant 0 : i32
      %dma_wait3A_2406 = arith.constant 0 : i32
      %dma_wait3A_2407 = tpu.memref_slice %arg19[%dma_wait3A_2404, %dma_wait3A_2405, %dma_wait3A_2406] : memref<13x8x128xf32, #tpu.memory_space<vmem>> -> memref<1x8x128xf32, #tpu.memory_space<vmem>>
      %dma_wait3A_2408 = tpu.memref_squeeze %dma_wait3A_2407 : memref<1x8x128xf32, #tpu.memory_space<vmem>> -> memref<8x128xf32, #tpu.memory_space<vmem>>
      %dma_wait3A_2409 = arith.constant 0 : i32
      %dma_wait3A_2410 = tpu.memref_slice %arg4[%shift_right_arithmetic3A_2205, %dma_wait3A_2409, %multiple_of3A_2167] : memref<625x8x1000xf32, #tpu.memory_space<hbm>> -> memref<1x8x128xf32, #tpu.memory_space<hbm>>
      %dma_wait3A_2411 = tpu.memref_squeeze %dma_wait3A_2410 : memref<1x8x128xf32, #tpu.memory_space<hbm>> -> memref<8x128xf32, #tpu.memory_space<hbm>>
      %dma_wait3A_2412 = arith.constant 0 : i32
      %dma_wait3A_2413 = arith.constant 0 : i32
      %dma_wait3A_2414 = tpu.memref_slice %arg19[%dma_wait3A_2404, %dma_wait3A_2412, %dma_wait3A_2413] : memref<13x8x128xf32, #tpu.memory_space<vmem>> -> memref<1x8x128xf32, #tpu.memory_space<vmem>>
      %dma_wait3A_2415 = tpu.memref_squeeze %dma_wait3A_2414 : memref<1x8x128xf32, #tpu.memory_space<vmem>> -> memref<8x128xf32, #tpu.memory_space<vmem>>
      %dma_wait3A_2416 = arith.constant 0 : i32
      %dma_wait3A_2417 = tpu.memref_slice %arg4[%shift_right_arithmetic3A_2205, %dma_wait3A_2416, %multiple_of3A_2167] : memref<625x8x1000xf32, #tpu.memory_space<hbm>> -> memref<1x8x128xf32, #tpu.memory_space<hbm>>
      %dma_wait3A_2418 = tpu.memref_squeeze %dma_wait3A_2417 : memref<1x8x128xf32, #tpu.memory_space<hbm>> -> memref<8x128xf32, #tpu.memory_space<hbm>>
      tpu.wait_dma2 semaphore(%arg26 : memref<!tpu.dma_semaphore, #tpu.memory_space<semaphore_mem>>) src(%dma_wait3A_2418 : memref<8x128xf32, #tpu.memory_space<hbm>>) dst(%dma_wait3A_2415 : memref<8x128xf32, #tpu.memory_space<vmem>>)
      %dma_wait3A_2419 = arith.constant 4 : i32
      %dma_wait3A_2420 = arith.constant 0 : i32
      %dma_wait3A_2421 = arith.constant 0 : i32
      %dma_wait3A_2422 = tpu.memref_slice %arg19[%dma_wait3A_2419, %dma_wait3A_2420, %dma_wait3A_2421] : memref<13x8x128xf32, #tpu.memory_space<vmem>> -> memref<1x8x128xf32, #tpu.memory_space<vmem>>
      %dma_wait3A_2423 = tpu.memref_squeeze %dma_wait3A_2422 : memref<1x8x128xf32, #tpu.memory_space<vmem>> -> memref<8x128xf32, #tpu.memory_space<vmem>>
      %dma_wait3A_2424 = arith.constant 0 : i32
      %dma_wait3A_2425 = tpu.memref_slice %arg4[%shift_right_arithmetic3A_2222, %dma_wait3A_2424, %multiple_of3A_2167] : memref<625x8x1000xf32, #tpu.memory_space<hbm>> -> memref<1x8x128xf32, #tpu.memory_space<hbm>>
      %dma_wait3A_2426 = tpu.memref_squeeze %dma_wait3A_2425 : memref<1x8x128xf32, #tpu.memory_space<hbm>> -> memref<8x128xf32, #tpu.memory_space<hbm>>
      %dma_wait3A_2427 = arith.constant 0 : i32
      %dma_wait3A_2428 = arith.constant 0 : i32
      %dma_wait3A_2429 = tpu.memref_slice %arg19[%dma_wait3A_2419, %dma_wait3A_2427, %dma_wait3A_2428] : memref<13x8x128xf32, #tpu.memory_space<vmem>> -> memref<1x8x128xf32, #tpu.memory_space<vmem>>
      %dma_wait3A_2430 = tpu.memref_squeeze %dma_wait3A_2429 : memref<1x8x128xf32, #tpu.memory_space<vmem>> -> memref<8x128xf32, #tpu.memory_space<vmem>>
      %dma_wait3A_2431 = arith.constant 0 : i32
      %dma_wait3A_2432 = tpu.memref_slice %arg4[%shift_right_arithmetic3A_2222, %dma_wait3A_2431, %multiple_of3A_2167] : memref<625x8x1000xf32, #tpu.memory_space<hbm>> -> memref<1x8x128xf32, #tpu.memory_space<hbm>>
      %dma_wait3A_2433 = tpu.memref_squeeze %dma_wait3A_2432 : memref<1x8x128xf32, #tpu.memory_space<hbm>> -> memref<8x128xf32, #tpu.memory_space<hbm>>
      tpu.wait_dma2 semaphore(%arg26 : memref<!tpu.dma_semaphore, #tpu.memory_space<semaphore_mem>>) src(%dma_wait3A_2433 : memref<8x128xf32, #tpu.memory_space<hbm>>) dst(%dma_wait3A_2430 : memref<8x128xf32, #tpu.memory_space<vmem>>)
      %dma_wait3A_2434 = arith.constant 5 : i32
      %dma_wait3A_2435 = arith.constant 0 : i32
      %dma_wait3A_2436 = arith.constant 0 : i32
      %dma_wait3A_2437 = tpu.memref_slice %arg19[%dma_wait3A_2434, %dma_wait3A_2435, %dma_wait3A_2436] : memref<13x8x128xf32, #tpu.memory_space<vmem>> -> memref<1x8x128xf32, #tpu.memory_space<vmem>>
      %dma_wait3A_2438 = tpu.memref_squeeze %dma_wait3A_2437 : memref<1x8x128xf32, #tpu.memory_space<vmem>> -> memref<8x128xf32, #tpu.memory_space<vmem>>
      %dma_wait3A_2439 = arith.constant 0 : i32
      %dma_wait3A_2440 = tpu.memref_slice %arg4[%shift_right_arithmetic3A_2239, %dma_wait3A_2439, %multiple_of3A_2167] : memref<625x8x1000xf32, #tpu.memory_space<hbm>> -> memref<1x8x128xf32, #tpu.memory_space<hbm>>
      %dma_wait3A_2441 = tpu.memref_squeeze %dma_wait3A_2440 : memref<1x8x128xf32, #tpu.memory_space<hbm>> -> memref<8x128xf32, #tpu.memory_space<hbm>>
      %dma_wait3A_2442 = arith.constant 0 : i32
      %dma_wait3A_2443 = arith.constant 0 : i32
      %dma_wait3A_2444 = tpu.memref_slice %arg19[%dma_wait3A_2434, %dma_wait3A_2442, %dma_wait3A_2443] : memref<13x8x128xf32, #tpu.memory_space<vmem>> -> memref<1x8x128xf32, #tpu.memory_space<vmem>>
      %dma_wait3A_2445 = tpu.memref_squeeze %dma_wait3A_2444 : memref<1x8x128xf32, #tpu.memory_space<vmem>> -> memref<8x128xf32, #tpu.memory_space<vmem>>
      %dma_wait3A_2446 = arith.constant 0 : i32
      %dma_wait3A_2447 = tpu.memref_slice %arg4[%shift_right_arithmetic3A_2239, %dma_wait3A_2446, %multiple_of3A_2167] : memref<625x8x1000xf32, #tpu.memory_space<hbm>> -> memref<1x8x128xf32, #tpu.memory_space<hbm>>
      %dma_wait3A_2448 = tpu.memref_squeeze %dma_wait3A_2447 : memref<1x8x128xf32, #tpu.memory_space<hbm>> -> memref<8x128xf32, #tpu.memory_space<hbm>>
      tpu.wait_dma2 semaphore(%arg26 : memref<!tpu.dma_semaphore, #tpu.memory_space<semaphore_mem>>) src(%dma_wait3A_2448 : memref<8x128xf32, #tpu.memory_space<hbm>>) dst(%dma_wait3A_2445 : memref<8x128xf32, #tpu.memory_space<vmem>>)
      %dma_wait3A_2449 = arith.constant 6 : i32
      %dma_wait3A_2450 = arith.constant 0 : i32
      %dma_wait3A_2451 = arith.constant 0 : i32
      %dma_wait3A_2452 = tpu.memref_slice %arg19[%dma_wait3A_2449, %dma_wait3A_2450, %dma_wait3A_2451] : memref<13x8x128xf32, #tpu.memory_space<vmem>> -> memref<1x8x128xf32, #tpu.memory_space<vmem>>
      %dma_wait3A_2453 = tpu.memref_squeeze %dma_wait3A_2452 : memref<1x8x128xf32, #tpu.memory_space<vmem>> -> memref<8x128xf32, #tpu.memory_space<vmem>>
      %dma_wait3A_2454 = arith.constant 0 : i32
      %dma_wait3A_2455 = tpu.memref_slice %arg4[%shift_right_arithmetic3A_2256, %dma_wait3A_2454, %multiple_of3A_2167] : memref<625x8x1000xf32, #tpu.memory_space<hbm>> -> memref<1x8x128xf32, #tpu.memory_space<hbm>>
      %dma_wait3A_2456 = tpu.memref_squeeze %dma_wait3A_2455 : memref<1x8x128xf32, #tpu.memory_space<hbm>> -> memref<8x128xf32, #tpu.memory_space<hbm>>
      %dma_wait3A_2457 = arith.constant 0 : i32
      %dma_wait3A_2458 = arith.constant 0 : i32
      %dma_wait3A_2459 = tpu.memref_slice %arg19[%dma_wait3A_2449, %dma_wait3A_2457, %dma_wait3A_2458] : memref<13x8x128xf32, #tpu.memory_space<vmem>> -> memref<1x8x128xf32, #tpu.memory_space<vmem>>
      %dma_wait3A_2460 = tpu.memref_squeeze %dma_wait3A_2459 : memref<1x8x128xf32, #tpu.memory_space<vmem>> -> memref<8x128xf32, #tpu.memory_space<vmem>>
      %dma_wait3A_2461 = arith.constant 0 : i32
      %dma_wait3A_2462 = tpu.memref_slice %arg4[%shift_right_arithmetic3A_2256, %dma_wait3A_2461, %multiple_of3A_2167] : memref<625x8x1000xf32, #tpu.memory_space<hbm>> -> memref<1x8x128xf32, #tpu.memory_space<hbm>>
      %dma_wait3A_2463 = tpu.memref_squeeze %dma_wait3A_2462 : memref<1x8x128xf32, #tpu.memory_space<hbm>> -> memref<8x128xf32, #tpu.memory_space<hbm>>
      tpu.wait_dma2 semaphore(%arg26 : memref<!tpu.dma_semaphore, #tpu.memory_space<semaphore_mem>>) src(%dma_wait3A_2463 : memref<8x128xf32, #tpu.memory_space<hbm>>) dst(%dma_wait3A_2460 : memref<8x128xf32, #tpu.memory_space<vmem>>)
      %dma_wait3A_2464 = arith.constant 7 : i32
      %dma_wait3A_2465 = arith.constant 0 : i32
      %dma_wait3A_2466 = arith.constant 0 : i32
      %dma_wait3A_2467 = tpu.memref_slice %arg19[%dma_wait3A_2464, %dma_wait3A_2465, %dma_wait3A_2466] : memref<13x8x128xf32, #tpu.memory_space<vmem>> -> memref<1x8x128xf32, #tpu.memory_space<vmem>>
      %dma_wait3A_2468 = tpu.memref_squeeze %dma_wait3A_2467 : memref<1x8x128xf32, #tpu.memory_space<vmem>> -> memref<8x128xf32, #tpu.memory_space<vmem>>
      %dma_wait3A_2469 = arith.constant 0 : i32
      %dma_wait3A_2470 = tpu.memref_slice %arg4[%shift_right_arithmetic3A_2273, %dma_wait3A_2469, %multiple_of3A_2167] : memref<625x8x1000xf32, #tpu.memory_space<hbm>> -> memref<1x8x128xf32, #tpu.memory_space<hbm>>
      %dma_wait3A_2471 = tpu.memref_squeeze %dma_wait3A_2470 : memref<1x8x128xf32, #tpu.memory_space<hbm>> -> memref<8x128xf32, #tpu.memory_space<hbm>>
      %dma_wait3A_2472 = arith.constant 0 : i32
      %dma_wait3A_2473 = arith.constant 0 : i32
      %dma_wait3A_2474 = tpu.memref_slice %arg19[%dma_wait3A_2464, %dma_wait3A_2472, %dma_wait3A_2473] : memref<13x8x128xf32, #tpu.memory_space<vmem>> -> memref<1x8x128xf32, #tpu.memory_space<vmem>>
      %dma_wait3A_2475 = tpu.memref_squeeze %dma_wait3A_2474 : memref<1x8x128xf32, #tpu.memory_space<vmem>> -> memref<8x128xf32, #tpu.memory_space<vmem>>
      %dma_wait3A_2476 = arith.constant 0 : i32
      %dma_wait3A_2477 = tpu.memref_slice %arg4[%shift_right_arithmetic3A_2273, %dma_wait3A_2476, %multiple_of3A_2167] : memref<625x8x1000xf32, #tpu.memory_space<hbm>> -> memref<1x8x128xf32, #tpu.memory_space<hbm>>
      %dma_wait3A_2478 = tpu.memref_squeeze %dma_wait3A_2477 : memref<1x8x128xf32, #tpu.memory_space<hbm>> -> memref<8x128xf32, #tpu.memory_space<hbm>>
      tpu.wait_dma2 semaphore(%arg26 : memref<!tpu.dma_semaphore, #tpu.memory_space<semaphore_mem>>) src(%dma_wait3A_2478 : memref<8x128xf32, #tpu.memory_space<hbm>>) dst(%dma_wait3A_2475 : memref<8x128xf32, #tpu.memory_space<vmem>>)
      %dma_wait3A_2479 = arith.constant 8 : i32
      %dma_wait3A_2480 = arith.constant 0 : i32
      %dma_wait3A_2481 = arith.constant 0 : i32
      %dma_wait3A_2482 = tpu.memref_slice %arg19[%dma_wait3A_2479, %dma_wait3A_2480, %dma_wait3A_2481] : memref<13x8x128xf32, #tpu.memory_space<vmem>> -> memref<1x8x128xf32, #tpu.memory_space<vmem>>
      %dma_wait3A_2483 = tpu.memref_squeeze %dma_wait3A_2482 : memref<1x8x128xf32, #tpu.memory_space<vmem>> -> memref<8x128xf32, #tpu.memory_space<vmem>>
      %dma_wait3A_2484 = arith.constant 0 : i32
      %dma_wait3A_2485 = tpu.memref_slice %arg4[%shift_right_arithmetic3A_2290, %dma_wait3A_2484, %multiple_of3A_2167] : memref<625x8x1000xf32, #tpu.memory_space<hbm>> -> memref<1x8x128xf32, #tpu.memory_space<hbm>>
      %dma_wait3A_2486 = tpu.memref_squeeze %dma_wait3A_2485 : memref<1x8x128xf32, #tpu.memory_space<hbm>> -> memref<8x128xf32, #tpu.memory_space<hbm>>
      %dma_wait3A_2487 = arith.constant 0 : i32
      %dma_wait3A_2488 = arith.constant 0 : i32
      %dma_wait3A_2489 = tpu.memref_slice %arg19[%dma_wait3A_2479, %dma_wait3A_2487, %dma_wait3A_2488] : memref<13x8x128xf32, #tpu.memory_space<vmem>> -> memref<1x8x128xf32, #tpu.memory_space<vmem>>
      %dma_wait3A_2490 = tpu.memref_squeeze %dma_wait3A_2489 : memref<1x8x128xf32, #tpu.memory_space<vmem>> -> memref<8x128xf32, #tpu.memory_space<vmem>>
      %dma_wait3A_2491 = arith.constant 0 : i32
      %dma_wait3A_2492 = tpu.memref_slice %arg4[%shift_right_arithmetic3A_2290, %dma_wait3A_2491, %multiple_of3A_2167] : memref<625x8x1000xf32, #tpu.memory_space<hbm>> -> memref<1x8x128xf32, #tpu.memory_space<hbm>>
      %dma_wait3A_2493 = tpu.memref_squeeze %dma_wait3A_2492 : memref<1x8x128xf32, #tpu.memory_space<hbm>> -> memref<8x128xf32, #tpu.memory_space<hbm>>
      tpu.wait_dma2 semaphore(%arg26 : memref<!tpu.dma_semaphore, #tpu.memory_space<semaphore_mem>>) src(%dma_wait3A_2493 : memref<8x128xf32, #tpu.memory_space<hbm>>) dst(%dma_wait3A_2490 : memref<8x128xf32, #tpu.memory_space<vmem>>)
      %dma_wait3A_2494 = arith.constant 9 : i32
      %dma_wait3A_2495 = arith.constant 0 : i32
      %dma_wait3A_2496 = arith.constant 0 : i32
      %dma_wait3A_2497 = tpu.memref_slice %arg19[%dma_wait3A_2494, %dma_wait3A_2495, %dma_wait3A_2496] : memref<13x8x128xf32, #tpu.memory_space<vmem>> -> memref<1x8x128xf32, #tpu.memory_space<vmem>>
      %dma_wait3A_2498 = tpu.memref_squeeze %dma_wait3A_2497 : memref<1x8x128xf32, #tpu.memory_space<vmem>> -> memref<8x128xf32, #tpu.memory_space<vmem>>
      %dma_wait3A_2499 = arith.constant 0 : i32
      %dma_wait3A_2500 = tpu.memref_slice %arg4[%shift_right_arithmetic3A_2307, %dma_wait3A_2499, %multiple_of3A_2167] : memref<625x8x1000xf32, #tpu.memory_space<hbm>> -> memref<1x8x128xf32, #tpu.memory_space<hbm>>
      %dma_wait3A_2501 = tpu.memref_squeeze %dma_wait3A_2500 : memref<1x8x128xf32, #tpu.memory_space<hbm>> -> memref<8x128xf32, #tpu.memory_space<hbm>>
      %dma_wait3A_2502 = arith.constant 0 : i32
      %dma_wait3A_2503 = arith.constant 0 : i32
      %dma_wait3A_2504 = tpu.memref_slice %arg19[%dma_wait3A_2494, %dma_wait3A_2502, %dma_wait3A_2503] : memref<13x8x128xf32, #tpu.memory_space<vmem>> -> memref<1x8x128xf32, #tpu.memory_space<vmem>>
      %dma_wait3A_2505 = tpu.memref_squeeze %dma_wait3A_2504 : memref<1x8x128xf32, #tpu.memory_space<vmem>> -> memref<8x128xf32, #tpu.memory_space<vmem>>
      %dma_wait3A_2506 = arith.constant 0 : i32
      %dma_wait3A_2507 = tpu.memref_slice %arg4[%shift_right_arithmetic3A_2307, %dma_wait3A_2506, %multiple_of3A_2167] : memref<625x8x1000xf32, #tpu.memory_space<hbm>> -> memref<1x8x128xf32, #tpu.memory_space<hbm>>
      %dma_wait3A_2508 = tpu.memref_squeeze %dma_wait3A_2507 : memref<1x8x128xf32, #tpu.memory_space<hbm>> -> memref<8x128xf32, #tpu.memory_space<hbm>>
      tpu.wait_dma2 semaphore(%arg26 : memref<!tpu.dma_semaphore, #tpu.memory_space<semaphore_mem>>) src(%dma_wait3A_2508 : memref<8x128xf32, #tpu.memory_space<hbm>>) dst(%dma_wait3A_2505 : memref<8x128xf32, #tpu.memory_space<vmem>>)
      %dma_wait3A_2509 = arith.constant 10 : i32
      %dma_wait3A_2510 = arith.constant 0 : i32
      %dma_wait3A_2511 = arith.constant 0 : i32
      %dma_wait3A_2512 = tpu.memref_slice %arg19[%dma_wait3A_2509, %dma_wait3A_2510, %dma_wait3A_2511] : memref<13x8x128xf32, #tpu.memory_space<vmem>> -> memref<1x8x128xf32, #tpu.memory_space<vmem>>
      %dma_wait3A_2513 = tpu.memref_squeeze %dma_wait3A_2512 : memref<1x8x128xf32, #tpu.memory_space<vmem>> -> memref<8x128xf32, #tpu.memory_space<vmem>>
      %dma_wait3A_2514 = arith.constant 0 : i32
      %dma_wait3A_2515 = tpu.memref_slice %arg4[%shift_right_arithmetic3A_2324, %dma_wait3A_2514, %multiple_of3A_2167] : memref<625x8x1000xf32, #tpu.memory_space<hbm>> -> memref<1x8x128xf32, #tpu.memory_space<hbm>>
      %dma_wait3A_2516 = tpu.memref_squeeze %dma_wait3A_2515 : memref<1x8x128xf32, #tpu.memory_space<hbm>> -> memref<8x128xf32, #tpu.memory_space<hbm>>
      %dma_wait3A_2517 = arith.constant 0 : i32
      %dma_wait3A_2518 = arith.constant 0 : i32
      %dma_wait3A_2519 = tpu.memref_slice %arg19[%dma_wait3A_2509, %dma_wait3A_2517, %dma_wait3A_2518] : memref<13x8x128xf32, #tpu.memory_space<vmem>> -> memref<1x8x128xf32, #tpu.memory_space<vmem>>
      %dma_wait3A_2520 = tpu.memref_squeeze %dma_wait3A_2519 : memref<1x8x128xf32, #tpu.memory_space<vmem>> -> memref<8x128xf32, #tpu.memory_space<vmem>>
      %dma_wait3A_2521 = arith.constant 0 : i32
      %dma_wait3A_2522 = tpu.memref_slice %arg4[%shift_right_arithmetic3A_2324, %dma_wait3A_2521, %multiple_of3A_2167] : memref<625x8x1000xf32, #tpu.memory_space<hbm>> -> memref<1x8x128xf32, #tpu.memory_space<hbm>>
      %dma_wait3A_2523 = tpu.memref_squeeze %dma_wait3A_2522 : memref<1x8x128xf32, #tpu.memory_space<hbm>> -> memref<8x128xf32, #tpu.memory_space<hbm>>
      tpu.wait_dma2 semaphore(%arg26 : memref<!tpu.dma_semaphore, #tpu.memory_space<semaphore_mem>>) src(%dma_wait3A_2523 : memref<8x128xf32, #tpu.memory_space<hbm>>) dst(%dma_wait3A_2520 : memref<8x128xf32, #tpu.memory_space<vmem>>)
      %dma_wait3A_2524 = arith.constant 11 : i32
      %dma_wait3A_2525 = arith.constant 0 : i32
      %dma_wait3A_2526 = arith.constant 0 : i32
      %dma_wait3A_2527 = tpu.memref_slice %arg19[%dma_wait3A_2524, %dma_wait3A_2525, %dma_wait3A_2526] : memref<13x8x128xf32, #tpu.memory_space<vmem>> -> memref<1x8x128xf32, #tpu.memory_space<vmem>>
      %dma_wait3A_2528 = tpu.memref_squeeze %dma_wait3A_2527 : memref<1x8x128xf32, #tpu.memory_space<vmem>> -> memref<8x128xf32, #tpu.memory_space<vmem>>
      %dma_wait3A_2529 = arith.constant 0 : i32
      %dma_wait3A_2530 = tpu.memref_slice %arg4[%shift_right_arithmetic3A_2341, %dma_wait3A_2529, %multiple_of3A_2167] : memref<625x8x1000xf32, #tpu.memory_space<hbm>> -> memref<1x8x128xf32, #tpu.memory_space<hbm>>
      %dma_wait3A_2531 = tpu.memref_squeeze %dma_wait3A_2530 : memref<1x8x128xf32, #tpu.memory_space<hbm>> -> memref<8x128xf32, #tpu.memory_space<hbm>>
      %dma_wait3A_2532 = arith.constant 0 : i32
      %dma_wait3A_2533 = arith.constant 0 : i32
      %dma_wait3A_2534 = tpu.memref_slice %arg19[%dma_wait3A_2524, %dma_wait3A_2532, %dma_wait3A_2533] : memref<13x8x128xf32, #tpu.memory_space<vmem>> -> memref<1x8x128xf32, #tpu.memory_space<vmem>>
      %dma_wait3A_2535 = tpu.memref_squeeze %dma_wait3A_2534 : memref<1x8x128xf32, #tpu.memory_space<vmem>> -> memref<8x128xf32, #tpu.memory_space<vmem>>
      %dma_wait3A_2536 = arith.constant 0 : i32
      %dma_wait3A_2537 = tpu.memref_slice %arg4[%shift_right_arithmetic3A_2341, %dma_wait3A_2536, %multiple_of3A_2167] : memref<625x8x1000xf32, #tpu.memory_space<hbm>> -> memref<1x8x128xf32, #tpu.memory_space<hbm>>
      %dma_wait3A_2538 = tpu.memref_squeeze %dma_wait3A_2537 : memref<1x8x128xf32, #tpu.memory_space<hbm>> -> memref<8x128xf32, #tpu.memory_space<hbm>>
      tpu.wait_dma2 semaphore(%arg26 : memref<!tpu.dma_semaphore, #tpu.memory_space<semaphore_mem>>) src(%dma_wait3A_2538 : memref<8x128xf32, #tpu.memory_space<hbm>>) dst(%dma_wait3A_2535 : memref<8x128xf32, #tpu.memory_space<vmem>>)
      %dma_wait3A_2539 = arith.constant 12 : i32
      %dma_wait3A_2540 = arith.constant 0 : i32
      %dma_wait3A_2541 = arith.constant 0 : i32
      %dma_wait3A_2542 = tpu.memref_slice %arg19[%dma_wait3A_2539, %dma_wait3A_2540, %dma_wait3A_2541] : memref<13x8x128xf32, #tpu.memory_space<vmem>> -> memref<1x8x128xf32, #tpu.memory_space<vmem>>
      %dma_wait3A_2543 = tpu.memref_squeeze %dma_wait3A_2542 : memref<1x8x128xf32, #tpu.memory_space<vmem>> -> memref<8x128xf32, #tpu.memory_space<vmem>>
      %dma_wait3A_2544 = arith.constant 0 : i32
      %dma_wait3A_2545 = tpu.memref_slice %arg4[%shift_right_arithmetic3A_2358, %dma_wait3A_2544, %multiple_of3A_2167] : memref<625x8x1000xf32, #tpu.memory_space<hbm>> -> memref<1x8x128xf32, #tpu.memory_space<hbm>>
      %dma_wait3A_2546 = tpu.memref_squeeze %dma_wait3A_2545 : memref<1x8x128xf32, #tpu.memory_space<hbm>> -> memref<8x128xf32, #tpu.memory_space<hbm>>
      %dma_wait3A_2547 = arith.constant 0 : i32
      %dma_wait3A_2548 = arith.constant 0 : i32
      %dma_wait3A_2549 = tpu.memref_slice %arg19[%dma_wait3A_2539, %dma_wait3A_2547, %dma_wait3A_2548] : memref<13x8x128xf32, #tpu.memory_space<vmem>> -> memref<1x8x128xf32, #tpu.memory_space<vmem>>
      %dma_wait3A_2550 = tpu.memref_squeeze %dma_wait3A_2549 : memref<1x8x128xf32, #tpu.memory_space<vmem>> -> memref<8x128xf32, #tpu.memory_space<vmem>>
      %dma_wait3A_2551 = arith.constant 0 : i32
      %dma_wait3A_2552 = tpu.memref_slice %arg4[%shift_right_arithmetic3A_2358, %dma_wait3A_2551, %multiple_of3A_2167] : memref<625x8x1000xf32, #tpu.memory_space<hbm>> -> memref<1x8x128xf32, #tpu.memory_space<hbm>>
      %dma_wait3A_2553 = tpu.memref_squeeze %dma_wait3A_2552 : memref<1x8x128xf32, #tpu.memory_space<hbm>> -> memref<8x128xf32, #tpu.memory_space<hbm>>
      tpu.wait_dma2 semaphore(%arg26 : memref<!tpu.dma_semaphore, #tpu.memory_space<semaphore_mem>>) src(%dma_wait3A_2553 : memref<8x128xf32, #tpu.memory_space<hbm>>) dst(%dma_wait3A_2550 : memref<8x128xf32, #tpu.memory_space<vmem>>)
      %add3A_2554 = arith.constant 0 : i32
      %add3A_2555 = vector.broadcast %add3A_2554 : i32 to vector<16xi32>
      %add3A_2556 = arith.addi %iota3A, %add3A_2555 : vector<16xi32>
      %add3A_2557 = arith.addi %add3A_2556, %broadcast_in_dim3A_2169 : vector<16xi32>
      %broadcast_in_dim3A_2558 = arith.constant 1 : i32
      %broadcast_in_dim3A_2559 = vector.broadcast %broadcast_in_dim3A_2558 : i32 to vector<16xi32>
      %gather3A_2560 = tpu.vector_load_idx %arg19[%broadcast_in_dim3A_2559, %broadcast_in_dim3A_155, %add3A_2557] : memref<13x8x128xf32, #tpu.memory_space<vmem>>[vector<16xi32>, vector<16xi32>, vector<16xi32>], vector<16xf32>,
      %broadcast_in_dim3A_2561 = arith.constant 2 : i32
      %broadcast_in_dim3A_2562 = vector.broadcast %broadcast_in_dim3A_2561 : i32 to vector<16xi32>
      %gather3A_2563 = tpu.vector_load_idx %arg19[%broadcast_in_dim3A_2562, %broadcast_in_dim3A_169, %add3A_2557] : memref<13x8x128xf32, #tpu.memory_space<vmem>>[vector<16xi32>, vector<16xi32>, vector<16xi32>], vector<16xf32>,
      %max3A_2564 = arith.maximumf %gather3A_2560, %gather3A_2563 : vector<16xf32>
      %broadcast_in_dim3A_2565 = arith.constant 3 : i32
      %broadcast_in_dim3A_2566 = vector.broadcast %broadcast_in_dim3A_2565 : i32 to vector<16xi32>
      %gather3A_2567 = tpu.vector_load_idx %arg19[%broadcast_in_dim3A_2566, %broadcast_in_dim3A_183, %add3A_2557] : memref<13x8x128xf32, #tpu.memory_space<vmem>>[vector<16xi32>, vector<16xi32>, vector<16xi32>], vector<16xf32>,
      %max3A_2568 = arith.maximumf %max3A_2564, %gather3A_2567 : vector<16xf32>
      %broadcast_in_dim3A_2569 = arith.constant 4 : i32
      %broadcast_in_dim3A_2570 = vector.broadcast %broadcast_in_dim3A_2569 : i32 to vector<16xi32>
      %gather3A_2571 = tpu.vector_load_idx %arg19[%broadcast_in_dim3A_2570, %broadcast_in_dim3A_197, %add3A_2557] : memref<13x8x128xf32, #tpu.memory_space<vmem>>[vector<16xi32>, vector<16xi32>, vector<16xi32>], vector<16xf32>,
      %max3A_2572 = arith.maximumf %max3A_2568, %gather3A_2571 : vector<16xf32>
      %broadcast_in_dim3A_2573 = arith.constant 5 : i32
      %broadcast_in_dim3A_2574 = vector.broadcast %broadcast_in_dim3A_2573 : i32 to vector<16xi32>
      %gather3A_2575 = tpu.vector_load_idx %arg19[%broadcast_in_dim3A_2574, %broadcast_in_dim3A_211, %add3A_2557] : memref<13x8x128xf32, #tpu.memory_space<vmem>>[vector<16xi32>, vector<16xi32>, vector<16xi32>], vector<16xf32>,
      %max3A_2576 = arith.maximumf %max3A_2572, %gather3A_2575 : vector<16xf32>
      %broadcast_in_dim3A_2577 = arith.constant 6 : i32
      %broadcast_in_dim3A_2578 = vector.broadcast %broadcast_in_dim3A_2577 : i32 to vector<16xi32>
      %gather3A_2579 = tpu.vector_load_idx %arg19[%broadcast_in_dim3A_2578, %broadcast_in_dim3A_225, %add3A_2557] : memref<13x8x128xf32, #tpu.memory_space<vmem>>[vector<16xi32>, vector<16xi32>, vector<16xi32>], vector<16xf32>,
      %max3A_2580 = arith.maximumf %max3A_2576, %gather3A_2579 : vector<16xf32>
      %broadcast_in_dim3A_2581 = arith.constant 7 : i32
      %broadcast_in_dim3A_2582 = vector.broadcast %broadcast_in_dim3A_2581 : i32 to vector<16xi32>
      %gather3A_2583 = tpu.vector_load_idx %arg19[%broadcast_in_dim3A_2582, %broadcast_in_dim3A_239, %add3A_2557] : memref<13x8x128xf32, #tpu.memory_space<vmem>>[vector<16xi32>, vector<16xi32>, vector<16xi32>], vector<16xf32>,
      %max3A_2584 = arith.maximumf %max3A_2580, %gather3A_2583 : vector<16xf32>
      %broadcast_in_dim3A_2585 = arith.constant 8 : i32
      %broadcast_in_dim3A_2586 = vector.broadcast %broadcast_in_dim3A_2585 : i32 to vector<16xi32>
      %gather3A_2587 = tpu.vector_load_idx %arg19[%broadcast_in_dim3A_2586, %broadcast_in_dim3A_253, %add3A_2557] : memref<13x8x128xf32, #tpu.memory_space<vmem>>[vector<16xi32>, vector<16xi32>, vector<16xi32>], vector<16xf32>,
      %max3A_2588 = arith.maximumf %max3A_2584, %gather3A_2587 : vector<16xf32>
      %broadcast_in_dim3A_2589 = arith.constant 9 : i32
      %broadcast_in_dim3A_2590 = vector.broadcast %broadcast_in_dim3A_2589 : i32 to vector<16xi32>
      %gather3A_2591 = tpu.vector_load_idx %arg19[%broadcast_in_dim3A_2590, %broadcast_in_dim3A_267, %add3A_2557] : memref<13x8x128xf32, #tpu.memory_space<vmem>>[vector<16xi32>, vector<16xi32>, vector<16xi32>], vector<16xf32>,
      %max3A_2592 = arith.maximumf %max3A_2588, %gather3A_2591 : vector<16xf32>
      %broadcast_in_dim3A_2593 = arith.constant 10 : i32
      %broadcast_in_dim3A_2594 = vector.broadcast %broadcast_in_dim3A_2593 : i32 to vector<16xi32>
      %gather3A_2595 = tpu.vector_load_idx %arg19[%broadcast_in_dim3A_2594, %broadcast_in_dim3A_281, %add3A_2557] : memref<13x8x128xf32, #tpu.memory_space<vmem>>[vector<16xi32>, vector<16xi32>, vector<16xi32>], vector<16xf32>,
      %max3A_2596 = arith.maximumf %max3A_2592, %gather3A_2595 : vector<16xf32>
      %broadcast_in_dim3A_2597 = arith.constant 11 : i32
      %broadcast_in_dim3A_2598 = vector.broadcast %broadcast_in_dim3A_2597 : i32 to vector<16xi32>
      %gather3A_2599 = tpu.vector_load_idx %arg19[%broadcast_in_dim3A_2598, %broadcast_in_dim3A_295, %add3A_2557] : memref<13x8x128xf32, #tpu.memory_space<vmem>>[vector<16xi32>, vector<16xi32>, vector<16xi32>], vector<16xf32>,
      %max3A_2600 = arith.maximumf %max3A_2596, %gather3A_2599 : vector<16xf32>
      %broadcast_in_dim3A_2601 = arith.constant 12 : i32
      %broadcast_in_dim3A_2602 = vector.broadcast %broadcast_in_dim3A_2601 : i32 to vector<16xi32>
      %gather3A_2603 = tpu.vector_load_idx %arg19[%broadcast_in_dim3A_2602, %broadcast_in_dim3A_309, %add3A_2557] : memref<13x8x128xf32, #tpu.memory_space<vmem>>[vector<16xi32>, vector<16xi32>, vector<16xi32>], vector<16xf32>,
      %max3A_2604 = arith.maximumf %max3A_2600, %gather3A_2603 : vector<16xf32>
      %swap3A_2605 = arith.constant 0 : i32
      %swap3A_2606 = arith.index_cast %swap3A_2605 : i32 to index
      %swap3A_2607 = arith.constant 0 : index
      %swap3A_2608 = tpu.vector_load %arg21[%swap3A_2606, %swap3A_2607] {strides = array<i32>} : memref<2x16xf32, #tpu.memory_space<vmem>>, vector<16xf32>,
      tpu.vector_store %arg21[%swap3A_2606, %swap3A_2607], %max3A_2604 {strides = array<i32>} : memref<2x16xf32, #tpu.memory_space<vmem>>, vector<16xf32>,
      %add3A_2609 = arith.constant 16 : i32
      %add3A_2610 = vector.broadcast %add3A_2609 : i32 to vector<16xi32>
      %add3A_2611 = arith.addi %iota3A, %add3A_2610 : vector<16xi32>
      %add3A_2612 = arith.addi %add3A_2611, %broadcast_in_dim3A_2169 : vector<16xi32>
      %broadcast_in_dim3A_2613 = arith.constant 1 : i32
      %broadcast_in_dim3A_2614 = vector.broadcast %broadcast_in_dim3A_2613 : i32 to vector<16xi32>
      %gather3A_2615 = tpu.vector_load_idx %arg19[%broadcast_in_dim3A_2614, %broadcast_in_dim3A_155, %add3A_2612] : memref<13x8x128xf32, #tpu.memory_space<vmem>>[vector<16xi32>, vector<16xi32>, vector<16xi32>], vector<16xf32>,
      %broadcast_in_dim3A_2616 = arith.constant 2 : i32
      %broadcast_in_dim3A_2617 = vector.broadcast %broadcast_in_dim3A_2616 : i32 to vector<16xi32>
      %gather3A_2618 = tpu.vector_load_idx %arg19[%broadcast_in_dim3A_2617, %broadcast_in_dim3A_169, %add3A_2612] : memref<13x8x128xf32, #tpu.memory_space<vmem>>[vector<16xi32>, vector<16xi32>, vector<16xi32>], vector<16xf32>,
      %max3A_2619 = arith.maximumf %gather3A_2615, %gather3A_2618 : vector<16xf32>
      %broadcast_in_dim3A_2620 = arith.constant 3 : i32
      %broadcast_in_dim3A_2621 = vector.broadcast %broadcast_in_dim3A_2620 : i32 to vector<16xi32>
      %gather3A_2622 = tpu.vector_load_idx %arg19[%broadcast_in_dim3A_2621, %broadcast_in_dim3A_183, %add3A_2612] : memref<13x8x128xf32, #tpu.memory_space<vmem>>[vector<16xi32>, vector<16xi32>, vector<16xi32>], vector<16xf32>,
      %max3A_2623 = arith.maximumf %max3A_2619, %gather3A_2622 : vector<16xf32>
      %broadcast_in_dim3A_2624 = arith.constant 4 : i32
      %broadcast_in_dim3A_2625 = vector.broadcast %broadcast_in_dim3A_2624 : i32 to vector<16xi32>
      %gather3A_2626 = tpu.vector_load_idx %arg19[%broadcast_in_dim3A_2625, %broadcast_in_dim3A_197, %add3A_2612] : memref<13x8x128xf32, #tpu.memory_space<vmem>>[vector<16xi32>, vector<16xi32>, vector<16xi32>], vector<16xf32>,
      %max3A_2627 = arith.maximumf %max3A_2623, %gather3A_2626 : vector<16xf32>
      %broadcast_in_dim3A_2628 = arith.constant 5 : i32
      %broadcast_in_dim3A_2629 = vector.broadcast %broadcast_in_dim3A_2628 : i32 to vector<16xi32>
      %gather3A_2630 = tpu.vector_load_idx %arg19[%broadcast_in_dim3A_2629, %broadcast_in_dim3A_211, %add3A_2612] : memref<13x8x128xf32, #tpu.memory_space<vmem>>[vector<16xi32>, vector<16xi32>, vector<16xi32>], vector<16xf32>,
      %max3A_2631 = arith.maximumf %max3A_2627, %gather3A_2630 : vector<16xf32>
      %broadcast_in_dim3A_2632 = arith.constant 6 : i32
      %broadcast_in_dim3A_2633 = vector.broadcast %broadcast_in_dim3A_2632 : i32 to vector<16xi32>
      %gather3A_2634 = tpu.vector_load_idx %arg19[%broadcast_in_dim3A_2633, %broadcast_in_dim3A_225, %add3A_2612] : memref<13x8x128xf32, #tpu.memory_space<vmem>>[vector<16xi32>, vector<16xi32>, vector<16xi32>], vector<16xf32>,
      %max3A_2635 = arith.maximumf %max3A_2631, %gather3A_2634 : vector<16xf32>
      %broadcast_in_dim3A_2636 = arith.constant 7 : i32
      %broadcast_in_dim3A_2637 = vector.broadcast %broadcast_in_dim3A_2636 : i32 to vector<16xi32>
      %gather3A_2638 = tpu.vector_load_idx %arg19[%broadcast_in_dim3A_2637, %broadcast_in_dim3A_239, %add3A_2612] : memref<13x8x128xf32, #tpu.memory_space<vmem>>[vector<16xi32>, vector<16xi32>, vector<16xi32>], vector<16xf32>,
      %max3A_2639 = arith.maximumf %max3A_2635, %gather3A_2638 : vector<16xf32>
      %broadcast_in_dim3A_2640 = arith.constant 8 : i32
      %broadcast_in_dim3A_2641 = vector.broadcast %broadcast_in_dim3A_2640 : i32 to vector<16xi32>
      %gather3A_2642 = tpu.vector_load_idx %arg19[%broadcast_in_dim3A_2641, %broadcast_in_dim3A_253, %add3A_2612] : memref<13x8x128xf32, #tpu.memory_space<vmem>>[vector<16xi32>, vector<16xi32>, vector<16xi32>], vector<16xf32>,
      %max3A_2643 = arith.maximumf %max3A_2639, %gather3A_2642 : vector<16xf32>
      %broadcast_in_dim3A_2644 = arith.constant 9 : i32
      %broadcast_in_dim3A_2645 = vector.broadcast %broadcast_in_dim3A_2644 : i32 to vector<16xi32>
      %gather3A_2646 = tpu.vector_load_idx %arg19[%broadcast_in_dim3A_2645, %broadcast_in_dim3A_267, %add3A_2612] : memref<13x8x128xf32, #tpu.memory_space<vmem>>[vector<16xi32>, vector<16xi32>, vector<16xi32>], vector<16xf32>,
      %max3A_2647 = arith.maximumf %max3A_2643, %gather3A_2646 : vector<16xf32>
      %broadcast_in_dim3A_2648 = arith.constant 10 : i32
      %broadcast_in_dim3A_2649 = vector.broadcast %broadcast_in_dim3A_2648 : i32 to vector<16xi32>
      %gather3A_2650 = tpu.vector_load_idx %arg19[%broadcast_in_dim3A_2649, %broadcast_in_dim3A_281, %add3A_2612] : memref<13x8x128xf32, #tpu.memory_space<vmem>>[vector<16xi32>, vector<16xi32>, vector<16xi32>], vector<16xf32>,
      %max3A_2651 = arith.maximumf %max3A_2647, %gather3A_2650 : vector<16xf32>
      %broadcast_in_dim3A_2652 = arith.constant 11 : i32
      %broadcast_in_dim3A_2653 = vector.broadcast %broadcast_in_dim3A_2652 : i32 to vector<16xi32>
      %gather3A_2654 = tpu.vector_load_idx %arg19[%broadcast_in_dim3A_2653, %broadcast_in_dim3A_295, %add3A_2612] : memref<13x8x128xf32, #tpu.memory_space<vmem>>[vector<16xi32>, vector<16xi32>, vector<16xi32>], vector<16xf32>,
      %max3A_2655 = arith.maximumf %max3A_2651, %gather3A_2654 : vector<16xf32>
      %broadcast_in_dim3A_2656 = arith.constant 12 : i32
      %broadcast_in_dim3A_2657 = vector.broadcast %broadcast_in_dim3A_2656 : i32 to vector<16xi32>
      %gather3A_2658 = tpu.vector_load_idx %arg19[%broadcast_in_dim3A_2657, %broadcast_in_dim3A_309, %add3A_2612] : memref<13x8x128xf32, #tpu.memory_space<vmem>>[vector<16xi32>, vector<16xi32>, vector<16xi32>], vector<16xf32>,
      %max3A_2659 = arith.maximumf %max3A_2655, %gather3A_2658 : vector<16xf32>
      %swap3A_2660 = arith.constant 1 : i32
      %swap3A_2661 = arith.index_cast %swap3A_2660 : i32 to index
      %swap3A_2662 = arith.constant 0 : index
      %swap3A_2663 = tpu.vector_load %arg21[%swap3A_2661, %swap3A_2662] {strides = array<i32>} : memref<2x16xf32, #tpu.memory_space<vmem>>, vector<16xf32>,
      tpu.vector_store %arg21[%swap3A_2661, %swap3A_2662], %max3A_2659 {strides = array<i32>} : memref<2x16xf32, #tpu.memory_space<vmem>>, vector<16xf32>,
    } else {
    }
    %convert_element_type3A_313 = arith.extui %ge3A_310 : i1 to i32
    %cond3A_314 = arith.constant 0 : i32
    %cond3A_315 = arith.cmpi ne, %convert_element_type3A_313, %cond3A_314 : i32
    scf.if %cond3A_315 {
      %sub3A_2163 = arith.constant 896 : i32
      %sub3A_2164 = arith.subi %multiple_of3A, %sub3A_2163 : i32
      %broadcast_in_dim3A_2165 = vector.broadcast %sub3A_2164 : i32 to vector<16xi32>
      %shift_right_arithmetic3A_2166 = arith.constant 3 : i32
      %shift_right_arithmetic3A_2167 = arith.shrsi %bitcast_convert_type3A, %shift_right_arithmetic3A_2166 : i32
      %dma_start3A_2168 = arith.constant 1 : i32
      %dma_start3A_2169 = arith.constant 0 : i32
      %dma_start3A_2170 = arith.constant 0 : i32
      %dma_start3A_2171 = tpu.memref_slice %arg20[%dma_start3A_2168, %dma_start3A_2169, %dma_start3A_2170] : memref<13x8x104xf32, #tpu.memory_space<vmem>> -> memref<1x8x104xf32, #tpu.memory_space<vmem>>
      %dma_start3A_2172 = tpu.memref_squeeze %dma_start3A_2171 : memref<1x8x104xf32, #tpu.memory_space<vmem>> -> memref<8x104xf32, #tpu.memory_space<vmem>>
      %dma_start3A_2173 = arith.constant 0 : i32
      %dma_start3A_2174 = arith.constant 896 : i32
      %dma_start3A_2175 = tpu.memref_slice %arg4[%shift_right_arithmetic3A_2167, %dma_start3A_2173, %dma_start3A_2174] : memref<625x8x1000xf32, #tpu.memory_space<hbm>> -> memref<1x8x104xf32, #tpu.memory_space<hbm>>
      %dma_start3A_2176 = tpu.memref_squeeze %dma_start3A_2175 : memref<1x8x104xf32, #tpu.memory_space<hbm>> -> memref<8x104xf32, #tpu.memory_space<hbm>>
      %dma_start3A_2177 = arith.constant 0 : i32
      %dma_start3A_2178 = arith.constant 0 : i32
      %dma_start3A_2179 = tpu.memref_slice %arg20[%dma_start3A_2168, %dma_start3A_2177, %dma_start3A_2178] : memref<13x8x104xf32, #tpu.memory_space<vmem>> -> memref<1x8x104xf32, #tpu.memory_space<vmem>>
      %dma_start3A_2180 = tpu.memref_squeeze %dma_start3A_2179 : memref<1x8x104xf32, #tpu.memory_space<vmem>> -> memref<8x104xf32, #tpu.memory_space<vmem>>
      %dma_start3A_2181 = arith.constant 0 : i32
      %dma_start3A_2182 = arith.constant 896 : i32
      %dma_start3A_2183 = tpu.memref_slice %arg4[%shift_right_arithmetic3A_2167, %dma_start3A_2181, %dma_start3A_2182] : memref<625x8x1000xf32, #tpu.memory_space<hbm>> -> memref<1x8x104xf32, #tpu.memory_space<hbm>>
      %dma_start3A_2184 = tpu.memref_squeeze %dma_start3A_2183 : memref<1x8x104xf32, #tpu.memory_space<hbm>> -> memref<8x104xf32, #tpu.memory_space<hbm>>
      tpu.enqueue_dma source(%dma_start3A_2184 : memref<8x104xf32, #tpu.memory_space<hbm>>) target(%dma_start3A_2180 : memref<8x104xf32, #tpu.memory_space<vmem>>) target_semaphore(%arg26 : memref<!tpu.dma_semaphore, #tpu.memory_space<semaphore_mem>>)
      %shift_right_arithmetic3A_2185 = arith.constant 3 : i32
      %shift_right_arithmetic3A_2186 = arith.shrsi %bitcast_convert_type3A_42, %shift_right_arithmetic3A_2185 : i32
      %dma_start3A_2187 = arith.constant 2 : i32
      %dma_start3A_2188 = arith.constant 0 : i32
      %dma_start3A_2189 = arith.constant 0 : i32
      %dma_start3A_2190 = tpu.memref_slice %arg20[%dma_start3A_2187, %dma_start3A_2188, %dma_start3A_2189] : memref<13x8x104xf32, #tpu.memory_space<vmem>> -> memref<1x8x104xf32, #tpu.memory_space<vmem>>
      %dma_start3A_2191 = tpu.memref_squeeze %dma_start3A_2190 : memref<1x8x104xf32, #tpu.memory_space<vmem>> -> memref<8x104xf32, #tpu.memory_space<vmem>>
      %dma_start3A_2192 = arith.constant 0 : i32
      %dma_start3A_2193 = arith.constant 896 : i32
      %dma_start3A_2194 = tpu.memref_slice %arg4[%shift_right_arithmetic3A_2186, %dma_start3A_2192, %dma_start3A_2193] : memref<625x8x1000xf32, #tpu.memory_space<hbm>> -> memref<1x8x104xf32, #tpu.memory_space<hbm>>
      %dma_start3A_2195 = tpu.memref_squeeze %dma_start3A_2194 : memref<1x8x104xf32, #tpu.memory_space<hbm>> -> memref<8x104xf32, #tpu.memory_space<hbm>>
      %dma_start3A_2196 = arith.constant 0 : i32
      %dma_start3A_2197 = arith.constant 0 : i32
      %dma_start3A_2198 = tpu.memref_slice %arg20[%dma_start3A_2187, %dma_start3A_2196, %dma_start3A_2197] : memref<13x8x104xf32, #tpu.memory_space<vmem>> -> memref<1x8x104xf32, #tpu.memory_space<vmem>>
      %dma_start3A_2199 = tpu.memref_squeeze %dma_start3A_2198 : memref<1x8x104xf32, #tpu.memory_space<vmem>> -> memref<8x104xf32, #tpu.memory_space<vmem>>
      %dma_start3A_2200 = arith.constant 0 : i32
      %dma_start3A_2201 = arith.constant 896 : i32
      %dma_start3A_2202 = tpu.memref_slice %arg4[%shift_right_arithmetic3A_2186, %dma_start3A_2200, %dma_start3A_2201] : memref<625x8x1000xf32, #tpu.memory_space<hbm>> -> memref<1x8x104xf32, #tpu.memory_space<hbm>>
      %dma_start3A_2203 = tpu.memref_squeeze %dma_start3A_2202 : memref<1x8x104xf32, #tpu.memory_space<hbm>> -> memref<8x104xf32, #tpu.memory_space<hbm>>
      tpu.enqueue_dma source(%dma_start3A_2203 : memref<8x104xf32, #tpu.memory_space<hbm>>) target(%dma_start3A_2199 : memref<8x104xf32, #tpu.memory_space<vmem>>) target_semaphore(%arg26 : memref<!tpu.dma_semaphore, #tpu.memory_space<semaphore_mem>>)
      %shift_right_arithmetic3A_2204 = arith.constant 3 : i32
      %shift_right_arithmetic3A_2205 = arith.shrsi %bitcast_convert_type3A_52, %shift_right_arithmetic3A_2204 : i32
      %dma_start3A_2206 = arith.constant 3 : i32
      %dma_start3A_2207 = arith.constant 0 : i32
      %dma_start3A_2208 = arith.constant 0 : i32
      %dma_start3A_2209 = tpu.memref_slice %arg20[%dma_start3A_2206, %dma_start3A_2207, %dma_start3A_2208] : memref<13x8x104xf32, #tpu.memory_space<vmem>> -> memref<1x8x104xf32, #tpu.memory_space<vmem>>
      %dma_start3A_2210 = tpu.memref_squeeze %dma_start3A_2209 : memref<1x8x104xf32, #tpu.memory_space<vmem>> -> memref<8x104xf32, #tpu.memory_space<vmem>>
      %dma_start3A_2211 = arith.constant 0 : i32
      %dma_start3A_2212 = arith.constant 896 : i32
      %dma_start3A_2213 = tpu.memref_slice %arg4[%shift_right_arithmetic3A_2205, %dma_start3A_2211, %dma_start3A_2212] : memref<625x8x1000xf32, #tpu.memory_space<hbm>> -> memref<1x8x104xf32, #tpu.memory_space<hbm>>
      %dma_start3A_2214 = tpu.memref_squeeze %dma_start3A_2213 : memref<1x8x104xf32, #tpu.memory_space<hbm>> -> memref<8x104xf32, #tpu.memory_space<hbm>>
      %dma_start3A_2215 = arith.constant 0 : i32
      %dma_start3A_2216 = arith.constant 0 : i32
      %dma_start3A_2217 = tpu.memref_slice %arg20[%dma_start3A_2206, %dma_start3A_2215, %dma_start3A_2216] : memref<13x8x104xf32, #tpu.memory_space<vmem>> -> memref<1x8x104xf32, #tpu.memory_space<vmem>>
      %dma_start3A_2218 = tpu.memref_squeeze %dma_start3A_2217 : memref<1x8x104xf32, #tpu.memory_space<vmem>> -> memref<8x104xf32, #tpu.memory_space<vmem>>
      %dma_start3A_2219 = arith.constant 0 : i32
      %dma_start3A_2220 = arith.constant 896 : i32
      %dma_start3A_2221 = tpu.memref_slice %arg4[%shift_right_arithmetic3A_2205, %dma_start3A_2219, %dma_start3A_2220] : memref<625x8x1000xf32, #tpu.memory_space<hbm>> -> memref<1x8x104xf32, #tpu.memory_space<hbm>>
      %dma_start3A_2222 = tpu.memref_squeeze %dma_start3A_2221 : memref<1x8x104xf32, #tpu.memory_space<hbm>> -> memref<8x104xf32, #tpu.memory_space<hbm>>
      tpu.enqueue_dma source(%dma_start3A_2222 : memref<8x104xf32, #tpu.memory_space<hbm>>) target(%dma_start3A_2218 : memref<8x104xf32, #tpu.memory_space<vmem>>) target_semaphore(%arg26 : memref<!tpu.dma_semaphore, #tpu.memory_space<semaphore_mem>>)
      %shift_right_arithmetic3A_2223 = arith.constant 3 : i32
      %shift_right_arithmetic3A_2224 = arith.shrsi %bitcast_convert_type3A_62, %shift_right_arithmetic3A_2223 : i32
      %dma_start3A_2225 = arith.constant 4 : i32
      %dma_start3A_2226 = arith.constant 0 : i32
      %dma_start3A_2227 = arith.constant 0 : i32
      %dma_start3A_2228 = tpu.memref_slice %arg20[%dma_start3A_2225, %dma_start3A_2226, %dma_start3A_2227] : memref<13x8x104xf32, #tpu.memory_space<vmem>> -> memref<1x8x104xf32, #tpu.memory_space<vmem>>
      %dma_start3A_2229 = tpu.memref_squeeze %dma_start3A_2228 : memref<1x8x104xf32, #tpu.memory_space<vmem>> -> memref<8x104xf32, #tpu.memory_space<vmem>>
      %dma_start3A_2230 = arith.constant 0 : i32
      %dma_start3A_2231 = arith.constant 896 : i32
      %dma_start3A_2232 = tpu.memref_slice %arg4[%shift_right_arithmetic3A_2224, %dma_start3A_2230, %dma_start3A_2231] : memref<625x8x1000xf32, #tpu.memory_space<hbm>> -> memref<1x8x104xf32, #tpu.memory_space<hbm>>
      %dma_start3A_2233 = tpu.memref_squeeze %dma_start3A_2232 : memref<1x8x104xf32, #tpu.memory_space<hbm>> -> memref<8x104xf32, #tpu.memory_space<hbm>>
      %dma_start3A_2234 = arith.constant 0 : i32
      %dma_start3A_2235 = arith.constant 0 : i32
      %dma_start3A_2236 = tpu.memref_slice %arg20[%dma_start3A_2225, %dma_start3A_2234, %dma_start3A_2235] : memref<13x8x104xf32, #tpu.memory_space<vmem>> -> memref<1x8x104xf32, #tpu.memory_space<vmem>>
      %dma_start3A_2237 = tpu.memref_squeeze %dma_start3A_2236 : memref<1x8x104xf32, #tpu.memory_space<vmem>> -> memref<8x104xf32, #tpu.memory_space<vmem>>
      %dma_start3A_2238 = arith.constant 0 : i32
      %dma_start3A_2239 = arith.constant 896 : i32
      %dma_start3A_2240 = tpu.memref_slice %arg4[%shift_right_arithmetic3A_2224, %dma_start3A_2238, %dma_start3A_2239] : memref<625x8x1000xf32, #tpu.memory_space<hbm>> -> memref<1x8x104xf32, #tpu.memory_space<hbm>>
      %dma_start3A_2241 = tpu.memref_squeeze %dma_start3A_2240 : memref<1x8x104xf32, #tpu.memory_space<hbm>> -> memref<8x104xf32, #tpu.memory_space<hbm>>
      tpu.enqueue_dma source(%dma_start3A_2241 : memref<8x104xf32, #tpu.memory_space<hbm>>) target(%dma_start3A_2237 : memref<8x104xf32, #tpu.memory_space<vmem>>) target_semaphore(%arg26 : memref<!tpu.dma_semaphore, #tpu.memory_space<semaphore_mem>>)
      %shift_right_arithmetic3A_2242 = arith.constant 3 : i32
      %shift_right_arithmetic3A_2243 = arith.shrsi %bitcast_convert_type3A_72, %shift_right_arithmetic3A_2242 : i32
      %dma_start3A_2244 = arith.constant 5 : i32
      %dma_start3A_2245 = arith.constant 0 : i32
      %dma_start3A_2246 = arith.constant 0 : i32
      %dma_start3A_2247 = tpu.memref_slice %arg20[%dma_start3A_2244, %dma_start3A_2245, %dma_start3A_2246] : memref<13x8x104xf32, #tpu.memory_space<vmem>> -> memref<1x8x104xf32, #tpu.memory_space<vmem>>
      %dma_start3A_2248 = tpu.memref_squeeze %dma_start3A_2247 : memref<1x8x104xf32, #tpu.memory_space<vmem>> -> memref<8x104xf32, #tpu.memory_space<vmem>>
      %dma_start3A_2249 = arith.constant 0 : i32
      %dma_start3A_2250 = arith.constant 896 : i32
      %dma_start3A_2251 = tpu.memref_slice %arg4[%shift_right_arithmetic3A_2243, %dma_start3A_2249, %dma_start3A_2250] : memref<625x8x1000xf32, #tpu.memory_space<hbm>> -> memref<1x8x104xf32, #tpu.memory_space<hbm>>
      %dma_start3A_2252 = tpu.memref_squeeze %dma_start3A_2251 : memref<1x8x104xf32, #tpu.memory_space<hbm>> -> memref<8x104xf32, #tpu.memory_space<hbm>>
      %dma_start3A_2253 = arith.constant 0 : i32
      %dma_start3A_2254 = arith.constant 0 : i32
      %dma_start3A_2255 = tpu.memref_slice %arg20[%dma_start3A_2244, %dma_start3A_2253, %dma_start3A_2254] : memref<13x8x104xf32, #tpu.memory_space<vmem>> -> memref<1x8x104xf32, #tpu.memory_space<vmem>>
      %dma_start3A_2256 = tpu.memref_squeeze %dma_start3A_2255 : memref<1x8x104xf32, #tpu.memory_space<vmem>> -> memref<8x104xf32, #tpu.memory_space<vmem>>
      %dma_start3A_2257 = arith.constant 0 : i32
      %dma_start3A_2258 = arith.constant 896 : i32
      %dma_start3A_2259 = tpu.memref_slice %arg4[%shift_right_arithmetic3A_2243, %dma_start3A_2257, %dma_start3A_2258] : memref<625x8x1000xf32, #tpu.memory_space<hbm>> -> memref<1x8x104xf32, #tpu.memory_space<hbm>>
      %dma_start3A_2260 = tpu.memref_squeeze %dma_start3A_2259 : memref<1x8x104xf32, #tpu.memory_space<hbm>> -> memref<8x104xf32, #tpu.memory_space<hbm>>
      tpu.enqueue_dma source(%dma_start3A_2260 : memref<8x104xf32, #tpu.memory_space<hbm>>) target(%dma_start3A_2256 : memref<8x104xf32, #tpu.memory_space<vmem>>) target_semaphore(%arg26 : memref<!tpu.dma_semaphore, #tpu.memory_space<semaphore_mem>>)
      %shift_right_arithmetic3A_2261 = arith.constant 3 : i32
      %shift_right_arithmetic3A_2262 = arith.shrsi %bitcast_convert_type3A_82, %shift_right_arithmetic3A_2261 : i32
      %dma_start3A_2263 = arith.constant 6 : i32
      %dma_start3A_2264 = arith.constant 0 : i32
      %dma_start3A_2265 = arith.constant 0 : i32
      %dma_start3A_2266 = tpu.memref_slice %arg20[%dma_start3A_2263, %dma_start3A_2264, %dma_start3A_2265] : memref<13x8x104xf32, #tpu.memory_space<vmem>> -> memref<1x8x104xf32, #tpu.memory_space<vmem>>
      %dma_start3A_2267 = tpu.memref_squeeze %dma_start3A_2266 : memref<1x8x104xf32, #tpu.memory_space<vmem>> -> memref<8x104xf32, #tpu.memory_space<vmem>>
      %dma_start3A_2268 = arith.constant 0 : i32
      %dma_start3A_2269 = arith.constant 896 : i32
      %dma_start3A_2270 = tpu.memref_slice %arg4[%shift_right_arithmetic3A_2262, %dma_start3A_2268, %dma_start3A_2269] : memref<625x8x1000xf32, #tpu.memory_space<hbm>> -> memref<1x8x104xf32, #tpu.memory_space<hbm>>
      %dma_start3A_2271 = tpu.memref_squeeze %dma_start3A_2270 : memref<1x8x104xf32, #tpu.memory_space<hbm>> -> memref<8x104xf32, #tpu.memory_space<hbm>>
      %dma_start3A_2272 = arith.constant 0 : i32
      %dma_start3A_2273 = arith.constant 0 : i32
      %dma_start3A_2274 = tpu.memref_slice %arg20[%dma_start3A_2263, %dma_start3A_2272, %dma_start3A_2273] : memref<13x8x104xf32, #tpu.memory_space<vmem>> -> memref<1x8x104xf32, #tpu.memory_space<vmem>>
      %dma_start3A_2275 = tpu.memref_squeeze %dma_start3A_2274 : memref<1x8x104xf32, #tpu.memory_space<vmem>> -> memref<8x104xf32, #tpu.memory_space<vmem>>
      %dma_start3A_2276 = arith.constant 0 : i32
      %dma_start3A_2277 = arith.constant 896 : i32
      %dma_start3A_2278 = tpu.memref_slice %arg4[%shift_right_arithmetic3A_2262, %dma_start3A_2276, %dma_start3A_2277] : memref<625x8x1000xf32, #tpu.memory_space<hbm>> -> memref<1x8x104xf32, #tpu.memory_space<hbm>>
      %dma_start3A_2279 = tpu.memref_squeeze %dma_start3A_2278 : memref<1x8x104xf32, #tpu.memory_space<hbm>> -> memref<8x104xf32, #tpu.memory_space<hbm>>
      tpu.enqueue_dma source(%dma_start3A_2279 : memref<8x104xf32, #tpu.memory_space<hbm>>) target(%dma_start3A_2275 : memref<8x104xf32, #tpu.memory_space<vmem>>) target_semaphore(%arg26 : memref<!tpu.dma_semaphore, #tpu.memory_space<semaphore_mem>>)
      %shift_right_arithmetic3A_2280 = arith.constant 3 : i32
      %shift_right_arithmetic3A_2281 = arith.shrsi %bitcast_convert_type3A_92, %shift_right_arithmetic3A_2280 : i32
      %dma_start3A_2282 = arith.constant 7 : i32
      %dma_start3A_2283 = arith.constant 0 : i32
      %dma_start3A_2284 = arith.constant 0 : i32
      %dma_start3A_2285 = tpu.memref_slice %arg20[%dma_start3A_2282, %dma_start3A_2283, %dma_start3A_2284] : memref<13x8x104xf32, #tpu.memory_space<vmem>> -> memref<1x8x104xf32, #tpu.memory_space<vmem>>
      %dma_start3A_2286 = tpu.memref_squeeze %dma_start3A_2285 : memref<1x8x104xf32, #tpu.memory_space<vmem>> -> memref<8x104xf32, #tpu.memory_space<vmem>>
      %dma_start3A_2287 = arith.constant 0 : i32
      %dma_start3A_2288 = arith.constant 896 : i32
      %dma_start3A_2289 = tpu.memref_slice %arg4[%shift_right_arithmetic3A_2281, %dma_start3A_2287, %dma_start3A_2288] : memref<625x8x1000xf32, #tpu.memory_space<hbm>> -> memref<1x8x104xf32, #tpu.memory_space<hbm>>
      %dma_start3A_2290 = tpu.memref_squeeze %dma_start3A_2289 : memref<1x8x104xf32, #tpu.memory_space<hbm>> -> memref<8x104xf32, #tpu.memory_space<hbm>>
      %dma_start3A_2291 = arith.constant 0 : i32
      %dma_start3A_2292 = arith.constant 0 : i32
      %dma_start3A_2293 = tpu.memref_slice %arg20[%dma_start3A_2282, %dma_start3A_2291, %dma_start3A_2292] : memref<13x8x104xf32, #tpu.memory_space<vmem>> -> memref<1x8x104xf32, #tpu.memory_space<vmem>>
      %dma_start3A_2294 = tpu.memref_squeeze %dma_start3A_2293 : memref<1x8x104xf32, #tpu.memory_space<vmem>> -> memref<8x104xf32, #tpu.memory_space<vmem>>
      %dma_start3A_2295 = arith.constant 0 : i32
      %dma_start3A_2296 = arith.constant 896 : i32
      %dma_start3A_2297 = tpu.memref_slice %arg4[%shift_right_arithmetic3A_2281, %dma_start3A_2295, %dma_start3A_2296] : memref<625x8x1000xf32, #tpu.memory_space<hbm>> -> memref<1x8x104xf32, #tpu.memory_space<hbm>>
      %dma_start3A_2298 = tpu.memref_squeeze %dma_start3A_2297 : memref<1x8x104xf32, #tpu.memory_space<hbm>> -> memref<8x104xf32, #tpu.memory_space<hbm>>
      tpu.enqueue_dma source(%dma_start3A_2298 : memref<8x104xf32, #tpu.memory_space<hbm>>) target(%dma_start3A_2294 : memref<8x104xf32, #tpu.memory_space<vmem>>) target_semaphore(%arg26 : memref<!tpu.dma_semaphore, #tpu.memory_space<semaphore_mem>>)
      %shift_right_arithmetic3A_2299 = arith.constant 3 : i32
      %shift_right_arithmetic3A_2300 = arith.shrsi %bitcast_convert_type3A_102, %shift_right_arithmetic3A_2299 : i32
      %dma_start3A_2301 = arith.constant 8 : i32
      %dma_start3A_2302 = arith.constant 0 : i32
      %dma_start3A_2303 = arith.constant 0 : i32
      %dma_start3A_2304 = tpu.memref_slice %arg20[%dma_start3A_2301, %dma_start3A_2302, %dma_start3A_2303] : memref<13x8x104xf32, #tpu.memory_space<vmem>> -> memref<1x8x104xf32, #tpu.memory_space<vmem>>
      %dma_start3A_2305 = tpu.memref_squeeze %dma_start3A_2304 : memref<1x8x104xf32, #tpu.memory_space<vmem>> -> memref<8x104xf32, #tpu.memory_space<vmem>>
      %dma_start3A_2306 = arith.constant 0 : i32
      %dma_start3A_2307 = arith.constant 896 : i32
      %dma_start3A_2308 = tpu.memref_slice %arg4[%shift_right_arithmetic3A_2300, %dma_start3A_2306, %dma_start3A_2307] : memref<625x8x1000xf32, #tpu.memory_space<hbm>> -> memref<1x8x104xf32, #tpu.memory_space<hbm>>
      %dma_start3A_2309 = tpu.memref_squeeze %dma_start3A_2308 : memref<1x8x104xf32, #tpu.memory_space<hbm>> -> memref<8x104xf32, #tpu.memory_space<hbm>>
      %dma_start3A_2310 = arith.constant 0 : i32
      %dma_start3A_2311 = arith.constant 0 : i32
      %dma_start3A_2312 = tpu.memref_slice %arg20[%dma_start3A_2301, %dma_start3A_2310, %dma_start3A_2311] : memref<13x8x104xf32, #tpu.memory_space<vmem>> -> memref<1x8x104xf32, #tpu.memory_space<vmem>>
      %dma_start3A_2313 = tpu.memref_squeeze %dma_start3A_2312 : memref<1x8x104xf32, #tpu.memory_space<vmem>> -> memref<8x104xf32, #tpu.memory_space<vmem>>
      %dma_start3A_2314 = arith.constant 0 : i32
      %dma_start3A_2315 = arith.constant 896 : i32
      %dma_start3A_2316 = tpu.memref_slice %arg4[%shift_right_arithmetic3A_2300, %dma_start3A_2314, %dma_start3A_2315] : memref<625x8x1000xf32, #tpu.memory_space<hbm>> -> memref<1x8x104xf32, #tpu.memory_space<hbm>>
      %dma_start3A_2317 = tpu.memref_squeeze %dma_start3A_2316 : memref<1x8x104xf32, #tpu.memory_space<hbm>> -> memref<8x104xf32, #tpu.memory_space<hbm>>
      tpu.enqueue_dma source(%dma_start3A_2317 : memref<8x104xf32, #tpu.memory_space<hbm>>) target(%dma_start3A_2313 : memref<8x104xf32, #tpu.memory_space<vmem>>) target_semaphore(%arg26 : memref<!tpu.dma_semaphore, #tpu.memory_space<semaphore_mem>>)
      %shift_right_arithmetic3A_2318 = arith.constant 3 : i32
      %shift_right_arithmetic3A_2319 = arith.shrsi %bitcast_convert_type3A_112, %shift_right_arithmetic3A_2318 : i32
      %dma_start3A_2320 = arith.constant 9 : i32
      %dma_start3A_2321 = arith.constant 0 : i32
      %dma_start3A_2322 = arith.constant 0 : i32
      %dma_start3A_2323 = tpu.memref_slice %arg20[%dma_start3A_2320, %dma_start3A_2321, %dma_start3A_2322] : memref<13x8x104xf32, #tpu.memory_space<vmem>> -> memref<1x8x104xf32, #tpu.memory_space<vmem>>
      %dma_start3A_2324 = tpu.memref_squeeze %dma_start3A_2323 : memref<1x8x104xf32, #tpu.memory_space<vmem>> -> memref<8x104xf32, #tpu.memory_space<vmem>>
      %dma_start3A_2325 = arith.constant 0 : i32
      %dma_start3A_2326 = arith.constant 896 : i32
      %dma_start3A_2327 = tpu.memref_slice %arg4[%shift_right_arithmetic3A_2319, %dma_start3A_2325, %dma_start3A_2326] : memref<625x8x1000xf32, #tpu.memory_space<hbm>> -> memref<1x8x104xf32, #tpu.memory_space<hbm>>
      %dma_start3A_2328 = tpu.memref_squeeze %dma_start3A_2327 : memref<1x8x104xf32, #tpu.memory_space<hbm>> -> memref<8x104xf32, #tpu.memory_space<hbm>>
      %dma_start3A_2329 = arith.constant 0 : i32
      %dma_start3A_2330 = arith.constant 0 : i32
      %dma_start3A_2331 = tpu.memref_slice %arg20[%dma_start3A_2320, %dma_start3A_2329, %dma_start3A_2330] : memref<13x8x104xf32, #tpu.memory_space<vmem>> -> memref<1x8x104xf32, #tpu.memory_space<vmem>>
      %dma_start3A_2332 = tpu.memref_squeeze %dma_start3A_2331 : memref<1x8x104xf32, #tpu.memory_space<vmem>> -> memref<8x104xf32, #tpu.memory_space<vmem>>
      %dma_start3A_2333 = arith.constant 0 : i32
      %dma_start3A_2334 = arith.constant 896 : i32
      %dma_start3A_2335 = tpu.memref_slice %arg4[%shift_right_arithmetic3A_2319, %dma_start3A_2333, %dma_start3A_2334] : memref<625x8x1000xf32, #tpu.memory_space<hbm>> -> memref<1x8x104xf32, #tpu.memory_space<hbm>>
      %dma_start3A_2336 = tpu.memref_squeeze %dma_start3A_2335 : memref<1x8x104xf32, #tpu.memory_space<hbm>> -> memref<8x104xf32, #tpu.memory_space<hbm>>
      tpu.enqueue_dma source(%dma_start3A_2336 : memref<8x104xf32, #tpu.memory_space<hbm>>) target(%dma_start3A_2332 : memref<8x104xf32, #tpu.memory_space<vmem>>) target_semaphore(%arg26 : memref<!tpu.dma_semaphore, #tpu.memory_space<semaphore_mem>>)
      %shift_right_arithmetic3A_2337 = arith.constant 3 : i32
      %shift_right_arithmetic3A_2338 = arith.shrsi %bitcast_convert_type3A_122, %shift_right_arithmetic3A_2337 : i32
      %dma_start3A_2339 = arith.constant 10 : i32
      %dma_start3A_2340 = arith.constant 0 : i32
      %dma_start3A_2341 = arith.constant 0 : i32
      %dma_start3A_2342 = tpu.memref_slice %arg20[%dma_start3A_2339, %dma_start3A_2340, %dma_start3A_2341] : memref<13x8x104xf32, #tpu.memory_space<vmem>> -> memref<1x8x104xf32, #tpu.memory_space<vmem>>
      %dma_start3A_2343 = tpu.memref_squeeze %dma_start3A_2342 : memref<1x8x104xf32, #tpu.memory_space<vmem>> -> memref<8x104xf32, #tpu.memory_space<vmem>>
      %dma_start3A_2344 = arith.constant 0 : i32
      %dma_start3A_2345 = arith.constant 896 : i32
      %dma_start3A_2346 = tpu.memref_slice %arg4[%shift_right_arithmetic3A_2338, %dma_start3A_2344, %dma_start3A_2345] : memref<625x8x1000xf32, #tpu.memory_space<hbm>> -> memref<1x8x104xf32, #tpu.memory_space<hbm>>
      %dma_start3A_2347 = tpu.memref_squeeze %dma_start3A_2346 : memref<1x8x104xf32, #tpu.memory_space<hbm>> -> memref<8x104xf32, #tpu.memory_space<hbm>>
      %dma_start3A_2348 = arith.constant 0 : i32
      %dma_start3A_2349 = arith.constant 0 : i32
      %dma_start3A_2350 = tpu.memref_slice %arg20[%dma_start3A_2339, %dma_start3A_2348, %dma_start3A_2349] : memref<13x8x104xf32, #tpu.memory_space<vmem>> -> memref<1x8x104xf32, #tpu.memory_space<vmem>>
      %dma_start3A_2351 = tpu.memref_squeeze %dma_start3A_2350 : memref<1x8x104xf32, #tpu.memory_space<vmem>> -> memref<8x104xf32, #tpu.memory_space<vmem>>
      %dma_start3A_2352 = arith.constant 0 : i32
      %dma_start3A_2353 = arith.constant 896 : i32
      %dma_start3A_2354 = tpu.memref_slice %arg4[%shift_right_arithmetic3A_2338, %dma_start3A_2352, %dma_start3A_2353] : memref<625x8x1000xf32, #tpu.memory_space<hbm>> -> memref<1x8x104xf32, #tpu.memory_space<hbm>>
      %dma_start3A_2355 = tpu.memref_squeeze %dma_start3A_2354 : memref<1x8x104xf32, #tpu.memory_space<hbm>> -> memref<8x104xf32, #tpu.memory_space<hbm>>
      tpu.enqueue_dma source(%dma_start3A_2355 : memref<8x104xf32, #tpu.memory_space<hbm>>) target(%dma_start3A_2351 : memref<8x104xf32, #tpu.memory_space<vmem>>) target_semaphore(%arg26 : memref<!tpu.dma_semaphore, #tpu.memory_space<semaphore_mem>>)
      %shift_right_arithmetic3A_2356 = arith.constant 3 : i32
      %shift_right_arithmetic3A_2357 = arith.shrsi %bitcast_convert_type3A_132, %shift_right_arithmetic3A_2356 : i32
      %dma_start3A_2358 = arith.constant 11 : i32
      %dma_start3A_2359 = arith.constant 0 : i32
      %dma_start3A_2360 = arith.constant 0 : i32
      %dma_start3A_2361 = tpu.memref_slice %arg20[%dma_start3A_2358, %dma_start3A_2359, %dma_start3A_2360] : memref<13x8x104xf32, #tpu.memory_space<vmem>> -> memref<1x8x104xf32, #tpu.memory_space<vmem>>
      %dma_start3A_2362 = tpu.memref_squeeze %dma_start3A_2361 : memref<1x8x104xf32, #tpu.memory_space<vmem>> -> memref<8x104xf32, #tpu.memory_space<vmem>>
      %dma_start3A_2363 = arith.constant 0 : i32
      %dma_start3A_2364 = arith.constant 896 : i32
      %dma_start3A_2365 = tpu.memref_slice %arg4[%shift_right_arithmetic3A_2357, %dma_start3A_2363, %dma_start3A_2364] : memref<625x8x1000xf32, #tpu.memory_space<hbm>> -> memref<1x8x104xf32, #tpu.memory_space<hbm>>
      %dma_start3A_2366 = tpu.memref_squeeze %dma_start3A_2365 : memref<1x8x104xf32, #tpu.memory_space<hbm>> -> memref<8x104xf32, #tpu.memory_space<hbm>>
      %dma_start3A_2367 = arith.constant 0 : i32
      %dma_start3A_2368 = arith.constant 0 : i32
      %dma_start3A_2369 = tpu.memref_slice %arg20[%dma_start3A_2358, %dma_start3A_2367, %dma_start3A_2368] : memref<13x8x104xf32, #tpu.memory_space<vmem>> -> memref<1x8x104xf32, #tpu.memory_space<vmem>>
      %dma_start3A_2370 = tpu.memref_squeeze %dma_start3A_2369 : memref<1x8x104xf32, #tpu.memory_space<vmem>> -> memref<8x104xf32, #tpu.memory_space<vmem>>
      %dma_start3A_2371 = arith.constant 0 : i32
      %dma_start3A_2372 = arith.constant 896 : i32
      %dma_start3A_2373 = tpu.memref_slice %arg4[%shift_right_arithmetic3A_2357, %dma_start3A_2371, %dma_start3A_2372] : memref<625x8x1000xf32, #tpu.memory_space<hbm>> -> memref<1x8x104xf32, #tpu.memory_space<hbm>>
      %dma_start3A_2374 = tpu.memref_squeeze %dma_start3A_2373 : memref<1x8x104xf32, #tpu.memory_space<hbm>> -> memref<8x104xf32, #tpu.memory_space<hbm>>
      tpu.enqueue_dma source(%dma_start3A_2374 : memref<8x104xf32, #tpu.memory_space<hbm>>) target(%dma_start3A_2370 : memref<8x104xf32, #tpu.memory_space<vmem>>) target_semaphore(%arg26 : memref<!tpu.dma_semaphore, #tpu.memory_space<semaphore_mem>>)
      %shift_right_arithmetic3A_2375 = arith.constant 3 : i32
      %shift_right_arithmetic3A_2376 = arith.shrsi %bitcast_convert_type3A_142, %shift_right_arithmetic3A_2375 : i32
      %dma_start3A_2377 = arith.constant 12 : i32
      %dma_start3A_2378 = arith.constant 0 : i32
      %dma_start3A_2379 = arith.constant 0 : i32
      %dma_start3A_2380 = tpu.memref_slice %arg20[%dma_start3A_2377, %dma_start3A_2378, %dma_start3A_2379] : memref<13x8x104xf32, #tpu.memory_space<vmem>> -> memref<1x8x104xf32, #tpu.memory_space<vmem>>
      %dma_start3A_2381 = tpu.memref_squeeze %dma_start3A_2380 : memref<1x8x104xf32, #tpu.memory_space<vmem>> -> memref<8x104xf32, #tpu.memory_space<vmem>>
      %dma_start3A_2382 = arith.constant 0 : i32
      %dma_start3A_2383 = arith.constant 896 : i32
      %dma_start3A_2384 = tpu.memref_slice %arg4[%shift_right_arithmetic3A_2376, %dma_start3A_2382, %dma_start3A_2383] : memref<625x8x1000xf32, #tpu.memory_space<hbm>> -> memref<1x8x104xf32, #tpu.memory_space<hbm>>
      %dma_start3A_2385 = tpu.memref_squeeze %dma_start3A_2384 : memref<1x8x104xf32, #tpu.memory_space<hbm>> -> memref<8x104xf32, #tpu.memory_space<hbm>>
      %dma_start3A_2386 = arith.constant 0 : i32
      %dma_start3A_2387 = arith.constant 0 : i32
      %dma_start3A_2388 = tpu.memref_slice %arg20[%dma_start3A_2377, %dma_start3A_2386, %dma_start3A_2387] : memref<13x8x104xf32, #tpu.memory_space<vmem>> -> memref<1x8x104xf32, #tpu.memory_space<vmem>>
      %dma_start3A_2389 = tpu.memref_squeeze %dma_start3A_2388 : memref<1x8x104xf32, #tpu.memory_space<vmem>> -> memref<8x104xf32, #tpu.memory_space<vmem>>
      %dma_start3A_2390 = arith.constant 0 : i32
      %dma_start3A_2391 = arith.constant 896 : i32
      %dma_start3A_2392 = tpu.memref_slice %arg4[%shift_right_arithmetic3A_2376, %dma_start3A_2390, %dma_start3A_2391] : memref<625x8x1000xf32, #tpu.memory_space<hbm>> -> memref<1x8x104xf32, #tpu.memory_space<hbm>>
      %dma_start3A_2393 = tpu.memref_squeeze %dma_start3A_2392 : memref<1x8x104xf32, #tpu.memory_space<hbm>> -> memref<8x104xf32, #tpu.memory_space<hbm>>
      tpu.enqueue_dma source(%dma_start3A_2393 : memref<8x104xf32, #tpu.memory_space<hbm>>) target(%dma_start3A_2389 : memref<8x104xf32, #tpu.memory_space<vmem>>) target_semaphore(%arg26 : memref<!tpu.dma_semaphore, #tpu.memory_space<semaphore_mem>>)
      %dma_wait3A_2394 = arith.constant 1 : i32
      %dma_wait3A_2395 = arith.constant 0 : i32
      %dma_wait3A_2396 = arith.constant 0 : i32
      %dma_wait3A_2397 = tpu.memref_slice %arg20[%dma_wait3A_2394, %dma_wait3A_2395, %dma_wait3A_2396] : memref<13x8x104xf32, #tpu.memory_space<vmem>> -> memref<1x8x104xf32, #tpu.memory_space<vmem>>
      %dma_wait3A_2398 = tpu.memref_squeeze %dma_wait3A_2397 : memref<1x8x104xf32, #tpu.memory_space<vmem>> -> memref<8x104xf32, #tpu.memory_space<vmem>>
      %dma_wait3A_2399 = arith.constant 0 : i32
      %dma_wait3A_2400 = arith.constant 896 : i32
      %dma_wait3A_2401 = tpu.memref_slice %arg4[%shift_right_arithmetic3A_2167, %dma_wait3A_2399, %dma_wait3A_2400] : memref<625x8x1000xf32, #tpu.memory_space<hbm>> -> memref<1x8x104xf32, #tpu.memory_space<hbm>>
      %dma_wait3A_2402 = tpu.memref_squeeze %dma_wait3A_2401 : memref<1x8x104xf32, #tpu.memory_space<hbm>> -> memref<8x104xf32, #tpu.memory_space<hbm>>
      %dma_wait3A_2403 = arith.constant 0 : i32
      %dma_wait3A_2404 = arith.constant 0 : i32
      %dma_wait3A_2405 = tpu.memref_slice %arg20[%dma_wait3A_2394, %dma_wait3A_2403, %dma_wait3A_2404] : memref<13x8x104xf32, #tpu.memory_space<vmem>> -> memref<1x8x104xf32, #tpu.memory_space<vmem>>
      %dma_wait3A_2406 = tpu.memref_squeeze %dma_wait3A_2405 : memref<1x8x104xf32, #tpu.memory_space<vmem>> -> memref<8x104xf32, #tpu.memory_space<vmem>>
      %dma_wait3A_2407 = arith.constant 0 : i32
      %dma_wait3A_2408 = arith.constant 896 : i32
      %dma_wait3A_2409 = tpu.memref_slice %arg4[%shift_right_arithmetic3A_2167, %dma_wait3A_2407, %dma_wait3A_2408] : memref<625x8x1000xf32, #tpu.memory_space<hbm>> -> memref<1x8x104xf32, #tpu.memory_space<hbm>>
      %dma_wait3A_2410 = tpu.memref_squeeze %dma_wait3A_2409 : memref<1x8x104xf32, #tpu.memory_space<hbm>> -> memref<8x104xf32, #tpu.memory_space<hbm>>
      tpu.wait_dma2 semaphore(%arg26 : memref<!tpu.dma_semaphore, #tpu.memory_space<semaphore_mem>>) src(%dma_wait3A_2410 : memref<8x104xf32, #tpu.memory_space<hbm>>) dst(%dma_wait3A_2406 : memref<8x104xf32, #tpu.memory_space<vmem>>)
      %dma_wait3A_2411 = arith.constant 2 : i32
      %dma_wait3A_2412 = arith.constant 0 : i32
      %dma_wait3A_2413 = arith.constant 0 : i32
      %dma_wait3A_2414 = tpu.memref_slice %arg20[%dma_wait3A_2411, %dma_wait3A_2412, %dma_wait3A_2413] : memref<13x8x104xf32, #tpu.memory_space<vmem>> -> memref<1x8x104xf32, #tpu.memory_space<vmem>>
      %dma_wait3A_2415 = tpu.memref_squeeze %dma_wait3A_2414 : memref<1x8x104xf32, #tpu.memory_space<vmem>> -> memref<8x104xf32, #tpu.memory_space<vmem>>
      %dma_wait3A_2416 = arith.constant 0 : i32
      %dma_wait3A_2417 = arith.constant 896 : i32
      %dma_wait3A_2418 = tpu.memref_slice %arg4[%shift_right_arithmetic3A_2186, %dma_wait3A_2416, %dma_wait3A_2417] : memref<625x8x1000xf32, #tpu.memory_space<hbm>> -> memref<1x8x104xf32, #tpu.memory_space<hbm>>
      %dma_wait3A_2419 = tpu.memref_squeeze %dma_wait3A_2418 : memref<1x8x104xf32, #tpu.memory_space<hbm>> -> memref<8x104xf32, #tpu.memory_space<hbm>>
      %dma_wait3A_2420 = arith.constant 0 : i32
      %dma_wait3A_2421 = arith.constant 0 : i32
      %dma_wait3A_2422 = tpu.memref_slice %arg20[%dma_wait3A_2411, %dma_wait3A_2420, %dma_wait3A_2421] : memref<13x8x104xf32, #tpu.memory_space<vmem>> -> memref<1x8x104xf32, #tpu.memory_space<vmem>>
      %dma_wait3A_2423 = tpu.memref_squeeze %dma_wait3A_2422 : memref<1x8x104xf32, #tpu.memory_space<vmem>> -> memref<8x104xf32, #tpu.memory_space<vmem>>
      %dma_wait3A_2424 = arith.constant 0 : i32
      %dma_wait3A_2425 = arith.constant 896 : i32
      %dma_wait3A_2426 = tpu.memref_slice %arg4[%shift_right_arithmetic3A_2186, %dma_wait3A_2424, %dma_wait3A_2425] : memref<625x8x1000xf32, #tpu.memory_space<hbm>> -> memref<1x8x104xf32, #tpu.memory_space<hbm>>
      %dma_wait3A_2427 = tpu.memref_squeeze %dma_wait3A_2426 : memref<1x8x104xf32, #tpu.memory_space<hbm>> -> memref<8x104xf32, #tpu.memory_space<hbm>>
      tpu.wait_dma2 semaphore(%arg26 : memref<!tpu.dma_semaphore, #tpu.memory_space<semaphore_mem>>) src(%dma_wait3A_2427 : memref<8x104xf32, #tpu.memory_space<hbm>>) dst(%dma_wait3A_2423 : memref<8x104xf32, #tpu.memory_space<vmem>>)
      %dma_wait3A_2428 = arith.constant 3 : i32
      %dma_wait3A_2429 = arith.constant 0 : i32
      %dma_wait3A_2430 = arith.constant 0 : i32
      %dma_wait3A_2431 = tpu.memref_slice %arg20[%dma_wait3A_2428, %dma_wait3A_2429, %dma_wait3A_2430] : memref<13x8x104xf32, #tpu.memory_space<vmem>> -> memref<1x8x104xf32, #tpu.memory_space<vmem>>
      %dma_wait3A_2432 = tpu.memref_squeeze %dma_wait3A_2431 : memref<1x8x104xf32, #tpu.memory_space<vmem>> -> memref<8x104xf32, #tpu.memory_space<vmem>>
      %dma_wait3A_2433 = arith.constant 0 : i32
      %dma_wait3A_2434 = arith.constant 896 : i32
      %dma_wait3A_2435 = tpu.memref_slice %arg4[%shift_right_arithmetic3A_2205, %dma_wait3A_2433, %dma_wait3A_2434] : memref<625x8x1000xf32, #tpu.memory_space<hbm>> -> memref<1x8x104xf32, #tpu.memory_space<hbm>>
      %dma_wait3A_2436 = tpu.memref_squeeze %dma_wait3A_2435 : memref<1x8x104xf32, #tpu.memory_space<hbm>> -> memref<8x104xf32, #tpu.memory_space<hbm>>
      %dma_wait3A_2437 = arith.constant 0 : i32
      %dma_wait3A_2438 = arith.constant 0 : i32
      %dma_wait3A_2439 = tpu.memref_slice %arg20[%dma_wait3A_2428, %dma_wait3A_2437, %dma_wait3A_2438] : memref<13x8x104xf32, #tpu.memory_space<vmem>> -> memref<1x8x104xf32, #tpu.memory_space<vmem>>
      %dma_wait3A_2440 = tpu.memref_squeeze %dma_wait3A_2439 : memref<1x8x104xf32, #tpu.memory_space<vmem>> -> memref<8x104xf32, #tpu.memory_space<vmem>>
      %dma_wait3A_2441 = arith.constant 0 : i32
      %dma_wait3A_2442 = arith.constant 896 : i32
      %dma_wait3A_2443 = tpu.memref_slice %arg4[%shift_right_arithmetic3A_2205, %dma_wait3A_2441, %dma_wait3A_2442] : memref<625x8x1000xf32, #tpu.memory_space<hbm>> -> memref<1x8x104xf32, #tpu.memory_space<hbm>>
      %dma_wait3A_2444 = tpu.memref_squeeze %dma_wait3A_2443 : memref<1x8x104xf32, #tpu.memory_space<hbm>> -> memref<8x104xf32, #tpu.memory_space<hbm>>
      tpu.wait_dma2 semaphore(%arg26 : memref<!tpu.dma_semaphore, #tpu.memory_space<semaphore_mem>>) src(%dma_wait3A_2444 : memref<8x104xf32, #tpu.memory_space<hbm>>) dst(%dma_wait3A_2440 : memref<8x104xf32, #tpu.memory_space<vmem>>)
      %dma_wait3A_2445 = arith.constant 4 : i32
      %dma_wait3A_2446 = arith.constant 0 : i32
      %dma_wait3A_2447 = arith.constant 0 : i32
      %dma_wait3A_2448 = tpu.memref_slice %arg20[%dma_wait3A_2445, %dma_wait3A_2446, %dma_wait3A_2447] : memref<13x8x104xf32, #tpu.memory_space<vmem>> -> memref<1x8x104xf32, #tpu.memory_space<vmem>>
      %dma_wait3A_2449 = tpu.memref_squeeze %dma_wait3A_2448 : memref<1x8x104xf32, #tpu.memory_space<vmem>> -> memref<8x104xf32, #tpu.memory_space<vmem>>
      %dma_wait3A_2450 = arith.constant 0 : i32
      %dma_wait3A_2451 = arith.constant 896 : i32
      %dma_wait3A_2452 = tpu.memref_slice %arg4[%shift_right_arithmetic3A_2224, %dma_wait3A_2450, %dma_wait3A_2451] : memref<625x8x1000xf32, #tpu.memory_space<hbm>> -> memref<1x8x104xf32, #tpu.memory_space<hbm>>
      %dma_wait3A_2453 = tpu.memref_squeeze %dma_wait3A_2452 : memref<1x8x104xf32, #tpu.memory_space<hbm>> -> memref<8x104xf32, #tpu.memory_space<hbm>>
      %dma_wait3A_2454 = arith.constant 0 : i32
      %dma_wait3A_2455 = arith.constant 0 : i32
      %dma_wait3A_2456 = tpu.memref_slice %arg20[%dma_wait3A_2445, %dma_wait3A_2454, %dma_wait3A_2455] : memref<13x8x104xf32, #tpu.memory_space<vmem>> -> memref<1x8x104xf32, #tpu.memory_space<vmem>>
      %dma_wait3A_2457 = tpu.memref_squeeze %dma_wait3A_2456 : memref<1x8x104xf32, #tpu.memory_space<vmem>> -> memref<8x104xf32, #tpu.memory_space<vmem>>
      %dma_wait3A_2458 = arith.constant 0 : i32
      %dma_wait3A_2459 = arith.constant 896 : i32
      %dma_wait3A_2460 = tpu.memref_slice %arg4[%shift_right_arithmetic3A_2224, %dma_wait3A_2458, %dma_wait3A_2459] : memref<625x8x1000xf32, #tpu.memory_space<hbm>> -> memref<1x8x104xf32, #tpu.memory_space<hbm>>
      %dma_wait3A_2461 = tpu.memref_squeeze %dma_wait3A_2460 : memref<1x8x104xf32, #tpu.memory_space<hbm>> -> memref<8x104xf32, #tpu.memory_space<hbm>>
      tpu.wait_dma2 semaphore(%arg26 : memref<!tpu.dma_semaphore, #tpu.memory_space<semaphore_mem>>) src(%dma_wait3A_2461 : memref<8x104xf32, #tpu.memory_space<hbm>>) dst(%dma_wait3A_2457 : memref<8x104xf32, #tpu.memory_space<vmem>>)
      %dma_wait3A_2462 = arith.constant 5 : i32
      %dma_wait3A_2463 = arith.constant 0 : i32
      %dma_wait3A_2464 = arith.constant 0 : i32
      %dma_wait3A_2465 = tpu.memref_slice %arg20[%dma_wait3A_2462, %dma_wait3A_2463, %dma_wait3A_2464] : memref<13x8x104xf32, #tpu.memory_space<vmem>> -> memref<1x8x104xf32, #tpu.memory_space<vmem>>
      %dma_wait3A_2466 = tpu.memref_squeeze %dma_wait3A_2465 : memref<1x8x104xf32, #tpu.memory_space<vmem>> -> memref<8x104xf32, #tpu.memory_space<vmem>>
      %dma_wait3A_2467 = arith.constant 0 : i32
      %dma_wait3A_2468 = arith.constant 896 : i32
      %dma_wait3A_2469 = tpu.memref_slice %arg4[%shift_right_arithmetic3A_2243, %dma_wait3A_2467, %dma_wait3A_2468] : memref<625x8x1000xf32, #tpu.memory_space<hbm>> -> memref<1x8x104xf32, #tpu.memory_space<hbm>>
      %dma_wait3A_2470 = tpu.memref_squeeze %dma_wait3A_2469 : memref<1x8x104xf32, #tpu.memory_space<hbm>> -> memref<8x104xf32, #tpu.memory_space<hbm>>
      %dma_wait3A_2471 = arith.constant 0 : i32
      %dma_wait3A_2472 = arith.constant 0 : i32
      %dma_wait3A_2473 = tpu.memref_slice %arg20[%dma_wait3A_2462, %dma_wait3A_2471, %dma_wait3A_2472] : memref<13x8x104xf32, #tpu.memory_space<vmem>> -> memref<1x8x104xf32, #tpu.memory_space<vmem>>
      %dma_wait3A_2474 = tpu.memref_squeeze %dma_wait3A_2473 : memref<1x8x104xf32, #tpu.memory_space<vmem>> -> memref<8x104xf32, #tpu.memory_space<vmem>>
      %dma_wait3A_2475 = arith.constant 0 : i32
      %dma_wait3A_2476 = arith.constant 896 : i32
      %dma_wait3A_2477 = tpu.memref_slice %arg4[%shift_right_arithmetic3A_2243, %dma_wait3A_2475, %dma_wait3A_2476] : memref<625x8x1000xf32, #tpu.memory_space<hbm>> -> memref<1x8x104xf32, #tpu.memory_space<hbm>>
      %dma_wait3A_2478 = tpu.memref_squeeze %dma_wait3A_2477 : memref<1x8x104xf32, #tpu.memory_space<hbm>> -> memref<8x104xf32, #tpu.memory_space<hbm>>
      tpu.wait_dma2 semaphore(%arg26 : memref<!tpu.dma_semaphore, #tpu.memory_space<semaphore_mem>>) src(%dma_wait3A_2478 : memref<8x104xf32, #tpu.memory_space<hbm>>) dst(%dma_wait3A_2474 : memref<8x104xf32, #tpu.memory_space<vmem>>)
      %dma_wait3A_2479 = arith.constant 6 : i32
      %dma_wait3A_2480 = arith.constant 0 : i32
      %dma_wait3A_2481 = arith.constant 0 : i32
      %dma_wait3A_2482 = tpu.memref_slice %arg20[%dma_wait3A_2479, %dma_wait3A_2480, %dma_wait3A_2481] : memref<13x8x104xf32, #tpu.memory_space<vmem>> -> memref<1x8x104xf32, #tpu.memory_space<vmem>>
      %dma_wait3A_2483 = tpu.memref_squeeze %dma_wait3A_2482 : memref<1x8x104xf32, #tpu.memory_space<vmem>> -> memref<8x104xf32, #tpu.memory_space<vmem>>
      %dma_wait3A_2484 = arith.constant 0 : i32
      %dma_wait3A_2485 = arith.constant 896 : i32
      %dma_wait3A_2486 = tpu.memref_slice %arg4[%shift_right_arithmetic3A_2262, %dma_wait3A_2484, %dma_wait3A_2485] : memref<625x8x1000xf32, #tpu.memory_space<hbm>> -> memref<1x8x104xf32, #tpu.memory_space<hbm>>
      %dma_wait3A_2487 = tpu.memref_squeeze %dma_wait3A_2486 : memref<1x8x104xf32, #tpu.memory_space<hbm>> -> memref<8x104xf32, #tpu.memory_space<hbm>>
      %dma_wait3A_2488 = arith.constant 0 : i32
      %dma_wait3A_2489 = arith.constant 0 : i32
      %dma_wait3A_2490 = tpu.memref_slice %arg20[%dma_wait3A_2479, %dma_wait3A_2488, %dma_wait3A_2489] : memref<13x8x104xf32, #tpu.memory_space<vmem>> -> memref<1x8x104xf32, #tpu.memory_space<vmem>>
      %dma_wait3A_2491 = tpu.memref_squeeze %dma_wait3A_2490 : memref<1x8x104xf32, #tpu.memory_space<vmem>> -> memref<8x104xf32, #tpu.memory_space<vmem>>
      %dma_wait3A_2492 = arith.constant 0 : i32
      %dma_wait3A_2493 = arith.constant 896 : i32
      %dma_wait3A_2494 = tpu.memref_slice %arg4[%shift_right_arithmetic3A_2262, %dma_wait3A_2492, %dma_wait3A_2493] : memref<625x8x1000xf32, #tpu.memory_space<hbm>> -> memref<1x8x104xf32, #tpu.memory_space<hbm>>
      %dma_wait3A_2495 = tpu.memref_squeeze %dma_wait3A_2494 : memref<1x8x104xf32, #tpu.memory_space<hbm>> -> memref<8x104xf32, #tpu.memory_space<hbm>>
      tpu.wait_dma2 semaphore(%arg26 : memref<!tpu.dma_semaphore, #tpu.memory_space<semaphore_mem>>) src(%dma_wait3A_2495 : memref<8x104xf32, #tpu.memory_space<hbm>>) dst(%dma_wait3A_2491 : memref<8x104xf32, #tpu.memory_space<vmem>>)
      %dma_wait3A_2496 = arith.constant 7 : i32
      %dma_wait3A_2497 = arith.constant 0 : i32
      %dma_wait3A_2498 = arith.constant 0 : i32
      %dma_wait3A_2499 = tpu.memref_slice %arg20[%dma_wait3A_2496, %dma_wait3A_2497, %dma_wait3A_2498] : memref<13x8x104xf32, #tpu.memory_space<vmem>> -> memref<1x8x104xf32, #tpu.memory_space<vmem>>
      %dma_wait3A_2500 = tpu.memref_squeeze %dma_wait3A_2499 : memref<1x8x104xf32, #tpu.memory_space<vmem>> -> memref<8x104xf32, #tpu.memory_space<vmem>>
      %dma_wait3A_2501 = arith.constant 0 : i32
      %dma_wait3A_2502 = arith.constant 896 : i32
      %dma_wait3A_2503 = tpu.memref_slice %arg4[%shift_right_arithmetic3A_2281, %dma_wait3A_2501, %dma_wait3A_2502] : memref<625x8x1000xf32, #tpu.memory_space<hbm>> -> memref<1x8x104xf32, #tpu.memory_space<hbm>>
      %dma_wait3A_2504 = tpu.memref_squeeze %dma_wait3A_2503 : memref<1x8x104xf32, #tpu.memory_space<hbm>> -> memref<8x104xf32, #tpu.memory_space<hbm>>
      %dma_wait3A_2505 = arith.constant 0 : i32
      %dma_wait3A_2506 = arith.constant 0 : i32
      %dma_wait3A_2507 = tpu.memref_slice %arg20[%dma_wait3A_2496, %dma_wait3A_2505, %dma_wait3A_2506] : memref<13x8x104xf32, #tpu.memory_space<vmem>> -> memref<1x8x104xf32, #tpu.memory_space<vmem>>
      %dma_wait3A_2508 = tpu.memref_squeeze %dma_wait3A_2507 : memref<1x8x104xf32, #tpu.memory_space<vmem>> -> memref<8x104xf32, #tpu.memory_space<vmem>>
      %dma_wait3A_2509 = arith.constant 0 : i32
      %dma_wait3A_2510 = arith.constant 896 : i32
      %dma_wait3A_2511 = tpu.memref_slice %arg4[%shift_right_arithmetic3A_2281, %dma_wait3A_2509, %dma_wait3A_2510] : memref<625x8x1000xf32, #tpu.memory_space<hbm>> -> memref<1x8x104xf32, #tpu.memory_space<hbm>>
      %dma_wait3A_2512 = tpu.memref_squeeze %dma_wait3A_2511 : memref<1x8x104xf32, #tpu.memory_space<hbm>> -> memref<8x104xf32, #tpu.memory_space<hbm>>
      tpu.wait_dma2 semaphore(%arg26 : memref<!tpu.dma_semaphore, #tpu.memory_space<semaphore_mem>>) src(%dma_wait3A_2512 : memref<8x104xf32, #tpu.memory_space<hbm>>) dst(%dma_wait3A_2508 : memref<8x104xf32, #tpu.memory_space<vmem>>)
      %dma_wait3A_2513 = arith.constant 8 : i32
      %dma_wait3A_2514 = arith.constant 0 : i32
      %dma_wait3A_2515 = arith.constant 0 : i32
      %dma_wait3A_2516 = tpu.memref_slice %arg20[%dma_wait3A_2513, %dma_wait3A_2514, %dma_wait3A_2515] : memref<13x8x104xf32, #tpu.memory_space<vmem>> -> memref<1x8x104xf32, #tpu.memory_space<vmem>>
      %dma_wait3A_2517 = tpu.memref_squeeze %dma_wait3A_2516 : memref<1x8x104xf32, #tpu.memory_space<vmem>> -> memref<8x104xf32, #tpu.memory_space<vmem>>
      %dma_wait3A_2518 = arith.constant 0 : i32
      %dma_wait3A_2519 = arith.constant 896 : i32
      %dma_wait3A_2520 = tpu.memref_slice %arg4[%shift_right_arithmetic3A_2300, %dma_wait3A_2518, %dma_wait3A_2519] : memref<625x8x1000xf32, #tpu.memory_space<hbm>> -> memref<1x8x104xf32, #tpu.memory_space<hbm>>
      %dma_wait3A_2521 = tpu.memref_squeeze %dma_wait3A_2520 : memref<1x8x104xf32, #tpu.memory_space<hbm>> -> memref<8x104xf32, #tpu.memory_space<hbm>>
      %dma_wait3A_2522 = arith.constant 0 : i32
      %dma_wait3A_2523 = arith.constant 0 : i32
      %dma_wait3A_2524 = tpu.memref_slice %arg20[%dma_wait3A_2513, %dma_wait3A_2522, %dma_wait3A_2523] : memref<13x8x104xf32, #tpu.memory_space<vmem>> -> memref<1x8x104xf32, #tpu.memory_space<vmem>>
      %dma_wait3A_2525 = tpu.memref_squeeze %dma_wait3A_2524 : memref<1x8x104xf32, #tpu.memory_space<vmem>> -> memref<8x104xf32, #tpu.memory_space<vmem>>
      %dma_wait3A_2526 = arith.constant 0 : i32
      %dma_wait3A_2527 = arith.constant 896 : i32
      %dma_wait3A_2528 = tpu.memref_slice %arg4[%shift_right_arithmetic3A_2300, %dma_wait3A_2526, %dma_wait3A_2527] : memref<625x8x1000xf32, #tpu.memory_space<hbm>> -> memref<1x8x104xf32, #tpu.memory_space<hbm>>
      %dma_wait3A_2529 = tpu.memref_squeeze %dma_wait3A_2528 : memref<1x8x104xf32, #tpu.memory_space<hbm>> -> memref<8x104xf32, #tpu.memory_space<hbm>>
      tpu.wait_dma2 semaphore(%arg26 : memref<!tpu.dma_semaphore, #tpu.memory_space<semaphore_mem>>) src(%dma_wait3A_2529 : memref<8x104xf32, #tpu.memory_space<hbm>>) dst(%dma_wait3A_2525 : memref<8x104xf32, #tpu.memory_space<vmem>>)
      %dma_wait3A_2530 = arith.constant 9 : i32
      %dma_wait3A_2531 = arith.constant 0 : i32
      %dma_wait3A_2532 = arith.constant 0 : i32
      %dma_wait3A_2533 = tpu.memref_slice %arg20[%dma_wait3A_2530, %dma_wait3A_2531, %dma_wait3A_2532] : memref<13x8x104xf32, #tpu.memory_space<vmem>> -> memref<1x8x104xf32, #tpu.memory_space<vmem>>
      %dma_wait3A_2534 = tpu.memref_squeeze %dma_wait3A_2533 : memref<1x8x104xf32, #tpu.memory_space<vmem>> -> memref<8x104xf32, #tpu.memory_space<vmem>>
      %dma_wait3A_2535 = arith.constant 0 : i32
      %dma_wait3A_2536 = arith.constant 896 : i32
      %dma_wait3A_2537 = tpu.memref_slice %arg4[%shift_right_arithmetic3A_2319, %dma_wait3A_2535, %dma_wait3A_2536] : memref<625x8x1000xf32, #tpu.memory_space<hbm>> -> memref<1x8x104xf32, #tpu.memory_space<hbm>>
      %dma_wait3A_2538 = tpu.memref_squeeze %dma_wait3A_2537 : memref<1x8x104xf32, #tpu.memory_space<hbm>> -> memref<8x104xf32, #tpu.memory_space<hbm>>
      %dma_wait3A_2539 = arith.constant 0 : i32
      %dma_wait3A_2540 = arith.constant 0 : i32
      %dma_wait3A_2541 = tpu.memref_slice %arg20[%dma_wait3A_2530, %dma_wait3A_2539, %dma_wait3A_2540] : memref<13x8x104xf32, #tpu.memory_space<vmem>> -> memref<1x8x104xf32, #tpu.memory_space<vmem>>
      %dma_wait3A_2542 = tpu.memref_squeeze %dma_wait3A_2541 : memref<1x8x104xf32, #tpu.memory_space<vmem>> -> memref<8x104xf32, #tpu.memory_space<vmem>>
      %dma_wait3A_2543 = arith.constant 0 : i32
      %dma_wait3A_2544 = arith.constant 896 : i32
      %dma_wait3A_2545 = tpu.memref_slice %arg4[%shift_right_arithmetic3A_2319, %dma_wait3A_2543, %dma_wait3A_2544] : memref<625x8x1000xf32, #tpu.memory_space<hbm>> -> memref<1x8x104xf32, #tpu.memory_space<hbm>>
      %dma_wait3A_2546 = tpu.memref_squeeze %dma_wait3A_2545 : memref<1x8x104xf32, #tpu.memory_space<hbm>> -> memref<8x104xf32, #tpu.memory_space<hbm>>
      tpu.wait_dma2 semaphore(%arg26 : memref<!tpu.dma_semaphore, #tpu.memory_space<semaphore_mem>>) src(%dma_wait3A_2546 : memref<8x104xf32, #tpu.memory_space<hbm>>) dst(%dma_wait3A_2542 : memref<8x104xf32, #tpu.memory_space<vmem>>)
      %dma_wait3A_2547 = arith.constant 10 : i32
      %dma_wait3A_2548 = arith.constant 0 : i32
      %dma_wait3A_2549 = arith.constant 0 : i32
      %dma_wait3A_2550 = tpu.memref_slice %arg20[%dma_wait3A_2547, %dma_wait3A_2548, %dma_wait3A_2549] : memref<13x8x104xf32, #tpu.memory_space<vmem>> -> memref<1x8x104xf32, #tpu.memory_space<vmem>>
      %dma_wait3A_2551 = tpu.memref_squeeze %dma_wait3A_2550 : memref<1x8x104xf32, #tpu.memory_space<vmem>> -> memref<8x104xf32, #tpu.memory_space<vmem>>
      %dma_wait3A_2552 = arith.constant 0 : i32
      %dma_wait3A_2553 = arith.constant 896 : i32
      %dma_wait3A_2554 = tpu.memref_slice %arg4[%shift_right_arithmetic3A_2338, %dma_wait3A_2552, %dma_wait3A_2553] : memref<625x8x1000xf32, #tpu.memory_space<hbm>> -> memref<1x8x104xf32, #tpu.memory_space<hbm>>
      %dma_wait3A_2555 = tpu.memref_squeeze %dma_wait3A_2554 : memref<1x8x104xf32, #tpu.memory_space<hbm>> -> memref<8x104xf32, #tpu.memory_space<hbm>>
      %dma_wait3A_2556 = arith.constant 0 : i32
      %dma_wait3A_2557 = arith.constant 0 : i32
      %dma_wait3A_2558 = tpu.memref_slice %arg20[%dma_wait3A_2547, %dma_wait3A_2556, %dma_wait3A_2557] : memref<13x8x104xf32, #tpu.memory_space<vmem>> -> memref<1x8x104xf32, #tpu.memory_space<vmem>>
      %dma_wait3A_2559 = tpu.memref_squeeze %dma_wait3A_2558 : memref<1x8x104xf32, #tpu.memory_space<vmem>> -> memref<8x104xf32, #tpu.memory_space<vmem>>
      %dma_wait3A_2560 = arith.constant 0 : i32
      %dma_wait3A_2561 = arith.constant 896 : i32
      %dma_wait3A_2562 = tpu.memref_slice %arg4[%shift_right_arithmetic3A_2338, %dma_wait3A_2560, %dma_wait3A_2561] : memref<625x8x1000xf32, #tpu.memory_space<hbm>> -> memref<1x8x104xf32, #tpu.memory_space<hbm>>
      %dma_wait3A_2563 = tpu.memref_squeeze %dma_wait3A_2562 : memref<1x8x104xf32, #tpu.memory_space<hbm>> -> memref<8x104xf32, #tpu.memory_space<hbm>>
      tpu.wait_dma2 semaphore(%arg26 : memref<!tpu.dma_semaphore, #tpu.memory_space<semaphore_mem>>) src(%dma_wait3A_2563 : memref<8x104xf32, #tpu.memory_space<hbm>>) dst(%dma_wait3A_2559 : memref<8x104xf32, #tpu.memory_space<vmem>>)
      %dma_wait3A_2564 = arith.constant 11 : i32
      %dma_wait3A_2565 = arith.constant 0 : i32
      %dma_wait3A_2566 = arith.constant 0 : i32
      %dma_wait3A_2567 = tpu.memref_slice %arg20[%dma_wait3A_2564, %dma_wait3A_2565, %dma_wait3A_2566] : memref<13x8x104xf32, #tpu.memory_space<vmem>> -> memref<1x8x104xf32, #tpu.memory_space<vmem>>
      %dma_wait3A_2568 = tpu.memref_squeeze %dma_wait3A_2567 : memref<1x8x104xf32, #tpu.memory_space<vmem>> -> memref<8x104xf32, #tpu.memory_space<vmem>>
      %dma_wait3A_2569 = arith.constant 0 : i32
      %dma_wait3A_2570 = arith.constant 896 : i32
      %dma_wait3A_2571 = tpu.memref_slice %arg4[%shift_right_arithmetic3A_2357, %dma_wait3A_2569, %dma_wait3A_2570] : memref<625x8x1000xf32, #tpu.memory_space<hbm>> -> memref<1x8x104xf32, #tpu.memory_space<hbm>>
      %dma_wait3A_2572 = tpu.memref_squeeze %dma_wait3A_2571 : memref<1x8x104xf32, #tpu.memory_space<hbm>> -> memref<8x104xf32, #tpu.memory_space<hbm>>
      %dma_wait3A_2573 = arith.constant 0 : i32
      %dma_wait3A_2574 = arith.constant 0 : i32
      %dma_wait3A_2575 = tpu.memref_slice %arg20[%dma_wait3A_2564, %dma_wait3A_2573, %dma_wait3A_2574] : memref<13x8x104xf32, #tpu.memory_space<vmem>> -> memref<1x8x104xf32, #tpu.memory_space<vmem>>
      %dma_wait3A_2576 = tpu.memref_squeeze %dma_wait3A_2575 : memref<1x8x104xf32, #tpu.memory_space<vmem>> -> memref<8x104xf32, #tpu.memory_space<vmem>>
      %dma_wait3A_2577 = arith.constant 0 : i32
      %dma_wait3A_2578 = arith.constant 896 : i32
      %dma_wait3A_2579 = tpu.memref_slice %arg4[%shift_right_arithmetic3A_2357, %dma_wait3A_2577, %dma_wait3A_2578] : memref<625x8x1000xf32, #tpu.memory_space<hbm>> -> memref<1x8x104xf32, #tpu.memory_space<hbm>>
      %dma_wait3A_2580 = tpu.memref_squeeze %dma_wait3A_2579 : memref<1x8x104xf32, #tpu.memory_space<hbm>> -> memref<8x104xf32, #tpu.memory_space<hbm>>
      tpu.wait_dma2 semaphore(%arg26 : memref<!tpu.dma_semaphore, #tpu.memory_space<semaphore_mem>>) src(%dma_wait3A_2580 : memref<8x104xf32, #tpu.memory_space<hbm>>) dst(%dma_wait3A_2576 : memref<8x104xf32, #tpu.memory_space<vmem>>)
      %dma_wait3A_2581 = arith.constant 12 : i32
      %dma_wait3A_2582 = arith.constant 0 : i32
      %dma_wait3A_2583 = arith.constant 0 : i32
      %dma_wait3A_2584 = tpu.memref_slice %arg20[%dma_wait3A_2581, %dma_wait3A_2582, %dma_wait3A_2583] : memref<13x8x104xf32, #tpu.memory_space<vmem>> -> memref<1x8x104xf32, #tpu.memory_space<vmem>>
      %dma_wait3A_2585 = tpu.memref_squeeze %dma_wait3A_2584 : memref<1x8x104xf32, #tpu.memory_space<vmem>> -> memref<8x104xf32, #tpu.memory_space<vmem>>
      %dma_wait3A_2586 = arith.constant 0 : i32
      %dma_wait3A_2587 = arith.constant 896 : i32
      %dma_wait3A_2588 = tpu.memref_slice %arg4[%shift_right_arithmetic3A_2376, %dma_wait3A_2586, %dma_wait3A_2587] : memref<625x8x1000xf32, #tpu.memory_space<hbm>> -> memref<1x8x104xf32, #tpu.memory_space<hbm>>
      %dma_wait3A_2589 = tpu.memref_squeeze %dma_wait3A_2588 : memref<1x8x104xf32, #tpu.memory_space<hbm>> -> memref<8x104xf32, #tpu.memory_space<hbm>>
      %dma_wait3A_2590 = arith.constant 0 : i32
      %dma_wait3A_2591 = arith.constant 0 : i32
      %dma_wait3A_2592 = tpu.memref_slice %arg20[%dma_wait3A_2581, %dma_wait3A_2590, %dma_wait3A_2591] : memref<13x8x104xf32, #tpu.memory_space<vmem>> -> memref<1x8x104xf32, #tpu.memory_space<vmem>>
      %dma_wait3A_2593 = tpu.memref_squeeze %dma_wait3A_2592 : memref<1x8x104xf32, #tpu.memory_space<vmem>> -> memref<8x104xf32, #tpu.memory_space<vmem>>
      %dma_wait3A_2594 = arith.constant 0 : i32
      %dma_wait3A_2595 = arith.constant 896 : i32
      %dma_wait3A_2596 = tpu.memref_slice %arg4[%shift_right_arithmetic3A_2376, %dma_wait3A_2594, %dma_wait3A_2595] : memref<625x8x1000xf32, #tpu.memory_space<hbm>> -> memref<1x8x104xf32, #tpu.memory_space<hbm>>
      %dma_wait3A_2597 = tpu.memref_squeeze %dma_wait3A_2596 : memref<1x8x104xf32, #tpu.memory_space<hbm>> -> memref<8x104xf32, #tpu.memory_space<hbm>>
      tpu.wait_dma2 semaphore(%arg26 : memref<!tpu.dma_semaphore, #tpu.memory_space<semaphore_mem>>) src(%dma_wait3A_2597 : memref<8x104xf32, #tpu.memory_space<hbm>>) dst(%dma_wait3A_2593 : memref<8x104xf32, #tpu.memory_space<vmem>>)
      %add3A_2598 = arith.constant 0 : i32
      %add3A_2599 = vector.broadcast %add3A_2598 : i32 to vector<16xi32>
      %add3A_2600 = arith.addi %iota3A, %add3A_2599 : vector<16xi32>
      %add3A_2601 = arith.addi %add3A_2600, %broadcast_in_dim3A_2165 : vector<16xi32>
      %broadcast_in_dim3A_2602 = arith.constant 1 : i32
      %broadcast_in_dim3A_2603 = vector.broadcast %broadcast_in_dim3A_2602 : i32 to vector<16xi32>
      %gather3A_2604 = tpu.vector_load_idx %arg20[%broadcast_in_dim3A_2603, %broadcast_in_dim3A_155, %add3A_2601] : memref<13x8x104xf32, #tpu.memory_space<vmem>>[vector<16xi32>, vector<16xi32>, vector<16xi32>], vector<16xf32>,
      %broadcast_in_dim3A_2605 = arith.constant 2 : i32
      %broadcast_in_dim3A_2606 = vector.broadcast %broadcast_in_dim3A_2605 : i32 to vector<16xi32>
      %gather3A_2607 = tpu.vector_load_idx %arg20[%broadcast_in_dim3A_2606, %broadcast_in_dim3A_169, %add3A_2601] : memref<13x8x104xf32, #tpu.memory_space<vmem>>[vector<16xi32>, vector<16xi32>, vector<16xi32>], vector<16xf32>,
      %max3A_2608 = arith.maximumf %gather3A_2604, %gather3A_2607 : vector<16xf32>
      %broadcast_in_dim3A_2609 = arith.constant 3 : i32
      %broadcast_in_dim3A_2610 = vector.broadcast %broadcast_in_dim3A_2609 : i32 to vector<16xi32>
      %gather3A_2611 = tpu.vector_load_idx %arg20[%broadcast_in_dim3A_2610, %broadcast_in_dim3A_183, %add3A_2601] : memref<13x8x104xf32, #tpu.memory_space<vmem>>[vector<16xi32>, vector<16xi32>, vector<16xi32>], vector<16xf32>,
      %max3A_2612 = arith.maximumf %max3A_2608, %gather3A_2611 : vector<16xf32>
      %broadcast_in_dim3A_2613 = arith.constant 4 : i32
      %broadcast_in_dim3A_2614 = vector.broadcast %broadcast_in_dim3A_2613 : i32 to vector<16xi32>
      %gather3A_2615 = tpu.vector_load_idx %arg20[%broadcast_in_dim3A_2614, %broadcast_in_dim3A_197, %add3A_2601] : memref<13x8x104xf32, #tpu.memory_space<vmem>>[vector<16xi32>, vector<16xi32>, vector<16xi32>], vector<16xf32>,
      %max3A_2616 = arith.maximumf %max3A_2612, %gather3A_2615 : vector<16xf32>
      %broadcast_in_dim3A_2617 = arith.constant 5 : i32
      %broadcast_in_dim3A_2618 = vector.broadcast %broadcast_in_dim3A_2617 : i32 to vector<16xi32>
      %gather3A_2619 = tpu.vector_load_idx %arg20[%broadcast_in_dim3A_2618, %broadcast_in_dim3A_211, %add3A_2601] : memref<13x8x104xf32, #tpu.memory_space<vmem>>[vector<16xi32>, vector<16xi32>, vector<16xi32>], vector<16xf32>,
      %max3A_2620 = arith.maximumf %max3A_2616, %gather3A_2619 : vector<16xf32>
      %broadcast_in_dim3A_2621 = arith.constant 6 : i32
      %broadcast_in_dim3A_2622 = vector.broadcast %broadcast_in_dim3A_2621 : i32 to vector<16xi32>
      %gather3A_2623 = tpu.vector_load_idx %arg20[%broadcast_in_dim3A_2622, %broadcast_in_dim3A_225, %add3A_2601] : memref<13x8x104xf32, #tpu.memory_space<vmem>>[vector<16xi32>, vector<16xi32>, vector<16xi32>], vector<16xf32>,
      %max3A_2624 = arith.maximumf %max3A_2620, %gather3A_2623 : vector<16xf32>
      %broadcast_in_dim3A_2625 = arith.constant 7 : i32
      %broadcast_in_dim3A_2626 = vector.broadcast %broadcast_in_dim3A_2625 : i32 to vector<16xi32>
      %gather3A_2627 = tpu.vector_load_idx %arg20[%broadcast_in_dim3A_2626, %broadcast_in_dim3A_239, %add3A_2601] : memref<13x8x104xf32, #tpu.memory_space<vmem>>[vector<16xi32>, vector<16xi32>, vector<16xi32>], vector<16xf32>,
      %max3A_2628 = arith.maximumf %max3A_2624, %gather3A_2627 : vector<16xf32>
      %broadcast_in_dim3A_2629 = arith.constant 8 : i32
      %broadcast_in_dim3A_2630 = vector.broadcast %broadcast_in_dim3A_2629 : i32 to vector<16xi32>
      %gather3A_2631 = tpu.vector_load_idx %arg20[%broadcast_in_dim3A_2630, %broadcast_in_dim3A_253, %add3A_2601] : memref<13x8x104xf32, #tpu.memory_space<vmem>>[vector<16xi32>, vector<16xi32>, vector<16xi32>], vector<16xf32>,
      %max3A_2632 = arith.maximumf %max3A_2628, %gather3A_2631 : vector<16xf32>
      %broadcast_in_dim3A_2633 = arith.constant 9 : i32
      %broadcast_in_dim3A_2634 = vector.broadcast %broadcast_in_dim3A_2633 : i32 to vector<16xi32>
      %gather3A_2635 = tpu.vector_load_idx %arg20[%broadcast_in_dim3A_2634, %broadcast_in_dim3A_267, %add3A_2601] : memref<13x8x104xf32, #tpu.memory_space<vmem>>[vector<16xi32>, vector<16xi32>, vector<16xi32>], vector<16xf32>,
      %max3A_2636 = arith.maximumf %max3A_2632, %gather3A_2635 : vector<16xf32>
      %broadcast_in_dim3A_2637 = arith.constant 10 : i32
      %broadcast_in_dim3A_2638 = vector.broadcast %broadcast_in_dim3A_2637 : i32 to vector<16xi32>
      %gather3A_2639 = tpu.vector_load_idx %arg20[%broadcast_in_dim3A_2638, %broadcast_in_dim3A_281, %add3A_2601] : memref<13x8x104xf32, #tpu.memory_space<vmem>>[vector<16xi32>, vector<16xi32>, vector<16xi32>], vector<16xf32>,
      %max3A_2640 = arith.maximumf %max3A_2636, %gather3A_2639 : vector<16xf32>
      %broadcast_in_dim3A_2641 = arith.constant 11 : i32
      %broadcast_in_dim3A_2642 = vector.broadcast %broadcast_in_dim3A_2641 : i32 to vector<16xi32>
      %gather3A_2643 = tpu.vector_load_idx %arg20[%broadcast_in_dim3A_2642, %broadcast_in_dim3A_295, %add3A_2601] : memref<13x8x104xf32, #tpu.memory_space<vmem>>[vector<16xi32>, vector<16xi32>, vector<16xi32>], vector<16xf32>,
      %max3A_2644 = arith.maximumf %max3A_2640, %gather3A_2643 : vector<16xf32>
      %broadcast_in_dim3A_2645 = arith.constant 12 : i32
      %broadcast_in_dim3A_2646 = vector.broadcast %broadcast_in_dim3A_2645 : i32 to vector<16xi32>
      %gather3A_2647 = tpu.vector_load_idx %arg20[%broadcast_in_dim3A_2646, %broadcast_in_dim3A_309, %add3A_2601] : memref<13x8x104xf32, #tpu.memory_space<vmem>>[vector<16xi32>, vector<16xi32>, vector<16xi32>], vector<16xf32>,
      %max3A_2648 = arith.maximumf %max3A_2644, %gather3A_2647 : vector<16xf32>
      %swap3A_2649 = arith.constant 0 : i32
      %swap3A_2650 = arith.index_cast %swap3A_2649 : i32 to index
      %swap3A_2651 = arith.constant 0 : index
      %swap3A_2652 = tpu.vector_load %arg21[%swap3A_2650, %swap3A_2651] {strides = array<i32>} : memref<2x16xf32, #tpu.memory_space<vmem>>, vector<16xf32>,
      tpu.vector_store %arg21[%swap3A_2650, %swap3A_2651], %max3A_2648 {strides = array<i32>} : memref<2x16xf32, #tpu.memory_space<vmem>>, vector<16xf32>,
      %add3A_2653 = arith.constant 16 : i32
      %add3A_2654 = vector.broadcast %add3A_2653 : i32 to vector<16xi32>
      %add3A_2655 = arith.addi %iota3A, %add3A_2654 : vector<16xi32>
      %add3A_2656 = arith.addi %add3A_2655, %broadcast_in_dim3A_2165 : vector<16xi32>
      %broadcast_in_dim3A_2657 = arith.constant 1 : i32
      %broadcast_in_dim3A_2658 = vector.broadcast %broadcast_in_dim3A_2657 : i32 to vector<16xi32>
      %gather3A_2659 = tpu.vector_load_idx %arg20[%broadcast_in_dim3A_2658, %broadcast_in_dim3A_155, %add3A_2656] : memref<13x8x104xf32, #tpu.memory_space<vmem>>[vector<16xi32>, vector<16xi32>, vector<16xi32>], vector<16xf32>,
      %broadcast_in_dim3A_2660 = arith.constant 2 : i32
      %broadcast_in_dim3A_2661 = vector.broadcast %broadcast_in_dim3A_2660 : i32 to vector<16xi32>
      %gather3A_2662 = tpu.vector_load_idx %arg20[%broadcast_in_dim3A_2661, %broadcast_in_dim3A_169, %add3A_2656] : memref<13x8x104xf32, #tpu.memory_space<vmem>>[vector<16xi32>, vector<16xi32>, vector<16xi32>], vector<16xf32>,
      %max3A_2663 = arith.maximumf %gather3A_2659, %gather3A_2662 : vector<16xf32>
      %broadcast_in_dim3A_2664 = arith.constant 3 : i32
      %broadcast_in_dim3A_2665 = vector.broadcast %broadcast_in_dim3A_2664 : i32 to vector<16xi32>
      %gather3A_2666 = tpu.vector_load_idx %arg20[%broadcast_in_dim3A_2665, %broadcast_in_dim3A_183, %add3A_2656] : memref<13x8x104xf32, #tpu.memory_space<vmem>>[vector<16xi32>, vector<16xi32>, vector<16xi32>], vector<16xf32>,
      %max3A_2667 = arith.maximumf %max3A_2663, %gather3A_2666 : vector<16xf32>
      %broadcast_in_dim3A_2668 = arith.constant 4 : i32
      %broadcast_in_dim3A_2669 = vector.broadcast %broadcast_in_dim3A_2668 : i32 to vector<16xi32>
      %gather3A_2670 = tpu.vector_load_idx %arg20[%broadcast_in_dim3A_2669, %broadcast_in_dim3A_197, %add3A_2656] : memref<13x8x104xf32, #tpu.memory_space<vmem>>[vector<16xi32>, vector<16xi32>, vector<16xi32>], vector<16xf32>,
      %max3A_2671 = arith.maximumf %max3A_2667, %gather3A_2670 : vector<16xf32>
      %broadcast_in_dim3A_2672 = arith.constant 5 : i32
      %broadcast_in_dim3A_2673 = vector.broadcast %broadcast_in_dim3A_2672 : i32 to vector<16xi32>
      %gather3A_2674 = tpu.vector_load_idx %arg20[%broadcast_in_dim3A_2673, %broadcast_in_dim3A_211, %add3A_2656] : memref<13x8x104xf32, #tpu.memory_space<vmem>>[vector<16xi32>, vector<16xi32>, vector<16xi32>], vector<16xf32>,
      %max3A_2675 = arith.maximumf %max3A_2671, %gather3A_2674 : vector<16xf32>
      %broadcast_in_dim3A_2676 = arith.constant 6 : i32
      %broadcast_in_dim3A_2677 = vector.broadcast %broadcast_in_dim3A_2676 : i32 to vector<16xi32>
      %gather3A_2678 = tpu.vector_load_idx %arg20[%broadcast_in_dim3A_2677, %broadcast_in_dim3A_225, %add3A_2656] : memref<13x8x104xf32, #tpu.memory_space<vmem>>[vector<16xi32>, vector<16xi32>, vector<16xi32>], vector<16xf32>,
      %max3A_2679 = arith.maximumf %max3A_2675, %gather3A_2678 : vector<16xf32>
      %broadcast_in_dim3A_2680 = arith.constant 7 : i32
      %broadcast_in_dim3A_2681 = vector.broadcast %broadcast_in_dim3A_2680 : i32 to vector<16xi32>
      %gather3A_2682 = tpu.vector_load_idx %arg20[%broadcast_in_dim3A_2681, %broadcast_in_dim3A_239, %add3A_2656] : memref<13x8x104xf32, #tpu.memory_space<vmem>>[vector<16xi32>, vector<16xi32>, vector<16xi32>], vector<16xf32>,
      %max3A_2683 = arith.maximumf %max3A_2679, %gather3A_2682 : vector<16xf32>
      %broadcast_in_dim3A_2684 = arith.constant 8 : i32
      %broadcast_in_dim3A_2685 = vector.broadcast %broadcast_in_dim3A_2684 : i32 to vector<16xi32>
      %gather3A_2686 = tpu.vector_load_idx %arg20[%broadcast_in_dim3A_2685, %broadcast_in_dim3A_253, %add3A_2656] : memref<13x8x104xf32, #tpu.memory_space<vmem>>[vector<16xi32>, vector<16xi32>, vector<16xi32>], vector<16xf32>,
      %max3A_2687 = arith.maximumf %max3A_2683, %gather3A_2686 : vector<16xf32>
      %broadcast_in_dim3A_2688 = arith.constant 9 : i32
      %broadcast_in_dim3A_2689 = vector.broadcast %broadcast_in_dim3A_2688 : i32 to vector<16xi32>
      %gather3A_2690 = tpu.vector_load_idx %arg20[%broadcast_in_dim3A_2689, %broadcast_in_dim3A_267, %add3A_2656] : memref<13x8x104xf32, #tpu.memory_space<vmem>>[vector<16xi32>, vector<16xi32>, vector<16xi32>], vector<16xf32>,
      %max3A_2691 = arith.maximumf %max3A_2687, %gather3A_2690 : vector<16xf32>
      %broadcast_in_dim3A_2692 = arith.constant 10 : i32
      %broadcast_in_dim3A_2693 = vector.broadcast %broadcast_in_dim3A_2692 : i32 to vector<16xi32>
      %gather3A_2694 = tpu.vector_load_idx %arg20[%broadcast_in_dim3A_2693, %broadcast_in_dim3A_281, %add3A_2656] : memref<13x8x104xf32, #tpu.memory_space<vmem>>[vector<16xi32>, vector<16xi32>, vector<16xi32>], vector<16xf32>,
      %max3A_2695 = arith.maximumf %max3A_2691, %gather3A_2694 : vector<16xf32>
      %broadcast_in_dim3A_2696 = arith.constant 11 : i32
      %broadcast_in_dim3A_2697 = vector.broadcast %broadcast_in_dim3A_2696 : i32 to vector<16xi32>
      %gather3A_2698 = tpu.vector_load_idx %arg20[%broadcast_in_dim3A_2697, %broadcast_in_dim3A_295, %add3A_2656] : memref<13x8x104xf32, #tpu.memory_space<vmem>>[vector<16xi32>, vector<16xi32>, vector<16xi32>], vector<16xf32>,
      %max3A_2699 = arith.maximumf %max3A_2695, %gather3A_2698 : vector<16xf32>
      %broadcast_in_dim3A_2700 = arith.constant 12 : i32
      %broadcast_in_dim3A_2701 = vector.broadcast %broadcast_in_dim3A_2700 : i32 to vector<16xi32>
      %gather3A_2702 = tpu.vector_load_idx %arg20[%broadcast_in_dim3A_2701, %broadcast_in_dim3A_309, %add3A_2656] : memref<13x8x104xf32, #tpu.memory_space<vmem>>[vector<16xi32>, vector<16xi32>, vector<16xi32>], vector<16xf32>,
      %max3A_2703 = arith.maximumf %max3A_2699, %gather3A_2702 : vector<16xf32>
      %swap3A_2704 = arith.constant 1 : i32
      %swap3A_2705 = arith.index_cast %swap3A_2704 : i32 to index
      %swap3A_2706 = arith.constant 0 : index
      %swap3A_2707 = tpu.vector_load %arg21[%swap3A_2705, %swap3A_2706] {strides = array<i32>} : memref<2x16xf32, #tpu.memory_space<vmem>>, vector<16xf32>,
      tpu.vector_store %arg21[%swap3A_2705, %swap3A_2706], %max3A_2703 {strides = array<i32>} : memref<2x16xf32, #tpu.memory_space<vmem>>, vector<16xf32>,
    } else {
    }
    %eq3A_316 = arith.constant 0 : i32
    %eq3A_317 = vector.broadcast %eq3A_316 : i32 to vector<16xi32>
    %eq3A_318 = arith.cmpi eq, %iota3A, %eq3A_317 : vector<16xi32>
    %select_n3A_319 = arith.select %eq3A_318, %gather3A, %broadcast_in_dim3A_5 : vector<16xi1>, vector<16xi32>
    %bitcast3A_320 = vector.bitcast %select_n3A_319 : vector<16xi32> to vector<16xf32>
    %reduce_max3A_321 = arith.constant true
    %reduce_max3A_322 = vector.broadcast %reduce_max3A_321 : i1 to vector<16xi1>
    %reduce_max3A_323 = tpu.scan <max>, %bitcast3A_320 masked %reduce_max3A_322 : vector<16xf32>, vector<16xi1> -> vector<16xf32>
    %reduce_max3A_324 = vector.extract %reduce_max3A_323[15] : f32 from vector<16xf32>
    %bitcast_convert_type3A_325 = arith.bitcast %reduce_max3A_324 : f32 to i32
    %shift_right_arithmetic3A_326 = arith.constant 7 : i32
    %shift_right_arithmetic3A_327 = arith.shrsi %bitcast_convert_type3A_325, %shift_right_arithmetic3A_326 : i32
    %ge3A_328 = arith.constant 156 : i32
    %ge3A_329 = arith.cmpi sge, %shift_right_arithmetic3A_327, %ge3A_328 : i32
    %jit3A = arith.constant 155 : i32
    %select_n3A_330 = arith.select %ge3A_329, %jit3A, %shift_right_arithmetic3A_327 : i32
    %shift_left3A = arith.constant 7 : i32
    %shift_left3A_331 = arith.shli %select_n3A_330, %shift_left3A : i32
    %multiple_of3A_332 = tpu.assume_multiple %shift_left3A_331, 128 : i32
    %dma_start3A_333 = arith.constant 0 : i32
    %dma_start3A_334 = tpu.memref_slice %arg2[%shift_right_arithmetic3A_4, %dma_start3A_333, %multiple_of3A_332] : memref<125x8x20000xf32, #tpu.memory_space<hbm>> -> memref<4x8x128xf32, #tpu.memory_space<hbm>>
    %dma_start3A_335 = arith.constant 0 : i32
    %dma_start3A_336 = tpu.memref_slice %arg2[%shift_right_arithmetic3A_4, %dma_start3A_335, %multiple_of3A_332] : memref<125x8x20000xf32, #tpu.memory_space<hbm>> -> memref<4x8x128xf32, #tpu.memory_space<hbm>>
    tpu.enqueue_dma source(%dma_start3A_336 : memref<4x8x128xf32, #tpu.memory_space<hbm>>) target(%arg13 : memref<4x8x128xf32, #tpu.memory_space<vmem>>) target_semaphore(%arg24 : memref<!tpu.dma_semaphore, #tpu.memory_space<semaphore_mem>>)
    %eq3A_337 = arith.constant 1 : i32
    %eq3A_338 = vector.broadcast %eq3A_337 : i32 to vector<16xi32>
    %eq3A_339 = arith.cmpi eq, %iota3A, %eq3A_338 : vector<16xi32>
    %select_n3A_340 = arith.select %eq3A_339, %gather3A, %broadcast_in_dim3A_5 : vector<16xi1>, vector<16xi32>
    %bitcast3A_341 = vector.bitcast %select_n3A_340 : vector<16xi32> to vector<16xf32>
    %reduce_max3A_342 = arith.constant true
    %reduce_max3A_343 = vector.broadcast %reduce_max3A_342 : i1 to vector<16xi1>
    %reduce_max3A_344 = tpu.scan <max>, %bitcast3A_341 masked %reduce_max3A_343 : vector<16xf32>, vector<16xi1> -> vector<16xf32>
    %reduce_max3A_345 = vector.extract %reduce_max3A_344[15] : f32 from vector<16xf32>
    %bitcast_convert_type3A_346 = arith.bitcast %reduce_max3A_345 : f32 to i32
    %shift_right_arithmetic3A_347 = arith.constant 7 : i32
    %shift_right_arithmetic3A_348 = arith.shrsi %bitcast_convert_type3A_346, %shift_right_arithmetic3A_347 : i32
    %ge3A_349 = arith.constant 156 : i32
    %ge3A_350 = arith.cmpi sge, %shift_right_arithmetic3A_348, %ge3A_349 : i32
    %jit3A_351 = arith.constant 155 : i32
    %select_n3A_352 = arith.select %ge3A_350, %jit3A_351, %shift_right_arithmetic3A_348 : i32
    %shift_left3A_353 = arith.constant 7 : i32
    %shift_left3A_354 = arith.shli %select_n3A_352, %shift_left3A_353 : i32
    %multiple_of3A_355 = tpu.assume_multiple %shift_left3A_354, 128 : i32
    %dma_start3A_356 = arith.constant 0 : i32
    %dma_start3A_357 = tpu.memref_slice %arg2[%shift_right_arithmetic3A_4, %dma_start3A_356, %multiple_of3A_355] : memref<125x8x20000xf32, #tpu.memory_space<hbm>> -> memref<4x8x128xf32, #tpu.memory_space<hbm>>
    %dma_start3A_358 = arith.constant 0 : i32
    %dma_start3A_359 = tpu.memref_slice %arg2[%shift_right_arithmetic3A_4, %dma_start3A_358, %multiple_of3A_355] : memref<125x8x20000xf32, #tpu.memory_space<hbm>> -> memref<4x8x128xf32, #tpu.memory_space<hbm>>
    tpu.enqueue_dma source(%dma_start3A_359 : memref<4x8x128xf32, #tpu.memory_space<hbm>>) target(%arg14 : memref<4x8x128xf32, #tpu.memory_space<vmem>>) target_semaphore(%arg24 : memref<!tpu.dma_semaphore, #tpu.memory_space<semaphore_mem>>)
    %eq3A_360 = arith.constant 2 : i32
    %eq3A_361 = vector.broadcast %eq3A_360 : i32 to vector<16xi32>
    %eq3A_362 = arith.cmpi eq, %iota3A, %eq3A_361 : vector<16xi32>
    %select_n3A_363 = arith.select %eq3A_362, %gather3A, %broadcast_in_dim3A_5 : vector<16xi1>, vector<16xi32>
    %bitcast3A_364 = vector.bitcast %select_n3A_363 : vector<16xi32> to vector<16xf32>
    %reduce_max3A_365 = arith.constant true
    %reduce_max3A_366 = vector.broadcast %reduce_max3A_365 : i1 to vector<16xi1>
    %reduce_max3A_367 = tpu.scan <max>, %bitcast3A_364 masked %reduce_max3A_366 : vector<16xf32>, vector<16xi1> -> vector<16xf32>
    %reduce_max3A_368 = vector.extract %reduce_max3A_367[15] : f32 from vector<16xf32>
    %bitcast_convert_type3A_369 = arith.bitcast %reduce_max3A_368 : f32 to i32
    %shift_right_arithmetic3A_370 = arith.constant 7 : i32
    %shift_right_arithmetic3A_371 = arith.shrsi %bitcast_convert_type3A_369, %shift_right_arithmetic3A_370 : i32
    %ge3A_372 = arith.constant 156 : i32
    %ge3A_373 = arith.cmpi sge, %shift_right_arithmetic3A_371, %ge3A_372 : i32
    %jit3A_374 = arith.constant 155 : i32
    %select_n3A_375 = arith.select %ge3A_373, %jit3A_374, %shift_right_arithmetic3A_371 : i32
    %shift_left3A_376 = arith.constant 7 : i32
    %shift_left3A_377 = arith.shli %select_n3A_375, %shift_left3A_376 : i32
    %multiple_of3A_378 = tpu.assume_multiple %shift_left3A_377, 128 : i32
    %dma_start3A_379 = arith.constant 0 : i32
    %dma_start3A_380 = tpu.memref_slice %arg2[%shift_right_arithmetic3A_4, %dma_start3A_379, %multiple_of3A_378] : memref<125x8x20000xf32, #tpu.memory_space<hbm>> -> memref<4x8x128xf32, #tpu.memory_space<hbm>>
    %dma_start3A_381 = arith.constant 0 : i32
    %dma_start3A_382 = tpu.memref_slice %arg2[%shift_right_arithmetic3A_4, %dma_start3A_381, %multiple_of3A_378] : memref<125x8x20000xf32, #tpu.memory_space<hbm>> -> memref<4x8x128xf32, #tpu.memory_space<hbm>>
    tpu.enqueue_dma source(%dma_start3A_382 : memref<4x8x128xf32, #tpu.memory_space<hbm>>) target(%arg15 : memref<4x8x128xf32, #tpu.memory_space<vmem>>) target_semaphore(%arg24 : memref<!tpu.dma_semaphore, #tpu.memory_space<semaphore_mem>>)
    %eq3A_383 = arith.constant 3 : i32
    %eq3A_384 = vector.broadcast %eq3A_383 : i32 to vector<16xi32>
    %eq3A_385 = arith.cmpi eq, %iota3A, %eq3A_384 : vector<16xi32>
    %select_n3A_386 = arith.select %eq3A_385, %gather3A, %broadcast_in_dim3A_5 : vector<16xi1>, vector<16xi32>
    %bitcast3A_387 = vector.bitcast %select_n3A_386 : vector<16xi32> to vector<16xf32>
    %reduce_max3A_388 = arith.constant true
    %reduce_max3A_389 = vector.broadcast %reduce_max3A_388 : i1 to vector<16xi1>
    %reduce_max3A_390 = tpu.scan <max>, %bitcast3A_387 masked %reduce_max3A_389 : vector<16xf32>, vector<16xi1> -> vector<16xf32>
    %reduce_max3A_391 = vector.extract %reduce_max3A_390[15] : f32 from vector<16xf32>
    %bitcast_convert_type3A_392 = arith.bitcast %reduce_max3A_391 : f32 to i32
    %shift_right_arithmetic3A_393 = arith.constant 7 : i32
    %shift_right_arithmetic3A_394 = arith.shrsi %bitcast_convert_type3A_392, %shift_right_arithmetic3A_393 : i32
    %ge3A_395 = arith.constant 156 : i32
    %ge3A_396 = arith.cmpi sge, %shift_right_arithmetic3A_394, %ge3A_395 : i32
    %jit3A_397 = arith.constant 155 : i32
    %select_n3A_398 = arith.select %ge3A_396, %jit3A_397, %shift_right_arithmetic3A_394 : i32
    %shift_left3A_399 = arith.constant 7 : i32
    %shift_left3A_400 = arith.shli %select_n3A_398, %shift_left3A_399 : i32
    %multiple_of3A_401 = tpu.assume_multiple %shift_left3A_400, 128 : i32
    %dma_start3A_402 = arith.constant 0 : i32
    %dma_start3A_403 = tpu.memref_slice %arg2[%shift_right_arithmetic3A_4, %dma_start3A_402, %multiple_of3A_401] : memref<125x8x20000xf32, #tpu.memory_space<hbm>> -> memref<4x8x128xf32, #tpu.memory_space<hbm>>
    %dma_start3A_404 = arith.constant 0 : i32
    %dma_start3A_405 = tpu.memref_slice %arg2[%shift_right_arithmetic3A_4, %dma_start3A_404, %multiple_of3A_401] : memref<125x8x20000xf32, #tpu.memory_space<hbm>> -> memref<4x8x128xf32, #tpu.memory_space<hbm>>
    tpu.enqueue_dma source(%dma_start3A_405 : memref<4x8x128xf32, #tpu.memory_space<hbm>>) target(%arg16 : memref<4x8x128xf32, #tpu.memory_space<vmem>>) target_semaphore(%arg24 : memref<!tpu.dma_semaphore, #tpu.memory_space<semaphore_mem>>)
    %dma_wait3A = arith.constant 0 : i32
    %dma_wait3A_406 = arith.constant 19968 : i32
    %dma_wait3A_407 = tpu.memref_slice %arg2[%shift_right_arithmetic3A_4, %dma_wait3A, %dma_wait3A_406] : memref<125x8x20000xf32, #tpu.memory_space<hbm>> -> memref<4x8x32xf32, #tpu.memory_space<hbm>>
    %dma_wait3A_408 = arith.constant 0 : i32
    %dma_wait3A_409 = arith.constant 19968 : i32
    %dma_wait3A_410 = tpu.memref_slice %arg2[%shift_right_arithmetic3A_4, %dma_wait3A_408, %dma_wait3A_409] : memref<125x8x20000xf32, #tpu.memory_space<hbm>> -> memref<4x8x32xf32, #tpu.memory_space<hbm>>
    tpu.wait_dma2 semaphore(%arg25 : memref<!tpu.dma_semaphore, #tpu.memory_space<semaphore_mem>>) src(%dma_wait3A_410 : memref<4x8x32xf32, #tpu.memory_space<hbm>>) dst(%arg17 : memref<4x8x32xf32, #tpu.memory_space<vmem>>)
    %dma_wait3A_411 = arith.constant 0 : i32
    %dma_wait3A_412 = arith.constant 9984 : i32
    %dma_wait3A_413 = tpu.memref_slice %arg3[%shift_right_arithmetic3A_4, %dma_wait3A_411, %dma_wait3A_412] : memref<125x8x10000xf32, #tpu.memory_space<hbm>> -> memref<4x8x16xf32, #tpu.memory_space<hbm>>
    %dma_wait3A_414 = arith.constant 0 : i32
    %dma_wait3A_415 = arith.constant 9984 : i32
    %dma_wait3A_416 = tpu.memref_slice %arg3[%shift_right_arithmetic3A_4, %dma_wait3A_414, %dma_wait3A_415] : memref<125x8x10000xf32, #tpu.memory_space<hbm>> -> memref<4x8x16xf32, #tpu.memory_space<hbm>>
    tpu.wait_dma2 semaphore(%arg25 : memref<!tpu.dma_semaphore, #tpu.memory_space<semaphore_mem>>) src(%dma_wait3A_416 : memref<4x8x16xf32, #tpu.memory_space<hbm>>) dst(%arg18 : memref<4x8x16xf32, #tpu.memory_space<vmem>>)
    %dma_wait3A_417 = arith.constant 0 : i32
    %dma_wait3A_418 = tpu.memref_slice %arg2[%shift_right_arithmetic3A_4, %dma_wait3A_417, %multiple_of3A_332] : memref<125x8x20000xf32, #tpu.memory_space<hbm>> -> memref<4x8x128xf32, #tpu.memory_space<hbm>>
    %dma_wait3A_419 = arith.constant 0 : i32
    %dma_wait3A_420 = tpu.memref_slice %arg2[%shift_right_arithmetic3A_4, %dma_wait3A_419, %multiple_of3A_332] : memref<125x8x20000xf32, #tpu.memory_space<hbm>> -> memref<4x8x128xf32, #tpu.memory_space<hbm>>
    tpu.wait_dma2 semaphore(%arg24 : memref<!tpu.dma_semaphore, #tpu.memory_space<semaphore_mem>>) src(%dma_wait3A_420 : memref<4x8x128xf32, #tpu.memory_space<hbm>>) dst(%arg13 : memref<4x8x128xf32, #tpu.memory_space<vmem>>)
    %eq3A_421 = arith.constant 4 : i32
    %eq3A_422 = vector.broadcast %eq3A_421 : i32 to vector<16xi32>
    %eq3A_423 = arith.cmpi eq, %iota3A, %eq3A_422 : vector<16xi32>
    %select_n3A_424 = arith.select %eq3A_423, %gather3A, %broadcast_in_dim3A_5 : vector<16xi1>, vector<16xi32>
    %bitcast3A_425 = vector.bitcast %select_n3A_424 : vector<16xi32> to vector<16xf32>
    %reduce_max3A_426 = arith.constant true
    %reduce_max3A_427 = vector.broadcast %reduce_max3A_426 : i1 to vector<16xi1>
    %reduce_max3A_428 = tpu.scan <max>, %bitcast3A_425 masked %reduce_max3A_427 : vector<16xf32>, vector<16xi1> -> vector<16xf32>
    %reduce_max3A_429 = vector.extract %reduce_max3A_428[15] : f32 from vector<16xf32>
    %bitcast_convert_type3A_430 = arith.bitcast %reduce_max3A_429 : f32 to i32
    %shift_right_arithmetic3A_431 = arith.constant 7 : i32
    %shift_right_arithmetic3A_432 = arith.shrsi %bitcast_convert_type3A_430, %shift_right_arithmetic3A_431 : i32
    %ge3A_433 = arith.constant 156 : i32
    %ge3A_434 = arith.cmpi sge, %shift_right_arithmetic3A_432, %ge3A_433 : i32
    %jit3A_435 = arith.constant 155 : i32
    %select_n3A_436 = arith.select %ge3A_434, %jit3A_435, %shift_right_arithmetic3A_432 : i32
    %shift_left3A_437 = arith.constant 7 : i32
    %shift_left3A_438 = arith.shli %select_n3A_436, %shift_left3A_437 : i32
    %multiple_of3A_439 = tpu.assume_multiple %shift_left3A_438, 128 : i32
    %dma_start3A_440 = arith.constant 0 : i32
    %dma_start3A_441 = tpu.memref_slice %arg2[%shift_right_arithmetic3A_4, %dma_start3A_440, %multiple_of3A_439] : memref<125x8x20000xf32, #tpu.memory_space<hbm>> -> memref<4x8x128xf32, #tpu.memory_space<hbm>>
    %dma_start3A_442 = arith.constant 0 : i32
    %dma_start3A_443 = tpu.memref_slice %arg2[%shift_right_arithmetic3A_4, %dma_start3A_442, %multiple_of3A_439] : memref<125x8x20000xf32, #tpu.memory_space<hbm>> -> memref<4x8x128xf32, #tpu.memory_space<hbm>>
    tpu.enqueue_dma source(%dma_start3A_443 : memref<4x8x128xf32, #tpu.memory_space<hbm>>) target(%arg13 : memref<4x8x128xf32, #tpu.memory_space<vmem>>) target_semaphore(%arg24 : memref<!tpu.dma_semaphore, #tpu.memory_space<semaphore_mem>>)
    %eq3A_444 = arith.constant 0 : i32
    %eq3A_445 = vector.broadcast %eq3A_444 : i32 to vector<16xi32>
    %eq3A_446 = arith.cmpi eq, %iota3A, %eq3A_445 : vector<16xi32>
    %select_n3A_447 = arith.select %eq3A_446, %gather3A, %broadcast_in_dim3A_5 : vector<16xi1>, vector<16xi32>
    %bitcast3A_448 = vector.bitcast %select_n3A_447 : vector<16xi32> to vector<16xf32>
    %reduce_max3A_449 = arith.constant true
    %reduce_max3A_450 = vector.broadcast %reduce_max3A_449 : i1 to vector<16xi1>
    %reduce_max3A_451 = tpu.scan <max>, %bitcast3A_448 masked %reduce_max3A_450 : vector<16xf32>, vector<16xi1> -> vector<16xf32>
    %reduce_max3A_452 = vector.extract %reduce_max3A_451[15] : f32 from vector<16xf32>
    %bitcast_convert_type3A_453 = arith.bitcast %reduce_max3A_452 : f32 to i32
    %broadcast_in_dim3A_454 = vector.broadcast %bitcast_convert_type3A_453 : i32 to vector<16xi32>
    %and3A_455 = arith.constant 127 : i32
    %and3A_456 = vector.broadcast %and3A_455 : i32 to vector<16xi32>
    %and3A_457 = arith.andi %broadcast_in_dim3A_454, %and3A_456 : vector<16xi32>
    %and3A_458 = arith.constant 31 : i32
    %and3A_459 = vector.broadcast %and3A_458 : i32 to vector<16xi32>
    %and3A_460 = arith.andi %broadcast_in_dim3A_454, %and3A_459 : vector<16xi32>
    %ge3A_461 = arith.constant 19968 : i32
    %ge3A_462 = vector.broadcast %ge3A_461 : i32 to vector<16xi32>
    %ge3A_463 = arith.cmpi sge, %broadcast_in_dim3A_454, %ge3A_462 : vector<16xi32>
    %add3A_464 = arith.constant 0 : i32
    %add3A_465 = vector.broadcast %add3A_464 : i32 to vector<16xi32>
    %add3A_466 = arith.addi %iota3A, %add3A_465 : vector<16xi32>
    %shift_right_arithmetic3A_467 = arith.constant 3 : i32
    %shift_right_arithmetic3A_468 = vector.broadcast %shift_right_arithmetic3A_467 : i32 to vector<16xi32>
    %shift_right_arithmetic3A_469 = arith.shrsi %add3A_466, %shift_right_arithmetic3A_468 : vector<16xi32>
    %and3A_470 = arith.constant 7 : i32
    %and3A_471 = vector.broadcast %and3A_470 : i32 to vector<16xi32>
    %and3A_472 = arith.andi %add3A_466, %and3A_471 : vector<16xi32>
    %gather3A_473 = tpu.vector_load_idx %arg13[%shift_right_arithmetic3A_469, %and3A_472, %and3A_457] : memref<4x8x128xf32, #tpu.memory_space<vmem>>[vector<16xi32>, vector<16xi32>, vector<16xi32>], vector<16xf32>,
    %gather3A_474 = tpu.vector_load_idx %arg17[%shift_right_arithmetic3A_469, %and3A_472, %and3A_460] : memref<4x8x32xf32, #tpu.memory_space<vmem>>[vector<16xi32>, vector<16xi32>, vector<16xi32>], vector<16xf32>,
    %select_n3A_475 = arith.select %ge3A_463, %gather3A_474, %gather3A_473 : vector<16xi1>, vector<16xf32>
    %max3A = arith.maximumf %broadcast_in_dim3A_7, %select_n3A_475 : vector<16xf32>
    %add3A_476 = arith.constant 16 : i32
    %add3A_477 = vector.broadcast %add3A_476 : i32 to vector<16xi32>
    %add3A_478 = arith.addi %iota3A, %add3A_477 : vector<16xi32>
    %shift_right_arithmetic3A_479 = arith.constant 3 : i32
    %shift_right_arithmetic3A_480 = vector.broadcast %shift_right_arithmetic3A_479 : i32 to vector<16xi32>
    %shift_right_arithmetic3A_481 = arith.shrsi %add3A_478, %shift_right_arithmetic3A_480 : vector<16xi32>
    %and3A_482 = arith.constant 7 : i32
    %and3A_483 = vector.broadcast %and3A_482 : i32 to vector<16xi32>
    %and3A_484 = arith.andi %add3A_478, %and3A_483 : vector<16xi32>
    %gather3A_485 = tpu.vector_load_idx %arg13[%shift_right_arithmetic3A_481, %and3A_484, %and3A_457] : memref<4x8x128xf32, #tpu.memory_space<vmem>>[vector<16xi32>, vector<16xi32>, vector<16xi32>], vector<16xf32>,
    %gather3A_486 = tpu.vector_load_idx %arg17[%shift_right_arithmetic3A_481, %and3A_484, %and3A_460] : memref<4x8x32xf32, #tpu.memory_space<vmem>>[vector<16xi32>, vector<16xi32>, vector<16xi32>], vector<16xf32>,
    %select_n3A_487 = arith.select %ge3A_463, %gather3A_486, %gather3A_485 : vector<16xi1>, vector<16xf32>
    %max3A_488 = arith.maximumf %broadcast_in_dim3A_7, %select_n3A_487 : vector<16xf32>
    %dma_wait3A_489 = arith.constant 0 : i32
    %dma_wait3A_490 = tpu.memref_slice %arg2[%shift_right_arithmetic3A_4, %dma_wait3A_489, %multiple_of3A_355] : memref<125x8x20000xf32, #tpu.memory_space<hbm>> -> memref<4x8x128xf32, #tpu.memory_space<hbm>>
    %dma_wait3A_491 = arith.constant 0 : i32
    %dma_wait3A_492 = tpu.memref_slice %arg2[%shift_right_arithmetic3A_4, %dma_wait3A_491, %multiple_of3A_355] : memref<125x8x20000xf32, #tpu.memory_space<hbm>> -> memref<4x8x128xf32, #tpu.memory_space<hbm>>
    tpu.wait_dma2 semaphore(%arg24 : memref<!tpu.dma_semaphore, #tpu.memory_space<semaphore_mem>>) src(%dma_wait3A_492 : memref<4x8x128xf32, #tpu.memory_space<hbm>>) dst(%arg14 : memref<4x8x128xf32, #tpu.memory_space<vmem>>)
    %eq3A_493 = arith.constant 5 : i32
    %eq3A_494 = vector.broadcast %eq3A_493 : i32 to vector<16xi32>
    %eq3A_495 = arith.cmpi eq, %iota3A, %eq3A_494 : vector<16xi32>
    %select_n3A_496 = arith.select %eq3A_495, %gather3A, %broadcast_in_dim3A_5 : vector<16xi1>, vector<16xi32>
    %bitcast3A_497 = vector.bitcast %select_n3A_496 : vector<16xi32> to vector<16xf32>
    %reduce_max3A_498 = arith.constant true
    %reduce_max3A_499 = vector.broadcast %reduce_max3A_498 : i1 to vector<16xi1>
    %reduce_max3A_500 = tpu.scan <max>, %bitcast3A_497 masked %reduce_max3A_499 : vector<16xf32>, vector<16xi1> -> vector<16xf32>
    %reduce_max3A_501 = vector.extract %reduce_max3A_500[15] : f32 from vector<16xf32>
    %bitcast_convert_type3A_502 = arith.bitcast %reduce_max3A_501 : f32 to i32
    %shift_right_arithmetic3A_503 = arith.constant 7 : i32
    %shift_right_arithmetic3A_504 = arith.shrsi %bitcast_convert_type3A_502, %shift_right_arithmetic3A_503 : i32
    %ge3A_505 = arith.constant 156 : i32
    %ge3A_506 = arith.cmpi sge, %shift_right_arithmetic3A_504, %ge3A_505 : i32
    %jit3A_507 = arith.constant 155 : i32
    %select_n3A_508 = arith.select %ge3A_506, %jit3A_507, %shift_right_arithmetic3A_504 : i32
    %shift_left3A_509 = arith.constant 7 : i32
    %shift_left3A_510 = arith.shli %select_n3A_508, %shift_left3A_509 : i32
    %multiple_of3A_511 = tpu.assume_multiple %shift_left3A_510, 128 : i32
    %dma_start3A_512 = arith.constant 0 : i32
    %dma_start3A_513 = tpu.memref_slice %arg2[%shift_right_arithmetic3A_4, %dma_start3A_512, %multiple_of3A_511] : memref<125x8x20000xf32, #tpu.memory_space<hbm>> -> memref<4x8x128xf32, #tpu.memory_space<hbm>>
    %dma_start3A_514 = arith.constant 0 : i32
    %dma_start3A_515 = tpu.memref_slice %arg2[%shift_right_arithmetic3A_4, %dma_start3A_514, %multiple_of3A_511] : memref<125x8x20000xf32, #tpu.memory_space<hbm>> -> memref<4x8x128xf32, #tpu.memory_space<hbm>>
    tpu.enqueue_dma source(%dma_start3A_515 : memref<4x8x128xf32, #tpu.memory_space<hbm>>) target(%arg14 : memref<4x8x128xf32, #tpu.memory_space<vmem>>) target_semaphore(%arg24 : memref<!tpu.dma_semaphore, #tpu.memory_space<semaphore_mem>>)
    %eq3A_516 = arith.constant 1 : i32
    %eq3A_517 = vector.broadcast %eq3A_516 : i32 to vector<16xi32>
    %eq3A_518 = arith.cmpi eq, %iota3A, %eq3A_517 : vector<16xi32>
    %select_n3A_519 = arith.select %eq3A_518, %gather3A, %broadcast_in_dim3A_5 : vector<16xi1>, vector<16xi32>
    %bitcast3A_520 = vector.bitcast %select_n3A_519 : vector<16xi32> to vector<16xf32>
    %reduce_max3A_521 = arith.constant true
    %reduce_max3A_522 = vector.broadcast %reduce_max3A_521 : i1 to vector<16xi1>
    %reduce_max3A_523 = tpu.scan <max>, %bitcast3A_520 masked %reduce_max3A_522 : vector<16xf32>, vector<16xi1> -> vector<16xf32>
    %reduce_max3A_524 = vector.extract %reduce_max3A_523[15] : f32 from vector<16xf32>
    %bitcast_convert_type3A_525 = arith.bitcast %reduce_max3A_524 : f32 to i32
    %broadcast_in_dim3A_526 = vector.broadcast %bitcast_convert_type3A_525 : i32 to vector<16xi32>
    %and3A_527 = arith.constant 127 : i32
    %and3A_528 = vector.broadcast %and3A_527 : i32 to vector<16xi32>
    %and3A_529 = arith.andi %broadcast_in_dim3A_526, %and3A_528 : vector<16xi32>
    %and3A_530 = arith.constant 31 : i32
    %and3A_531 = vector.broadcast %and3A_530 : i32 to vector<16xi32>
    %and3A_532 = arith.andi %broadcast_in_dim3A_526, %and3A_531 : vector<16xi32>
    %ge3A_533 = arith.constant 19968 : i32
    %ge3A_534 = vector.broadcast %ge3A_533 : i32 to vector<16xi32>
    %ge3A_535 = arith.cmpi sge, %broadcast_in_dim3A_526, %ge3A_534 : vector<16xi32>
    %add3A_536 = arith.constant 0 : i32
    %add3A_537 = vector.broadcast %add3A_536 : i32 to vector<16xi32>
    %add3A_538 = arith.addi %iota3A, %add3A_537 : vector<16xi32>
    %shift_right_arithmetic3A_539 = arith.constant 3 : i32
    %shift_right_arithmetic3A_540 = vector.broadcast %shift_right_arithmetic3A_539 : i32 to vector<16xi32>
    %shift_right_arithmetic3A_541 = arith.shrsi %add3A_538, %shift_right_arithmetic3A_540 : vector<16xi32>
    %and3A_542 = arith.constant 7 : i32
    %and3A_543 = vector.broadcast %and3A_542 : i32 to vector<16xi32>
    %and3A_544 = arith.andi %add3A_538, %and3A_543 : vector<16xi32>
    %gather3A_545 = tpu.vector_load_idx %arg14[%shift_right_arithmetic3A_541, %and3A_544, %and3A_529] : memref<4x8x128xf32, #tpu.memory_space<vmem>>[vector<16xi32>, vector<16xi32>, vector<16xi32>], vector<16xf32>,
    %gather3A_546 = tpu.vector_load_idx %arg17[%shift_right_arithmetic3A_541, %and3A_544, %and3A_532] : memref<4x8x32xf32, #tpu.memory_space<vmem>>[vector<16xi32>, vector<16xi32>, vector<16xi32>], vector<16xf32>,
    %select_n3A_547 = arith.select %ge3A_535, %gather3A_546, %gather3A_545 : vector<16xi1>, vector<16xf32>
    %max3A_548 = arith.maximumf %max3A, %select_n3A_547 : vector<16xf32>
    %add3A_549 = arith.constant 16 : i32
    %add3A_550 = vector.broadcast %add3A_549 : i32 to vector<16xi32>
    %add3A_551 = arith.addi %iota3A, %add3A_550 : vector<16xi32>
    %shift_right_arithmetic3A_552 = arith.constant 3 : i32
    %shift_right_arithmetic3A_553 = vector.broadcast %shift_right_arithmetic3A_552 : i32 to vector<16xi32>
    %shift_right_arithmetic3A_554 = arith.shrsi %add3A_551, %shift_right_arithmetic3A_553 : vector<16xi32>
    %and3A_555 = arith.constant 7 : i32
    %and3A_556 = vector.broadcast %and3A_555 : i32 to vector<16xi32>
    %and3A_557 = arith.andi %add3A_551, %and3A_556 : vector<16xi32>
    %gather3A_558 = tpu.vector_load_idx %arg14[%shift_right_arithmetic3A_554, %and3A_557, %and3A_529] : memref<4x8x128xf32, #tpu.memory_space<vmem>>[vector<16xi32>, vector<16xi32>, vector<16xi32>], vector<16xf32>,
    %gather3A_559 = tpu.vector_load_idx %arg17[%shift_right_arithmetic3A_554, %and3A_557, %and3A_532] : memref<4x8x32xf32, #tpu.memory_space<vmem>>[vector<16xi32>, vector<16xi32>, vector<16xi32>], vector<16xf32>,
    %select_n3A_560 = arith.select %ge3A_535, %gather3A_559, %gather3A_558 : vector<16xi1>, vector<16xf32>
    %max3A_561 = arith.maximumf %max3A_488, %select_n3A_560 : vector<16xf32>
    %dma_wait3A_562 = arith.constant 0 : i32
    %dma_wait3A_563 = tpu.memref_slice %arg2[%shift_right_arithmetic3A_4, %dma_wait3A_562, %multiple_of3A_378] : memref<125x8x20000xf32, #tpu.memory_space<hbm>> -> memref<4x8x128xf32, #tpu.memory_space<hbm>>
    %dma_wait3A_564 = arith.constant 0 : i32
    %dma_wait3A_565 = tpu.memref_slice %arg2[%shift_right_arithmetic3A_4, %dma_wait3A_564, %multiple_of3A_378] : memref<125x8x20000xf32, #tpu.memory_space<hbm>> -> memref<4x8x128xf32, #tpu.memory_space<hbm>>
    tpu.wait_dma2 semaphore(%arg24 : memref<!tpu.dma_semaphore, #tpu.memory_space<semaphore_mem>>) src(%dma_wait3A_565 : memref<4x8x128xf32, #tpu.memory_space<hbm>>) dst(%arg15 : memref<4x8x128xf32, #tpu.memory_space<vmem>>)
    %eq3A_566 = arith.constant 6 : i32
    %eq3A_567 = vector.broadcast %eq3A_566 : i32 to vector<16xi32>
    %eq3A_568 = arith.cmpi eq, %iota3A, %eq3A_567 : vector<16xi32>
    %select_n3A_569 = arith.select %eq3A_568, %gather3A, %broadcast_in_dim3A_5 : vector<16xi1>, vector<16xi32>
    %bitcast3A_570 = vector.bitcast %select_n3A_569 : vector<16xi32> to vector<16xf32>
    %reduce_max3A_571 = arith.constant true
    %reduce_max3A_572 = vector.broadcast %reduce_max3A_571 : i1 to vector<16xi1>
    %reduce_max3A_573 = tpu.scan <max>, %bitcast3A_570 masked %reduce_max3A_572 : vector<16xf32>, vector<16xi1> -> vector<16xf32>
    %reduce_max3A_574 = vector.extract %reduce_max3A_573[15] : f32 from vector<16xf32>
    %bitcast_convert_type3A_575 = arith.bitcast %reduce_max3A_574 : f32 to i32
    %shift_right_arithmetic3A_576 = arith.constant 7 : i32
    %shift_right_arithmetic3A_577 = arith.shrsi %bitcast_convert_type3A_575, %shift_right_arithmetic3A_576 : i32
    %ge3A_578 = arith.constant 156 : i32
    %ge3A_579 = arith.cmpi sge, %shift_right_arithmetic3A_577, %ge3A_578 : i32
    %jit3A_580 = arith.constant 155 : i32
    %select_n3A_581 = arith.select %ge3A_579, %jit3A_580, %shift_right_arithmetic3A_577 : i32
    %shift_left3A_582 = arith.constant 7 : i32
    %shift_left3A_583 = arith.shli %select_n3A_581, %shift_left3A_582 : i32
    %multiple_of3A_584 = tpu.assume_multiple %shift_left3A_583, 128 : i32
    %dma_start3A_585 = arith.constant 0 : i32
    %dma_start3A_586 = tpu.memref_slice %arg2[%shift_right_arithmetic3A_4, %dma_start3A_585, %multiple_of3A_584] : memref<125x8x20000xf32, #tpu.memory_space<hbm>> -> memref<4x8x128xf32, #tpu.memory_space<hbm>>
    %dma_start3A_587 = arith.constant 0 : i32
    %dma_start3A_588 = tpu.memref_slice %arg2[%shift_right_arithmetic3A_4, %dma_start3A_587, %multiple_of3A_584] : memref<125x8x20000xf32, #tpu.memory_space<hbm>> -> memref<4x8x128xf32, #tpu.memory_space<hbm>>
    tpu.enqueue_dma source(%dma_start3A_588 : memref<4x8x128xf32, #tpu.memory_space<hbm>>) target(%arg15 : memref<4x8x128xf32, #tpu.memory_space<vmem>>) target_semaphore(%arg24 : memref<!tpu.dma_semaphore, #tpu.memory_space<semaphore_mem>>)
    %eq3A_589 = arith.constant 2 : i32
    %eq3A_590 = vector.broadcast %eq3A_589 : i32 to vector<16xi32>
    %eq3A_591 = arith.cmpi eq, %iota3A, %eq3A_590 : vector<16xi32>
    %select_n3A_592 = arith.select %eq3A_591, %gather3A, %broadcast_in_dim3A_5 : vector<16xi1>, vector<16xi32>
    %bitcast3A_593 = vector.bitcast %select_n3A_592 : vector<16xi32> to vector<16xf32>
    %reduce_max3A_594 = arith.constant true
    %reduce_max3A_595 = vector.broadcast %reduce_max3A_594 : i1 to vector<16xi1>
    %reduce_max3A_596 = tpu.scan <max>, %bitcast3A_593 masked %reduce_max3A_595 : vector<16xf32>, vector<16xi1> -> vector<16xf32>
    %reduce_max3A_597 = vector.extract %reduce_max3A_596[15] : f32 from vector<16xf32>
    %bitcast_convert_type3A_598 = arith.bitcast %reduce_max3A_597 : f32 to i32
    %broadcast_in_dim3A_599 = vector.broadcast %bitcast_convert_type3A_598 : i32 to vector<16xi32>
    %and3A_600 = arith.constant 127 : i32
    %and3A_601 = vector.broadcast %and3A_600 : i32 to vector<16xi32>
    %and3A_602 = arith.andi %broadcast_in_dim3A_599, %and3A_601 : vector<16xi32>
    %and3A_603 = arith.constant 31 : i32
    %and3A_604 = vector.broadcast %and3A_603 : i32 to vector<16xi32>
    %and3A_605 = arith.andi %broadcast_in_dim3A_599, %and3A_604 : vector<16xi32>
    %ge3A_606 = arith.constant 19968 : i32
    %ge3A_607 = vector.broadcast %ge3A_606 : i32 to vector<16xi32>
    %ge3A_608 = arith.cmpi sge, %broadcast_in_dim3A_599, %ge3A_607 : vector<16xi32>
    %add3A_609 = arith.constant 0 : i32
    %add3A_610 = vector.broadcast %add3A_609 : i32 to vector<16xi32>
    %add3A_611 = arith.addi %iota3A, %add3A_610 : vector<16xi32>
    %shift_right_arithmetic3A_612 = arith.constant 3 : i32
    %shift_right_arithmetic3A_613 = vector.broadcast %shift_right_arithmetic3A_612 : i32 to vector<16xi32>
    %shift_right_arithmetic3A_614 = arith.shrsi %add3A_611, %shift_right_arithmetic3A_613 : vector<16xi32>
    %and3A_615 = arith.constant 7 : i32
    %and3A_616 = vector.broadcast %and3A_615 : i32 to vector<16xi32>
    %and3A_617 = arith.andi %add3A_611, %and3A_616 : vector<16xi32>
    %gather3A_618 = tpu.vector_load_idx %arg15[%shift_right_arithmetic3A_614, %and3A_617, %and3A_602] : memref<4x8x128xf32, #tpu.memory_space<vmem>>[vector<16xi32>, vector<16xi32>, vector<16xi32>], vector<16xf32>,
    %gather3A_619 = tpu.vector_load_idx %arg17[%shift_right_arithmetic3A_614, %and3A_617, %and3A_605] : memref<4x8x32xf32, #tpu.memory_space<vmem>>[vector<16xi32>, vector<16xi32>, vector<16xi32>], vector<16xf32>,
    %select_n3A_620 = arith.select %ge3A_608, %gather3A_619, %gather3A_618 : vector<16xi1>, vector<16xf32>
    %max3A_621 = arith.maximumf %max3A_548, %select_n3A_620 : vector<16xf32>
    %add3A_622 = arith.constant 16 : i32
    %add3A_623 = vector.broadcast %add3A_622 : i32 to vector<16xi32>
    %add3A_624 = arith.addi %iota3A, %add3A_623 : vector<16xi32>
    %shift_right_arithmetic3A_625 = arith.constant 3 : i32
    %shift_right_arithmetic3A_626 = vector.broadcast %shift_right_arithmetic3A_625 : i32 to vector<16xi32>
    %shift_right_arithmetic3A_627 = arith.shrsi %add3A_624, %shift_right_arithmetic3A_626 : vector<16xi32>
    %and3A_628 = arith.constant 7 : i32
    %and3A_629 = vector.broadcast %and3A_628 : i32 to vector<16xi32>
    %and3A_630 = arith.andi %add3A_624, %and3A_629 : vector<16xi32>
    %gather3A_631 = tpu.vector_load_idx %arg15[%shift_right_arithmetic3A_627, %and3A_630, %and3A_602] : memref<4x8x128xf32, #tpu.memory_space<vmem>>[vector<16xi32>, vector<16xi32>, vector<16xi32>], vector<16xf32>,
    %gather3A_632 = tpu.vector_load_idx %arg17[%shift_right_arithmetic3A_627, %and3A_630, %and3A_605] : memref<4x8x32xf32, #tpu.memory_space<vmem>>[vector<16xi32>, vector<16xi32>, vector<16xi32>], vector<16xf32>,
    %select_n3A_633 = arith.select %ge3A_608, %gather3A_632, %gather3A_631 : vector<16xi1>, vector<16xf32>
    %max3A_634 = arith.maximumf %max3A_561, %select_n3A_633 : vector<16xf32>
    %dma_wait3A_635 = arith.constant 0 : i32
    %dma_wait3A_636 = tpu.memref_slice %arg2[%shift_right_arithmetic3A_4, %dma_wait3A_635, %multiple_of3A_401] : memref<125x8x20000xf32, #tpu.memory_space<hbm>> -> memref<4x8x128xf32, #tpu.memory_space<hbm>>
    %dma_wait3A_637 = arith.constant 0 : i32
    %dma_wait3A_638 = tpu.memref_slice %arg2[%shift_right_arithmetic3A_4, %dma_wait3A_637, %multiple_of3A_401] : memref<125x8x20000xf32, #tpu.memory_space<hbm>> -> memref<4x8x128xf32, #tpu.memory_space<hbm>>
    tpu.wait_dma2 semaphore(%arg24 : memref<!tpu.dma_semaphore, #tpu.memory_space<semaphore_mem>>) src(%dma_wait3A_638 : memref<4x8x128xf32, #tpu.memory_space<hbm>>) dst(%arg16 : memref<4x8x128xf32, #tpu.memory_space<vmem>>)
    %eq3A_639 = arith.constant 7 : i32
    %eq3A_640 = vector.broadcast %eq3A_639 : i32 to vector<16xi32>
    %eq3A_641 = arith.cmpi eq, %iota3A, %eq3A_640 : vector<16xi32>
    %select_n3A_642 = arith.select %eq3A_641, %gather3A, %broadcast_in_dim3A_5 : vector<16xi1>, vector<16xi32>
    %bitcast3A_643 = vector.bitcast %select_n3A_642 : vector<16xi32> to vector<16xf32>
    %reduce_max3A_644 = arith.constant true
    %reduce_max3A_645 = vector.broadcast %reduce_max3A_644 : i1 to vector<16xi1>
    %reduce_max3A_646 = tpu.scan <max>, %bitcast3A_643 masked %reduce_max3A_645 : vector<16xf32>, vector<16xi1> -> vector<16xf32>
    %reduce_max3A_647 = vector.extract %reduce_max3A_646[15] : f32 from vector<16xf32>
    %bitcast_convert_type3A_648 = arith.bitcast %reduce_max3A_647 : f32 to i32
    %shift_right_arithmetic3A_649 = arith.constant 7 : i32
    %shift_right_arithmetic3A_650 = arith.shrsi %bitcast_convert_type3A_648, %shift_right_arithmetic3A_649 : i32
    %ge3A_651 = arith.constant 156 : i32
    %ge3A_652 = arith.cmpi sge, %shift_right_arithmetic3A_650, %ge3A_651 : i32
    %jit3A_653 = arith.constant 155 : i32
    %select_n3A_654 = arith.select %ge3A_652, %jit3A_653, %shift_right_arithmetic3A_650 : i32
    %shift_left3A_655 = arith.constant 7 : i32
    %shift_left3A_656 = arith.shli %select_n3A_654, %shift_left3A_655 : i32
    %multiple_of3A_657 = tpu.assume_multiple %shift_left3A_656, 128 : i32
    %dma_start3A_658 = arith.constant 0 : i32
    %dma_start3A_659 = tpu.memref_slice %arg2[%shift_right_arithmetic3A_4, %dma_start3A_658, %multiple_of3A_657] : memref<125x8x20000xf32, #tpu.memory_space<hbm>> -> memref<4x8x128xf32, #tpu.memory_space<hbm>>
    %dma_start3A_660 = arith.constant 0 : i32
    %dma_start3A_661 = tpu.memref_slice %arg2[%shift_right_arithmetic3A_4, %dma_start3A_660, %multiple_of3A_657] : memref<125x8x20000xf32, #tpu.memory_space<hbm>> -> memref<4x8x128xf32, #tpu.memory_space<hbm>>
    tpu.enqueue_dma source(%dma_start3A_661 : memref<4x8x128xf32, #tpu.memory_space<hbm>>) target(%arg16 : memref<4x8x128xf32, #tpu.memory_space<vmem>>) target_semaphore(%arg24 : memref<!tpu.dma_semaphore, #tpu.memory_space<semaphore_mem>>)
    %eq3A_662 = arith.constant 3 : i32
    %eq3A_663 = vector.broadcast %eq3A_662 : i32 to vector<16xi32>
    %eq3A_664 = arith.cmpi eq, %iota3A, %eq3A_663 : vector<16xi32>
    %select_n3A_665 = arith.select %eq3A_664, %gather3A, %broadcast_in_dim3A_5 : vector<16xi1>, vector<16xi32>
    %bitcast3A_666 = vector.bitcast %select_n3A_665 : vector<16xi32> to vector<16xf32>
    %reduce_max3A_667 = arith.constant true
    %reduce_max3A_668 = vector.broadcast %reduce_max3A_667 : i1 to vector<16xi1>
    %reduce_max3A_669 = tpu.scan <max>, %bitcast3A_666 masked %reduce_max3A_668 : vector<16xf32>, vector<16xi1> -> vector<16xf32>
    %reduce_max3A_670 = vector.extract %reduce_max3A_669[15] : f32 from vector<16xf32>
    %bitcast_convert_type3A_671 = arith.bitcast %reduce_max3A_670 : f32 to i32
    %broadcast_in_dim3A_672 = vector.broadcast %bitcast_convert_type3A_671 : i32 to vector<16xi32>
    %and3A_673 = arith.constant 127 : i32
    %and3A_674 = vector.broadcast %and3A_673 : i32 to vector<16xi32>
    %and3A_675 = arith.andi %broadcast_in_dim3A_672, %and3A_674 : vector<16xi32>
    %and3A_676 = arith.constant 31 : i32
    %and3A_677 = vector.broadcast %and3A_676 : i32 to vector<16xi32>
    %and3A_678 = arith.andi %broadcast_in_dim3A_672, %and3A_677 : vector<16xi32>
    %ge3A_679 = arith.constant 19968 : i32
    %ge3A_680 = vector.broadcast %ge3A_679 : i32 to vector<16xi32>
    %ge3A_681 = arith.cmpi sge, %broadcast_in_dim3A_672, %ge3A_680 : vector<16xi32>
    %add3A_682 = arith.constant 0 : i32
    %add3A_683 = vector.broadcast %add3A_682 : i32 to vector<16xi32>
    %add3A_684 = arith.addi %iota3A, %add3A_683 : vector<16xi32>
    %shift_right_arithmetic3A_685 = arith.constant 3 : i32
    %shift_right_arithmetic3A_686 = vector.broadcast %shift_right_arithmetic3A_685 : i32 to vector<16xi32>
    %shift_right_arithmetic3A_687 = arith.shrsi %add3A_684, %shift_right_arithmetic3A_686 : vector<16xi32>
    %and3A_688 = arith.constant 7 : i32
    %and3A_689 = vector.broadcast %and3A_688 : i32 to vector<16xi32>
    %and3A_690 = arith.andi %add3A_684, %and3A_689 : vector<16xi32>
    %gather3A_691 = tpu.vector_load_idx %arg16[%shift_right_arithmetic3A_687, %and3A_690, %and3A_675] : memref<4x8x128xf32, #tpu.memory_space<vmem>>[vector<16xi32>, vector<16xi32>, vector<16xi32>], vector<16xf32>,
    %gather3A_692 = tpu.vector_load_idx %arg17[%shift_right_arithmetic3A_687, %and3A_690, %and3A_678] : memref<4x8x32xf32, #tpu.memory_space<vmem>>[vector<16xi32>, vector<16xi32>, vector<16xi32>], vector<16xf32>,
    %select_n3A_693 = arith.select %ge3A_681, %gather3A_692, %gather3A_691 : vector<16xi1>, vector<16xf32>
    %max3A_694 = arith.maximumf %max3A_621, %select_n3A_693 : vector<16xf32>
    %add3A_695 = arith.constant 16 : i32
    %add3A_696 = vector.broadcast %add3A_695 : i32 to vector<16xi32>
    %add3A_697 = arith.addi %iota3A, %add3A_696 : vector<16xi32>
    %shift_right_arithmetic3A_698 = arith.constant 3 : i32
    %shift_right_arithmetic3A_699 = vector.broadcast %shift_right_arithmetic3A_698 : i32 to vector<16xi32>
    %shift_right_arithmetic3A_700 = arith.shrsi %add3A_697, %shift_right_arithmetic3A_699 : vector<16xi32>
    %and3A_701 = arith.constant 7 : i32
    %and3A_702 = vector.broadcast %and3A_701 : i32 to vector<16xi32>
    %and3A_703 = arith.andi %add3A_697, %and3A_702 : vector<16xi32>
    %gather3A_704 = tpu.vector_load_idx %arg16[%shift_right_arithmetic3A_700, %and3A_703, %and3A_675] : memref<4x8x128xf32, #tpu.memory_space<vmem>>[vector<16xi32>, vector<16xi32>, vector<16xi32>], vector<16xf32>,
    %gather3A_705 = tpu.vector_load_idx %arg17[%shift_right_arithmetic3A_700, %and3A_703, %and3A_678] : memref<4x8x32xf32, #tpu.memory_space<vmem>>[vector<16xi32>, vector<16xi32>, vector<16xi32>], vector<16xf32>,
    %select_n3A_706 = arith.select %ge3A_681, %gather3A_705, %gather3A_704 : vector<16xi1>, vector<16xf32>
    %max3A_707 = arith.maximumf %max3A_634, %select_n3A_706 : vector<16xf32>
    %dma_wait3A_708 = arith.constant 0 : i32
    %dma_wait3A_709 = tpu.memref_slice %arg2[%shift_right_arithmetic3A_4, %dma_wait3A_708, %multiple_of3A_439] : memref<125x8x20000xf32, #tpu.memory_space<hbm>> -> memref<4x8x128xf32, #tpu.memory_space<hbm>>
    %dma_wait3A_710 = arith.constant 0 : i32
    %dma_wait3A_711 = tpu.memref_slice %arg2[%shift_right_arithmetic3A_4, %dma_wait3A_710, %multiple_of3A_439] : memref<125x8x20000xf32, #tpu.memory_space<hbm>> -> memref<4x8x128xf32, #tpu.memory_space<hbm>>
    tpu.wait_dma2 semaphore(%arg24 : memref<!tpu.dma_semaphore, #tpu.memory_space<semaphore_mem>>) src(%dma_wait3A_711 : memref<4x8x128xf32, #tpu.memory_space<hbm>>) dst(%arg13 : memref<4x8x128xf32, #tpu.memory_space<vmem>>)
    %eq3A_712 = arith.constant 8 : i32
    %eq3A_713 = vector.broadcast %eq3A_712 : i32 to vector<16xi32>
    %eq3A_714 = arith.cmpi eq, %iota3A, %eq3A_713 : vector<16xi32>
    %select_n3A_715 = arith.select %eq3A_714, %gather3A, %broadcast_in_dim3A_5 : vector<16xi1>, vector<16xi32>
    %bitcast3A_716 = vector.bitcast %select_n3A_715 : vector<16xi32> to vector<16xf32>
    %reduce_max3A_717 = arith.constant true
    %reduce_max3A_718 = vector.broadcast %reduce_max3A_717 : i1 to vector<16xi1>
    %reduce_max3A_719 = tpu.scan <max>, %bitcast3A_716 masked %reduce_max3A_718 : vector<16xf32>, vector<16xi1> -> vector<16xf32>
    %reduce_max3A_720 = vector.extract %reduce_max3A_719[15] : f32 from vector<16xf32>
    %bitcast_convert_type3A_721 = arith.bitcast %reduce_max3A_720 : f32 to i32
    %shift_right_arithmetic3A_722 = arith.constant 7 : i32
    %shift_right_arithmetic3A_723 = arith.shrsi %bitcast_convert_type3A_721, %shift_right_arithmetic3A_722 : i32
    %ge3A_724 = arith.constant 156 : i32
    %ge3A_725 = arith.cmpi sge, %shift_right_arithmetic3A_723, %ge3A_724 : i32
    %jit3A_726 = arith.constant 155 : i32
    %select_n3A_727 = arith.select %ge3A_725, %jit3A_726, %shift_right_arithmetic3A_723 : i32
    %shift_left3A_728 = arith.constant 7 : i32
    %shift_left3A_729 = arith.shli %select_n3A_727, %shift_left3A_728 : i32
    %multiple_of3A_730 = tpu.assume_multiple %shift_left3A_729, 128 : i32
    %dma_start3A_731 = arith.constant 0 : i32
    %dma_start3A_732 = tpu.memref_slice %arg2[%shift_right_arithmetic3A_4, %dma_start3A_731, %multiple_of3A_730] : memref<125x8x20000xf32, #tpu.memory_space<hbm>> -> memref<4x8x128xf32, #tpu.memory_space<hbm>>
    %dma_start3A_733 = arith.constant 0 : i32
    %dma_start3A_734 = tpu.memref_slice %arg2[%shift_right_arithmetic3A_4, %dma_start3A_733, %multiple_of3A_730] : memref<125x8x20000xf32, #tpu.memory_space<hbm>> -> memref<4x8x128xf32, #tpu.memory_space<hbm>>
    tpu.enqueue_dma source(%dma_start3A_734 : memref<4x8x128xf32, #tpu.memory_space<hbm>>) target(%arg13 : memref<4x8x128xf32, #tpu.memory_space<vmem>>) target_semaphore(%arg24 : memref<!tpu.dma_semaphore, #tpu.memory_space<semaphore_mem>>)
    %eq3A_735 = arith.constant 4 : i32
    %eq3A_736 = vector.broadcast %eq3A_735 : i32 to vector<16xi32>
    %eq3A_737 = arith.cmpi eq, %iota3A, %eq3A_736 : vector<16xi32>
    %select_n3A_738 = arith.select %eq3A_737, %gather3A, %broadcast_in_dim3A_5 : vector<16xi1>, vector<16xi32>
    %bitcast3A_739 = vector.bitcast %select_n3A_738 : vector<16xi32> to vector<16xf32>
    %reduce_max3A_740 = arith.constant true
    %reduce_max3A_741 = vector.broadcast %reduce_max3A_740 : i1 to vector<16xi1>
    %reduce_max3A_742 = tpu.scan <max>, %bitcast3A_739 masked %reduce_max3A_741 : vector<16xf32>, vector<16xi1> -> vector<16xf32>
    %reduce_max3A_743 = vector.extract %reduce_max3A_742[15] : f32 from vector<16xf32>
    %bitcast_convert_type3A_744 = arith.bitcast %reduce_max3A_743 : f32 to i32
    %broadcast_in_dim3A_745 = vector.broadcast %bitcast_convert_type3A_744 : i32 to vector<16xi32>
    %and3A_746 = arith.constant 127 : i32
    %and3A_747 = vector.broadcast %and3A_746 : i32 to vector<16xi32>
    %and3A_748 = arith.andi %broadcast_in_dim3A_745, %and3A_747 : vector<16xi32>
    %and3A_749 = arith.constant 31 : i32
    %and3A_750 = vector.broadcast %and3A_749 : i32 to vector<16xi32>
    %and3A_751 = arith.andi %broadcast_in_dim3A_745, %and3A_750 : vector<16xi32>
    %ge3A_752 = arith.constant 19968 : i32
    %ge3A_753 = vector.broadcast %ge3A_752 : i32 to vector<16xi32>
    %ge3A_754 = arith.cmpi sge, %broadcast_in_dim3A_745, %ge3A_753 : vector<16xi32>
    %add3A_755 = arith.constant 0 : i32
    %add3A_756 = vector.broadcast %add3A_755 : i32 to vector<16xi32>
    %add3A_757 = arith.addi %iota3A, %add3A_756 : vector<16xi32>
    %shift_right_arithmetic3A_758 = arith.constant 3 : i32
    %shift_right_arithmetic3A_759 = vector.broadcast %shift_right_arithmetic3A_758 : i32 to vector<16xi32>
    %shift_right_arithmetic3A_760 = arith.shrsi %add3A_757, %shift_right_arithmetic3A_759 : vector<16xi32>
    %and3A_761 = arith.constant 7 : i32
    %and3A_762 = vector.broadcast %and3A_761 : i32 to vector<16xi32>
    %and3A_763 = arith.andi %add3A_757, %and3A_762 : vector<16xi32>
    %gather3A_764 = tpu.vector_load_idx %arg13[%shift_right_arithmetic3A_760, %and3A_763, %and3A_748] : memref<4x8x128xf32, #tpu.memory_space<vmem>>[vector<16xi32>, vector<16xi32>, vector<16xi32>], vector<16xf32>,
    %gather3A_765 = tpu.vector_load_idx %arg17[%shift_right_arithmetic3A_760, %and3A_763, %and3A_751] : memref<4x8x32xf32, #tpu.memory_space<vmem>>[vector<16xi32>, vector<16xi32>, vector<16xi32>], vector<16xf32>,
    %select_n3A_766 = arith.select %ge3A_754, %gather3A_765, %gather3A_764 : vector<16xi1>, vector<16xf32>
    %max3A_767 = arith.maximumf %max3A_694, %select_n3A_766 : vector<16xf32>
    %add3A_768 = arith.constant 16 : i32
    %add3A_769 = vector.broadcast %add3A_768 : i32 to vector<16xi32>
    %add3A_770 = arith.addi %iota3A, %add3A_769 : vector<16xi32>
    %shift_right_arithmetic3A_771 = arith.constant 3 : i32
    %shift_right_arithmetic3A_772 = vector.broadcast %shift_right_arithmetic3A_771 : i32 to vector<16xi32>
    %shift_right_arithmetic3A_773 = arith.shrsi %add3A_770, %shift_right_arithmetic3A_772 : vector<16xi32>
    %and3A_774 = arith.constant 7 : i32
    %and3A_775 = vector.broadcast %and3A_774 : i32 to vector<16xi32>
    %and3A_776 = arith.andi %add3A_770, %and3A_775 : vector<16xi32>
    %gather3A_777 = tpu.vector_load_idx %arg13[%shift_right_arithmetic3A_773, %and3A_776, %and3A_748] : memref<4x8x128xf32, #tpu.memory_space<vmem>>[vector<16xi32>, vector<16xi32>, vector<16xi32>], vector<16xf32>,
    %gather3A_778 = tpu.vector_load_idx %arg17[%shift_right_arithmetic3A_773, %and3A_776, %and3A_751] : memref<4x8x32xf32, #tpu.memory_space<vmem>>[vector<16xi32>, vector<16xi32>, vector<16xi32>], vector<16xf32>,
    %select_n3A_779 = arith.select %ge3A_754, %gather3A_778, %gather3A_777 : vector<16xi1>, vector<16xf32>
    %max3A_780 = arith.maximumf %max3A_707, %select_n3A_779 : vector<16xf32>
    %dma_wait3A_781 = arith.constant 0 : i32
    %dma_wait3A_782 = tpu.memref_slice %arg2[%shift_right_arithmetic3A_4, %dma_wait3A_781, %multiple_of3A_511] : memref<125x8x20000xf32, #tpu.memory_space<hbm>> -> memref<4x8x128xf32, #tpu.memory_space<hbm>>
    %dma_wait3A_783 = arith.constant 0 : i32
    %dma_wait3A_784 = tpu.memref_slice %arg2[%shift_right_arithmetic3A_4, %dma_wait3A_783, %multiple_of3A_511] : memref<125x8x20000xf32, #tpu.memory_space<hbm>> -> memref<4x8x128xf32, #tpu.memory_space<hbm>>
    tpu.wait_dma2 semaphore(%arg24 : memref<!tpu.dma_semaphore, #tpu.memory_space<semaphore_mem>>) src(%dma_wait3A_784 : memref<4x8x128xf32, #tpu.memory_space<hbm>>) dst(%arg14 : memref<4x8x128xf32, #tpu.memory_space<vmem>>)
    %eq3A_785 = arith.constant 9 : i32
    %eq3A_786 = vector.broadcast %eq3A_785 : i32 to vector<16xi32>
    %eq3A_787 = arith.cmpi eq, %iota3A, %eq3A_786 : vector<16xi32>
    %select_n3A_788 = arith.select %eq3A_787, %gather3A, %broadcast_in_dim3A_5 : vector<16xi1>, vector<16xi32>
    %bitcast3A_789 = vector.bitcast %select_n3A_788 : vector<16xi32> to vector<16xf32>
    %reduce_max3A_790 = arith.constant true
    %reduce_max3A_791 = vector.broadcast %reduce_max3A_790 : i1 to vector<16xi1>
    %reduce_max3A_792 = tpu.scan <max>, %bitcast3A_789 masked %reduce_max3A_791 : vector<16xf32>, vector<16xi1> -> vector<16xf32>
    %reduce_max3A_793 = vector.extract %reduce_max3A_792[15] : f32 from vector<16xf32>
    %bitcast_convert_type3A_794 = arith.bitcast %reduce_max3A_793 : f32 to i32
    %shift_right_arithmetic3A_795 = arith.constant 7 : i32
    %shift_right_arithmetic3A_796 = arith.shrsi %bitcast_convert_type3A_794, %shift_right_arithmetic3A_795 : i32
    %ge3A_797 = arith.constant 156 : i32
    %ge3A_798 = arith.cmpi sge, %shift_right_arithmetic3A_796, %ge3A_797 : i32
    %jit3A_799 = arith.constant 155 : i32
    %select_n3A_800 = arith.select %ge3A_798, %jit3A_799, %shift_right_arithmetic3A_796 : i32
    %shift_left3A_801 = arith.constant 7 : i32
    %shift_left3A_802 = arith.shli %select_n3A_800, %shift_left3A_801 : i32
    %multiple_of3A_803 = tpu.assume_multiple %shift_left3A_802, 128 : i32
    %dma_start3A_804 = arith.constant 0 : i32
    %dma_start3A_805 = tpu.memref_slice %arg2[%shift_right_arithmetic3A_4, %dma_start3A_804, %multiple_of3A_803] : memref<125x8x20000xf32, #tpu.memory_space<hbm>> -> memref<4x8x128xf32, #tpu.memory_space<hbm>>
    %dma_start3A_806 = arith.constant 0 : i32
    %dma_start3A_807 = tpu.memref_slice %arg2[%shift_right_arithmetic3A_4, %dma_start3A_806, %multiple_of3A_803] : memref<125x8x20000xf32, #tpu.memory_space<hbm>> -> memref<4x8x128xf32, #tpu.memory_space<hbm>>
    tpu.enqueue_dma source(%dma_start3A_807 : memref<4x8x128xf32, #tpu.memory_space<hbm>>) target(%arg14 : memref<4x8x128xf32, #tpu.memory_space<vmem>>) target_semaphore(%arg24 : memref<!tpu.dma_semaphore, #tpu.memory_space<semaphore_mem>>)
    %eq3A_808 = arith.constant 5 : i32
    %eq3A_809 = vector.broadcast %eq3A_808 : i32 to vector<16xi32>
    %eq3A_810 = arith.cmpi eq, %iota3A, %eq3A_809 : vector<16xi32>
    %select_n3A_811 = arith.select %eq3A_810, %gather3A, %broadcast_in_dim3A_5 : vector<16xi1>, vector<16xi32>
    %bitcast3A_812 = vector.bitcast %select_n3A_811 : vector<16xi32> to vector<16xf32>
    %reduce_max3A_813 = arith.constant true
    %reduce_max3A_814 = vector.broadcast %reduce_max3A_813 : i1 to vector<16xi1>
    %reduce_max3A_815 = tpu.scan <max>, %bitcast3A_812 masked %reduce_max3A_814 : vector<16xf32>, vector<16xi1> -> vector<16xf32>
    %reduce_max3A_816 = vector.extract %reduce_max3A_815[15] : f32 from vector<16xf32>
    %bitcast_convert_type3A_817 = arith.bitcast %reduce_max3A_816 : f32 to i32
    %broadcast_in_dim3A_818 = vector.broadcast %bitcast_convert_type3A_817 : i32 to vector<16xi32>
    %and3A_819 = arith.constant 127 : i32
    %and3A_820 = vector.broadcast %and3A_819 : i32 to vector<16xi32>
    %and3A_821 = arith.andi %broadcast_in_dim3A_818, %and3A_820 : vector<16xi32>
    %and3A_822 = arith.constant 31 : i32
    %and3A_823 = vector.broadcast %and3A_822 : i32 to vector<16xi32>
    %and3A_824 = arith.andi %broadcast_in_dim3A_818, %and3A_823 : vector<16xi32>
    %ge3A_825 = arith.constant 19968 : i32
    %ge3A_826 = vector.broadcast %ge3A_825 : i32 to vector<16xi32>
    %ge3A_827 = arith.cmpi sge, %broadcast_in_dim3A_818, %ge3A_826 : vector<16xi32>
    %add3A_828 = arith.constant 0 : i32
    %add3A_829 = vector.broadcast %add3A_828 : i32 to vector<16xi32>
    %add3A_830 = arith.addi %iota3A, %add3A_829 : vector<16xi32>
    %shift_right_arithmetic3A_831 = arith.constant 3 : i32
    %shift_right_arithmetic3A_832 = vector.broadcast %shift_right_arithmetic3A_831 : i32 to vector<16xi32>
    %shift_right_arithmetic3A_833 = arith.shrsi %add3A_830, %shift_right_arithmetic3A_832 : vector<16xi32>
    %and3A_834 = arith.constant 7 : i32
    %and3A_835 = vector.broadcast %and3A_834 : i32 to vector<16xi32>
    %and3A_836 = arith.andi %add3A_830, %and3A_835 : vector<16xi32>
    %gather3A_837 = tpu.vector_load_idx %arg14[%shift_right_arithmetic3A_833, %and3A_836, %and3A_821] : memref<4x8x128xf32, #tpu.memory_space<vmem>>[vector<16xi32>, vector<16xi32>, vector<16xi32>], vector<16xf32>,
    %gather3A_838 = tpu.vector_load_idx %arg17[%shift_right_arithmetic3A_833, %and3A_836, %and3A_824] : memref<4x8x32xf32, #tpu.memory_space<vmem>>[vector<16xi32>, vector<16xi32>, vector<16xi32>], vector<16xf32>,
    %select_n3A_839 = arith.select %ge3A_827, %gather3A_838, %gather3A_837 : vector<16xi1>, vector<16xf32>
    %max3A_840 = arith.maximumf %max3A_767, %select_n3A_839 : vector<16xf32>
    %add3A_841 = arith.constant 16 : i32
    %add3A_842 = vector.broadcast %add3A_841 : i32 to vector<16xi32>
    %add3A_843 = arith.addi %iota3A, %add3A_842 : vector<16xi32>
    %shift_right_arithmetic3A_844 = arith.constant 3 : i32
    %shift_right_arithmetic3A_845 = vector.broadcast %shift_right_arithmetic3A_844 : i32 to vector<16xi32>
    %shift_right_arithmetic3A_846 = arith.shrsi %add3A_843, %shift_right_arithmetic3A_845 : vector<16xi32>
    %and3A_847 = arith.constant 7 : i32
    %and3A_848 = vector.broadcast %and3A_847 : i32 to vector<16xi32>
    %and3A_849 = arith.andi %add3A_843, %and3A_848 : vector<16xi32>
    %gather3A_850 = tpu.vector_load_idx %arg14[%shift_right_arithmetic3A_846, %and3A_849, %and3A_821] : memref<4x8x128xf32, #tpu.memory_space<vmem>>[vector<16xi32>, vector<16xi32>, vector<16xi32>], vector<16xf32>,
    %gather3A_851 = tpu.vector_load_idx %arg17[%shift_right_arithmetic3A_846, %and3A_849, %and3A_824] : memref<4x8x32xf32, #tpu.memory_space<vmem>>[vector<16xi32>, vector<16xi32>, vector<16xi32>], vector<16xf32>,
    %select_n3A_852 = arith.select %ge3A_827, %gather3A_851, %gather3A_850 : vector<16xi1>, vector<16xf32>
    %max3A_853 = arith.maximumf %max3A_780, %select_n3A_852 : vector<16xf32>
    %dma_wait3A_854 = arith.constant 0 : i32
    %dma_wait3A_855 = tpu.memref_slice %arg2[%shift_right_arithmetic3A_4, %dma_wait3A_854, %multiple_of3A_584] : memref<125x8x20000xf32, #tpu.memory_space<hbm>> -> memref<4x8x128xf32, #tpu.memory_space<hbm>>
    %dma_wait3A_856 = arith.constant 0 : i32
    %dma_wait3A_857 = tpu.memref_slice %arg2[%shift_right_arithmetic3A_4, %dma_wait3A_856, %multiple_of3A_584] : memref<125x8x20000xf32, #tpu.memory_space<hbm>> -> memref<4x8x128xf32, #tpu.memory_space<hbm>>
    tpu.wait_dma2 semaphore(%arg24 : memref<!tpu.dma_semaphore, #tpu.memory_space<semaphore_mem>>) src(%dma_wait3A_857 : memref<4x8x128xf32, #tpu.memory_space<hbm>>) dst(%arg15 : memref<4x8x128xf32, #tpu.memory_space<vmem>>)
    %eq3A_858 = arith.constant 10 : i32
    %eq3A_859 = vector.broadcast %eq3A_858 : i32 to vector<16xi32>
    %eq3A_860 = arith.cmpi eq, %iota3A, %eq3A_859 : vector<16xi32>
    %select_n3A_861 = arith.select %eq3A_860, %gather3A, %broadcast_in_dim3A_5 : vector<16xi1>, vector<16xi32>
    %bitcast3A_862 = vector.bitcast %select_n3A_861 : vector<16xi32> to vector<16xf32>
    %reduce_max3A_863 = arith.constant true
    %reduce_max3A_864 = vector.broadcast %reduce_max3A_863 : i1 to vector<16xi1>
    %reduce_max3A_865 = tpu.scan <max>, %bitcast3A_862 masked %reduce_max3A_864 : vector<16xf32>, vector<16xi1> -> vector<16xf32>
    %reduce_max3A_866 = vector.extract %reduce_max3A_865[15] : f32 from vector<16xf32>
    %bitcast_convert_type3A_867 = arith.bitcast %reduce_max3A_866 : f32 to i32
    %shift_right_arithmetic3A_868 = arith.constant 7 : i32
    %shift_right_arithmetic3A_869 = arith.shrsi %bitcast_convert_type3A_867, %shift_right_arithmetic3A_868 : i32
    %ge3A_870 = arith.constant 156 : i32
    %ge3A_871 = arith.cmpi sge, %shift_right_arithmetic3A_869, %ge3A_870 : i32
    %jit3A_872 = arith.constant 155 : i32
    %select_n3A_873 = arith.select %ge3A_871, %jit3A_872, %shift_right_arithmetic3A_869 : i32
    %shift_left3A_874 = arith.constant 7 : i32
    %shift_left3A_875 = arith.shli %select_n3A_873, %shift_left3A_874 : i32
    %multiple_of3A_876 = tpu.assume_multiple %shift_left3A_875, 128 : i32
    %dma_start3A_877 = arith.constant 0 : i32
    %dma_start3A_878 = tpu.memref_slice %arg2[%shift_right_arithmetic3A_4, %dma_start3A_877, %multiple_of3A_876] : memref<125x8x20000xf32, #tpu.memory_space<hbm>> -> memref<4x8x128xf32, #tpu.memory_space<hbm>>
    %dma_start3A_879 = arith.constant 0 : i32
    %dma_start3A_880 = tpu.memref_slice %arg2[%shift_right_arithmetic3A_4, %dma_start3A_879, %multiple_of3A_876] : memref<125x8x20000xf32, #tpu.memory_space<hbm>> -> memref<4x8x128xf32, #tpu.memory_space<hbm>>
    tpu.enqueue_dma source(%dma_start3A_880 : memref<4x8x128xf32, #tpu.memory_space<hbm>>) target(%arg15 : memref<4x8x128xf32, #tpu.memory_space<vmem>>) target_semaphore(%arg24 : memref<!tpu.dma_semaphore, #tpu.memory_space<semaphore_mem>>)
    %eq3A_881 = arith.constant 6 : i32
    %eq3A_882 = vector.broadcast %eq3A_881 : i32 to vector<16xi32>
    %eq3A_883 = arith.cmpi eq, %iota3A, %eq3A_882 : vector<16xi32>
    %select_n3A_884 = arith.select %eq3A_883, %gather3A, %broadcast_in_dim3A_5 : vector<16xi1>, vector<16xi32>
    %bitcast3A_885 = vector.bitcast %select_n3A_884 : vector<16xi32> to vector<16xf32>
    %reduce_max3A_886 = arith.constant true
    %reduce_max3A_887 = vector.broadcast %reduce_max3A_886 : i1 to vector<16xi1>
    %reduce_max3A_888 = tpu.scan <max>, %bitcast3A_885 masked %reduce_max3A_887 : vector<16xf32>, vector<16xi1> -> vector<16xf32>
    %reduce_max3A_889 = vector.extract %reduce_max3A_888[15] : f32 from vector<16xf32>
    %bitcast_convert_type3A_890 = arith.bitcast %reduce_max3A_889 : f32 to i32
    %broadcast_in_dim3A_891 = vector.broadcast %bitcast_convert_type3A_890 : i32 to vector<16xi32>
    %and3A_892 = arith.constant 127 : i32
    %and3A_893 = vector.broadcast %and3A_892 : i32 to vector<16xi32>
    %and3A_894 = arith.andi %broadcast_in_dim3A_891, %and3A_893 : vector<16xi32>
    %and3A_895 = arith.constant 31 : i32
    %and3A_896 = vector.broadcast %and3A_895 : i32 to vector<16xi32>
    %and3A_897 = arith.andi %broadcast_in_dim3A_891, %and3A_896 : vector<16xi32>
    %ge3A_898 = arith.constant 19968 : i32
    %ge3A_899 = vector.broadcast %ge3A_898 : i32 to vector<16xi32>
    %ge3A_900 = arith.cmpi sge, %broadcast_in_dim3A_891, %ge3A_899 : vector<16xi32>
    %add3A_901 = arith.constant 0 : i32
    %add3A_902 = vector.broadcast %add3A_901 : i32 to vector<16xi32>
    %add3A_903 = arith.addi %iota3A, %add3A_902 : vector<16xi32>
    %shift_right_arithmetic3A_904 = arith.constant 3 : i32
    %shift_right_arithmetic3A_905 = vector.broadcast %shift_right_arithmetic3A_904 : i32 to vector<16xi32>
    %shift_right_arithmetic3A_906 = arith.shrsi %add3A_903, %shift_right_arithmetic3A_905 : vector<16xi32>
    %and3A_907 = arith.constant 7 : i32
    %and3A_908 = vector.broadcast %and3A_907 : i32 to vector<16xi32>
    %and3A_909 = arith.andi %add3A_903, %and3A_908 : vector<16xi32>
    %gather3A_910 = tpu.vector_load_idx %arg15[%shift_right_arithmetic3A_906, %and3A_909, %and3A_894] : memref<4x8x128xf32, #tpu.memory_space<vmem>>[vector<16xi32>, vector<16xi32>, vector<16xi32>], vector<16xf32>,
    %gather3A_911 = tpu.vector_load_idx %arg17[%shift_right_arithmetic3A_906, %and3A_909, %and3A_897] : memref<4x8x32xf32, #tpu.memory_space<vmem>>[vector<16xi32>, vector<16xi32>, vector<16xi32>], vector<16xf32>,
    %select_n3A_912 = arith.select %ge3A_900, %gather3A_911, %gather3A_910 : vector<16xi1>, vector<16xf32>
    %max3A_913 = arith.maximumf %max3A_840, %select_n3A_912 : vector<16xf32>
    %add3A_914 = arith.constant 16 : i32
    %add3A_915 = vector.broadcast %add3A_914 : i32 to vector<16xi32>
    %add3A_916 = arith.addi %iota3A, %add3A_915 : vector<16xi32>
    %shift_right_arithmetic3A_917 = arith.constant 3 : i32
    %shift_right_arithmetic3A_918 = vector.broadcast %shift_right_arithmetic3A_917 : i32 to vector<16xi32>
    %shift_right_arithmetic3A_919 = arith.shrsi %add3A_916, %shift_right_arithmetic3A_918 : vector<16xi32>
    %and3A_920 = arith.constant 7 : i32
    %and3A_921 = vector.broadcast %and3A_920 : i32 to vector<16xi32>
    %and3A_922 = arith.andi %add3A_916, %and3A_921 : vector<16xi32>
    %gather3A_923 = tpu.vector_load_idx %arg15[%shift_right_arithmetic3A_919, %and3A_922, %and3A_894] : memref<4x8x128xf32, #tpu.memory_space<vmem>>[vector<16xi32>, vector<16xi32>, vector<16xi32>], vector<16xf32>,
    %gather3A_924 = tpu.vector_load_idx %arg17[%shift_right_arithmetic3A_919, %and3A_922, %and3A_897] : memref<4x8x32xf32, #tpu.memory_space<vmem>>[vector<16xi32>, vector<16xi32>, vector<16xi32>], vector<16xf32>,
    %select_n3A_925 = arith.select %ge3A_900, %gather3A_924, %gather3A_923 : vector<16xi1>, vector<16xf32>
    %max3A_926 = arith.maximumf %max3A_853, %select_n3A_925 : vector<16xf32>
    %dma_wait3A_927 = arith.constant 0 : i32
    %dma_wait3A_928 = tpu.memref_slice %arg2[%shift_right_arithmetic3A_4, %dma_wait3A_927, %multiple_of3A_657] : memref<125x8x20000xf32, #tpu.memory_space<hbm>> -> memref<4x8x128xf32, #tpu.memory_space<hbm>>
    %dma_wait3A_929 = arith.constant 0 : i32
    %dma_wait3A_930 = tpu.memref_slice %arg2[%shift_right_arithmetic3A_4, %dma_wait3A_929, %multiple_of3A_657] : memref<125x8x20000xf32, #tpu.memory_space<hbm>> -> memref<4x8x128xf32, #tpu.memory_space<hbm>>
    tpu.wait_dma2 semaphore(%arg24 : memref<!tpu.dma_semaphore, #tpu.memory_space<semaphore_mem>>) src(%dma_wait3A_930 : memref<4x8x128xf32, #tpu.memory_space<hbm>>) dst(%arg16 : memref<4x8x128xf32, #tpu.memory_space<vmem>>)
    %eq3A_931 = arith.constant 11 : i32
    %eq3A_932 = vector.broadcast %eq3A_931 : i32 to vector<16xi32>
    %eq3A_933 = arith.cmpi eq, %iota3A, %eq3A_932 : vector<16xi32>
    %select_n3A_934 = arith.select %eq3A_933, %gather3A, %broadcast_in_dim3A_5 : vector<16xi1>, vector<16xi32>
    %bitcast3A_935 = vector.bitcast %select_n3A_934 : vector<16xi32> to vector<16xf32>
    %reduce_max3A_936 = arith.constant true
    %reduce_max3A_937 = vector.broadcast %reduce_max3A_936 : i1 to vector<16xi1>
    %reduce_max3A_938 = tpu.scan <max>, %bitcast3A_935 masked %reduce_max3A_937 : vector<16xf32>, vector<16xi1> -> vector<16xf32>
    %reduce_max3A_939 = vector.extract %reduce_max3A_938[15] : f32 from vector<16xf32>
    %bitcast_convert_type3A_940 = arith.bitcast %reduce_max3A_939 : f32 to i32
    %shift_right_arithmetic3A_941 = arith.constant 7 : i32
    %shift_right_arithmetic3A_942 = arith.shrsi %bitcast_convert_type3A_940, %shift_right_arithmetic3A_941 : i32
    %ge3A_943 = arith.constant 156 : i32
    %ge3A_944 = arith.cmpi sge, %shift_right_arithmetic3A_942, %ge3A_943 : i32
    %jit3A_945 = arith.constant 155 : i32
    %select_n3A_946 = arith.select %ge3A_944, %jit3A_945, %shift_right_arithmetic3A_942 : i32
    %shift_left3A_947 = arith.constant 7 : i32
    %shift_left3A_948 = arith.shli %select_n3A_946, %shift_left3A_947 : i32
    %multiple_of3A_949 = tpu.assume_multiple %shift_left3A_948, 128 : i32
    %dma_start3A_950 = arith.constant 0 : i32
    %dma_start3A_951 = tpu.memref_slice %arg2[%shift_right_arithmetic3A_4, %dma_start3A_950, %multiple_of3A_949] : memref<125x8x20000xf32, #tpu.memory_space<hbm>> -> memref<4x8x128xf32, #tpu.memory_space<hbm>>
    %dma_start3A_952 = arith.constant 0 : i32
    %dma_start3A_953 = tpu.memref_slice %arg2[%shift_right_arithmetic3A_4, %dma_start3A_952, %multiple_of3A_949] : memref<125x8x20000xf32, #tpu.memory_space<hbm>> -> memref<4x8x128xf32, #tpu.memory_space<hbm>>
    tpu.enqueue_dma source(%dma_start3A_953 : memref<4x8x128xf32, #tpu.memory_space<hbm>>) target(%arg16 : memref<4x8x128xf32, #tpu.memory_space<vmem>>) target_semaphore(%arg24 : memref<!tpu.dma_semaphore, #tpu.memory_space<semaphore_mem>>)
    %eq3A_954 = arith.constant 7 : i32
    %eq3A_955 = vector.broadcast %eq3A_954 : i32 to vector<16xi32>
    %eq3A_956 = arith.cmpi eq, %iota3A, %eq3A_955 : vector<16xi32>
    %select_n3A_957 = arith.select %eq3A_956, %gather3A, %broadcast_in_dim3A_5 : vector<16xi1>, vector<16xi32>
    %bitcast3A_958 = vector.bitcast %select_n3A_957 : vector<16xi32> to vector<16xf32>
    %reduce_max3A_959 = arith.constant true
    %reduce_max3A_960 = vector.broadcast %reduce_max3A_959 : i1 to vector<16xi1>
    %reduce_max3A_961 = tpu.scan <max>, %bitcast3A_958 masked %reduce_max3A_960 : vector<16xf32>, vector<16xi1> -> vector<16xf32>
    %reduce_max3A_962 = vector.extract %reduce_max3A_961[15] : f32 from vector<16xf32>
    %bitcast_convert_type3A_963 = arith.bitcast %reduce_max3A_962 : f32 to i32
    %broadcast_in_dim3A_964 = vector.broadcast %bitcast_convert_type3A_963 : i32 to vector<16xi32>
    %and3A_965 = arith.constant 127 : i32
    %and3A_966 = vector.broadcast %and3A_965 : i32 to vector<16xi32>
    %and3A_967 = arith.andi %broadcast_in_dim3A_964, %and3A_966 : vector<16xi32>
    %and3A_968 = arith.constant 31 : i32
    %and3A_969 = vector.broadcast %and3A_968 : i32 to vector<16xi32>
    %and3A_970 = arith.andi %broadcast_in_dim3A_964, %and3A_969 : vector<16xi32>
    %ge3A_971 = arith.constant 19968 : i32
    %ge3A_972 = vector.broadcast %ge3A_971 : i32 to vector<16xi32>
    %ge3A_973 = arith.cmpi sge, %broadcast_in_dim3A_964, %ge3A_972 : vector<16xi32>
    %add3A_974 = arith.constant 0 : i32
    %add3A_975 = vector.broadcast %add3A_974 : i32 to vector<16xi32>
    %add3A_976 = arith.addi %iota3A, %add3A_975 : vector<16xi32>
    %shift_right_arithmetic3A_977 = arith.constant 3 : i32
    %shift_right_arithmetic3A_978 = vector.broadcast %shift_right_arithmetic3A_977 : i32 to vector<16xi32>
    %shift_right_arithmetic3A_979 = arith.shrsi %add3A_976, %shift_right_arithmetic3A_978 : vector<16xi32>
    %and3A_980 = arith.constant 7 : i32
    %and3A_981 = vector.broadcast %and3A_980 : i32 to vector<16xi32>
    %and3A_982 = arith.andi %add3A_976, %and3A_981 : vector<16xi32>
    %gather3A_983 = tpu.vector_load_idx %arg16[%shift_right_arithmetic3A_979, %and3A_982, %and3A_967] : memref<4x8x128xf32, #tpu.memory_space<vmem>>[vector<16xi32>, vector<16xi32>, vector<16xi32>], vector<16xf32>,
    %gather3A_984 = tpu.vector_load_idx %arg17[%shift_right_arithmetic3A_979, %and3A_982, %and3A_970] : memref<4x8x32xf32, #tpu.memory_space<vmem>>[vector<16xi32>, vector<16xi32>, vector<16xi32>], vector<16xf32>,
    %select_n3A_985 = arith.select %ge3A_973, %gather3A_984, %gather3A_983 : vector<16xi1>, vector<16xf32>
    %max3A_986 = arith.maximumf %max3A_913, %select_n3A_985 : vector<16xf32>
    %add3A_987 = arith.constant 16 : i32
    %add3A_988 = vector.broadcast %add3A_987 : i32 to vector<16xi32>
    %add3A_989 = arith.addi %iota3A, %add3A_988 : vector<16xi32>
    %shift_right_arithmetic3A_990 = arith.constant 3 : i32
    %shift_right_arithmetic3A_991 = vector.broadcast %shift_right_arithmetic3A_990 : i32 to vector<16xi32>
    %shift_right_arithmetic3A_992 = arith.shrsi %add3A_989, %shift_right_arithmetic3A_991 : vector<16xi32>
    %and3A_993 = arith.constant 7 : i32
    %and3A_994 = vector.broadcast %and3A_993 : i32 to vector<16xi32>
    %and3A_995 = arith.andi %add3A_989, %and3A_994 : vector<16xi32>
    %gather3A_996 = tpu.vector_load_idx %arg16[%shift_right_arithmetic3A_992, %and3A_995, %and3A_967] : memref<4x8x128xf32, #tpu.memory_space<vmem>>[vector<16xi32>, vector<16xi32>, vector<16xi32>], vector<16xf32>,
    %gather3A_997 = tpu.vector_load_idx %arg17[%shift_right_arithmetic3A_992, %and3A_995, %and3A_970] : memref<4x8x32xf32, #tpu.memory_space<vmem>>[vector<16xi32>, vector<16xi32>, vector<16xi32>], vector<16xf32>,
    %select_n3A_998 = arith.select %ge3A_973, %gather3A_997, %gather3A_996 : vector<16xi1>, vector<16xf32>
    %max3A_999 = arith.maximumf %max3A_926, %select_n3A_998 : vector<16xf32>
    %dma_wait3A_1000 = arith.constant 0 : i32
    %dma_wait3A_1001 = tpu.memref_slice %arg2[%shift_right_arithmetic3A_4, %dma_wait3A_1000, %multiple_of3A_730] : memref<125x8x20000xf32, #tpu.memory_space<hbm>> -> memref<4x8x128xf32, #tpu.memory_space<hbm>>
    %dma_wait3A_1002 = arith.constant 0 : i32
    %dma_wait3A_1003 = tpu.memref_slice %arg2[%shift_right_arithmetic3A_4, %dma_wait3A_1002, %multiple_of3A_730] : memref<125x8x20000xf32, #tpu.memory_space<hbm>> -> memref<4x8x128xf32, #tpu.memory_space<hbm>>
    tpu.wait_dma2 semaphore(%arg24 : memref<!tpu.dma_semaphore, #tpu.memory_space<semaphore_mem>>) src(%dma_wait3A_1003 : memref<4x8x128xf32, #tpu.memory_space<hbm>>) dst(%arg13 : memref<4x8x128xf32, #tpu.memory_space<vmem>>)
    %eq3A_1004 = arith.constant 12 : i32
    %eq3A_1005 = vector.broadcast %eq3A_1004 : i32 to vector<16xi32>
    %eq3A_1006 = arith.cmpi eq, %iota3A, %eq3A_1005 : vector<16xi32>
    %select_n3A_1007 = arith.select %eq3A_1006, %gather3A, %broadcast_in_dim3A_5 : vector<16xi1>, vector<16xi32>
    %bitcast3A_1008 = vector.bitcast %select_n3A_1007 : vector<16xi32> to vector<16xf32>
    %reduce_max3A_1009 = arith.constant true
    %reduce_max3A_1010 = vector.broadcast %reduce_max3A_1009 : i1 to vector<16xi1>
    %reduce_max3A_1011 = tpu.scan <max>, %bitcast3A_1008 masked %reduce_max3A_1010 : vector<16xf32>, vector<16xi1> -> vector<16xf32>
    %reduce_max3A_1012 = vector.extract %reduce_max3A_1011[15] : f32 from vector<16xf32>
    %bitcast_convert_type3A_1013 = arith.bitcast %reduce_max3A_1012 : f32 to i32
    %shift_right_arithmetic3A_1014 = arith.constant 7 : i32
    %shift_right_arithmetic3A_1015 = arith.shrsi %bitcast_convert_type3A_1013, %shift_right_arithmetic3A_1014 : i32
    %ge3A_1016 = arith.constant 156 : i32
    %ge3A_1017 = arith.cmpi sge, %shift_right_arithmetic3A_1015, %ge3A_1016 : i32
    %jit3A_1018 = arith.constant 155 : i32
    %select_n3A_1019 = arith.select %ge3A_1017, %jit3A_1018, %shift_right_arithmetic3A_1015 : i32
    %shift_left3A_1020 = arith.constant 7 : i32
    %shift_left3A_1021 = arith.shli %select_n3A_1019, %shift_left3A_1020 : i32
    %multiple_of3A_1022 = tpu.assume_multiple %shift_left3A_1021, 128 : i32
    %dma_start3A_1023 = arith.constant 0 : i32
    %dma_start3A_1024 = tpu.memref_slice %arg2[%shift_right_arithmetic3A_4, %dma_start3A_1023, %multiple_of3A_1022] : memref<125x8x20000xf32, #tpu.memory_space<hbm>> -> memref<4x8x128xf32, #tpu.memory_space<hbm>>
    %dma_start3A_1025 = arith.constant 0 : i32
    %dma_start3A_1026 = tpu.memref_slice %arg2[%shift_right_arithmetic3A_4, %dma_start3A_1025, %multiple_of3A_1022] : memref<125x8x20000xf32, #tpu.memory_space<hbm>> -> memref<4x8x128xf32, #tpu.memory_space<hbm>>
    tpu.enqueue_dma source(%dma_start3A_1026 : memref<4x8x128xf32, #tpu.memory_space<hbm>>) target(%arg13 : memref<4x8x128xf32, #tpu.memory_space<vmem>>) target_semaphore(%arg24 : memref<!tpu.dma_semaphore, #tpu.memory_space<semaphore_mem>>)
    %eq3A_1027 = arith.constant 8 : i32
    %eq3A_1028 = vector.broadcast %eq3A_1027 : i32 to vector<16xi32>
    %eq3A_1029 = arith.cmpi eq, %iota3A, %eq3A_1028 : vector<16xi32>
    %select_n3A_1030 = arith.select %eq3A_1029, %gather3A, %broadcast_in_dim3A_5 : vector<16xi1>, vector<16xi32>
    %bitcast3A_1031 = vector.bitcast %select_n3A_1030 : vector<16xi32> to vector<16xf32>
    %reduce_max3A_1032 = arith.constant true
    %reduce_max3A_1033 = vector.broadcast %reduce_max3A_1032 : i1 to vector<16xi1>
    %reduce_max3A_1034 = tpu.scan <max>, %bitcast3A_1031 masked %reduce_max3A_1033 : vector<16xf32>, vector<16xi1> -> vector<16xf32>
    %reduce_max3A_1035 = vector.extract %reduce_max3A_1034[15] : f32 from vector<16xf32>
    %bitcast_convert_type3A_1036 = arith.bitcast %reduce_max3A_1035 : f32 to i32
    %broadcast_in_dim3A_1037 = vector.broadcast %bitcast_convert_type3A_1036 : i32 to vector<16xi32>
    %and3A_1038 = arith.constant 127 : i32
    %and3A_1039 = vector.broadcast %and3A_1038 : i32 to vector<16xi32>
    %and3A_1040 = arith.andi %broadcast_in_dim3A_1037, %and3A_1039 : vector<16xi32>
    %and3A_1041 = arith.constant 31 : i32
    %and3A_1042 = vector.broadcast %and3A_1041 : i32 to vector<16xi32>
    %and3A_1043 = arith.andi %broadcast_in_dim3A_1037, %and3A_1042 : vector<16xi32>
    %ge3A_1044 = arith.constant 19968 : i32
    %ge3A_1045 = vector.broadcast %ge3A_1044 : i32 to vector<16xi32>
    %ge3A_1046 = arith.cmpi sge, %broadcast_in_dim3A_1037, %ge3A_1045 : vector<16xi32>
    %add3A_1047 = arith.constant 0 : i32
    %add3A_1048 = vector.broadcast %add3A_1047 : i32 to vector<16xi32>
    %add3A_1049 = arith.addi %iota3A, %add3A_1048 : vector<16xi32>
    %shift_right_arithmetic3A_1050 = arith.constant 3 : i32
    %shift_right_arithmetic3A_1051 = vector.broadcast %shift_right_arithmetic3A_1050 : i32 to vector<16xi32>
    %shift_right_arithmetic3A_1052 = arith.shrsi %add3A_1049, %shift_right_arithmetic3A_1051 : vector<16xi32>
    %and3A_1053 = arith.constant 7 : i32
    %and3A_1054 = vector.broadcast %and3A_1053 : i32 to vector<16xi32>
    %and3A_1055 = arith.andi %add3A_1049, %and3A_1054 : vector<16xi32>
    %gather3A_1056 = tpu.vector_load_idx %arg13[%shift_right_arithmetic3A_1052, %and3A_1055, %and3A_1040] : memref<4x8x128xf32, #tpu.memory_space<vmem>>[vector<16xi32>, vector<16xi32>, vector<16xi32>], vector<16xf32>,
    %gather3A_1057 = tpu.vector_load_idx %arg17[%shift_right_arithmetic3A_1052, %and3A_1055, %and3A_1043] : memref<4x8x32xf32, #tpu.memory_space<vmem>>[vector<16xi32>, vector<16xi32>, vector<16xi32>], vector<16xf32>,
    %select_n3A_1058 = arith.select %ge3A_1046, %gather3A_1057, %gather3A_1056 : vector<16xi1>, vector<16xf32>
    %max3A_1059 = arith.maximumf %max3A_986, %select_n3A_1058 : vector<16xf32>
    %add3A_1060 = arith.constant 16 : i32
    %add3A_1061 = vector.broadcast %add3A_1060 : i32 to vector<16xi32>
    %add3A_1062 = arith.addi %iota3A, %add3A_1061 : vector<16xi32>
    %shift_right_arithmetic3A_1063 = arith.constant 3 : i32
    %shift_right_arithmetic3A_1064 = vector.broadcast %shift_right_arithmetic3A_1063 : i32 to vector<16xi32>
    %shift_right_arithmetic3A_1065 = arith.shrsi %add3A_1062, %shift_right_arithmetic3A_1064 : vector<16xi32>
    %and3A_1066 = arith.constant 7 : i32
    %and3A_1067 = vector.broadcast %and3A_1066 : i32 to vector<16xi32>
    %and3A_1068 = arith.andi %add3A_1062, %and3A_1067 : vector<16xi32>
    %gather3A_1069 = tpu.vector_load_idx %arg13[%shift_right_arithmetic3A_1065, %and3A_1068, %and3A_1040] : memref<4x8x128xf32, #tpu.memory_space<vmem>>[vector<16xi32>, vector<16xi32>, vector<16xi32>], vector<16xf32>,
    %gather3A_1070 = tpu.vector_load_idx %arg17[%shift_right_arithmetic3A_1065, %and3A_1068, %and3A_1043] : memref<4x8x32xf32, #tpu.memory_space<vmem>>[vector<16xi32>, vector<16xi32>, vector<16xi32>], vector<16xf32>,
    %select_n3A_1071 = arith.select %ge3A_1046, %gather3A_1070, %gather3A_1069 : vector<16xi1>, vector<16xf32>
    %max3A_1072 = arith.maximumf %max3A_999, %select_n3A_1071 : vector<16xf32>
    %dma_wait3A_1073 = arith.constant 0 : i32
    %dma_wait3A_1074 = tpu.memref_slice %arg2[%shift_right_arithmetic3A_4, %dma_wait3A_1073, %multiple_of3A_803] : memref<125x8x20000xf32, #tpu.memory_space<hbm>> -> memref<4x8x128xf32, #tpu.memory_space<hbm>>
    %dma_wait3A_1075 = arith.constant 0 : i32
    %dma_wait3A_1076 = tpu.memref_slice %arg2[%shift_right_arithmetic3A_4, %dma_wait3A_1075, %multiple_of3A_803] : memref<125x8x20000xf32, #tpu.memory_space<hbm>> -> memref<4x8x128xf32, #tpu.memory_space<hbm>>
    tpu.wait_dma2 semaphore(%arg24 : memref<!tpu.dma_semaphore, #tpu.memory_space<semaphore_mem>>) src(%dma_wait3A_1076 : memref<4x8x128xf32, #tpu.memory_space<hbm>>) dst(%arg14 : memref<4x8x128xf32, #tpu.memory_space<vmem>>)
    %eq3A_1077 = arith.constant 13 : i32
    %eq3A_1078 = vector.broadcast %eq3A_1077 : i32 to vector<16xi32>
    %eq3A_1079 = arith.cmpi eq, %iota3A, %eq3A_1078 : vector<16xi32>
    %select_n3A_1080 = arith.select %eq3A_1079, %gather3A, %broadcast_in_dim3A_5 : vector<16xi1>, vector<16xi32>
    %bitcast3A_1081 = vector.bitcast %select_n3A_1080 : vector<16xi32> to vector<16xf32>
    %reduce_max3A_1082 = arith.constant true
    %reduce_max3A_1083 = vector.broadcast %reduce_max3A_1082 : i1 to vector<16xi1>
    %reduce_max3A_1084 = tpu.scan <max>, %bitcast3A_1081 masked %reduce_max3A_1083 : vector<16xf32>, vector<16xi1> -> vector<16xf32>
    %reduce_max3A_1085 = vector.extract %reduce_max3A_1084[15] : f32 from vector<16xf32>
    %bitcast_convert_type3A_1086 = arith.bitcast %reduce_max3A_1085 : f32 to i32
    %shift_right_arithmetic3A_1087 = arith.constant 7 : i32
    %shift_right_arithmetic3A_1088 = arith.shrsi %bitcast_convert_type3A_1086, %shift_right_arithmetic3A_1087 : i32
    %ge3A_1089 = arith.constant 156 : i32
    %ge3A_1090 = arith.cmpi sge, %shift_right_arithmetic3A_1088, %ge3A_1089 : i32
    %jit3A_1091 = arith.constant 155 : i32
    %select_n3A_1092 = arith.select %ge3A_1090, %jit3A_1091, %shift_right_arithmetic3A_1088 : i32
    %shift_left3A_1093 = arith.constant 7 : i32
    %shift_left3A_1094 = arith.shli %select_n3A_1092, %shift_left3A_1093 : i32
    %multiple_of3A_1095 = tpu.assume_multiple %shift_left3A_1094, 128 : i32
    %dma_start3A_1096 = arith.constant 0 : i32
    %dma_start3A_1097 = tpu.memref_slice %arg2[%shift_right_arithmetic3A_4, %dma_start3A_1096, %multiple_of3A_1095] : memref<125x8x20000xf32, #tpu.memory_space<hbm>> -> memref<4x8x128xf32, #tpu.memory_space<hbm>>
    %dma_start3A_1098 = arith.constant 0 : i32
    %dma_start3A_1099 = tpu.memref_slice %arg2[%shift_right_arithmetic3A_4, %dma_start3A_1098, %multiple_of3A_1095] : memref<125x8x20000xf32, #tpu.memory_space<hbm>> -> memref<4x8x128xf32, #tpu.memory_space<hbm>>
    tpu.enqueue_dma source(%dma_start3A_1099 : memref<4x8x128xf32, #tpu.memory_space<hbm>>) target(%arg14 : memref<4x8x128xf32, #tpu.memory_space<vmem>>) target_semaphore(%arg24 : memref<!tpu.dma_semaphore, #tpu.memory_space<semaphore_mem>>)
    %eq3A_1100 = arith.constant 9 : i32
    %eq3A_1101 = vector.broadcast %eq3A_1100 : i32 to vector<16xi32>
    %eq3A_1102 = arith.cmpi eq, %iota3A, %eq3A_1101 : vector<16xi32>
    %select_n3A_1103 = arith.select %eq3A_1102, %gather3A, %broadcast_in_dim3A_5 : vector<16xi1>, vector<16xi32>
    %bitcast3A_1104 = vector.bitcast %select_n3A_1103 : vector<16xi32> to vector<16xf32>
    %reduce_max3A_1105 = arith.constant true
    %reduce_max3A_1106 = vector.broadcast %reduce_max3A_1105 : i1 to vector<16xi1>
    %reduce_max3A_1107 = tpu.scan <max>, %bitcast3A_1104 masked %reduce_max3A_1106 : vector<16xf32>, vector<16xi1> -> vector<16xf32>
    %reduce_max3A_1108 = vector.extract %reduce_max3A_1107[15] : f32 from vector<16xf32>
    %bitcast_convert_type3A_1109 = arith.bitcast %reduce_max3A_1108 : f32 to i32
    %broadcast_in_dim3A_1110 = vector.broadcast %bitcast_convert_type3A_1109 : i32 to vector<16xi32>
    %and3A_1111 = arith.constant 127 : i32
    %and3A_1112 = vector.broadcast %and3A_1111 : i32 to vector<16xi32>
    %and3A_1113 = arith.andi %broadcast_in_dim3A_1110, %and3A_1112 : vector<16xi32>
    %and3A_1114 = arith.constant 31 : i32
    %and3A_1115 = vector.broadcast %and3A_1114 : i32 to vector<16xi32>
    %and3A_1116 = arith.andi %broadcast_in_dim3A_1110, %and3A_1115 : vector<16xi32>
    %ge3A_1117 = arith.constant 19968 : i32
    %ge3A_1118 = vector.broadcast %ge3A_1117 : i32 to vector<16xi32>
    %ge3A_1119 = arith.cmpi sge, %broadcast_in_dim3A_1110, %ge3A_1118 : vector<16xi32>
    %add3A_1120 = arith.constant 0 : i32
    %add3A_1121 = vector.broadcast %add3A_1120 : i32 to vector<16xi32>
    %add3A_1122 = arith.addi %iota3A, %add3A_1121 : vector<16xi32>
    %shift_right_arithmetic3A_1123 = arith.constant 3 : i32
    %shift_right_arithmetic3A_1124 = vector.broadcast %shift_right_arithmetic3A_1123 : i32 to vector<16xi32>
    %shift_right_arithmetic3A_1125 = arith.shrsi %add3A_1122, %shift_right_arithmetic3A_1124 : vector<16xi32>
    %and3A_1126 = arith.constant 7 : i32
    %and3A_1127 = vector.broadcast %and3A_1126 : i32 to vector<16xi32>
    %and3A_1128 = arith.andi %add3A_1122, %and3A_1127 : vector<16xi32>
    %gather3A_1129 = tpu.vector_load_idx %arg14[%shift_right_arithmetic3A_1125, %and3A_1128, %and3A_1113] : memref<4x8x128xf32, #tpu.memory_space<vmem>>[vector<16xi32>, vector<16xi32>, vector<16xi32>], vector<16xf32>,
    %gather3A_1130 = tpu.vector_load_idx %arg17[%shift_right_arithmetic3A_1125, %and3A_1128, %and3A_1116] : memref<4x8x32xf32, #tpu.memory_space<vmem>>[vector<16xi32>, vector<16xi32>, vector<16xi32>], vector<16xf32>,
    %select_n3A_1131 = arith.select %ge3A_1119, %gather3A_1130, %gather3A_1129 : vector<16xi1>, vector<16xf32>
    %max3A_1132 = arith.maximumf %max3A_1059, %select_n3A_1131 : vector<16xf32>
    %add3A_1133 = arith.constant 16 : i32
    %add3A_1134 = vector.broadcast %add3A_1133 : i32 to vector<16xi32>
    %add3A_1135 = arith.addi %iota3A, %add3A_1134 : vector<16xi32>
    %shift_right_arithmetic3A_1136 = arith.constant 3 : i32
    %shift_right_arithmetic3A_1137 = vector.broadcast %shift_right_arithmetic3A_1136 : i32 to vector<16xi32>
    %shift_right_arithmetic3A_1138 = arith.shrsi %add3A_1135, %shift_right_arithmetic3A_1137 : vector<16xi32>
    %and3A_1139 = arith.constant 7 : i32
    %and3A_1140 = vector.broadcast %and3A_1139 : i32 to vector<16xi32>
    %and3A_1141 = arith.andi %add3A_1135, %and3A_1140 : vector<16xi32>
    %gather3A_1142 = tpu.vector_load_idx %arg14[%shift_right_arithmetic3A_1138, %and3A_1141, %and3A_1113] : memref<4x8x128xf32, #tpu.memory_space<vmem>>[vector<16xi32>, vector<16xi32>, vector<16xi32>], vector<16xf32>,
    %gather3A_1143 = tpu.vector_load_idx %arg17[%shift_right_arithmetic3A_1138, %and3A_1141, %and3A_1116] : memref<4x8x32xf32, #tpu.memory_space<vmem>>[vector<16xi32>, vector<16xi32>, vector<16xi32>], vector<16xf32>,
    %select_n3A_1144 = arith.select %ge3A_1119, %gather3A_1143, %gather3A_1142 : vector<16xi1>, vector<16xf32>
    %max3A_1145 = arith.maximumf %max3A_1072, %select_n3A_1144 : vector<16xf32>
    %dma_wait3A_1146 = arith.constant 0 : i32
    %dma_wait3A_1147 = tpu.memref_slice %arg2[%shift_right_arithmetic3A_4, %dma_wait3A_1146, %multiple_of3A_876] : memref<125x8x20000xf32, #tpu.memory_space<hbm>> -> memref<4x8x128xf32, #tpu.memory_space<hbm>>
    %dma_wait3A_1148 = arith.constant 0 : i32
    %dma_wait3A_1149 = tpu.memref_slice %arg2[%shift_right_arithmetic3A_4, %dma_wait3A_1148, %multiple_of3A_876] : memref<125x8x20000xf32, #tpu.memory_space<hbm>> -> memref<4x8x128xf32, #tpu.memory_space<hbm>>
    tpu.wait_dma2 semaphore(%arg24 : memref<!tpu.dma_semaphore, #tpu.memory_space<semaphore_mem>>) src(%dma_wait3A_1149 : memref<4x8x128xf32, #tpu.memory_space<hbm>>) dst(%arg15 : memref<4x8x128xf32, #tpu.memory_space<vmem>>)
    %eq3A_1150 = arith.constant 14 : i32
    %eq3A_1151 = vector.broadcast %eq3A_1150 : i32 to vector<16xi32>
    %eq3A_1152 = arith.cmpi eq, %iota3A, %eq3A_1151 : vector<16xi32>
    %select_n3A_1153 = arith.select %eq3A_1152, %gather3A, %broadcast_in_dim3A_5 : vector<16xi1>, vector<16xi32>
    %bitcast3A_1154 = vector.bitcast %select_n3A_1153 : vector<16xi32> to vector<16xf32>
    %reduce_max3A_1155 = arith.constant true
    %reduce_max3A_1156 = vector.broadcast %reduce_max3A_1155 : i1 to vector<16xi1>
    %reduce_max3A_1157 = tpu.scan <max>, %bitcast3A_1154 masked %reduce_max3A_1156 : vector<16xf32>, vector<16xi1> -> vector<16xf32>
    %reduce_max3A_1158 = vector.extract %reduce_max3A_1157[15] : f32 from vector<16xf32>
    %bitcast_convert_type3A_1159 = arith.bitcast %reduce_max3A_1158 : f32 to i32
    %shift_right_arithmetic3A_1160 = arith.constant 7 : i32
    %shift_right_arithmetic3A_1161 = arith.shrsi %bitcast_convert_type3A_1159, %shift_right_arithmetic3A_1160 : i32
    %ge3A_1162 = arith.constant 156 : i32
    %ge3A_1163 = arith.cmpi sge, %shift_right_arithmetic3A_1161, %ge3A_1162 : i32
    %jit3A_1164 = arith.constant 155 : i32
    %select_n3A_1165 = arith.select %ge3A_1163, %jit3A_1164, %shift_right_arithmetic3A_1161 : i32
    %shift_left3A_1166 = arith.constant 7 : i32
    %shift_left3A_1167 = arith.shli %select_n3A_1165, %shift_left3A_1166 : i32
    %multiple_of3A_1168 = tpu.assume_multiple %shift_left3A_1167, 128 : i32
    %dma_start3A_1169 = arith.constant 0 : i32
    %dma_start3A_1170 = tpu.memref_slice %arg2[%shift_right_arithmetic3A_4, %dma_start3A_1169, %multiple_of3A_1168] : memref<125x8x20000xf32, #tpu.memory_space<hbm>> -> memref<4x8x128xf32, #tpu.memory_space<hbm>>
    %dma_start3A_1171 = arith.constant 0 : i32
    %dma_start3A_1172 = tpu.memref_slice %arg2[%shift_right_arithmetic3A_4, %dma_start3A_1171, %multiple_of3A_1168] : memref<125x8x20000xf32, #tpu.memory_space<hbm>> -> memref<4x8x128xf32, #tpu.memory_space<hbm>>
    tpu.enqueue_dma source(%dma_start3A_1172 : memref<4x8x128xf32, #tpu.memory_space<hbm>>) target(%arg15 : memref<4x8x128xf32, #tpu.memory_space<vmem>>) target_semaphore(%arg24 : memref<!tpu.dma_semaphore, #tpu.memory_space<semaphore_mem>>)
    %eq3A_1173 = arith.constant 10 : i32
    %eq3A_1174 = vector.broadcast %eq3A_1173 : i32 to vector<16xi32>
    %eq3A_1175 = arith.cmpi eq, %iota3A, %eq3A_1174 : vector<16xi32>
    %select_n3A_1176 = arith.select %eq3A_1175, %gather3A, %broadcast_in_dim3A_5 : vector<16xi1>, vector<16xi32>
    %bitcast3A_1177 = vector.bitcast %select_n3A_1176 : vector<16xi32> to vector<16xf32>
    %reduce_max3A_1178 = arith.constant true
    %reduce_max3A_1179 = vector.broadcast %reduce_max3A_1178 : i1 to vector<16xi1>
    %reduce_max3A_1180 = tpu.scan <max>, %bitcast3A_1177 masked %reduce_max3A_1179 : vector<16xf32>, vector<16xi1> -> vector<16xf32>
    %reduce_max3A_1181 = vector.extract %reduce_max3A_1180[15] : f32 from vector<16xf32>
    %bitcast_convert_type3A_1182 = arith.bitcast %reduce_max3A_1181 : f32 to i32
    %broadcast_in_dim3A_1183 = vector.broadcast %bitcast_convert_type3A_1182 : i32 to vector<16xi32>
    %and3A_1184 = arith.constant 127 : i32
    %and3A_1185 = vector.broadcast %and3A_1184 : i32 to vector<16xi32>
    %and3A_1186 = arith.andi %broadcast_in_dim3A_1183, %and3A_1185 : vector<16xi32>
    %and3A_1187 = arith.constant 31 : i32
    %and3A_1188 = vector.broadcast %and3A_1187 : i32 to vector<16xi32>
    %and3A_1189 = arith.andi %broadcast_in_dim3A_1183, %and3A_1188 : vector<16xi32>
    %ge3A_1190 = arith.constant 19968 : i32
    %ge3A_1191 = vector.broadcast %ge3A_1190 : i32 to vector<16xi32>
    %ge3A_1192 = arith.cmpi sge, %broadcast_in_dim3A_1183, %ge3A_1191 : vector<16xi32>
    %add3A_1193 = arith.constant 0 : i32
    %add3A_1194 = vector.broadcast %add3A_1193 : i32 to vector<16xi32>
    %add3A_1195 = arith.addi %iota3A, %add3A_1194 : vector<16xi32>
    %shift_right_arithmetic3A_1196 = arith.constant 3 : i32
    %shift_right_arithmetic3A_1197 = vector.broadcast %shift_right_arithmetic3A_1196 : i32 to vector<16xi32>
    %shift_right_arithmetic3A_1198 = arith.shrsi %add3A_1195, %shift_right_arithmetic3A_1197 : vector<16xi32>
    %and3A_1199 = arith.constant 7 : i32
    %and3A_1200 = vector.broadcast %and3A_1199 : i32 to vector<16xi32>
    %and3A_1201 = arith.andi %add3A_1195, %and3A_1200 : vector<16xi32>
    %gather3A_1202 = tpu.vector_load_idx %arg15[%shift_right_arithmetic3A_1198, %and3A_1201, %and3A_1186] : memref<4x8x128xf32, #tpu.memory_space<vmem>>[vector<16xi32>, vector<16xi32>, vector<16xi32>], vector<16xf32>,
    %gather3A_1203 = tpu.vector_load_idx %arg17[%shift_right_arithmetic3A_1198, %and3A_1201, %and3A_1189] : memref<4x8x32xf32, #tpu.memory_space<vmem>>[vector<16xi32>, vector<16xi32>, vector<16xi32>], vector<16xf32>,
    %select_n3A_1204 = arith.select %ge3A_1192, %gather3A_1203, %gather3A_1202 : vector<16xi1>, vector<16xf32>
    %max3A_1205 = arith.maximumf %max3A_1132, %select_n3A_1204 : vector<16xf32>
    %add3A_1206 = arith.constant 16 : i32
    %add3A_1207 = vector.broadcast %add3A_1206 : i32 to vector<16xi32>
    %add3A_1208 = arith.addi %iota3A, %add3A_1207 : vector<16xi32>
    %shift_right_arithmetic3A_1209 = arith.constant 3 : i32
    %shift_right_arithmetic3A_1210 = vector.broadcast %shift_right_arithmetic3A_1209 : i32 to vector<16xi32>
    %shift_right_arithmetic3A_1211 = arith.shrsi %add3A_1208, %shift_right_arithmetic3A_1210 : vector<16xi32>
    %and3A_1212 = arith.constant 7 : i32
    %and3A_1213 = vector.broadcast %and3A_1212 : i32 to vector<16xi32>
    %and3A_1214 = arith.andi %add3A_1208, %and3A_1213 : vector<16xi32>
    %gather3A_1215 = tpu.vector_load_idx %arg15[%shift_right_arithmetic3A_1211, %and3A_1214, %and3A_1186] : memref<4x8x128xf32, #tpu.memory_space<vmem>>[vector<16xi32>, vector<16xi32>, vector<16xi32>], vector<16xf32>,
    %gather3A_1216 = tpu.vector_load_idx %arg17[%shift_right_arithmetic3A_1211, %and3A_1214, %and3A_1189] : memref<4x8x32xf32, #tpu.memory_space<vmem>>[vector<16xi32>, vector<16xi32>, vector<16xi32>], vector<16xf32>,
    %select_n3A_1217 = arith.select %ge3A_1192, %gather3A_1216, %gather3A_1215 : vector<16xi1>, vector<16xf32>
    %max3A_1218 = arith.maximumf %max3A_1145, %select_n3A_1217 : vector<16xf32>
    %dma_wait3A_1219 = arith.constant 0 : i32
    %dma_wait3A_1220 = tpu.memref_slice %arg2[%shift_right_arithmetic3A_4, %dma_wait3A_1219, %multiple_of3A_949] : memref<125x8x20000xf32, #tpu.memory_space<hbm>> -> memref<4x8x128xf32, #tpu.memory_space<hbm>>
    %dma_wait3A_1221 = arith.constant 0 : i32
    %dma_wait3A_1222 = tpu.memref_slice %arg2[%shift_right_arithmetic3A_4, %dma_wait3A_1221, %multiple_of3A_949] : memref<125x8x20000xf32, #tpu.memory_space<hbm>> -> memref<4x8x128xf32, #tpu.memory_space<hbm>>
    tpu.wait_dma2 semaphore(%arg24 : memref<!tpu.dma_semaphore, #tpu.memory_space<semaphore_mem>>) src(%dma_wait3A_1222 : memref<4x8x128xf32, #tpu.memory_space<hbm>>) dst(%arg16 : memref<4x8x128xf32, #tpu.memory_space<vmem>>)
    %eq3A_1223 = arith.constant 15 : i32
    %eq3A_1224 = vector.broadcast %eq3A_1223 : i32 to vector<16xi32>
    %eq3A_1225 = arith.cmpi eq, %iota3A, %eq3A_1224 : vector<16xi32>
    %select_n3A_1226 = arith.select %eq3A_1225, %gather3A, %broadcast_in_dim3A_5 : vector<16xi1>, vector<16xi32>
    %bitcast3A_1227 = vector.bitcast %select_n3A_1226 : vector<16xi32> to vector<16xf32>
    %reduce_max3A_1228 = arith.constant true
    %reduce_max3A_1229 = vector.broadcast %reduce_max3A_1228 : i1 to vector<16xi1>
    %reduce_max3A_1230 = tpu.scan <max>, %bitcast3A_1227 masked %reduce_max3A_1229 : vector<16xf32>, vector<16xi1> -> vector<16xf32>
    %reduce_max3A_1231 = vector.extract %reduce_max3A_1230[15] : f32 from vector<16xf32>
    %bitcast_convert_type3A_1232 = arith.bitcast %reduce_max3A_1231 : f32 to i32
    %shift_right_arithmetic3A_1233 = arith.constant 7 : i32
    %shift_right_arithmetic3A_1234 = arith.shrsi %bitcast_convert_type3A_1232, %shift_right_arithmetic3A_1233 : i32
    %ge3A_1235 = arith.constant 156 : i32
    %ge3A_1236 = arith.cmpi sge, %shift_right_arithmetic3A_1234, %ge3A_1235 : i32
    %jit3A_1237 = arith.constant 155 : i32
    %select_n3A_1238 = arith.select %ge3A_1236, %jit3A_1237, %shift_right_arithmetic3A_1234 : i32
    %shift_left3A_1239 = arith.constant 7 : i32
    %shift_left3A_1240 = arith.shli %select_n3A_1238, %shift_left3A_1239 : i32
    %multiple_of3A_1241 = tpu.assume_multiple %shift_left3A_1240, 128 : i32
    %dma_start3A_1242 = arith.constant 0 : i32
    %dma_start3A_1243 = tpu.memref_slice %arg2[%shift_right_arithmetic3A_4, %dma_start3A_1242, %multiple_of3A_1241] : memref<125x8x20000xf32, #tpu.memory_space<hbm>> -> memref<4x8x128xf32, #tpu.memory_space<hbm>>
    %dma_start3A_1244 = arith.constant 0 : i32
    %dma_start3A_1245 = tpu.memref_slice %arg2[%shift_right_arithmetic3A_4, %dma_start3A_1244, %multiple_of3A_1241] : memref<125x8x20000xf32, #tpu.memory_space<hbm>> -> memref<4x8x128xf32, #tpu.memory_space<hbm>>
    tpu.enqueue_dma source(%dma_start3A_1245 : memref<4x8x128xf32, #tpu.memory_space<hbm>>) target(%arg16 : memref<4x8x128xf32, #tpu.memory_space<vmem>>) target_semaphore(%arg24 : memref<!tpu.dma_semaphore, #tpu.memory_space<semaphore_mem>>)
    %eq3A_1246 = arith.constant 11 : i32
    %eq3A_1247 = vector.broadcast %eq3A_1246 : i32 to vector<16xi32>
    %eq3A_1248 = arith.cmpi eq, %iota3A, %eq3A_1247 : vector<16xi32>
    %select_n3A_1249 = arith.select %eq3A_1248, %gather3A, %broadcast_in_dim3A_5 : vector<16xi1>, vector<16xi32>
    %bitcast3A_1250 = vector.bitcast %select_n3A_1249 : vector<16xi32> to vector<16xf32>
    %reduce_max3A_1251 = arith.constant true
    %reduce_max3A_1252 = vector.broadcast %reduce_max3A_1251 : i1 to vector<16xi1>
    %reduce_max3A_1253 = tpu.scan <max>, %bitcast3A_1250 masked %reduce_max3A_1252 : vector<16xf32>, vector<16xi1> -> vector<16xf32>
    %reduce_max3A_1254 = vector.extract %reduce_max3A_1253[15] : f32 from vector<16xf32>
    %bitcast_convert_type3A_1255 = arith.bitcast %reduce_max3A_1254 : f32 to i32
    %broadcast_in_dim3A_1256 = vector.broadcast %bitcast_convert_type3A_1255 : i32 to vector<16xi32>
    %and3A_1257 = arith.constant 127 : i32
    %and3A_1258 = vector.broadcast %and3A_1257 : i32 to vector<16xi32>
    %and3A_1259 = arith.andi %broadcast_in_dim3A_1256, %and3A_1258 : vector<16xi32>
    %and3A_1260 = arith.constant 31 : i32
    %and3A_1261 = vector.broadcast %and3A_1260 : i32 to vector<16xi32>
    %and3A_1262 = arith.andi %broadcast_in_dim3A_1256, %and3A_1261 : vector<16xi32>
    %ge3A_1263 = arith.constant 19968 : i32
    %ge3A_1264 = vector.broadcast %ge3A_1263 : i32 to vector<16xi32>
    %ge3A_1265 = arith.cmpi sge, %broadcast_in_dim3A_1256, %ge3A_1264 : vector<16xi32>
    %add3A_1266 = arith.constant 0 : i32
    %add3A_1267 = vector.broadcast %add3A_1266 : i32 to vector<16xi32>
    %add3A_1268 = arith.addi %iota3A, %add3A_1267 : vector<16xi32>
    %shift_right_arithmetic3A_1269 = arith.constant 3 : i32
    %shift_right_arithmetic3A_1270 = vector.broadcast %shift_right_arithmetic3A_1269 : i32 to vector<16xi32>
    %shift_right_arithmetic3A_1271 = arith.shrsi %add3A_1268, %shift_right_arithmetic3A_1270 : vector<16xi32>
    %and3A_1272 = arith.constant 7 : i32
    %and3A_1273 = vector.broadcast %and3A_1272 : i32 to vector<16xi32>
    %and3A_1274 = arith.andi %add3A_1268, %and3A_1273 : vector<16xi32>
    %gather3A_1275 = tpu.vector_load_idx %arg16[%shift_right_arithmetic3A_1271, %and3A_1274, %and3A_1259] : memref<4x8x128xf32, #tpu.memory_space<vmem>>[vector<16xi32>, vector<16xi32>, vector<16xi32>], vector<16xf32>,
    %gather3A_1276 = tpu.vector_load_idx %arg17[%shift_right_arithmetic3A_1271, %and3A_1274, %and3A_1262] : memref<4x8x32xf32, #tpu.memory_space<vmem>>[vector<16xi32>, vector<16xi32>, vector<16xi32>], vector<16xf32>,
    %select_n3A_1277 = arith.select %ge3A_1265, %gather3A_1276, %gather3A_1275 : vector<16xi1>, vector<16xf32>
    %max3A_1278 = arith.maximumf %max3A_1205, %select_n3A_1277 : vector<16xf32>
    %add3A_1279 = arith.constant 16 : i32
    %add3A_1280 = vector.broadcast %add3A_1279 : i32 to vector<16xi32>
    %add3A_1281 = arith.addi %iota3A, %add3A_1280 : vector<16xi32>
    %shift_right_arithmetic3A_1282 = arith.constant 3 : i32
    %shift_right_arithmetic3A_1283 = vector.broadcast %shift_right_arithmetic3A_1282 : i32 to vector<16xi32>
    %shift_right_arithmetic3A_1284 = arith.shrsi %add3A_1281, %shift_right_arithmetic3A_1283 : vector<16xi32>
    %and3A_1285 = arith.constant 7 : i32
    %and3A_1286 = vector.broadcast %and3A_1285 : i32 to vector<16xi32>
    %and3A_1287 = arith.andi %add3A_1281, %and3A_1286 : vector<16xi32>
    %gather3A_1288 = tpu.vector_load_idx %arg16[%shift_right_arithmetic3A_1284, %and3A_1287, %and3A_1259] : memref<4x8x128xf32, #tpu.memory_space<vmem>>[vector<16xi32>, vector<16xi32>, vector<16xi32>], vector<16xf32>,
    %gather3A_1289 = tpu.vector_load_idx %arg17[%shift_right_arithmetic3A_1284, %and3A_1287, %and3A_1262] : memref<4x8x32xf32, #tpu.memory_space<vmem>>[vector<16xi32>, vector<16xi32>, vector<16xi32>], vector<16xf32>,
    %select_n3A_1290 = arith.select %ge3A_1265, %gather3A_1289, %gather3A_1288 : vector<16xi1>, vector<16xf32>
    %max3A_1291 = arith.maximumf %max3A_1218, %select_n3A_1290 : vector<16xf32>
    %dma_wait3A_1292 = arith.constant 0 : i32
    %dma_wait3A_1293 = tpu.memref_slice %arg2[%shift_right_arithmetic3A_4, %dma_wait3A_1292, %multiple_of3A_1022] : memref<125x8x20000xf32, #tpu.memory_space<hbm>> -> memref<4x8x128xf32, #tpu.memory_space<hbm>>
    %dma_wait3A_1294 = arith.constant 0 : i32
    %dma_wait3A_1295 = tpu.memref_slice %arg2[%shift_right_arithmetic3A_4, %dma_wait3A_1294, %multiple_of3A_1022] : memref<125x8x20000xf32, #tpu.memory_space<hbm>> -> memref<4x8x128xf32, #tpu.memory_space<hbm>>
    tpu.wait_dma2 semaphore(%arg24 : memref<!tpu.dma_semaphore, #tpu.memory_space<semaphore_mem>>) src(%dma_wait3A_1295 : memref<4x8x128xf32, #tpu.memory_space<hbm>>) dst(%arg13 : memref<4x8x128xf32, #tpu.memory_space<vmem>>)
    %eq3A_1296 = arith.constant 0 : i32
    %eq3A_1297 = vector.broadcast %eq3A_1296 : i32 to vector<16xi32>
    %eq3A_1298 = arith.cmpi eq, %iota3A, %eq3A_1297 : vector<16xi32>
    %select_n3A_1299 = arith.select %eq3A_1298, %gather3A_12, %broadcast_in_dim3A_5 : vector<16xi1>, vector<16xi32>
    %bitcast3A_1300 = vector.bitcast %select_n3A_1299 : vector<16xi32> to vector<16xf32>
    %reduce_max3A_1301 = arith.constant true
    %reduce_max3A_1302 = vector.broadcast %reduce_max3A_1301 : i1 to vector<16xi1>
    %reduce_max3A_1303 = tpu.scan <max>, %bitcast3A_1300 masked %reduce_max3A_1302 : vector<16xf32>, vector<16xi1> -> vector<16xf32>
    %reduce_max3A_1304 = vector.extract %reduce_max3A_1303[15] : f32 from vector<16xf32>
    %bitcast_convert_type3A_1305 = arith.bitcast %reduce_max3A_1304 : f32 to i32
    %shift_right_arithmetic3A_1306 = arith.constant 7 : i32
    %shift_right_arithmetic3A_1307 = arith.shrsi %bitcast_convert_type3A_1305, %shift_right_arithmetic3A_1306 : i32
    %ge3A_1308 = arith.constant 78 : i32
    %ge3A_1309 = arith.cmpi sge, %shift_right_arithmetic3A_1307, %ge3A_1308 : i32
    %jit3A_1310 = arith.constant 77 : i32
    %select_n3A_1311 = arith.select %ge3A_1309, %jit3A_1310, %shift_right_arithmetic3A_1307 : i32
    %shift_left3A_1312 = arith.constant 7 : i32
    %shift_left3A_1313 = arith.shli %select_n3A_1311, %shift_left3A_1312 : i32
    %multiple_of3A_1314 = tpu.assume_multiple %shift_left3A_1313, 128 : i32
    %dma_start3A_1315 = arith.constant 0 : i32
    %dma_start3A_1316 = tpu.memref_slice %arg3[%shift_right_arithmetic3A_4, %dma_start3A_1315, %multiple_of3A_1314] : memref<125x8x10000xf32, #tpu.memory_space<hbm>> -> memref<4x8x128xf32, #tpu.memory_space<hbm>>
    %dma_start3A_1317 = arith.constant 0 : i32
    %dma_start3A_1318 = tpu.memref_slice %arg3[%shift_right_arithmetic3A_4, %dma_start3A_1317, %multiple_of3A_1314] : memref<125x8x10000xf32, #tpu.memory_space<hbm>> -> memref<4x8x128xf32, #tpu.memory_space<hbm>>
    tpu.enqueue_dma source(%dma_start3A_1318 : memref<4x8x128xf32, #tpu.memory_space<hbm>>) target(%arg13 : memref<4x8x128xf32, #tpu.memory_space<vmem>>) target_semaphore(%arg24 : memref<!tpu.dma_semaphore, #tpu.memory_space<semaphore_mem>>)
    %eq3A_1319 = arith.constant 12 : i32
    %eq3A_1320 = vector.broadcast %eq3A_1319 : i32 to vector<16xi32>
    %eq3A_1321 = arith.cmpi eq, %iota3A, %eq3A_1320 : vector<16xi32>
    %select_n3A_1322 = arith.select %eq3A_1321, %gather3A, %broadcast_in_dim3A_5 : vector<16xi1>, vector<16xi32>
    %bitcast3A_1323 = vector.bitcast %select_n3A_1322 : vector<16xi32> to vector<16xf32>
    %reduce_max3A_1324 = arith.constant true
    %reduce_max3A_1325 = vector.broadcast %reduce_max3A_1324 : i1 to vector<16xi1>
    %reduce_max3A_1326 = tpu.scan <max>, %bitcast3A_1323 masked %reduce_max3A_1325 : vector<16xf32>, vector<16xi1> -> vector<16xf32>
    %reduce_max3A_1327 = vector.extract %reduce_max3A_1326[15] : f32 from vector<16xf32>
    %bitcast_convert_type3A_1328 = arith.bitcast %reduce_max3A_1327 : f32 to i32
    %broadcast_in_dim3A_1329 = vector.broadcast %bitcast_convert_type3A_1328 : i32 to vector<16xi32>
    %and3A_1330 = arith.constant 127 : i32
    %and3A_1331 = vector.broadcast %and3A_1330 : i32 to vector<16xi32>
    %and3A_1332 = arith.andi %broadcast_in_dim3A_1329, %and3A_1331 : vector<16xi32>
    %and3A_1333 = arith.constant 31 : i32
    %and3A_1334 = vector.broadcast %and3A_1333 : i32 to vector<16xi32>
    %and3A_1335 = arith.andi %broadcast_in_dim3A_1329, %and3A_1334 : vector<16xi32>
    %ge3A_1336 = arith.constant 19968 : i32
    %ge3A_1337 = vector.broadcast %ge3A_1336 : i32 to vector<16xi32>
    %ge3A_1338 = arith.cmpi sge, %broadcast_in_dim3A_1329, %ge3A_1337 : vector<16xi32>
    %add3A_1339 = arith.constant 0 : i32
    %add3A_1340 = vector.broadcast %add3A_1339 : i32 to vector<16xi32>
    %add3A_1341 = arith.addi %iota3A, %add3A_1340 : vector<16xi32>
    %shift_right_arithmetic3A_1342 = arith.constant 3 : i32
    %shift_right_arithmetic3A_1343 = vector.broadcast %shift_right_arithmetic3A_1342 : i32 to vector<16xi32>
    %shift_right_arithmetic3A_1344 = arith.shrsi %add3A_1341, %shift_right_arithmetic3A_1343 : vector<16xi32>
    %and3A_1345 = arith.constant 7 : i32
    %and3A_1346 = vector.broadcast %and3A_1345 : i32 to vector<16xi32>
    %and3A_1347 = arith.andi %add3A_1341, %and3A_1346 : vector<16xi32>
    %gather3A_1348 = tpu.vector_load_idx %arg13[%shift_right_arithmetic3A_1344, %and3A_1347, %and3A_1332] : memref<4x8x128xf32, #tpu.memory_space<vmem>>[vector<16xi32>, vector<16xi32>, vector<16xi32>], vector<16xf32>,
    %gather3A_1349 = tpu.vector_load_idx %arg17[%shift_right_arithmetic3A_1344, %and3A_1347, %and3A_1335] : memref<4x8x32xf32, #tpu.memory_space<vmem>>[vector<16xi32>, vector<16xi32>, vector<16xi32>], vector<16xf32>,
    %select_n3A_1350 = arith.select %ge3A_1338, %gather3A_1349, %gather3A_1348 : vector<16xi1>, vector<16xf32>
    %max3A_1351 = arith.maximumf %max3A_1278, %select_n3A_1350 : vector<16xf32>
    %add3A_1352 = arith.constant 16 : i32
    %add3A_1353 = vector.broadcast %add3A_1352 : i32 to vector<16xi32>
    %add3A_1354 = arith.addi %iota3A, %add3A_1353 : vector<16xi32>
    %shift_right_arithmetic3A_1355 = arith.constant 3 : i32
    %shift_right_arithmetic3A_1356 = vector.broadcast %shift_right_arithmetic3A_1355 : i32 to vector<16xi32>
    %shift_right_arithmetic3A_1357 = arith.shrsi %add3A_1354, %shift_right_arithmetic3A_1356 : vector<16xi32>
    %and3A_1358 = arith.constant 7 : i32
    %and3A_1359 = vector.broadcast %and3A_1358 : i32 to vector<16xi32>
    %and3A_1360 = arith.andi %add3A_1354, %and3A_1359 : vector<16xi32>
    %gather3A_1361 = tpu.vector_load_idx %arg13[%shift_right_arithmetic3A_1357, %and3A_1360, %and3A_1332] : memref<4x8x128xf32, #tpu.memory_space<vmem>>[vector<16xi32>, vector<16xi32>, vector<16xi32>], vector<16xf32>,
    %gather3A_1362 = tpu.vector_load_idx %arg17[%shift_right_arithmetic3A_1357, %and3A_1360, %and3A_1335] : memref<4x8x32xf32, #tpu.memory_space<vmem>>[vector<16xi32>, vector<16xi32>, vector<16xi32>], vector<16xf32>,
    %select_n3A_1363 = arith.select %ge3A_1338, %gather3A_1362, %gather3A_1361 : vector<16xi1>, vector<16xf32>
    %max3A_1364 = arith.maximumf %max3A_1291, %select_n3A_1363 : vector<16xf32>
    %dma_wait3A_1365 = arith.constant 0 : i32
    %dma_wait3A_1366 = tpu.memref_slice %arg2[%shift_right_arithmetic3A_4, %dma_wait3A_1365, %multiple_of3A_1095] : memref<125x8x20000xf32, #tpu.memory_space<hbm>> -> memref<4x8x128xf32, #tpu.memory_space<hbm>>
    %dma_wait3A_1367 = arith.constant 0 : i32
    %dma_wait3A_1368 = tpu.memref_slice %arg2[%shift_right_arithmetic3A_4, %dma_wait3A_1367, %multiple_of3A_1095] : memref<125x8x20000xf32, #tpu.memory_space<hbm>> -> memref<4x8x128xf32, #tpu.memory_space<hbm>>
    tpu.wait_dma2 semaphore(%arg24 : memref<!tpu.dma_semaphore, #tpu.memory_space<semaphore_mem>>) src(%dma_wait3A_1368 : memref<4x8x128xf32, #tpu.memory_space<hbm>>) dst(%arg14 : memref<4x8x128xf32, #tpu.memory_space<vmem>>)
    %eq3A_1369 = arith.constant 1 : i32
    %eq3A_1370 = vector.broadcast %eq3A_1369 : i32 to vector<16xi32>
    %eq3A_1371 = arith.cmpi eq, %iota3A, %eq3A_1370 : vector<16xi32>
    %select_n3A_1372 = arith.select %eq3A_1371, %gather3A_12, %broadcast_in_dim3A_5 : vector<16xi1>, vector<16xi32>
    %bitcast3A_1373 = vector.bitcast %select_n3A_1372 : vector<16xi32> to vector<16xf32>
    %reduce_max3A_1374 = arith.constant true
    %reduce_max3A_1375 = vector.broadcast %reduce_max3A_1374 : i1 to vector<16xi1>
    %reduce_max3A_1376 = tpu.scan <max>, %bitcast3A_1373 masked %reduce_max3A_1375 : vector<16xf32>, vector<16xi1> -> vector<16xf32>
    %reduce_max3A_1377 = vector.extract %reduce_max3A_1376[15] : f32 from vector<16xf32>
    %bitcast_convert_type3A_1378 = arith.bitcast %reduce_max3A_1377 : f32 to i32
    %shift_right_arithmetic3A_1379 = arith.constant 7 : i32
    %shift_right_arithmetic3A_1380 = arith.shrsi %bitcast_convert_type3A_1378, %shift_right_arithmetic3A_1379 : i32
    %ge3A_1381 = arith.constant 78 : i32
    %ge3A_1382 = arith.cmpi sge, %shift_right_arithmetic3A_1380, %ge3A_1381 : i32
    %jit3A_1383 = arith.constant 77 : i32
    %select_n3A_1384 = arith.select %ge3A_1382, %jit3A_1383, %shift_right_arithmetic3A_1380 : i32
    %shift_left3A_1385 = arith.constant 7 : i32
    %shift_left3A_1386 = arith.shli %select_n3A_1384, %shift_left3A_1385 : i32
    %multiple_of3A_1387 = tpu.assume_multiple %shift_left3A_1386, 128 : i32
    %dma_start3A_1388 = arith.constant 0 : i32
    %dma_start3A_1389 = tpu.memref_slice %arg3[%shift_right_arithmetic3A_4, %dma_start3A_1388, %multiple_of3A_1387] : memref<125x8x10000xf32, #tpu.memory_space<hbm>> -> memref<4x8x128xf32, #tpu.memory_space<hbm>>
    %dma_start3A_1390 = arith.constant 0 : i32
    %dma_start3A_1391 = tpu.memref_slice %arg3[%shift_right_arithmetic3A_4, %dma_start3A_1390, %multiple_of3A_1387] : memref<125x8x10000xf32, #tpu.memory_space<hbm>> -> memref<4x8x128xf32, #tpu.memory_space<hbm>>
    tpu.enqueue_dma source(%dma_start3A_1391 : memref<4x8x128xf32, #tpu.memory_space<hbm>>) target(%arg14 : memref<4x8x128xf32, #tpu.memory_space<vmem>>) target_semaphore(%arg24 : memref<!tpu.dma_semaphore, #tpu.memory_space<semaphore_mem>>)
    %eq3A_1392 = arith.constant 13 : i32
    %eq3A_1393 = vector.broadcast %eq3A_1392 : i32 to vector<16xi32>
    %eq3A_1394 = arith.cmpi eq, %iota3A, %eq3A_1393 : vector<16xi32>
    %select_n3A_1395 = arith.select %eq3A_1394, %gather3A, %broadcast_in_dim3A_5 : vector<16xi1>, vector<16xi32>
    %bitcast3A_1396 = vector.bitcast %select_n3A_1395 : vector<16xi32> to vector<16xf32>
    %reduce_max3A_1397 = arith.constant true
    %reduce_max3A_1398 = vector.broadcast %reduce_max3A_1397 : i1 to vector<16xi1>
    %reduce_max3A_1399 = tpu.scan <max>, %bitcast3A_1396 masked %reduce_max3A_1398 : vector<16xf32>, vector<16xi1> -> vector<16xf32>
    %reduce_max3A_1400 = vector.extract %reduce_max3A_1399[15] : f32 from vector<16xf32>
    %bitcast_convert_type3A_1401 = arith.bitcast %reduce_max3A_1400 : f32 to i32
    %broadcast_in_dim3A_1402 = vector.broadcast %bitcast_convert_type3A_1401 : i32 to vector<16xi32>
    %and3A_1403 = arith.constant 127 : i32
    %and3A_1404 = vector.broadcast %and3A_1403 : i32 to vector<16xi32>
    %and3A_1405 = arith.andi %broadcast_in_dim3A_1402, %and3A_1404 : vector<16xi32>
    %and3A_1406 = arith.constant 31 : i32
    %and3A_1407 = vector.broadcast %and3A_1406 : i32 to vector<16xi32>
    %and3A_1408 = arith.andi %broadcast_in_dim3A_1402, %and3A_1407 : vector<16xi32>
    %ge3A_1409 = arith.constant 19968 : i32
    %ge3A_1410 = vector.broadcast %ge3A_1409 : i32 to vector<16xi32>
    %ge3A_1411 = arith.cmpi sge, %broadcast_in_dim3A_1402, %ge3A_1410 : vector<16xi32>
    %add3A_1412 = arith.constant 0 : i32
    %add3A_1413 = vector.broadcast %add3A_1412 : i32 to vector<16xi32>
    %add3A_1414 = arith.addi %iota3A, %add3A_1413 : vector<16xi32>
    %shift_right_arithmetic3A_1415 = arith.constant 3 : i32
    %shift_right_arithmetic3A_1416 = vector.broadcast %shift_right_arithmetic3A_1415 : i32 to vector<16xi32>
    %shift_right_arithmetic3A_1417 = arith.shrsi %add3A_1414, %shift_right_arithmetic3A_1416 : vector<16xi32>
    %and3A_1418 = arith.constant 7 : i32
    %and3A_1419 = vector.broadcast %and3A_1418 : i32 to vector<16xi32>
    %and3A_1420 = arith.andi %add3A_1414, %and3A_1419 : vector<16xi32>
    %gather3A_1421 = tpu.vector_load_idx %arg14[%shift_right_arithmetic3A_1417, %and3A_1420, %and3A_1405] : memref<4x8x128xf32, #tpu.memory_space<vmem>>[vector<16xi32>, vector<16xi32>, vector<16xi32>], vector<16xf32>,
    %gather3A_1422 = tpu.vector_load_idx %arg17[%shift_right_arithmetic3A_1417, %and3A_1420, %and3A_1408] : memref<4x8x32xf32, #tpu.memory_space<vmem>>[vector<16xi32>, vector<16xi32>, vector<16xi32>], vector<16xf32>,
    %select_n3A_1423 = arith.select %ge3A_1411, %gather3A_1422, %gather3A_1421 : vector<16xi1>, vector<16xf32>
    %max3A_1424 = arith.maximumf %max3A_1351, %select_n3A_1423 : vector<16xf32>
    %add3A_1425 = arith.constant 16 : i32
    %add3A_1426 = vector.broadcast %add3A_1425 : i32 to vector<16xi32>
    %add3A_1427 = arith.addi %iota3A, %add3A_1426 : vector<16xi32>
    %shift_right_arithmetic3A_1428 = arith.constant 3 : i32
    %shift_right_arithmetic3A_1429 = vector.broadcast %shift_right_arithmetic3A_1428 : i32 to vector<16xi32>
    %shift_right_arithmetic3A_1430 = arith.shrsi %add3A_1427, %shift_right_arithmetic3A_1429 : vector<16xi32>
    %and3A_1431 = arith.constant 7 : i32
    %and3A_1432 = vector.broadcast %and3A_1431 : i32 to vector<16xi32>
    %and3A_1433 = arith.andi %add3A_1427, %and3A_1432 : vector<16xi32>
    %gather3A_1434 = tpu.vector_load_idx %arg14[%shift_right_arithmetic3A_1430, %and3A_1433, %and3A_1405] : memref<4x8x128xf32, #tpu.memory_space<vmem>>[vector<16xi32>, vector<16xi32>, vector<16xi32>], vector<16xf32>,
    %gather3A_1435 = tpu.vector_load_idx %arg17[%shift_right_arithmetic3A_1430, %and3A_1433, %and3A_1408] : memref<4x8x32xf32, #tpu.memory_space<vmem>>[vector<16xi32>, vector<16xi32>, vector<16xi32>], vector<16xf32>,
    %select_n3A_1436 = arith.select %ge3A_1411, %gather3A_1435, %gather3A_1434 : vector<16xi1>, vector<16xf32>
    %max3A_1437 = arith.maximumf %max3A_1364, %select_n3A_1436 : vector<16xf32>
    %dma_wait3A_1438 = arith.constant 0 : i32
    %dma_wait3A_1439 = tpu.memref_slice %arg2[%shift_right_arithmetic3A_4, %dma_wait3A_1438, %multiple_of3A_1168] : memref<125x8x20000xf32, #tpu.memory_space<hbm>> -> memref<4x8x128xf32, #tpu.memory_space<hbm>>
    %dma_wait3A_1440 = arith.constant 0 : i32
    %dma_wait3A_1441 = tpu.memref_slice %arg2[%shift_right_arithmetic3A_4, %dma_wait3A_1440, %multiple_of3A_1168] : memref<125x8x20000xf32, #tpu.memory_space<hbm>> -> memref<4x8x128xf32, #tpu.memory_space<hbm>>
    tpu.wait_dma2 semaphore(%arg24 : memref<!tpu.dma_semaphore, #tpu.memory_space<semaphore_mem>>) src(%dma_wait3A_1441 : memref<4x8x128xf32, #tpu.memory_space<hbm>>) dst(%arg15 : memref<4x8x128xf32, #tpu.memory_space<vmem>>)
    %eq3A_1442 = arith.constant 2 : i32
    %eq3A_1443 = vector.broadcast %eq3A_1442 : i32 to vector<16xi32>
    %eq3A_1444 = arith.cmpi eq, %iota3A, %eq3A_1443 : vector<16xi32>
    %select_n3A_1445 = arith.select %eq3A_1444, %gather3A_12, %broadcast_in_dim3A_5 : vector<16xi1>, vector<16xi32>
    %bitcast3A_1446 = vector.bitcast %select_n3A_1445 : vector<16xi32> to vector<16xf32>
    %reduce_max3A_1447 = arith.constant true
    %reduce_max3A_1448 = vector.broadcast %reduce_max3A_1447 : i1 to vector<16xi1>
    %reduce_max3A_1449 = tpu.scan <max>, %bitcast3A_1446 masked %reduce_max3A_1448 : vector<16xf32>, vector<16xi1> -> vector<16xf32>
    %reduce_max3A_1450 = vector.extract %reduce_max3A_1449[15] : f32 from vector<16xf32>
    %bitcast_convert_type3A_1451 = arith.bitcast %reduce_max3A_1450 : f32 to i32
    %shift_right_arithmetic3A_1452 = arith.constant 7 : i32
    %shift_right_arithmetic3A_1453 = arith.shrsi %bitcast_convert_type3A_1451, %shift_right_arithmetic3A_1452 : i32
    %ge3A_1454 = arith.constant 78 : i32
    %ge3A_1455 = arith.cmpi sge, %shift_right_arithmetic3A_1453, %ge3A_1454 : i32
    %jit3A_1456 = arith.constant 77 : i32
    %select_n3A_1457 = arith.select %ge3A_1455, %jit3A_1456, %shift_right_arithmetic3A_1453 : i32
    %shift_left3A_1458 = arith.constant 7 : i32
    %shift_left3A_1459 = arith.shli %select_n3A_1457, %shift_left3A_1458 : i32
    %multiple_of3A_1460 = tpu.assume_multiple %shift_left3A_1459, 128 : i32
    %dma_start3A_1461 = arith.constant 0 : i32
    %dma_start3A_1462 = tpu.memref_slice %arg3[%shift_right_arithmetic3A_4, %dma_start3A_1461, %multiple_of3A_1460] : memref<125x8x10000xf32, #tpu.memory_space<hbm>> -> memref<4x8x128xf32, #tpu.memory_space<hbm>>
    %dma_start3A_1463 = arith.constant 0 : i32
    %dma_start3A_1464 = tpu.memref_slice %arg3[%shift_right_arithmetic3A_4, %dma_start3A_1463, %multiple_of3A_1460] : memref<125x8x10000xf32, #tpu.memory_space<hbm>> -> memref<4x8x128xf32, #tpu.memory_space<hbm>>
    tpu.enqueue_dma source(%dma_start3A_1464 : memref<4x8x128xf32, #tpu.memory_space<hbm>>) target(%arg15 : memref<4x8x128xf32, #tpu.memory_space<vmem>>) target_semaphore(%arg24 : memref<!tpu.dma_semaphore, #tpu.memory_space<semaphore_mem>>)
    %eq3A_1465 = arith.constant 14 : i32
    %eq3A_1466 = vector.broadcast %eq3A_1465 : i32 to vector<16xi32>
    %eq3A_1467 = arith.cmpi eq, %iota3A, %eq3A_1466 : vector<16xi32>
    %select_n3A_1468 = arith.select %eq3A_1467, %gather3A, %broadcast_in_dim3A_5 : vector<16xi1>, vector<16xi32>
    %bitcast3A_1469 = vector.bitcast %select_n3A_1468 : vector<16xi32> to vector<16xf32>
    %reduce_max3A_1470 = arith.constant true
    %reduce_max3A_1471 = vector.broadcast %reduce_max3A_1470 : i1 to vector<16xi1>
    %reduce_max3A_1472 = tpu.scan <max>, %bitcast3A_1469 masked %reduce_max3A_1471 : vector<16xf32>, vector<16xi1> -> vector<16xf32>
    %reduce_max3A_1473 = vector.extract %reduce_max3A_1472[15] : f32 from vector<16xf32>
    %bitcast_convert_type3A_1474 = arith.bitcast %reduce_max3A_1473 : f32 to i32
    %broadcast_in_dim3A_1475 = vector.broadcast %bitcast_convert_type3A_1474 : i32 to vector<16xi32>
    %and3A_1476 = arith.constant 127 : i32
    %and3A_1477 = vector.broadcast %and3A_1476 : i32 to vector<16xi32>
    %and3A_1478 = arith.andi %broadcast_in_dim3A_1475, %and3A_1477 : vector<16xi32>
    %and3A_1479 = arith.constant 31 : i32
    %and3A_1480 = vector.broadcast %and3A_1479 : i32 to vector<16xi32>
    %and3A_1481 = arith.andi %broadcast_in_dim3A_1475, %and3A_1480 : vector<16xi32>
    %ge3A_1482 = arith.constant 19968 : i32
    %ge3A_1483 = vector.broadcast %ge3A_1482 : i32 to vector<16xi32>
    %ge3A_1484 = arith.cmpi sge, %broadcast_in_dim3A_1475, %ge3A_1483 : vector<16xi32>
    %add3A_1485 = arith.constant 0 : i32
    %add3A_1486 = vector.broadcast %add3A_1485 : i32 to vector<16xi32>
    %add3A_1487 = arith.addi %iota3A, %add3A_1486 : vector<16xi32>
    %shift_right_arithmetic3A_1488 = arith.constant 3 : i32
    %shift_right_arithmetic3A_1489 = vector.broadcast %shift_right_arithmetic3A_1488 : i32 to vector<16xi32>
    %shift_right_arithmetic3A_1490 = arith.shrsi %add3A_1487, %shift_right_arithmetic3A_1489 : vector<16xi32>
    %and3A_1491 = arith.constant 7 : i32
    %and3A_1492 = vector.broadcast %and3A_1491 : i32 to vector<16xi32>
    %and3A_1493 = arith.andi %add3A_1487, %and3A_1492 : vector<16xi32>
    %gather3A_1494 = tpu.vector_load_idx %arg15[%shift_right_arithmetic3A_1490, %and3A_1493, %and3A_1478] : memref<4x8x128xf32, #tpu.memory_space<vmem>>[vector<16xi32>, vector<16xi32>, vector<16xi32>], vector<16xf32>,
    %gather3A_1495 = tpu.vector_load_idx %arg17[%shift_right_arithmetic3A_1490, %and3A_1493, %and3A_1481] : memref<4x8x32xf32, #tpu.memory_space<vmem>>[vector<16xi32>, vector<16xi32>, vector<16xi32>], vector<16xf32>,
    %select_n3A_1496 = arith.select %ge3A_1484, %gather3A_1495, %gather3A_1494 : vector<16xi1>, vector<16xf32>
    %max3A_1497 = arith.maximumf %max3A_1424, %select_n3A_1496 : vector<16xf32>
    %add3A_1498 = arith.constant 16 : i32
    %add3A_1499 = vector.broadcast %add3A_1498 : i32 to vector<16xi32>
    %add3A_1500 = arith.addi %iota3A, %add3A_1499 : vector<16xi32>
    %shift_right_arithmetic3A_1501 = arith.constant 3 : i32
    %shift_right_arithmetic3A_1502 = vector.broadcast %shift_right_arithmetic3A_1501 : i32 to vector<16xi32>
    %shift_right_arithmetic3A_1503 = arith.shrsi %add3A_1500, %shift_right_arithmetic3A_1502 : vector<16xi32>
    %and3A_1504 = arith.constant 7 : i32
    %and3A_1505 = vector.broadcast %and3A_1504 : i32 to vector<16xi32>
    %and3A_1506 = arith.andi %add3A_1500, %and3A_1505 : vector<16xi32>
    %gather3A_1507 = tpu.vector_load_idx %arg15[%shift_right_arithmetic3A_1503, %and3A_1506, %and3A_1478] : memref<4x8x128xf32, #tpu.memory_space<vmem>>[vector<16xi32>, vector<16xi32>, vector<16xi32>], vector<16xf32>,
    %gather3A_1508 = tpu.vector_load_idx %arg17[%shift_right_arithmetic3A_1503, %and3A_1506, %and3A_1481] : memref<4x8x32xf32, #tpu.memory_space<vmem>>[vector<16xi32>, vector<16xi32>, vector<16xi32>], vector<16xf32>,
    %select_n3A_1509 = arith.select %ge3A_1484, %gather3A_1508, %gather3A_1507 : vector<16xi1>, vector<16xf32>
    %max3A_1510 = arith.maximumf %max3A_1437, %select_n3A_1509 : vector<16xf32>
    %dma_wait3A_1511 = arith.constant 0 : i32
    %dma_wait3A_1512 = tpu.memref_slice %arg2[%shift_right_arithmetic3A_4, %dma_wait3A_1511, %multiple_of3A_1241] : memref<125x8x20000xf32, #tpu.memory_space<hbm>> -> memref<4x8x128xf32, #tpu.memory_space<hbm>>
    %dma_wait3A_1513 = arith.constant 0 : i32
    %dma_wait3A_1514 = tpu.memref_slice %arg2[%shift_right_arithmetic3A_4, %dma_wait3A_1513, %multiple_of3A_1241] : memref<125x8x20000xf32, #tpu.memory_space<hbm>> -> memref<4x8x128xf32, #tpu.memory_space<hbm>>
    tpu.wait_dma2 semaphore(%arg24 : memref<!tpu.dma_semaphore, #tpu.memory_space<semaphore_mem>>) src(%dma_wait3A_1514 : memref<4x8x128xf32, #tpu.memory_space<hbm>>) dst(%arg16 : memref<4x8x128xf32, #tpu.memory_space<vmem>>)
    %eq3A_1515 = arith.constant 3 : i32
    %eq3A_1516 = vector.broadcast %eq3A_1515 : i32 to vector<16xi32>
    %eq3A_1517 = arith.cmpi eq, %iota3A, %eq3A_1516 : vector<16xi32>
    %select_n3A_1518 = arith.select %eq3A_1517, %gather3A_12, %broadcast_in_dim3A_5 : vector<16xi1>, vector<16xi32>
    %bitcast3A_1519 = vector.bitcast %select_n3A_1518 : vector<16xi32> to vector<16xf32>
    %reduce_max3A_1520 = arith.constant true
    %reduce_max3A_1521 = vector.broadcast %reduce_max3A_1520 : i1 to vector<16xi1>
    %reduce_max3A_1522 = tpu.scan <max>, %bitcast3A_1519 masked %reduce_max3A_1521 : vector<16xf32>, vector<16xi1> -> vector<16xf32>
    %reduce_max3A_1523 = vector.extract %reduce_max3A_1522[15] : f32 from vector<16xf32>
    %bitcast_convert_type3A_1524 = arith.bitcast %reduce_max3A_1523 : f32 to i32
    %shift_right_arithmetic3A_1525 = arith.constant 7 : i32
    %shift_right_arithmetic3A_1526 = arith.shrsi %bitcast_convert_type3A_1524, %shift_right_arithmetic3A_1525 : i32
    %ge3A_1527 = arith.constant 78 : i32
    %ge3A_1528 = arith.cmpi sge, %shift_right_arithmetic3A_1526, %ge3A_1527 : i32
    %jit3A_1529 = arith.constant 77 : i32
    %select_n3A_1530 = arith.select %ge3A_1528, %jit3A_1529, %shift_right_arithmetic3A_1526 : i32
    %shift_left3A_1531 = arith.constant 7 : i32
    %shift_left3A_1532 = arith.shli %select_n3A_1530, %shift_left3A_1531 : i32
    %multiple_of3A_1533 = tpu.assume_multiple %shift_left3A_1532, 128 : i32
    %dma_start3A_1534 = arith.constant 0 : i32
    %dma_start3A_1535 = tpu.memref_slice %arg3[%shift_right_arithmetic3A_4, %dma_start3A_1534, %multiple_of3A_1533] : memref<125x8x10000xf32, #tpu.memory_space<hbm>> -> memref<4x8x128xf32, #tpu.memory_space<hbm>>
    %dma_start3A_1536 = arith.constant 0 : i32
    %dma_start3A_1537 = tpu.memref_slice %arg3[%shift_right_arithmetic3A_4, %dma_start3A_1536, %multiple_of3A_1533] : memref<125x8x10000xf32, #tpu.memory_space<hbm>> -> memref<4x8x128xf32, #tpu.memory_space<hbm>>
    tpu.enqueue_dma source(%dma_start3A_1537 : memref<4x8x128xf32, #tpu.memory_space<hbm>>) target(%arg16 : memref<4x8x128xf32, #tpu.memory_space<vmem>>) target_semaphore(%arg24 : memref<!tpu.dma_semaphore, #tpu.memory_space<semaphore_mem>>)
    %eq3A_1538 = arith.constant 15 : i32
    %eq3A_1539 = vector.broadcast %eq3A_1538 : i32 to vector<16xi32>
    %eq3A_1540 = arith.cmpi eq, %iota3A, %eq3A_1539 : vector<16xi32>
    %select_n3A_1541 = arith.select %eq3A_1540, %gather3A, %broadcast_in_dim3A_5 : vector<16xi1>, vector<16xi32>
    %bitcast3A_1542 = vector.bitcast %select_n3A_1541 : vector<16xi32> to vector<16xf32>
    %reduce_max3A_1543 = arith.constant true
    %reduce_max3A_1544 = vector.broadcast %reduce_max3A_1543 : i1 to vector<16xi1>
    %reduce_max3A_1545 = tpu.scan <max>, %bitcast3A_1542 masked %reduce_max3A_1544 : vector<16xf32>, vector<16xi1> -> vector<16xf32>
    %reduce_max3A_1546 = vector.extract %reduce_max3A_1545[15] : f32 from vector<16xf32>
    %bitcast_convert_type3A_1547 = arith.bitcast %reduce_max3A_1546 : f32 to i32
    %broadcast_in_dim3A_1548 = vector.broadcast %bitcast_convert_type3A_1547 : i32 to vector<16xi32>
    %and3A_1549 = arith.constant 127 : i32
    %and3A_1550 = vector.broadcast %and3A_1549 : i32 to vector<16xi32>
    %and3A_1551 = arith.andi %broadcast_in_dim3A_1548, %and3A_1550 : vector<16xi32>
    %and3A_1552 = arith.constant 31 : i32
    %and3A_1553 = vector.broadcast %and3A_1552 : i32 to vector<16xi32>
    %and3A_1554 = arith.andi %broadcast_in_dim3A_1548, %and3A_1553 : vector<16xi32>
    %ge3A_1555 = arith.constant 19968 : i32
    %ge3A_1556 = vector.broadcast %ge3A_1555 : i32 to vector<16xi32>
    %ge3A_1557 = arith.cmpi sge, %broadcast_in_dim3A_1548, %ge3A_1556 : vector<16xi32>
    %add3A_1558 = arith.constant 0 : i32
    %add3A_1559 = vector.broadcast %add3A_1558 : i32 to vector<16xi32>
    %add3A_1560 = arith.addi %iota3A, %add3A_1559 : vector<16xi32>
    %shift_right_arithmetic3A_1561 = arith.constant 3 : i32
    %shift_right_arithmetic3A_1562 = vector.broadcast %shift_right_arithmetic3A_1561 : i32 to vector<16xi32>
    %shift_right_arithmetic3A_1563 = arith.shrsi %add3A_1560, %shift_right_arithmetic3A_1562 : vector<16xi32>
    %and3A_1564 = arith.constant 7 : i32
    %and3A_1565 = vector.broadcast %and3A_1564 : i32 to vector<16xi32>
    %and3A_1566 = arith.andi %add3A_1560, %and3A_1565 : vector<16xi32>
    %gather3A_1567 = tpu.vector_load_idx %arg16[%shift_right_arithmetic3A_1563, %and3A_1566, %and3A_1551] : memref<4x8x128xf32, #tpu.memory_space<vmem>>[vector<16xi32>, vector<16xi32>, vector<16xi32>], vector<16xf32>,
    %gather3A_1568 = tpu.vector_load_idx %arg17[%shift_right_arithmetic3A_1563, %and3A_1566, %and3A_1554] : memref<4x8x32xf32, #tpu.memory_space<vmem>>[vector<16xi32>, vector<16xi32>, vector<16xi32>], vector<16xf32>,
    %select_n3A_1569 = arith.select %ge3A_1557, %gather3A_1568, %gather3A_1567 : vector<16xi1>, vector<16xf32>
    %max3A_1570 = arith.maximumf %max3A_1497, %select_n3A_1569 : vector<16xf32>
    %add3A_1571 = arith.constant 16 : i32
    %add3A_1572 = vector.broadcast %add3A_1571 : i32 to vector<16xi32>
    %add3A_1573 = arith.addi %iota3A, %add3A_1572 : vector<16xi32>
    %shift_right_arithmetic3A_1574 = arith.constant 3 : i32
    %shift_right_arithmetic3A_1575 = vector.broadcast %shift_right_arithmetic3A_1574 : i32 to vector<16xi32>
    %shift_right_arithmetic3A_1576 = arith.shrsi %add3A_1573, %shift_right_arithmetic3A_1575 : vector<16xi32>
    %and3A_1577 = arith.constant 7 : i32
    %and3A_1578 = vector.broadcast %and3A_1577 : i32 to vector<16xi32>
    %and3A_1579 = arith.andi %add3A_1573, %and3A_1578 : vector<16xi32>
    %gather3A_1580 = tpu.vector_load_idx %arg16[%shift_right_arithmetic3A_1576, %and3A_1579, %and3A_1551] : memref<4x8x128xf32, #tpu.memory_space<vmem>>[vector<16xi32>, vector<16xi32>, vector<16xi32>], vector<16xf32>,
    %gather3A_1581 = tpu.vector_load_idx %arg17[%shift_right_arithmetic3A_1576, %and3A_1579, %and3A_1554] : memref<4x8x32xf32, #tpu.memory_space<vmem>>[vector<16xi32>, vector<16xi32>, vector<16xi32>], vector<16xf32>,
    %select_n3A_1582 = arith.select %ge3A_1557, %gather3A_1581, %gather3A_1580 : vector<16xi1>, vector<16xf32>
    %max3A_1583 = arith.maximumf %max3A_1510, %select_n3A_1582 : vector<16xf32>
    %dma_wait3A_1584 = arith.constant 0 : i32
    %dma_wait3A_1585 = tpu.memref_slice %arg3[%shift_right_arithmetic3A_4, %dma_wait3A_1584, %multiple_of3A_1314] : memref<125x8x10000xf32, #tpu.memory_space<hbm>> -> memref<4x8x128xf32, #tpu.memory_space<hbm>>
    %dma_wait3A_1586 = arith.constant 0 : i32
    %dma_wait3A_1587 = tpu.memref_slice %arg3[%shift_right_arithmetic3A_4, %dma_wait3A_1586, %multiple_of3A_1314] : memref<125x8x10000xf32, #tpu.memory_space<hbm>> -> memref<4x8x128xf32, #tpu.memory_space<hbm>>
    tpu.wait_dma2 semaphore(%arg24 : memref<!tpu.dma_semaphore, #tpu.memory_space<semaphore_mem>>) src(%dma_wait3A_1587 : memref<4x8x128xf32, #tpu.memory_space<hbm>>) dst(%arg13 : memref<4x8x128xf32, #tpu.memory_space<vmem>>)
    %eq3A_1588 = arith.constant 4 : i32
    %eq3A_1589 = vector.broadcast %eq3A_1588 : i32 to vector<16xi32>
    %eq3A_1590 = arith.cmpi eq, %iota3A, %eq3A_1589 : vector<16xi32>
    %select_n3A_1591 = arith.select %eq3A_1590, %gather3A_12, %broadcast_in_dim3A_5 : vector<16xi1>, vector<16xi32>
    %bitcast3A_1592 = vector.bitcast %select_n3A_1591 : vector<16xi32> to vector<16xf32>
    %reduce_max3A_1593 = arith.constant true
    %reduce_max3A_1594 = vector.broadcast %reduce_max3A_1593 : i1 to vector<16xi1>
    %reduce_max3A_1595 = tpu.scan <max>, %bitcast3A_1592 masked %reduce_max3A_1594 : vector<16xf32>, vector<16xi1> -> vector<16xf32>
    %reduce_max3A_1596 = vector.extract %reduce_max3A_1595[15] : f32 from vector<16xf32>
    %bitcast_convert_type3A_1597 = arith.bitcast %reduce_max3A_1596 : f32 to i32
    %shift_right_arithmetic3A_1598 = arith.constant 7 : i32
    %shift_right_arithmetic3A_1599 = arith.shrsi %bitcast_convert_type3A_1597, %shift_right_arithmetic3A_1598 : i32
    %ge3A_1600 = arith.constant 78 : i32
    %ge3A_1601 = arith.cmpi sge, %shift_right_arithmetic3A_1599, %ge3A_1600 : i32
    %jit3A_1602 = arith.constant 77 : i32
    %select_n3A_1603 = arith.select %ge3A_1601, %jit3A_1602, %shift_right_arithmetic3A_1599 : i32
    %shift_left3A_1604 = arith.constant 7 : i32
    %shift_left3A_1605 = arith.shli %select_n3A_1603, %shift_left3A_1604 : i32
    %multiple_of3A_1606 = tpu.assume_multiple %shift_left3A_1605, 128 : i32
    %dma_start3A_1607 = arith.constant 0 : i32
    %dma_start3A_1608 = tpu.memref_slice %arg3[%shift_right_arithmetic3A_4, %dma_start3A_1607, %multiple_of3A_1606] : memref<125x8x10000xf32, #tpu.memory_space<hbm>> -> memref<4x8x128xf32, #tpu.memory_space<hbm>>
    %dma_start3A_1609 = arith.constant 0 : i32
    %dma_start3A_1610 = tpu.memref_slice %arg3[%shift_right_arithmetic3A_4, %dma_start3A_1609, %multiple_of3A_1606] : memref<125x8x10000xf32, #tpu.memory_space<hbm>> -> memref<4x8x128xf32, #tpu.memory_space<hbm>>
    tpu.enqueue_dma source(%dma_start3A_1610 : memref<4x8x128xf32, #tpu.memory_space<hbm>>) target(%arg13 : memref<4x8x128xf32, #tpu.memory_space<vmem>>) target_semaphore(%arg24 : memref<!tpu.dma_semaphore, #tpu.memory_space<semaphore_mem>>)
    %eq3A_1611 = arith.constant 0 : i32
    %eq3A_1612 = vector.broadcast %eq3A_1611 : i32 to vector<16xi32>
    %eq3A_1613 = arith.cmpi eq, %iota3A, %eq3A_1612 : vector<16xi32>
    %select_n3A_1614 = arith.select %eq3A_1613, %gather3A_12, %broadcast_in_dim3A_5 : vector<16xi1>, vector<16xi32>
    %bitcast3A_1615 = vector.bitcast %select_n3A_1614 : vector<16xi32> to vector<16xf32>
    %reduce_max3A_1616 = arith.constant true
    %reduce_max3A_1617 = vector.broadcast %reduce_max3A_1616 : i1 to vector<16xi1>
    %reduce_max3A_1618 = tpu.scan <max>, %bitcast3A_1615 masked %reduce_max3A_1617 : vector<16xf32>, vector<16xi1> -> vector<16xf32>
    %reduce_max3A_1619 = vector.extract %reduce_max3A_1618[15] : f32 from vector<16xf32>
    %bitcast_convert_type3A_1620 = arith.bitcast %reduce_max3A_1619 : f32 to i32
    %broadcast_in_dim3A_1621 = vector.broadcast %bitcast_convert_type3A_1620 : i32 to vector<16xi32>
    %and3A_1622 = arith.constant 127 : i32
    %and3A_1623 = vector.broadcast %and3A_1622 : i32 to vector<16xi32>
    %and3A_1624 = arith.andi %broadcast_in_dim3A_1621, %and3A_1623 : vector<16xi32>
    %and3A_1625 = arith.constant 15 : i32
    %and3A_1626 = vector.broadcast %and3A_1625 : i32 to vector<16xi32>
    %and3A_1627 = arith.andi %broadcast_in_dim3A_1621, %and3A_1626 : vector<16xi32>
    %ge3A_1628 = arith.constant 9984 : i32
    %ge3A_1629 = vector.broadcast %ge3A_1628 : i32 to vector<16xi32>
    %ge3A_1630 = arith.cmpi sge, %broadcast_in_dim3A_1621, %ge3A_1629 : vector<16xi32>
    %add3A_1631 = arith.constant 0 : i32
    %add3A_1632 = vector.broadcast %add3A_1631 : i32 to vector<16xi32>
    %add3A_1633 = arith.addi %iota3A, %add3A_1632 : vector<16xi32>
    %shift_right_arithmetic3A_1634 = arith.constant 3 : i32
    %shift_right_arithmetic3A_1635 = vector.broadcast %shift_right_arithmetic3A_1634 : i32 to vector<16xi32>
    %shift_right_arithmetic3A_1636 = arith.shrsi %add3A_1633, %shift_right_arithmetic3A_1635 : vector<16xi32>
    %and3A_1637 = arith.constant 7 : i32
    %and3A_1638 = vector.broadcast %and3A_1637 : i32 to vector<16xi32>
    %and3A_1639 = arith.andi %add3A_1633, %and3A_1638 : vector<16xi32>
    %gather3A_1640 = tpu.vector_load_idx %arg13[%shift_right_arithmetic3A_1636, %and3A_1639, %and3A_1624] : memref<4x8x128xf32, #tpu.memory_space<vmem>>[vector<16xi32>, vector<16xi32>, vector<16xi32>], vector<16xf32>,
    %gather3A_1641 = tpu.vector_load_idx %arg18[%shift_right_arithmetic3A_1636, %and3A_1639, %and3A_1627] : memref<4x8x16xf32, #tpu.memory_space<vmem>>[vector<16xi32>, vector<16xi32>, vector<16xi32>], vector<16xf32>,
    %select_n3A_1642 = arith.select %ge3A_1630, %gather3A_1641, %gather3A_1640 : vector<16xi1>, vector<16xf32>
    %max3A_1643 = arith.maximumf %broadcast_in_dim3A_7, %select_n3A_1642 : vector<16xf32>
    %add3A_1644 = arith.constant 16 : i32
    %add3A_1645 = vector.broadcast %add3A_1644 : i32 to vector<16xi32>
    %add3A_1646 = arith.addi %iota3A, %add3A_1645 : vector<16xi32>
    %shift_right_arithmetic3A_1647 = arith.constant 3 : i32
    %shift_right_arithmetic3A_1648 = vector.broadcast %shift_right_arithmetic3A_1647 : i32 to vector<16xi32>
    %shift_right_arithmetic3A_1649 = arith.shrsi %add3A_1646, %shift_right_arithmetic3A_1648 : vector<16xi32>
    %and3A_1650 = arith.constant 7 : i32
    %and3A_1651 = vector.broadcast %and3A_1650 : i32 to vector<16xi32>
    %and3A_1652 = arith.andi %add3A_1646, %and3A_1651 : vector<16xi32>
    %gather3A_1653 = tpu.vector_load_idx %arg13[%shift_right_arithmetic3A_1649, %and3A_1652, %and3A_1624] : memref<4x8x128xf32, #tpu.memory_space<vmem>>[vector<16xi32>, vector<16xi32>, vector<16xi32>], vector<16xf32>,
    %gather3A_1654 = tpu.vector_load_idx %arg18[%shift_right_arithmetic3A_1649, %and3A_1652, %and3A_1627] : memref<4x8x16xf32, #tpu.memory_space<vmem>>[vector<16xi32>, vector<16xi32>, vector<16xi32>], vector<16xf32>,
    %select_n3A_1655 = arith.select %ge3A_1630, %gather3A_1654, %gather3A_1653 : vector<16xi1>, vector<16xf32>
    %max3A_1656 = arith.maximumf %broadcast_in_dim3A_7, %select_n3A_1655 : vector<16xf32>
    %dma_wait3A_1657 = arith.constant 0 : i32
    %dma_wait3A_1658 = tpu.memref_slice %arg3[%shift_right_arithmetic3A_4, %dma_wait3A_1657, %multiple_of3A_1387] : memref<125x8x10000xf32, #tpu.memory_space<hbm>> -> memref<4x8x128xf32, #tpu.memory_space<hbm>>
    %dma_wait3A_1659 = arith.constant 0 : i32
    %dma_wait3A_1660 = tpu.memref_slice %arg3[%shift_right_arithmetic3A_4, %dma_wait3A_1659, %multiple_of3A_1387] : memref<125x8x10000xf32, #tpu.memory_space<hbm>> -> memref<4x8x128xf32, #tpu.memory_space<hbm>>
    tpu.wait_dma2 semaphore(%arg24 : memref<!tpu.dma_semaphore, #tpu.memory_space<semaphore_mem>>) src(%dma_wait3A_1660 : memref<4x8x128xf32, #tpu.memory_space<hbm>>) dst(%arg14 : memref<4x8x128xf32, #tpu.memory_space<vmem>>)
    %eq3A_1661 = arith.constant 5 : i32
    %eq3A_1662 = vector.broadcast %eq3A_1661 : i32 to vector<16xi32>
    %eq3A_1663 = arith.cmpi eq, %iota3A, %eq3A_1662 : vector<16xi32>
    %select_n3A_1664 = arith.select %eq3A_1663, %gather3A_12, %broadcast_in_dim3A_5 : vector<16xi1>, vector<16xi32>
    %bitcast3A_1665 = vector.bitcast %select_n3A_1664 : vector<16xi32> to vector<16xf32>
    %reduce_max3A_1666 = arith.constant true
    %reduce_max3A_1667 = vector.broadcast %reduce_max3A_1666 : i1 to vector<16xi1>
    %reduce_max3A_1668 = tpu.scan <max>, %bitcast3A_1665 masked %reduce_max3A_1667 : vector<16xf32>, vector<16xi1> -> vector<16xf32>
    %reduce_max3A_1669 = vector.extract %reduce_max3A_1668[15] : f32 from vector<16xf32>
    %bitcast_convert_type3A_1670 = arith.bitcast %reduce_max3A_1669 : f32 to i32
    %shift_right_arithmetic3A_1671 = arith.constant 7 : i32
    %shift_right_arithmetic3A_1672 = arith.shrsi %bitcast_convert_type3A_1670, %shift_right_arithmetic3A_1671 : i32
    %ge3A_1673 = arith.constant 78 : i32
    %ge3A_1674 = arith.cmpi sge, %shift_right_arithmetic3A_1672, %ge3A_1673 : i32
    %jit3A_1675 = arith.constant 77 : i32
    %select_n3A_1676 = arith.select %ge3A_1674, %jit3A_1675, %shift_right_arithmetic3A_1672 : i32
    %shift_left3A_1677 = arith.constant 7 : i32
    %shift_left3A_1678 = arith.shli %select_n3A_1676, %shift_left3A_1677 : i32
    %multiple_of3A_1679 = tpu.assume_multiple %shift_left3A_1678, 128 : i32
    %dma_start3A_1680 = arith.constant 0 : i32
    %dma_start3A_1681 = tpu.memref_slice %arg3[%shift_right_arithmetic3A_4, %dma_start3A_1680, %multiple_of3A_1679] : memref<125x8x10000xf32, #tpu.memory_space<hbm>> -> memref<4x8x128xf32, #tpu.memory_space<hbm>>
    %dma_start3A_1682 = arith.constant 0 : i32
    %dma_start3A_1683 = tpu.memref_slice %arg3[%shift_right_arithmetic3A_4, %dma_start3A_1682, %multiple_of3A_1679] : memref<125x8x10000xf32, #tpu.memory_space<hbm>> -> memref<4x8x128xf32, #tpu.memory_space<hbm>>
    tpu.enqueue_dma source(%dma_start3A_1683 : memref<4x8x128xf32, #tpu.memory_space<hbm>>) target(%arg14 : memref<4x8x128xf32, #tpu.memory_space<vmem>>) target_semaphore(%arg24 : memref<!tpu.dma_semaphore, #tpu.memory_space<semaphore_mem>>)
    %eq3A_1684 = arith.constant 1 : i32
    %eq3A_1685 = vector.broadcast %eq3A_1684 : i32 to vector<16xi32>
    %eq3A_1686 = arith.cmpi eq, %iota3A, %eq3A_1685 : vector<16xi32>
    %select_n3A_1687 = arith.select %eq3A_1686, %gather3A_12, %broadcast_in_dim3A_5 : vector<16xi1>, vector<16xi32>
    %bitcast3A_1688 = vector.bitcast %select_n3A_1687 : vector<16xi32> to vector<16xf32>
    %reduce_max3A_1689 = arith.constant true
    %reduce_max3A_1690 = vector.broadcast %reduce_max3A_1689 : i1 to vector<16xi1>
    %reduce_max3A_1691 = tpu.scan <max>, %bitcast3A_1688 masked %reduce_max3A_1690 : vector<16xf32>, vector<16xi1> -> vector<16xf32>
    %reduce_max3A_1692 = vector.extract %reduce_max3A_1691[15] : f32 from vector<16xf32>
    %bitcast_convert_type3A_1693 = arith.bitcast %reduce_max3A_1692 : f32 to i32
    %broadcast_in_dim3A_1694 = vector.broadcast %bitcast_convert_type3A_1693 : i32 to vector<16xi32>
    %and3A_1695 = arith.constant 127 : i32
    %and3A_1696 = vector.broadcast %and3A_1695 : i32 to vector<16xi32>
    %and3A_1697 = arith.andi %broadcast_in_dim3A_1694, %and3A_1696 : vector<16xi32>
    %and3A_1698 = arith.constant 15 : i32
    %and3A_1699 = vector.broadcast %and3A_1698 : i32 to vector<16xi32>
    %and3A_1700 = arith.andi %broadcast_in_dim3A_1694, %and3A_1699 : vector<16xi32>
    %ge3A_1701 = arith.constant 9984 : i32
    %ge3A_1702 = vector.broadcast %ge3A_1701 : i32 to vector<16xi32>
    %ge3A_1703 = arith.cmpi sge, %broadcast_in_dim3A_1694, %ge3A_1702 : vector<16xi32>
    %add3A_1704 = arith.constant 0 : i32
    %add3A_1705 = vector.broadcast %add3A_1704 : i32 to vector<16xi32>
    %add3A_1706 = arith.addi %iota3A, %add3A_1705 : vector<16xi32>
    %shift_right_arithmetic3A_1707 = arith.constant 3 : i32
    %shift_right_arithmetic3A_1708 = vector.broadcast %shift_right_arithmetic3A_1707 : i32 to vector<16xi32>
    %shift_right_arithmetic3A_1709 = arith.shrsi %add3A_1706, %shift_right_arithmetic3A_1708 : vector<16xi32>
    %and3A_1710 = arith.constant 7 : i32
    %and3A_1711 = vector.broadcast %and3A_1710 : i32 to vector<16xi32>
    %and3A_1712 = arith.andi %add3A_1706, %and3A_1711 : vector<16xi32>
    %gather3A_1713 = tpu.vector_load_idx %arg14[%shift_right_arithmetic3A_1709, %and3A_1712, %and3A_1697] : memref<4x8x128xf32, #tpu.memory_space<vmem>>[vector<16xi32>, vector<16xi32>, vector<16xi32>], vector<16xf32>,
    %gather3A_1714 = tpu.vector_load_idx %arg18[%shift_right_arithmetic3A_1709, %and3A_1712, %and3A_1700] : memref<4x8x16xf32, #tpu.memory_space<vmem>>[vector<16xi32>, vector<16xi32>, vector<16xi32>], vector<16xf32>,
    %select_n3A_1715 = arith.select %ge3A_1703, %gather3A_1714, %gather3A_1713 : vector<16xi1>, vector<16xf32>
    %max3A_1716 = arith.maximumf %max3A_1643, %select_n3A_1715 : vector<16xf32>
    %add3A_1717 = arith.constant 16 : i32
    %add3A_1718 = vector.broadcast %add3A_1717 : i32 to vector<16xi32>
    %add3A_1719 = arith.addi %iota3A, %add3A_1718 : vector<16xi32>
    %shift_right_arithmetic3A_1720 = arith.constant 3 : i32
    %shift_right_arithmetic3A_1721 = vector.broadcast %shift_right_arithmetic3A_1720 : i32 to vector<16xi32>
    %shift_right_arithmetic3A_1722 = arith.shrsi %add3A_1719, %shift_right_arithmetic3A_1721 : vector<16xi32>
    %and3A_1723 = arith.constant 7 : i32
    %and3A_1724 = vector.broadcast %and3A_1723 : i32 to vector<16xi32>
    %and3A_1725 = arith.andi %add3A_1719, %and3A_1724 : vector<16xi32>
    %gather3A_1726 = tpu.vector_load_idx %arg14[%shift_right_arithmetic3A_1722, %and3A_1725, %and3A_1697] : memref<4x8x128xf32, #tpu.memory_space<vmem>>[vector<16xi32>, vector<16xi32>, vector<16xi32>], vector<16xf32>,
    %gather3A_1727 = tpu.vector_load_idx %arg18[%shift_right_arithmetic3A_1722, %and3A_1725, %and3A_1700] : memref<4x8x16xf32, #tpu.memory_space<vmem>>[vector<16xi32>, vector<16xi32>, vector<16xi32>], vector<16xf32>,
    %select_n3A_1728 = arith.select %ge3A_1703, %gather3A_1727, %gather3A_1726 : vector<16xi1>, vector<16xf32>
    %max3A_1729 = arith.maximumf %max3A_1656, %select_n3A_1728 : vector<16xf32>
    %dma_wait3A_1730 = arith.constant 0 : i32
    %dma_wait3A_1731 = tpu.memref_slice %arg3[%shift_right_arithmetic3A_4, %dma_wait3A_1730, %multiple_of3A_1460] : memref<125x8x10000xf32, #tpu.memory_space<hbm>> -> memref<4x8x128xf32, #tpu.memory_space<hbm>>
    %dma_wait3A_1732 = arith.constant 0 : i32
    %dma_wait3A_1733 = tpu.memref_slice %arg3[%shift_right_arithmetic3A_4, %dma_wait3A_1732, %multiple_of3A_1460] : memref<125x8x10000xf32, #tpu.memory_space<hbm>> -> memref<4x8x128xf32, #tpu.memory_space<hbm>>
    tpu.wait_dma2 semaphore(%arg24 : memref<!tpu.dma_semaphore, #tpu.memory_space<semaphore_mem>>) src(%dma_wait3A_1733 : memref<4x8x128xf32, #tpu.memory_space<hbm>>) dst(%arg15 : memref<4x8x128xf32, #tpu.memory_space<vmem>>)
    %eq3A_1734 = arith.constant 6 : i32
    %eq3A_1735 = vector.broadcast %eq3A_1734 : i32 to vector<16xi32>
    %eq3A_1736 = arith.cmpi eq, %iota3A, %eq3A_1735 : vector<16xi32>
    %select_n3A_1737 = arith.select %eq3A_1736, %gather3A_12, %broadcast_in_dim3A_5 : vector<16xi1>, vector<16xi32>
    %bitcast3A_1738 = vector.bitcast %select_n3A_1737 : vector<16xi32> to vector<16xf32>
    %reduce_max3A_1739 = arith.constant true
    %reduce_max3A_1740 = vector.broadcast %reduce_max3A_1739 : i1 to vector<16xi1>
    %reduce_max3A_1741 = tpu.scan <max>, %bitcast3A_1738 masked %reduce_max3A_1740 : vector<16xf32>, vector<16xi1> -> vector<16xf32>
    %reduce_max3A_1742 = vector.extract %reduce_max3A_1741[15] : f32 from vector<16xf32>
    %bitcast_convert_type3A_1743 = arith.bitcast %reduce_max3A_1742 : f32 to i32
    %shift_right_arithmetic3A_1744 = arith.constant 7 : i32
    %shift_right_arithmetic3A_1745 = arith.shrsi %bitcast_convert_type3A_1743, %shift_right_arithmetic3A_1744 : i32
    %ge3A_1746 = arith.constant 78 : i32
    %ge3A_1747 = arith.cmpi sge, %shift_right_arithmetic3A_1745, %ge3A_1746 : i32
    %jit3A_1748 = arith.constant 77 : i32
    %select_n3A_1749 = arith.select %ge3A_1747, %jit3A_1748, %shift_right_arithmetic3A_1745 : i32
    %shift_left3A_1750 = arith.constant 7 : i32
    %shift_left3A_1751 = arith.shli %select_n3A_1749, %shift_left3A_1750 : i32
    %multiple_of3A_1752 = tpu.assume_multiple %shift_left3A_1751, 128 : i32
    %dma_start3A_1753 = arith.constant 0 : i32
    %dma_start3A_1754 = tpu.memref_slice %arg3[%shift_right_arithmetic3A_4, %dma_start3A_1753, %multiple_of3A_1752] : memref<125x8x10000xf32, #tpu.memory_space<hbm>> -> memref<4x8x128xf32, #tpu.memory_space<hbm>>
    %dma_start3A_1755 = arith.constant 0 : i32
    %dma_start3A_1756 = tpu.memref_slice %arg3[%shift_right_arithmetic3A_4, %dma_start3A_1755, %multiple_of3A_1752] : memref<125x8x10000xf32, #tpu.memory_space<hbm>> -> memref<4x8x128xf32, #tpu.memory_space<hbm>>
    tpu.enqueue_dma source(%dma_start3A_1756 : memref<4x8x128xf32, #tpu.memory_space<hbm>>) target(%arg15 : memref<4x8x128xf32, #tpu.memory_space<vmem>>) target_semaphore(%arg24 : memref<!tpu.dma_semaphore, #tpu.memory_space<semaphore_mem>>)
    %eq3A_1757 = arith.constant 2 : i32
    %eq3A_1758 = vector.broadcast %eq3A_1757 : i32 to vector<16xi32>
    %eq3A_1759 = arith.cmpi eq, %iota3A, %eq3A_1758 : vector<16xi32>
    %select_n3A_1760 = arith.select %eq3A_1759, %gather3A_12, %broadcast_in_dim3A_5 : vector<16xi1>, vector<16xi32>
    %bitcast3A_1761 = vector.bitcast %select_n3A_1760 : vector<16xi32> to vector<16xf32>
    %reduce_max3A_1762 = arith.constant true
    %reduce_max3A_1763 = vector.broadcast %reduce_max3A_1762 : i1 to vector<16xi1>
    %reduce_max3A_1764 = tpu.scan <max>, %bitcast3A_1761 masked %reduce_max3A_1763 : vector<16xf32>, vector<16xi1> -> vector<16xf32>
    %reduce_max3A_1765 = vector.extract %reduce_max3A_1764[15] : f32 from vector<16xf32>
    %bitcast_convert_type3A_1766 = arith.bitcast %reduce_max3A_1765 : f32 to i32
    %broadcast_in_dim3A_1767 = vector.broadcast %bitcast_convert_type3A_1766 : i32 to vector<16xi32>
    %and3A_1768 = arith.constant 127 : i32
    %and3A_1769 = vector.broadcast %and3A_1768 : i32 to vector<16xi32>
    %and3A_1770 = arith.andi %broadcast_in_dim3A_1767, %and3A_1769 : vector<16xi32>
    %and3A_1771 = arith.constant 15 : i32
    %and3A_1772 = vector.broadcast %and3A_1771 : i32 to vector<16xi32>
    %and3A_1773 = arith.andi %broadcast_in_dim3A_1767, %and3A_1772 : vector<16xi32>
    %ge3A_1774 = arith.constant 9984 : i32
    %ge3A_1775 = vector.broadcast %ge3A_1774 : i32 to vector<16xi32>
    %ge3A_1776 = arith.cmpi sge, %broadcast_in_dim3A_1767, %ge3A_1775 : vector<16xi32>
    %add3A_1777 = arith.constant 0 : i32
    %add3A_1778 = vector.broadcast %add3A_1777 : i32 to vector<16xi32>
    %add3A_1779 = arith.addi %iota3A, %add3A_1778 : vector<16xi32>
    %shift_right_arithmetic3A_1780 = arith.constant 3 : i32
    %shift_right_arithmetic3A_1781 = vector.broadcast %shift_right_arithmetic3A_1780 : i32 to vector<16xi32>
    %shift_right_arithmetic3A_1782 = arith.shrsi %add3A_1779, %shift_right_arithmetic3A_1781 : vector<16xi32>
    %and3A_1783 = arith.constant 7 : i32
    %and3A_1784 = vector.broadcast %and3A_1783 : i32 to vector<16xi32>
    %and3A_1785 = arith.andi %add3A_1779, %and3A_1784 : vector<16xi32>
    %gather3A_1786 = tpu.vector_load_idx %arg15[%shift_right_arithmetic3A_1782, %and3A_1785, %and3A_1770] : memref<4x8x128xf32, #tpu.memory_space<vmem>>[vector<16xi32>, vector<16xi32>, vector<16xi32>], vector<16xf32>,
    %gather3A_1787 = tpu.vector_load_idx %arg18[%shift_right_arithmetic3A_1782, %and3A_1785, %and3A_1773] : memref<4x8x16xf32, #tpu.memory_space<vmem>>[vector<16xi32>, vector<16xi32>, vector<16xi32>], vector<16xf32>,
    %select_n3A_1788 = arith.select %ge3A_1776, %gather3A_1787, %gather3A_1786 : vector<16xi1>, vector<16xf32>
    %max3A_1789 = arith.maximumf %max3A_1716, %select_n3A_1788 : vector<16xf32>
    %add3A_1790 = arith.constant 16 : i32
    %add3A_1791 = vector.broadcast %add3A_1790 : i32 to vector<16xi32>
    %add3A_1792 = arith.addi %iota3A, %add3A_1791 : vector<16xi32>
    %shift_right_arithmetic3A_1793 = arith.constant 3 : i32
    %shift_right_arithmetic3A_1794 = vector.broadcast %shift_right_arithmetic3A_1793 : i32 to vector<16xi32>
    %shift_right_arithmetic3A_1795 = arith.shrsi %add3A_1792, %shift_right_arithmetic3A_1794 : vector<16xi32>
    %and3A_1796 = arith.constant 7 : i32
    %and3A_1797 = vector.broadcast %and3A_1796 : i32 to vector<16xi32>
    %and3A_1798 = arith.andi %add3A_1792, %and3A_1797 : vector<16xi32>
    %gather3A_1799 = tpu.vector_load_idx %arg15[%shift_right_arithmetic3A_1795, %and3A_1798, %and3A_1770] : memref<4x8x128xf32, #tpu.memory_space<vmem>>[vector<16xi32>, vector<16xi32>, vector<16xi32>], vector<16xf32>,
    %gather3A_1800 = tpu.vector_load_idx %arg18[%shift_right_arithmetic3A_1795, %and3A_1798, %and3A_1773] : memref<4x8x16xf32, #tpu.memory_space<vmem>>[vector<16xi32>, vector<16xi32>, vector<16xi32>], vector<16xf32>,
    %select_n3A_1801 = arith.select %ge3A_1776, %gather3A_1800, %gather3A_1799 : vector<16xi1>, vector<16xf32>
    %max3A_1802 = arith.maximumf %max3A_1729, %select_n3A_1801 : vector<16xf32>
    %dma_wait3A_1803 = arith.constant 0 : i32
    %dma_wait3A_1804 = tpu.memref_slice %arg3[%shift_right_arithmetic3A_4, %dma_wait3A_1803, %multiple_of3A_1533] : memref<125x8x10000xf32, #tpu.memory_space<hbm>> -> memref<4x8x128xf32, #tpu.memory_space<hbm>>
    %dma_wait3A_1805 = arith.constant 0 : i32
    %dma_wait3A_1806 = tpu.memref_slice %arg3[%shift_right_arithmetic3A_4, %dma_wait3A_1805, %multiple_of3A_1533] : memref<125x8x10000xf32, #tpu.memory_space<hbm>> -> memref<4x8x128xf32, #tpu.memory_space<hbm>>
    tpu.wait_dma2 semaphore(%arg24 : memref<!tpu.dma_semaphore, #tpu.memory_space<semaphore_mem>>) src(%dma_wait3A_1806 : memref<4x8x128xf32, #tpu.memory_space<hbm>>) dst(%arg16 : memref<4x8x128xf32, #tpu.memory_space<vmem>>)
    %eq3A_1807 = arith.constant 7 : i32
    %eq3A_1808 = vector.broadcast %eq3A_1807 : i32 to vector<16xi32>
    %eq3A_1809 = arith.cmpi eq, %iota3A, %eq3A_1808 : vector<16xi32>
    %select_n3A_1810 = arith.select %eq3A_1809, %gather3A_12, %broadcast_in_dim3A_5 : vector<16xi1>, vector<16xi32>
    %bitcast3A_1811 = vector.bitcast %select_n3A_1810 : vector<16xi32> to vector<16xf32>
    %reduce_max3A_1812 = arith.constant true
    %reduce_max3A_1813 = vector.broadcast %reduce_max3A_1812 : i1 to vector<16xi1>
    %reduce_max3A_1814 = tpu.scan <max>, %bitcast3A_1811 masked %reduce_max3A_1813 : vector<16xf32>, vector<16xi1> -> vector<16xf32>
    %reduce_max3A_1815 = vector.extract %reduce_max3A_1814[15] : f32 from vector<16xf32>
    %bitcast_convert_type3A_1816 = arith.bitcast %reduce_max3A_1815 : f32 to i32
    %shift_right_arithmetic3A_1817 = arith.constant 7 : i32
    %shift_right_arithmetic3A_1818 = arith.shrsi %bitcast_convert_type3A_1816, %shift_right_arithmetic3A_1817 : i32
    %ge3A_1819 = arith.constant 78 : i32
    %ge3A_1820 = arith.cmpi sge, %shift_right_arithmetic3A_1818, %ge3A_1819 : i32
    %jit3A_1821 = arith.constant 77 : i32
    %select_n3A_1822 = arith.select %ge3A_1820, %jit3A_1821, %shift_right_arithmetic3A_1818 : i32
    %shift_left3A_1823 = arith.constant 7 : i32
    %shift_left3A_1824 = arith.shli %select_n3A_1822, %shift_left3A_1823 : i32
    %multiple_of3A_1825 = tpu.assume_multiple %shift_left3A_1824, 128 : i32
    %dma_start3A_1826 = arith.constant 0 : i32
    %dma_start3A_1827 = tpu.memref_slice %arg3[%shift_right_arithmetic3A_4, %dma_start3A_1826, %multiple_of3A_1825] : memref<125x8x10000xf32, #tpu.memory_space<hbm>> -> memref<4x8x128xf32, #tpu.memory_space<hbm>>
    %dma_start3A_1828 = arith.constant 0 : i32
    %dma_start3A_1829 = tpu.memref_slice %arg3[%shift_right_arithmetic3A_4, %dma_start3A_1828, %multiple_of3A_1825] : memref<125x8x10000xf32, #tpu.memory_space<hbm>> -> memref<4x8x128xf32, #tpu.memory_space<hbm>>
    tpu.enqueue_dma source(%dma_start3A_1829 : memref<4x8x128xf32, #tpu.memory_space<hbm>>) target(%arg16 : memref<4x8x128xf32, #tpu.memory_space<vmem>>) target_semaphore(%arg24 : memref<!tpu.dma_semaphore, #tpu.memory_space<semaphore_mem>>)
    %eq3A_1830 = arith.constant 3 : i32
    %eq3A_1831 = vector.broadcast %eq3A_1830 : i32 to vector<16xi32>
    %eq3A_1832 = arith.cmpi eq, %iota3A, %eq3A_1831 : vector<16xi32>
    %select_n3A_1833 = arith.select %eq3A_1832, %gather3A_12, %broadcast_in_dim3A_5 : vector<16xi1>, vector<16xi32>
    %bitcast3A_1834 = vector.bitcast %select_n3A_1833 : vector<16xi32> to vector<16xf32>
    %reduce_max3A_1835 = arith.constant true
    %reduce_max3A_1836 = vector.broadcast %reduce_max3A_1835 : i1 to vector<16xi1>
    %reduce_max3A_1837 = tpu.scan <max>, %bitcast3A_1834 masked %reduce_max3A_1836 : vector<16xf32>, vector<16xi1> -> vector<16xf32>
    %reduce_max3A_1838 = vector.extract %reduce_max3A_1837[15] : f32 from vector<16xf32>
    %bitcast_convert_type3A_1839 = arith.bitcast %reduce_max3A_1838 : f32 to i32
    %broadcast_in_dim3A_1840 = vector.broadcast %bitcast_convert_type3A_1839 : i32 to vector<16xi32>
    %and3A_1841 = arith.constant 127 : i32
    %and3A_1842 = vector.broadcast %and3A_1841 : i32 to vector<16xi32>
    %and3A_1843 = arith.andi %broadcast_in_dim3A_1840, %and3A_1842 : vector<16xi32>
    %and3A_1844 = arith.constant 15 : i32
    %and3A_1845 = vector.broadcast %and3A_1844 : i32 to vector<16xi32>
    %and3A_1846 = arith.andi %broadcast_in_dim3A_1840, %and3A_1845 : vector<16xi32>
    %ge3A_1847 = arith.constant 9984 : i32
    %ge3A_1848 = vector.broadcast %ge3A_1847 : i32 to vector<16xi32>
    %ge3A_1849 = arith.cmpi sge, %broadcast_in_dim3A_1840, %ge3A_1848 : vector<16xi32>
    %add3A_1850 = arith.constant 0 : i32
    %add3A_1851 = vector.broadcast %add3A_1850 : i32 to vector<16xi32>
    %add3A_1852 = arith.addi %iota3A, %add3A_1851 : vector<16xi32>
    %shift_right_arithmetic3A_1853 = arith.constant 3 : i32
    %shift_right_arithmetic3A_1854 = vector.broadcast %shift_right_arithmetic3A_1853 : i32 to vector<16xi32>
    %shift_right_arithmetic3A_1855 = arith.shrsi %add3A_1852, %shift_right_arithmetic3A_1854 : vector<16xi32>
    %and3A_1856 = arith.constant 7 : i32
    %and3A_1857 = vector.broadcast %and3A_1856 : i32 to vector<16xi32>
    %and3A_1858 = arith.andi %add3A_1852, %and3A_1857 : vector<16xi32>
    %gather3A_1859 = tpu.vector_load_idx %arg16[%shift_right_arithmetic3A_1855, %and3A_1858, %and3A_1843] : memref<4x8x128xf32, #tpu.memory_space<vmem>>[vector<16xi32>, vector<16xi32>, vector<16xi32>], vector<16xf32>,
    %gather3A_1860 = tpu.vector_load_idx %arg18[%shift_right_arithmetic3A_1855, %and3A_1858, %and3A_1846] : memref<4x8x16xf32, #tpu.memory_space<vmem>>[vector<16xi32>, vector<16xi32>, vector<16xi32>], vector<16xf32>,
    %select_n3A_1861 = arith.select %ge3A_1849, %gather3A_1860, %gather3A_1859 : vector<16xi1>, vector<16xf32>
    %max3A_1862 = arith.maximumf %max3A_1789, %select_n3A_1861 : vector<16xf32>
    %add3A_1863 = arith.constant 16 : i32
    %add3A_1864 = vector.broadcast %add3A_1863 : i32 to vector<16xi32>
    %add3A_1865 = arith.addi %iota3A, %add3A_1864 : vector<16xi32>
    %shift_right_arithmetic3A_1866 = arith.constant 3 : i32
    %shift_right_arithmetic3A_1867 = vector.broadcast %shift_right_arithmetic3A_1866 : i32 to vector<16xi32>
    %shift_right_arithmetic3A_1868 = arith.shrsi %add3A_1865, %shift_right_arithmetic3A_1867 : vector<16xi32>
    %and3A_1869 = arith.constant 7 : i32
    %and3A_1870 = vector.broadcast %and3A_1869 : i32 to vector<16xi32>
    %and3A_1871 = arith.andi %add3A_1865, %and3A_1870 : vector<16xi32>
    %gather3A_1872 = tpu.vector_load_idx %arg16[%shift_right_arithmetic3A_1868, %and3A_1871, %and3A_1843] : memref<4x8x128xf32, #tpu.memory_space<vmem>>[vector<16xi32>, vector<16xi32>, vector<16xi32>], vector<16xf32>,
    %gather3A_1873 = tpu.vector_load_idx %arg18[%shift_right_arithmetic3A_1868, %and3A_1871, %and3A_1846] : memref<4x8x16xf32, #tpu.memory_space<vmem>>[vector<16xi32>, vector<16xi32>, vector<16xi32>], vector<16xf32>,
    %select_n3A_1874 = arith.select %ge3A_1849, %gather3A_1873, %gather3A_1872 : vector<16xi1>, vector<16xf32>
    %max3A_1875 = arith.maximumf %max3A_1802, %select_n3A_1874 : vector<16xf32>
    %dma_wait3A_1876 = arith.constant 0 : i32
    %dma_wait3A_1877 = tpu.memref_slice %arg3[%shift_right_arithmetic3A_4, %dma_wait3A_1876, %multiple_of3A_1606] : memref<125x8x10000xf32, #tpu.memory_space<hbm>> -> memref<4x8x128xf32, #tpu.memory_space<hbm>>
    %dma_wait3A_1878 = arith.constant 0 : i32
    %dma_wait3A_1879 = tpu.memref_slice %arg3[%shift_right_arithmetic3A_4, %dma_wait3A_1878, %multiple_of3A_1606] : memref<125x8x10000xf32, #tpu.memory_space<hbm>> -> memref<4x8x128xf32, #tpu.memory_space<hbm>>
    tpu.wait_dma2 semaphore(%arg24 : memref<!tpu.dma_semaphore, #tpu.memory_space<semaphore_mem>>) src(%dma_wait3A_1879 : memref<4x8x128xf32, #tpu.memory_space<hbm>>) dst(%arg13 : memref<4x8x128xf32, #tpu.memory_space<vmem>>)
    %eq3A_1880 = arith.constant 4 : i32
    %eq3A_1881 = vector.broadcast %eq3A_1880 : i32 to vector<16xi32>
    %eq3A_1882 = arith.cmpi eq, %iota3A, %eq3A_1881 : vector<16xi32>
    %select_n3A_1883 = arith.select %eq3A_1882, %gather3A_12, %broadcast_in_dim3A_5 : vector<16xi1>, vector<16xi32>
    %bitcast3A_1884 = vector.bitcast %select_n3A_1883 : vector<16xi32> to vector<16xf32>
    %reduce_max3A_1885 = arith.constant true
    %reduce_max3A_1886 = vector.broadcast %reduce_max3A_1885 : i1 to vector<16xi1>
    %reduce_max3A_1887 = tpu.scan <max>, %bitcast3A_1884 masked %reduce_max3A_1886 : vector<16xf32>, vector<16xi1> -> vector<16xf32>
    %reduce_max3A_1888 = vector.extract %reduce_max3A_1887[15] : f32 from vector<16xf32>
    %bitcast_convert_type3A_1889 = arith.bitcast %reduce_max3A_1888 : f32 to i32
    %broadcast_in_dim3A_1890 = vector.broadcast %bitcast_convert_type3A_1889 : i32 to vector<16xi32>
    %and3A_1891 = arith.constant 127 : i32
    %and3A_1892 = vector.broadcast %and3A_1891 : i32 to vector<16xi32>
    %and3A_1893 = arith.andi %broadcast_in_dim3A_1890, %and3A_1892 : vector<16xi32>
    %and3A_1894 = arith.constant 15 : i32
    %and3A_1895 = vector.broadcast %and3A_1894 : i32 to vector<16xi32>
    %and3A_1896 = arith.andi %broadcast_in_dim3A_1890, %and3A_1895 : vector<16xi32>
    %ge3A_1897 = arith.constant 9984 : i32
    %ge3A_1898 = vector.broadcast %ge3A_1897 : i32 to vector<16xi32>
    %ge3A_1899 = arith.cmpi sge, %broadcast_in_dim3A_1890, %ge3A_1898 : vector<16xi32>
    %add3A_1900 = arith.constant 0 : i32
    %add3A_1901 = vector.broadcast %add3A_1900 : i32 to vector<16xi32>
    %add3A_1902 = arith.addi %iota3A, %add3A_1901 : vector<16xi32>
    %shift_right_arithmetic3A_1903 = arith.constant 3 : i32
    %shift_right_arithmetic3A_1904 = vector.broadcast %shift_right_arithmetic3A_1903 : i32 to vector<16xi32>
    %shift_right_arithmetic3A_1905 = arith.shrsi %add3A_1902, %shift_right_arithmetic3A_1904 : vector<16xi32>
    %and3A_1906 = arith.constant 7 : i32
    %and3A_1907 = vector.broadcast %and3A_1906 : i32 to vector<16xi32>
    %and3A_1908 = arith.andi %add3A_1902, %and3A_1907 : vector<16xi32>
    %gather3A_1909 = tpu.vector_load_idx %arg13[%shift_right_arithmetic3A_1905, %and3A_1908, %and3A_1893] : memref<4x8x128xf32, #tpu.memory_space<vmem>>[vector<16xi32>, vector<16xi32>, vector<16xi32>], vector<16xf32>,
    %gather3A_1910 = tpu.vector_load_idx %arg18[%shift_right_arithmetic3A_1905, %and3A_1908, %and3A_1896] : memref<4x8x16xf32, #tpu.memory_space<vmem>>[vector<16xi32>, vector<16xi32>, vector<16xi32>], vector<16xf32>,
    %select_n3A_1911 = arith.select %ge3A_1899, %gather3A_1910, %gather3A_1909 : vector<16xi1>, vector<16xf32>
    %max3A_1912 = arith.maximumf %max3A_1862, %select_n3A_1911 : vector<16xf32>
    %add3A_1913 = arith.constant 16 : i32
    %add3A_1914 = vector.broadcast %add3A_1913 : i32 to vector<16xi32>
    %add3A_1915 = arith.addi %iota3A, %add3A_1914 : vector<16xi32>
    %shift_right_arithmetic3A_1916 = arith.constant 3 : i32
    %shift_right_arithmetic3A_1917 = vector.broadcast %shift_right_arithmetic3A_1916 : i32 to vector<16xi32>
    %shift_right_arithmetic3A_1918 = arith.shrsi %add3A_1915, %shift_right_arithmetic3A_1917 : vector<16xi32>
    %and3A_1919 = arith.constant 7 : i32
    %and3A_1920 = vector.broadcast %and3A_1919 : i32 to vector<16xi32>
    %and3A_1921 = arith.andi %add3A_1915, %and3A_1920 : vector<16xi32>
    %gather3A_1922 = tpu.vector_load_idx %arg13[%shift_right_arithmetic3A_1918, %and3A_1921, %and3A_1893] : memref<4x8x128xf32, #tpu.memory_space<vmem>>[vector<16xi32>, vector<16xi32>, vector<16xi32>], vector<16xf32>,
    %gather3A_1923 = tpu.vector_load_idx %arg18[%shift_right_arithmetic3A_1918, %and3A_1921, %and3A_1896] : memref<4x8x16xf32, #tpu.memory_space<vmem>>[vector<16xi32>, vector<16xi32>, vector<16xi32>], vector<16xf32>,
    %select_n3A_1924 = arith.select %ge3A_1899, %gather3A_1923, %gather3A_1922 : vector<16xi1>, vector<16xf32>
    %max3A_1925 = arith.maximumf %max3A_1875, %select_n3A_1924 : vector<16xf32>
    %dma_wait3A_1926 = arith.constant 0 : i32
    %dma_wait3A_1927 = tpu.memref_slice %arg3[%shift_right_arithmetic3A_4, %dma_wait3A_1926, %multiple_of3A_1679] : memref<125x8x10000xf32, #tpu.memory_space<hbm>> -> memref<4x8x128xf32, #tpu.memory_space<hbm>>
    %dma_wait3A_1928 = arith.constant 0 : i32
    %dma_wait3A_1929 = tpu.memref_slice %arg3[%shift_right_arithmetic3A_4, %dma_wait3A_1928, %multiple_of3A_1679] : memref<125x8x10000xf32, #tpu.memory_space<hbm>> -> memref<4x8x128xf32, #tpu.memory_space<hbm>>
    tpu.wait_dma2 semaphore(%arg24 : memref<!tpu.dma_semaphore, #tpu.memory_space<semaphore_mem>>) src(%dma_wait3A_1929 : memref<4x8x128xf32, #tpu.memory_space<hbm>>) dst(%arg14 : memref<4x8x128xf32, #tpu.memory_space<vmem>>)
    %eq3A_1930 = arith.constant 5 : i32
    %eq3A_1931 = vector.broadcast %eq3A_1930 : i32 to vector<16xi32>
    %eq3A_1932 = arith.cmpi eq, %iota3A, %eq3A_1931 : vector<16xi32>
    %select_n3A_1933 = arith.select %eq3A_1932, %gather3A_12, %broadcast_in_dim3A_5 : vector<16xi1>, vector<16xi32>
    %bitcast3A_1934 = vector.bitcast %select_n3A_1933 : vector<16xi32> to vector<16xf32>
    %reduce_max3A_1935 = arith.constant true
    %reduce_max3A_1936 = vector.broadcast %reduce_max3A_1935 : i1 to vector<16xi1>
    %reduce_max3A_1937 = tpu.scan <max>, %bitcast3A_1934 masked %reduce_max3A_1936 : vector<16xf32>, vector<16xi1> -> vector<16xf32>
    %reduce_max3A_1938 = vector.extract %reduce_max3A_1937[15] : f32 from vector<16xf32>
    %bitcast_convert_type3A_1939 = arith.bitcast %reduce_max3A_1938 : f32 to i32
    %broadcast_in_dim3A_1940 = vector.broadcast %bitcast_convert_type3A_1939 : i32 to vector<16xi32>
    %and3A_1941 = arith.constant 127 : i32
    %and3A_1942 = vector.broadcast %and3A_1941 : i32 to vector<16xi32>
    %and3A_1943 = arith.andi %broadcast_in_dim3A_1940, %and3A_1942 : vector<16xi32>
    %and3A_1944 = arith.constant 15 : i32
    %and3A_1945 = vector.broadcast %and3A_1944 : i32 to vector<16xi32>
    %and3A_1946 = arith.andi %broadcast_in_dim3A_1940, %and3A_1945 : vector<16xi32>
    %ge3A_1947 = arith.constant 9984 : i32
    %ge3A_1948 = vector.broadcast %ge3A_1947 : i32 to vector<16xi32>
    %ge3A_1949 = arith.cmpi sge, %broadcast_in_dim3A_1940, %ge3A_1948 : vector<16xi32>
    %add3A_1950 = arith.constant 0 : i32
    %add3A_1951 = vector.broadcast %add3A_1950 : i32 to vector<16xi32>
    %add3A_1952 = arith.addi %iota3A, %add3A_1951 : vector<16xi32>
    %shift_right_arithmetic3A_1953 = arith.constant 3 : i32
    %shift_right_arithmetic3A_1954 = vector.broadcast %shift_right_arithmetic3A_1953 : i32 to vector<16xi32>
    %shift_right_arithmetic3A_1955 = arith.shrsi %add3A_1952, %shift_right_arithmetic3A_1954 : vector<16xi32>
    %and3A_1956 = arith.constant 7 : i32
    %and3A_1957 = vector.broadcast %and3A_1956 : i32 to vector<16xi32>
    %and3A_1958 = arith.andi %add3A_1952, %and3A_1957 : vector<16xi32>
    %gather3A_1959 = tpu.vector_load_idx %arg14[%shift_right_arithmetic3A_1955, %and3A_1958, %and3A_1943] : memref<4x8x128xf32, #tpu.memory_space<vmem>>[vector<16xi32>, vector<16xi32>, vector<16xi32>], vector<16xf32>,
    %gather3A_1960 = tpu.vector_load_idx %arg18[%shift_right_arithmetic3A_1955, %and3A_1958, %and3A_1946] : memref<4x8x16xf32, #tpu.memory_space<vmem>>[vector<16xi32>, vector<16xi32>, vector<16xi32>], vector<16xf32>,
    %select_n3A_1961 = arith.select %ge3A_1949, %gather3A_1960, %gather3A_1959 : vector<16xi1>, vector<16xf32>
    %max3A_1962 = arith.maximumf %max3A_1912, %select_n3A_1961 : vector<16xf32>
    %add3A_1963 = arith.constant 16 : i32
    %add3A_1964 = vector.broadcast %add3A_1963 : i32 to vector<16xi32>
    %add3A_1965 = arith.addi %iota3A, %add3A_1964 : vector<16xi32>
    %shift_right_arithmetic3A_1966 = arith.constant 3 : i32
    %shift_right_arithmetic3A_1967 = vector.broadcast %shift_right_arithmetic3A_1966 : i32 to vector<16xi32>
    %shift_right_arithmetic3A_1968 = arith.shrsi %add3A_1965, %shift_right_arithmetic3A_1967 : vector<16xi32>
    %and3A_1969 = arith.constant 7 : i32
    %and3A_1970 = vector.broadcast %and3A_1969 : i32 to vector<16xi32>
    %and3A_1971 = arith.andi %add3A_1965, %and3A_1970 : vector<16xi32>
    %gather3A_1972 = tpu.vector_load_idx %arg14[%shift_right_arithmetic3A_1968, %and3A_1971, %and3A_1943] : memref<4x8x128xf32, #tpu.memory_space<vmem>>[vector<16xi32>, vector<16xi32>, vector<16xi32>], vector<16xf32>,
    %gather3A_1973 = tpu.vector_load_idx %arg18[%shift_right_arithmetic3A_1968, %and3A_1971, %and3A_1946] : memref<4x8x16xf32, #tpu.memory_space<vmem>>[vector<16xi32>, vector<16xi32>, vector<16xi32>], vector<16xf32>,
    %select_n3A_1974 = arith.select %ge3A_1949, %gather3A_1973, %gather3A_1972 : vector<16xi1>, vector<16xf32>
    %max3A_1975 = arith.maximumf %max3A_1925, %select_n3A_1974 : vector<16xf32>
    %dma_wait3A_1976 = arith.constant 0 : i32
    %dma_wait3A_1977 = tpu.memref_slice %arg3[%shift_right_arithmetic3A_4, %dma_wait3A_1976, %multiple_of3A_1752] : memref<125x8x10000xf32, #tpu.memory_space<hbm>> -> memref<4x8x128xf32, #tpu.memory_space<hbm>>
    %dma_wait3A_1978 = arith.constant 0 : i32
    %dma_wait3A_1979 = tpu.memref_slice %arg3[%shift_right_arithmetic3A_4, %dma_wait3A_1978, %multiple_of3A_1752] : memref<125x8x10000xf32, #tpu.memory_space<hbm>> -> memref<4x8x128xf32, #tpu.memory_space<hbm>>
    tpu.wait_dma2 semaphore(%arg24 : memref<!tpu.dma_semaphore, #tpu.memory_space<semaphore_mem>>) src(%dma_wait3A_1979 : memref<4x8x128xf32, #tpu.memory_space<hbm>>) dst(%arg15 : memref<4x8x128xf32, #tpu.memory_space<vmem>>)
    %eq3A_1980 = arith.constant 6 : i32
    %eq3A_1981 = vector.broadcast %eq3A_1980 : i32 to vector<16xi32>
    %eq3A_1982 = arith.cmpi eq, %iota3A, %eq3A_1981 : vector<16xi32>
    %select_n3A_1983 = arith.select %eq3A_1982, %gather3A_12, %broadcast_in_dim3A_5 : vector<16xi1>, vector<16xi32>
    %bitcast3A_1984 = vector.bitcast %select_n3A_1983 : vector<16xi32> to vector<16xf32>
    %reduce_max3A_1985 = arith.constant true
    %reduce_max3A_1986 = vector.broadcast %reduce_max3A_1985 : i1 to vector<16xi1>
    %reduce_max3A_1987 = tpu.scan <max>, %bitcast3A_1984 masked %reduce_max3A_1986 : vector<16xf32>, vector<16xi1> -> vector<16xf32>
    %reduce_max3A_1988 = vector.extract %reduce_max3A_1987[15] : f32 from vector<16xf32>
    %bitcast_convert_type3A_1989 = arith.bitcast %reduce_max3A_1988 : f32 to i32
    %broadcast_in_dim3A_1990 = vector.broadcast %bitcast_convert_type3A_1989 : i32 to vector<16xi32>
    %and3A_1991 = arith.constant 127 : i32
    %and3A_1992 = vector.broadcast %and3A_1991 : i32 to vector<16xi32>
    %and3A_1993 = arith.andi %broadcast_in_dim3A_1990, %and3A_1992 : vector<16xi32>
    %and3A_1994 = arith.constant 15 : i32
    %and3A_1995 = vector.broadcast %and3A_1994 : i32 to vector<16xi32>
    %and3A_1996 = arith.andi %broadcast_in_dim3A_1990, %and3A_1995 : vector<16xi32>
    %ge3A_1997 = arith.constant 9984 : i32
    %ge3A_1998 = vector.broadcast %ge3A_1997 : i32 to vector<16xi32>
    %ge3A_1999 = arith.cmpi sge, %broadcast_in_dim3A_1990, %ge3A_1998 : vector<16xi32>
    %add3A_2000 = arith.constant 0 : i32
    %add3A_2001 = vector.broadcast %add3A_2000 : i32 to vector<16xi32>
    %add3A_2002 = arith.addi %iota3A, %add3A_2001 : vector<16xi32>
    %shift_right_arithmetic3A_2003 = arith.constant 3 : i32
    %shift_right_arithmetic3A_2004 = vector.broadcast %shift_right_arithmetic3A_2003 : i32 to vector<16xi32>
    %shift_right_arithmetic3A_2005 = arith.shrsi %add3A_2002, %shift_right_arithmetic3A_2004 : vector<16xi32>
    %and3A_2006 = arith.constant 7 : i32
    %and3A_2007 = vector.broadcast %and3A_2006 : i32 to vector<16xi32>
    %and3A_2008 = arith.andi %add3A_2002, %and3A_2007 : vector<16xi32>
    %gather3A_2009 = tpu.vector_load_idx %arg15[%shift_right_arithmetic3A_2005, %and3A_2008, %and3A_1993] : memref<4x8x128xf32, #tpu.memory_space<vmem>>[vector<16xi32>, vector<16xi32>, vector<16xi32>], vector<16xf32>,
    %gather3A_2010 = tpu.vector_load_idx %arg18[%shift_right_arithmetic3A_2005, %and3A_2008, %and3A_1996] : memref<4x8x16xf32, #tpu.memory_space<vmem>>[vector<16xi32>, vector<16xi32>, vector<16xi32>], vector<16xf32>,
    %select_n3A_2011 = arith.select %ge3A_1999, %gather3A_2010, %gather3A_2009 : vector<16xi1>, vector<16xf32>
    %max3A_2012 = arith.maximumf %max3A_1962, %select_n3A_2011 : vector<16xf32>
    %add3A_2013 = arith.constant 16 : i32
    %add3A_2014 = vector.broadcast %add3A_2013 : i32 to vector<16xi32>
    %add3A_2015 = arith.addi %iota3A, %add3A_2014 : vector<16xi32>
    %shift_right_arithmetic3A_2016 = arith.constant 3 : i32
    %shift_right_arithmetic3A_2017 = vector.broadcast %shift_right_arithmetic3A_2016 : i32 to vector<16xi32>
    %shift_right_arithmetic3A_2018 = arith.shrsi %add3A_2015, %shift_right_arithmetic3A_2017 : vector<16xi32>
    %and3A_2019 = arith.constant 7 : i32
    %and3A_2020 = vector.broadcast %and3A_2019 : i32 to vector<16xi32>
    %and3A_2021 = arith.andi %add3A_2015, %and3A_2020 : vector<16xi32>
    %gather3A_2022 = tpu.vector_load_idx %arg15[%shift_right_arithmetic3A_2018, %and3A_2021, %and3A_1993] : memref<4x8x128xf32, #tpu.memory_space<vmem>>[vector<16xi32>, vector<16xi32>, vector<16xi32>], vector<16xf32>,
    %gather3A_2023 = tpu.vector_load_idx %arg18[%shift_right_arithmetic3A_2018, %and3A_2021, %and3A_1996] : memref<4x8x16xf32, #tpu.memory_space<vmem>>[vector<16xi32>, vector<16xi32>, vector<16xi32>], vector<16xf32>,
    %select_n3A_2024 = arith.select %ge3A_1999, %gather3A_2023, %gather3A_2022 : vector<16xi1>, vector<16xf32>
    %max3A_2025 = arith.maximumf %max3A_1975, %select_n3A_2024 : vector<16xf32>
    %dma_wait3A_2026 = arith.constant 0 : i32
    %dma_wait3A_2027 = tpu.memref_slice %arg3[%shift_right_arithmetic3A_4, %dma_wait3A_2026, %multiple_of3A_1825] : memref<125x8x10000xf32, #tpu.memory_space<hbm>> -> memref<4x8x128xf32, #tpu.memory_space<hbm>>
    %dma_wait3A_2028 = arith.constant 0 : i32
    %dma_wait3A_2029 = tpu.memref_slice %arg3[%shift_right_arithmetic3A_4, %dma_wait3A_2028, %multiple_of3A_1825] : memref<125x8x10000xf32, #tpu.memory_space<hbm>> -> memref<4x8x128xf32, #tpu.memory_space<hbm>>
    tpu.wait_dma2 semaphore(%arg24 : memref<!tpu.dma_semaphore, #tpu.memory_space<semaphore_mem>>) src(%dma_wait3A_2029 : memref<4x8x128xf32, #tpu.memory_space<hbm>>) dst(%arg16 : memref<4x8x128xf32, #tpu.memory_space<vmem>>)
    %eq3A_2030 = arith.constant 7 : i32
    %eq3A_2031 = vector.broadcast %eq3A_2030 : i32 to vector<16xi32>
    %eq3A_2032 = arith.cmpi eq, %iota3A, %eq3A_2031 : vector<16xi32>
    %select_n3A_2033 = arith.select %eq3A_2032, %gather3A_12, %broadcast_in_dim3A_5 : vector<16xi1>, vector<16xi32>
    %bitcast3A_2034 = vector.bitcast %select_n3A_2033 : vector<16xi32> to vector<16xf32>
    %reduce_max3A_2035 = arith.constant true
    %reduce_max3A_2036 = vector.broadcast %reduce_max3A_2035 : i1 to vector<16xi1>
    %reduce_max3A_2037 = tpu.scan <max>, %bitcast3A_2034 masked %reduce_max3A_2036 : vector<16xf32>, vector<16xi1> -> vector<16xf32>
    %reduce_max3A_2038 = vector.extract %reduce_max3A_2037[15] : f32 from vector<16xf32>
    %bitcast_convert_type3A_2039 = arith.bitcast %reduce_max3A_2038 : f32 to i32
    %broadcast_in_dim3A_2040 = vector.broadcast %bitcast_convert_type3A_2039 : i32 to vector<16xi32>
    %and3A_2041 = arith.constant 127 : i32
    %and3A_2042 = vector.broadcast %and3A_2041 : i32 to vector<16xi32>
    %and3A_2043 = arith.andi %broadcast_in_dim3A_2040, %and3A_2042 : vector<16xi32>
    %and3A_2044 = arith.constant 15 : i32
    %and3A_2045 = vector.broadcast %and3A_2044 : i32 to vector<16xi32>
    %and3A_2046 = arith.andi %broadcast_in_dim3A_2040, %and3A_2045 : vector<16xi32>
    %ge3A_2047 = arith.constant 9984 : i32
    %ge3A_2048 = vector.broadcast %ge3A_2047 : i32 to vector<16xi32>
    %ge3A_2049 = arith.cmpi sge, %broadcast_in_dim3A_2040, %ge3A_2048 : vector<16xi32>
    %add3A_2050 = arith.constant 0 : i32
    %add3A_2051 = vector.broadcast %add3A_2050 : i32 to vector<16xi32>
    %add3A_2052 = arith.addi %iota3A, %add3A_2051 : vector<16xi32>
    %shift_right_arithmetic3A_2053 = arith.constant 3 : i32
    %shift_right_arithmetic3A_2054 = vector.broadcast %shift_right_arithmetic3A_2053 : i32 to vector<16xi32>
    %shift_right_arithmetic3A_2055 = arith.shrsi %add3A_2052, %shift_right_arithmetic3A_2054 : vector<16xi32>
    %and3A_2056 = arith.constant 7 : i32
    %and3A_2057 = vector.broadcast %and3A_2056 : i32 to vector<16xi32>
    %and3A_2058 = arith.andi %add3A_2052, %and3A_2057 : vector<16xi32>
    %gather3A_2059 = tpu.vector_load_idx %arg16[%shift_right_arithmetic3A_2055, %and3A_2058, %and3A_2043] : memref<4x8x128xf32, #tpu.memory_space<vmem>>[vector<16xi32>, vector<16xi32>, vector<16xi32>], vector<16xf32>,
    %gather3A_2060 = tpu.vector_load_idx %arg18[%shift_right_arithmetic3A_2055, %and3A_2058, %and3A_2046] : memref<4x8x16xf32, #tpu.memory_space<vmem>>[vector<16xi32>, vector<16xi32>, vector<16xi32>], vector<16xf32>,
    %select_n3A_2061 = arith.select %ge3A_2049, %gather3A_2060, %gather3A_2059 : vector<16xi1>, vector<16xf32>
    %max3A_2062 = arith.maximumf %max3A_2012, %select_n3A_2061 : vector<16xf32>
    %add3A_2063 = arith.constant 16 : i32
    %add3A_2064 = vector.broadcast %add3A_2063 : i32 to vector<16xi32>
    %add3A_2065 = arith.addi %iota3A, %add3A_2064 : vector<16xi32>
    %shift_right_arithmetic3A_2066 = arith.constant 3 : i32
    %shift_right_arithmetic3A_2067 = vector.broadcast %shift_right_arithmetic3A_2066 : i32 to vector<16xi32>
    %shift_right_arithmetic3A_2068 = arith.shrsi %add3A_2065, %shift_right_arithmetic3A_2067 : vector<16xi32>
    %and3A_2069 = arith.constant 7 : i32
    %and3A_2070 = vector.broadcast %and3A_2069 : i32 to vector<16xi32>
    %and3A_2071 = arith.andi %add3A_2065, %and3A_2070 : vector<16xi32>
    %gather3A_2072 = tpu.vector_load_idx %arg16[%shift_right_arithmetic3A_2068, %and3A_2071, %and3A_2043] : memref<4x8x128xf32, #tpu.memory_space<vmem>>[vector<16xi32>, vector<16xi32>, vector<16xi32>], vector<16xf32>,
    %gather3A_2073 = tpu.vector_load_idx %arg18[%shift_right_arithmetic3A_2068, %and3A_2071, %and3A_2046] : memref<4x8x16xf32, #tpu.memory_space<vmem>>[vector<16xi32>, vector<16xi32>, vector<16xi32>], vector<16xf32>,
    %select_n3A_2074 = arith.select %ge3A_2049, %gather3A_2073, %gather3A_2072 : vector<16xi1>, vector<16xf32>
    %max3A_2075 = arith.maximumf %max3A_2025, %select_n3A_2074 : vector<16xf32>
    %broadcast_in_dim3A_2076 = arith.constant 8 : i32
    %broadcast_in_dim3A_2077 = vector.broadcast %broadcast_in_dim3A_2076 : i32 to vector<16xi32>
    %gather3A_2078 = tpu.vector_load_idx %arg22[%broadcast_in_dim3A_2077] : memref<1016xf32, #tpu.memory_space<vmem>>[vector<16xi32>], vector<16xf32>,
    %broadcast_in_dim3A_2079 = arith.constant 9 : i32
    %broadcast_in_dim3A_2080 = vector.broadcast %broadcast_in_dim3A_2079 : i32 to vector<16xi32>
    %gather3A_2081 = tpu.vector_load_idx %arg22[%broadcast_in_dim3A_2080] : memref<1016xf32, #tpu.memory_space<vmem>>[vector<16xi32>], vector<16xf32>,
    %broadcast_in_dim3A_2082 = arith.constant 10 : i32
    %broadcast_in_dim3A_2083 = vector.broadcast %broadcast_in_dim3A_2082 : i32 to vector<16xi32>
    %gather3A_2084 = tpu.vector_load_idx %arg22[%broadcast_in_dim3A_2083] : memref<1016xf32, #tpu.memory_space<vmem>>[vector<16xi32>], vector<16xf32>,
    %broadcast_in_dim3A_2085 = arith.constant 11 : i32
    %broadcast_in_dim3A_2086 = vector.broadcast %broadcast_in_dim3A_2085 : i32 to vector<16xi32>
    %gather3A_2087 = tpu.vector_load_idx %arg22[%broadcast_in_dim3A_2086] : memref<1016xf32, #tpu.memory_space<vmem>>[vector<16xi32>], vector<16xf32>,
    %broadcast_in_dim3A_2088 = arith.constant 12 : i32
    %broadcast_in_dim3A_2089 = vector.broadcast %broadcast_in_dim3A_2088 : i32 to vector<16xi32>
    %gather3A_2090 = tpu.vector_load_idx %arg22[%broadcast_in_dim3A_2089] : memref<1016xf32, #tpu.memory_space<vmem>>[vector<16xi32>], vector<16xf32>,
    %broadcast_in_dim3A_2091 = arith.constant 13 : i32
    %broadcast_in_dim3A_2092 = vector.broadcast %broadcast_in_dim3A_2091 : i32 to vector<16xi32>
    %gather3A_2093 = tpu.vector_load_idx %arg22[%broadcast_in_dim3A_2092] : memref<1016xf32, #tpu.memory_space<vmem>>[vector<16xi32>], vector<16xf32>,
    %broadcast_in_dim3A_2094 = arith.constant 14 : i32
    %broadcast_in_dim3A_2095 = vector.broadcast %broadcast_in_dim3A_2094 : i32 to vector<16xi32>
    %gather3A_2096 = tpu.vector_load_idx %arg22[%broadcast_in_dim3A_2095] : memref<1016xf32, #tpu.memory_space<vmem>>[vector<16xi32>], vector<16xf32>,
    %broadcast_in_dim3A_2097 = arith.constant 15 : i32
    %broadcast_in_dim3A_2098 = vector.broadcast %broadcast_in_dim3A_2097 : i32 to vector<16xi32>
    %gather3A_2099 = tpu.vector_load_idx %arg22[%broadcast_in_dim3A_2098] : memref<1016xf32, #tpu.memory_space<vmem>>[vector<16xi32>], vector<16xf32>,
    %get3A = arith.constant 0 : i32
    %get3A_2100 = arith.index_cast %get3A : i32 to index
    %get3A_2101 = arith.constant 0 : index
    %get3A_2102 = tpu.vector_load %arg21[%get3A_2100, %get3A_2101] {strides = array<i32>} : memref<2x16xf32, #tpu.memory_space<vmem>>, vector<16xf32>,
    %lt3A = arith.cmpf olt, %max3A_1570, %gather3A_2087 : vector<16xf32>
    %select_n3A_2103 = arith.select %lt3A, %broadcast_in_dim3A_9, %broadcast_in_dim3A_7 : vector<16xi1>, vector<16xf32>
    %lt3A_2104 = arith.cmpf olt, %max3A_2062, %gather3A_2090 : vector<16xf32>
    %select_n3A_2105 = arith.select %lt3A_2104, %broadcast_in_dim3A_9, %broadcast_in_dim3A_7 : vector<16xi1>, vector<16xf32>
    %mul3A_2106 = arith.mulf %select_n3A_2103, %select_n3A_2105 : vector<16xf32>
    %lt3A_2107 = arith.cmpf olt, %get3A_2102, %gather3A_2093 : vector<16xf32>
    %select_n3A_2108 = arith.select %lt3A_2107, %broadcast_in_dim3A_9, %broadcast_in_dim3A_7 : vector<16xi1>, vector<16xf32>
    %mul3A_2109 = arith.mulf %mul3A_2106, %select_n3A_2108 : vector<16xf32>
    %gt3A = arith.cmpf ogt, %max3A_1570, %gather3A_2078 : vector<16xf32>
    %select_n3A_2110 = arith.select %gt3A, %broadcast_in_dim3A_9, %broadcast_in_dim3A_7 : vector<16xi1>, vector<16xf32>
    %gt3A_2111 = arith.cmpf ogt, %max3A_2062, %gather3A_2081 : vector<16xf32>
    %select_n3A_2112 = arith.select %gt3A_2111, %broadcast_in_dim3A_9, %broadcast_in_dim3A_7 : vector<16xi1>, vector<16xf32>
    %gt3A_2113 = arith.cmpf ogt, %get3A_2102, %gather3A_2084 : vector<16xf32>
    %select_n3A_2114 = arith.select %gt3A_2113, %broadcast_in_dim3A_9, %broadcast_in_dim3A_7 : vector<16xi1>, vector<16xf32>
    %max3A_2115 = arith.maximumf %select_n3A_2112, %select_n3A_2114 : vector<16xf32>
    %max3A_2116 = arith.maximumf %select_n3A_2110, %max3A_2115 : vector<16xf32>
    %sub3A = arith.subf %broadcast_in_dim3A_9, %mul3A_2109 : vector<16xf32>
    %mul3A_2117 = arith.mulf %sub3A, %max3A_2116 : vector<16xf32>
    %mul3A_2118 = arith.mulf %gather3A_2096, %mul3A_2109 : vector<16xf32>
    %mul3A_2119 = arith.mulf %gather3A_2099, %mul3A_2117 : vector<16xf32>
    %add3A_2120 = arith.addf %mul3A_2118, %mul3A_2119 : vector<16xf32>
    %add3A_2121 = arith.constant 16 : i32
    %add3A_2122 = arith.addi %add3A_2121, %multiple_of3A : i32
    %add3A_2123 = arith.constant 0 : i32
    %add3A_2124 = arith.addi %add3A_2122, %add3A_2123 : i32
    %get3A_2125 = arith.index_cast %add3A_2124 : i32 to index
    %get3A_2126 = tpu.vector_load %arg22[%get3A_2125] {strides = array<i32>} : memref<1016xf32, #tpu.memory_space<vmem>>, vector<16xf32>,
    %add3A_2127 = arith.addf %get3A_2126, %add3A_2120 : vector<16xf32>
    %swap3A = arith.constant 0 : index
    %swap3A_2128 = tpu.vector_load %arg23[%swap3A] {strides = array<i32>} : memref<32xf32, #tpu.memory_space<vmem>>, vector<16xf32>,
    tpu.vector_store %arg23[%swap3A], %add3A_2127 {strides = array<i32>} : memref<32xf32, #tpu.memory_space<vmem>>, vector<16xf32>,
    %get3A_2129 = arith.constant 1 : i32
    %get3A_2130 = arith.index_cast %get3A_2129 : i32 to index
    %get3A_2131 = arith.constant 0 : index
    %get3A_2132 = tpu.vector_load %arg21[%get3A_2130, %get3A_2131] {strides = array<i32>} : memref<2x16xf32, #tpu.memory_space<vmem>>, vector<16xf32>,
    %lt3A_2133 = arith.cmpf olt, %max3A_1583, %gather3A_2087 : vector<16xf32>
    %select_n3A_2134 = arith.select %lt3A_2133, %broadcast_in_dim3A_9, %broadcast_in_dim3A_7 : vector<16xi1>, vector<16xf32>
    %lt3A_2135 = arith.cmpf olt, %max3A_2075, %gather3A_2090 : vector<16xf32>
    %select_n3A_2136 = arith.select %lt3A_2135, %broadcast_in_dim3A_9, %broadcast_in_dim3A_7 : vector<16xi1>, vector<16xf32>
    %mul3A_2137 = arith.mulf %select_n3A_2134, %select_n3A_2136 : vector<16xf32>
    %lt3A_2138 = arith.cmpf olt, %get3A_2132, %gather3A_2093 : vector<16xf32>
    %select_n3A_2139 = arith.select %lt3A_2138, %broadcast_in_dim3A_9, %broadcast_in_dim3A_7 : vector<16xi1>, vector<16xf32>
    %mul3A_2140 = arith.mulf %mul3A_2137, %select_n3A_2139 : vector<16xf32>
    %gt3A_2141 = arith.cmpf ogt, %max3A_1583, %gather3A_2078 : vector<16xf32>
    %select_n3A_2142 = arith.select %gt3A_2141, %broadcast_in_dim3A_9, %broadcast_in_dim3A_7 : vector<16xi1>, vector<16xf32>
    %gt3A_2143 = arith.cmpf ogt, %max3A_2075, %gather3A_2081 : vector<16xf32>
    %select_n3A_2144 = arith.select %gt3A_2143, %broadcast_in_dim3A_9, %broadcast_in_dim3A_7 : vector<16xi1>, vector<16xf32>
    %gt3A_2145 = arith.cmpf ogt, %get3A_2132, %gather3A_2084 : vector<16xf32>
    %select_n3A_2146 = arith.select %gt3A_2145, %broadcast_in_dim3A_9, %broadcast_in_dim3A_7 : vector<16xi1>, vector<16xf32>
    %max3A_2147 = arith.maximumf %select_n3A_2144, %select_n3A_2146 : vector<16xf32>
    %max3A_2148 = arith.maximumf %select_n3A_2142, %max3A_2147 : vector<16xf32>
    %sub3A_2149 = arith.subf %broadcast_in_dim3A_9, %mul3A_2140 : vector<16xf32>
    %mul3A_2150 = arith.mulf %sub3A_2149, %max3A_2148 : vector<16xf32>
    %mul3A_2151 = arith.mulf %gather3A_2096, %mul3A_2140 : vector<16xf32>
    %mul3A_2152 = arith.mulf %gather3A_2099, %mul3A_2150 : vector<16xf32>
    %add3A_2153 = arith.addf %mul3A_2151, %mul3A_2152 : vector<16xf32>
    %add3A_2154 = arith.constant 16 : i32
    %add3A_2155 = arith.addi %add3A_2154, %multiple_of3A : i32
    %add3A_2156 = arith.constant 16 : i32
    %add3A_2157 = arith.addi %add3A_2155, %add3A_2156 : i32
    %get3A_2158 = arith.index_cast %add3A_2157 : i32 to index
    %get3A_2159 = tpu.vector_load %arg22[%get3A_2158] {strides = array<i32>} : memref<1016xf32, #tpu.memory_space<vmem>>, vector<16xf32>,
    %add3A_2160 = arith.addf %get3A_2159, %add3A_2153 : vector<16xf32>
    %swap3A_2161 = arith.constant 16 : index
    %swap3A_2162 = tpu.vector_load %arg23[%swap3A_2161] {strides = array<i32>} : memref<32xf32, #tpu.memory_space<vmem>>, vector<16xf32>,
    tpu.vector_store %arg23[%swap3A_2161], %add3A_2160 {strides = array<i32>} : memref<32xf32, #tpu.memory_space<vmem>>, vector<16xf32>,
    "tpu.region"() ({
      %run_scoped3A = tpu.sem_alloc : memref<!tpu.dma_semaphore, #tpu.memory_space<semaphore_mem>>
      %dma_start3A_2163 = tpu.memref_slice %arg9[%multiple_of3A] : memref<1000xf32, #tpu.memory_space<hbm>> -> memref<32xf32, #tpu.memory_space<hbm>>
      %dma_start3A_2164 = tpu.memref_slice %arg9[%multiple_of3A] : memref<1000xf32, #tpu.memory_space<hbm>> -> memref<32xf32, #tpu.memory_space<hbm>>
      tpu.enqueue_dma source(%arg23 : memref<32xf32, #tpu.memory_space<vmem>>) target(%dma_start3A_2164 : memref<32xf32, #tpu.memory_space<hbm>>) target_semaphore(%run_scoped3A : memref<!tpu.dma_semaphore, #tpu.memory_space<semaphore_mem>>)
      %dma_wait3A_2165 = tpu.memref_slice %arg9[%multiple_of3A] : memref<1000xf32, #tpu.memory_space<hbm>> -> memref<32xf32, #tpu.memory_space<hbm>>
      %dma_wait3A_2166 = tpu.memref_slice %arg9[%multiple_of3A] : memref<1000xf32, #tpu.memory_space<hbm>> -> memref<32xf32, #tpu.memory_space<hbm>>
      tpu.wait_dma2 semaphore(%run_scoped3A : memref<!tpu.dma_semaphore, #tpu.memory_space<semaphore_mem>>) src(%arg23 : memref<32xf32, #tpu.memory_space<vmem>>) dst(%dma_wait3A_2166 : memref<32xf32, #tpu.memory_space<hbm>>)
      tpu.yield
    }) : () -> ()
    return
  }
}

</mosaic_0001>

<sc_bundles>
// kernel: kernel.3.cloned.1.call-start
scs
__scs_entry_jumppad:
0x0: {  	(pc) =	sbr.rel $0x88, $3  }
0x1: {  	(tag) =	ssettag $0x0;
	lr =	simm.s32 $0x1  }
0x2: {  	[smem:$0x3F96] =	sst lr;
	_ =	strace $0xD0000000  }
0x3: {  	_ = 	snop  }
0x4: {  	_ = 	snop  }
0x5: {  	_ = 	snop  }
0x6: {  	_ = 	snop  }
0x7: {  	_ = 	snop  }
__scs_overlays_trampoline_lowered:
0x8: {  	[smem:$0x3FA5] =	sst s0  }
0x9: {  	[smem:$0x3FA6] =	sst s1  }
0xa: {  	[smem:$0x3FA7] =	sst s2  }
0xb: {  	[smem:$0x3FA8] =	sst s3  }
0xc: {  	[smem:$0x3FA9] =	sst s4  }
0xd: {  	[smem:$0x3FAA] =	sst s5  }
0xe: {  	[smem:$0x3FAB] =	sst s6  }
0xf: {  	[smem:$0x3FAC] =	sst s7  }
0x10: {  	[smem:$0x3FAD] =	sst s8  }
0x11: {  	[smem:$0x3FAE] =	sst s9;
	s0 =	simm.s32 @!p0 $0x0  }
0x12: {  	s1 =	sld [smem:$0x3F94];
	s0 =	simm.s32 @p0 $0x1  }
0x13: {  	[smem:$0x3FAF] =	sst s0;
	s0 =	simm.s32 @!p1 $0x0  }
0x14: {  	s2 =	sld [smem:$0x3F93];
	s0 =	simm.s32 @p1 $0x1  }
0x15: {  	[smem:$0x3FB0] =	sst s0;
	s0 =	simm.s32 @!p2 $0x0  }
0x16: {  	s3 =	sld [smem:$0x3FDB];
	s0 =	simm.s32 @p2 $0x1  }
0x17: {  	s4 =	simm.s32 $0x1BF5;
	[smem:$0x3FB2] =	sst s0  }
0x18: {  	s0 =	sld [smem:$0x3F95];
	_ =	swait.ge [sflag:s4], $0x0  }
0x19: {  	s7 =	sld [smem:$0x3F96]  }
0x1a: {  	s8 =	sadd.s32 $0xFFFFE003, lr  }
0x1b: {  	s9 =	sadd.s32 $0xFFFFFEF7, lr;
	s5 =	simm.s32 $0xFFFFFFFF;
	p2 =	slt.u32 s8, $0xFFFFF086  }
0x1c: {  	p1 =	slt.u32 s9, $0xF7A;
	s5 =	simm.s32 @!p2 $0x0  }
0x1d: {  	s5 =	simm.s32 @p1 $0x1;
	p0 =	seq.s32 s7, s2  }
0x1e: {  	s7 =	smul.u32 @!p0 $0xF7A, s2;
	p2 =	seq.s32 @!p0 s5, $0x0  }
0x1f: {  	s9 =	smul.u32 $0xF7A, s1;
	s8 =	simm.s32 @!p0 $0x1BF5;
	p2 =	por !p2, p0  }
0x20: {  	[sflag:s8] =	ssyncset.s32 @!p0 $0xFFFFF086;
	s6 =	sadd.s32 @!p0 s3, s7;
	s7 =	simm.s32 @!p0 $0x108  }
0x21: {  	s3 =	sadd.s32 s3, s9;
	s6 =	sadd.s32 @!p0 $0x88, s6;
	s7 =	simm.s32 @p2 $0x1082  }
0x22: {  	[simem:s7], [sflag:s8] =	dma.local @!p0 [hbm:s6], $0xF7A  }
0x23: {  	s9 =	sor.u32 $0xD0000000, s2;
	s6 =	simm.s32 $0x108;
	_ =	swait.ge @!p0 [sflag:s8], $0x0  }
0x24: {  	s3 =	sadd.s32 $0x88, s3;
	s6 =	simm.s32 @!p1 $0x1082;
	[sflag:s4] =	ssyncset.s32 $0xFFFFF086  }
0x25: {  	[simem:s6], [sflag:s4] =	dma.local [hbm:s3], $0xF7A  }
0x26: {  	[smem:$0x3F96] =	sst s1;
	(tag) =	ssettag s2;
	_ =	strace s9  }
0x27: {  	s1 =	sld [smem:$0x3FA6]  }
0x28: {  	s2 =	sld [smem:$0x3FA7]  }
0x29: {  	s4 =	sld [smem:$0x3FA9]  }
0x2a: {  	p0 =	seq.s32 s5, $0x0;
	s5 =	sld [smem:$0x3FAA]  }
0x2b: {  	s6 =	sld [smem:$0x3FAB]  }
0x2c: {  	s7 =	sld [smem:$0x3FAC]  }
0x2d: {  	s3 =	simm.s32 $0x108;
	s8 =	sld [smem:$0x3FAD]  }
0x2e: {  	s3 =	simm.s32 @!p0 $0x1082;
	s9 =	sld [smem:$0x3FAE]  }
0x2f: {  	lr =	sadd.s32 s0, s3;
	s0 =	sld [smem:$0x3FA5]  }
0x30: {  	s3 =	sld [smem:$0x3FA8]  }
0x31: {  	[smem:$0x3FB1] =	sst s10  }
0x32: {  	s10 =	sld [smem:$0x3FAF];
	_ =	sdelay $0x3  }
0x33: {  	p0 =	seq.s32 s10, $0x1;
	s10 =	sld [smem:$0x3FB1];
	_ =	sdelay $0x3  }
0x34: {  	[smem:$0x3FB1] =	sst s10  }
0x35: {  	s10 =	sld [smem:$0x3FB0];
	_ =	sdelay $0x3  }
0x36: {  	p1 =	seq.s32 s10, $0x1;
	s10 =	sld [smem:$0x3FB1];
	_ =	sdelay $0x3  }
0x37: {  	[smem:$0x3FB1] =	sst s10  }
0x38: {  	s10 =	sld [smem:$0x3FB2]  }
0x39: {  	_ = 	snop;
	(pc) =	sbr.ind lr, $3  }
0x3a: {  	_ = 	snop  }
0x3b: {  	_ = 	snop  }
0x3c: {  	p2 =	seq.s32 s10, $0x1;
	s10 =	sld [smem:$0x3FB1]  }
0x3d: {  	_ =	shalt  }
0x3e: {  	_ =	shalt  }
0x3f: {  	_ =	shalt  }
0x40: {  	_ =	shalt  }
0x41: {  	_ =	shalt  }
0x42: {  	_ =	shalt  }
0x43: {  	_ =	shalt  }
0x44: {  	_ =	shalt  }
0x45: {  	_ =	shalt  }
0x46: {  	_ =	shalt  }
0x47: {  	_ =	shalt  }
0x48: {  	_ =	shalt  }
0x49: {  	_ =	shalt  }
0x4a: {  	_ =	shalt  }
0x4b: {  	_ =	shalt  }
0x4c: {  	_ =	shalt  }
0x4d: {  	_ =	shalt  }
0x4e: {  	_ =	shalt  }
0x4f: {  	_ =	shalt  }
0x50: {  	_ =	shalt  }
0x51: {  	_ =	shalt  }
0x52: {  	_ =	shalt  }
0x53: {  	_ =	shalt  }
0x54: {  	_ =	shalt  }
0x55: {  	_ =	shalt  }
0x56: {  	_ =	shalt  }
0x57: {  	_ =	shalt  }
0x58: {  	_ =	shalt  }
0x59: {  	_ =	shalt  }
0x5a: {  	_ =	shalt  }
0x5b: {  	_ =	shalt  }
0x5c: {  	_ =	shalt  }
0x5d: {  	_ =	shalt  }
0x5e: {  	_ =	shalt  }
0x5f: {  	_ =	shalt  }
0x60: {  	_ =	shalt  }
0x61: {  	_ =	shalt  }
0x62: {  	_ =	shalt  }
0x63: {  	_ =	shalt  }
0x64: {  	_ =	shalt  }
0x65: {  	_ =	shalt  }
0x66: {  	_ =	shalt  }
0x67: {  	_ =	shalt  }
0x68: {  	_ =	shalt  }
0x69: {  	_ =	shalt  }
0x6a: {  	_ =	shalt  }
0x6b: {  	_ =	shalt  }
0x6c: {  	_ =	shalt  }
0x6d: {  	_ =	shalt  }
0x6e: {  	_ =	shalt  }
0x6f: {  	_ =	shalt  }
0x70: {  	_ =	shalt  }
0x71: {  	_ =	shalt  }
0x72: {  	_ =	shalt  }
0x73: {  	_ =	shalt  }
0x74: {  	_ =	shalt  }
0x75: {  	_ =	shalt  }
0x76: {  	_ =	shalt  }
0x77: {  	_ =	shalt  }
0x78: {  	_ =	shalt  }
0x79: {  	_ =	shalt  }
0x7a: {  	_ =	shalt  }
0x7b: {  	_ =	shalt  }
0x7c: {  	_ =	shalt  }
0x7d: {  	_ =	shalt  }
0x7e: {  	_ =	shalt  }
0x7f: {  	_ =	shalt  }
0x80: {  	_ =	shalt  }
0x81: {  	_ =	shalt  }
0x82: {  	_ =	shalt  }
0x83: {  	_ =	shalt  }
0x84: {  	_ =	shalt  }
0x85: {  	_ =	shalt  }
0x86: {  	_ =	shalt  }
0x87: {  	_ =	shalt  }
.Lfunc_end0:
.L_simem_size_0:
called_computation_lowered:
.L_overlay_start_0:
0x88: {  	s2 =	sld [smem:$0x3FD9]  }
0x89: {  	s3 =	sld [smem:$0x3FFE];
	_ =	sdelay $0x1  }
0x8a: {  	s1 =	srdreg.scid  }
0x8b: {  	s0 =	sand.u32 $0x1, s1  }
0x8c: {  	s17 =	sshll.u32 s0, $0xA;
	s2 =	sadd.s32 s3, s2  }
0x8d: {  	s2 =	sadd.s32 s2, s17  }
0x8e: {  	[smem:$0x3FBD] =	sst s2  }
0x8f: {  	_ = 	snop  }
0x90: {  	s2 =	sld [smem:$0x3FC8]  }
0x91: {  	s18 =	sld [smem:$0x3FC7]  }
0x92: {  	s4 =	sld [smem:$0x3FC6]  }
0x93: {  	s5 =	sld [smem:$0x3FC5]  }
0x94: {  	s6 =	sld [smem:$0x3FC4]  }
0x95: {  	s7 =	sld [smem:$0x3FC3]  }
0x96: {  	s8 =	sld [smem:$0x3FD0];
	(tm) =	ssettm $0x1  }
0x97: {  	s9 =	sld [smem:$0x3FFB];
	_ =	sdelay $0x3  }
0x98: {  	_ =	strace s9  }
0x99: {  	s9 =	sld [smem:$0x3FFC];
	_ =	sdelay $0x3  }
0x9a: {  	_ =	strace s9  }
0x9b: {  	s9 =	sld [smem:$0x3FFD];
	_ =	sdelay $0x3  }
0x9c: {  	_ =	strace s9  }
0x9d: {  	_ =	strace $0x8FFFFFFF  }
0x9e: {  	s19 =	sld [smem:$0x3FDB];
	_ =	sdelay $0x1  }
0x9f: {  	s10 =	simm.s32 $_scs_section_size  }
0xa0: {  	s11 =	simm.s32 $_size__tile_overlayer_lowered;
	s12 =	simm.s32 $_tile_overlayer_lowered  }
0xa1: {  	s22 =	simm.s32 $0x1BFF;
	s21 =	sshll.u32 s12, $0x1;
	s9 =	sadd.s32 s10, s19  }
0xa2: {  	s13 =	simm.s32 $0x0;
	s20 =	sshll.u32 s11, $0x1;
	s11 =	sadd.s32 s21, s9  }
0xa3: {  	[timem:s13], [sflag:s22] =	dma.local [hbm:s11], s20  }
0xa4: {  	_ =	swait.ge [sflag:s22], s20  }
0xa5: {  	s10 =	ssub.s32 $0x0, s20;
	[sflag:s22] =	ssyncset.done $0x0  }
0xa6: {  	[sflag:s22] =	ssyncadd.s32 s10;
	_ =	sdelay $0x1  }
0xa7: {  	s23 =	simm.s32 $0x1B8B  }
0xa8: {  	_ =	swait.ge [sflag:s23], $0x1  }
0xa9: {  	[sflag:s23] =	ssyncset.done $0x0  }
0xaa: {  	s25 =	simm.s32 $0x1B8E;
	s24 =	sld [smem:$0x3FFE];
	[sflag:s23] =	ssyncadd.s32 $0xFFFFFFFF  }
0xab: {  	s26 =	simm.s32 $execute0_lowered;
	[smem:$0x3FD2] =	sst s25  }
0xac: {  	s11 =	sshll.u32 s26, $0x1;
	_ =	strace $0x80000046;
	[dreg:$0x1] =	wrdreg $0xFFFFFFFF  }
0xad: {  	s28 =	simm.s32 $_size_execute0_lowered;
	s9 =	sadd.s32 s9, s11;
	[dreg:$0x0] =	wrdreg $0x0  }
0xae: {  	s11 =	sshll.u32 s28, $0x1;
	[dreg:$0x2] =	wrdreg s9  }
0xaf: {  	[dreg:$0x3] =	wrdreg s11  }
0xb0: {  	[dreg:$0x4] =	wrdreg $0xC0  }
0xb1: {  	_ =	task [dreg:s13], $0x5FFFF  }
0xb2: {  	[dreg:$0x1] =	wrdreg $0xFFFFFFFF  }
0xb3: {  	[dreg:$0x0] =	wrdreg $0x60  }
0xb4: {  	[dreg:$0x2] =	wrdreg s5  }
0xb5: {  	[dreg:$0x3] =	wrdreg s6  }
0xb6: {  	[dreg:$0x4] =	wrdreg s7  }
0xb7: {  	[dreg:$0x5] =	wrdreg s2  }
0xb8: {  	[dreg:$0x6] =	wrdreg s18  }
0xb9: {  	[dreg:$0x7] =	wrdreg s4  }
0xba: {  	[dreg:$0x8] =	wrdreg s24  }
0xbb: {  	[dreg:$0x9] =	wrdreg s8  }
0xbc: {  	[dreg:$0xa] =	wrdreg $0x9  }
0xbd: {  	_ =	task.clear_ibuf [dreg:s13], $0xBFFFF;
	_ =	strace $0x90000046  }
0xbe: {  	s29 =	simm.s32 $0x9;
	_ =	strace $0x80000048  }
0xbf: {  	_ =	swait.ge [sflag:s29], $0x1  }
0xc0: {  	[sflag:s29] =	ssyncadd.s32 $0xFFFFFFFF  }
0xc1: {  	_ =	strace $0x90000048  }
0xc2: {  	_ =	sfence  }
0xc3: {  	s30 =	sld [smem:$0x0];
	_ =	sdelay $0x2  }
0xc4: {  	s31 =	sshll.u32 s1, $0xD;
	s1 =	sshrl.u32 s1, $0x2  }
0xc5: {  	s3 =	sand.u32 $0x4000, s31;
	s1 =	sadd.s32 s1, s30  }
0xc6: {  	s0 =	sor.u32 s3, s0;
	s1 =	sshll.u32 s1, $0x11  }
0xc7: {  	s0 =	sor.u32 s1, s0  }
0xc8: {  	s0 =	sadd.s32 $0x8F2B, s0  }
0xc9: {  	[sflag:s0] =	ssyncadd.remote.s32 $0x1  }
0xca: {  	_ =	sfence.sel $0xFFFF  }
0xcb: {  	[dreg:$0x0] =	wrdreg $0xFFFFFFFF;
	(pc) =	sbr.abs _section_cstart, $3  }
0xcc: {  	[dreg:$0x1] =	wrdreg $0xFFFFFFFF  }
0xcd: {  	_ =	task.clear_ibuf [dreg:s13], $0x2FFFF;
	_ =	strace $0x9FFFFFFF  }
0xce: {  	(tm) =	ssettm $0x7FFFFFFF  }
0xcf: {  	_ =	shalt  }
tec
execute0_lowered:
.L_overlay_start_1:
0x0: {  	(tag) =	ssettag $0x1  }
0x1: {  	s0 =	srdreg.scid  }
0x2: {  	s8 =	stileid.u32;
	s2 =	sand.u32 $0x1, s0  }
0x3: {  	s21 =	sshll.u32 s8, $0x6;
	s1 =	sshll.u32 s2, $0x5  }
0x4: {  	s0 =	sor.u32 s1, s21  }
0x5: {  	v24 =	vlaneseq.u32;
	s12 =	smin.u32 s0, $0x3C8  }
0x6: {  	v1 =	vor.u32 $0x400, v24;
	s0 =	sadd.s32 $0xFFFFFC80, s12  }
0x7: {  	v2 =	vor.u32 $0x810, v24;
	v1 =	vadd.s32 s0, v1  }
0x8: {  	v0 =	vadd.s32 s0, v24;
	v35 =	vadd.s32 s0, v2;
	[tilespmem:$0x1FD90] =	vst v1  }
0x9: {  	v19 =	vadd.s32 $0x800, v0;
	[tilespmem:$0x1FE60] =	vst v35  }
0xa: {  	v20 =	vadd.s32 $0xC00, v0;
	[tilespmem:$0x1FDA0] =	vst v19  }
0xb: {  	v21 =	vadd.s32 $0x1000, v0;
	[tilespmem:$0x1FDB0] =	vst v20  }
0xc: {  	v22 =	vadd.s32 $0x1400, v0;
	[tilespmem:$0x1FDC0] =	vst v21  }
0xd: {  	v23 =	vadd.s32 $0x1800, v0;
	[tilespmem:$0x1FDD0] =	vst v22  }
0xe: {  	v28 =	vadd.s32 $0x1C00, v0;
	[tilespmem:$0x1FDE0] =	vst v23  }
0xf: {  	v29 =	vadd.s32 $0x2000, v0;
	[tilespmem:$0x1FDF0] =	vst v28  }
0x10: {  	v30 =	vadd.s32 $0x2400, v0;
	[tilespmem:$0x1FE00] =	vst v29  }
0x11: {  	v31 =	vadd.s32 $0x2800, v0;
	[tilespmem:$0x1FE10] =	vst v30  }
0x12: {  	s13 =	rddreg [dreg:$0x1];
	v32 =	vadd.s32 $0x2C00, v0;
	[tilespmem:$0x1FE20] =	vst v31  }
0x13: {  	s14 =	rddreg [dreg:$0x2];
	v34 =	vor.u32 $0x410, v24;
	v0 =	vadd.s32 $0x3000, v0;
	[tilespmem:$0x1FE30] =	vst v32  }
0x14: {  	s3 =	rddreg [dreg:$0x6];
	v36 =	vor.u32 $0xC10, v24;
	v1 =	vadd.s32 s0, v34;
	[tilespmem:$0x1FE40] =	vst v0  }
0x15: {  	s4 =	rddreg [dreg:$0x7];
	s9 =	simm.s32 $0x0;
	v37 =	vor.u32 $0x1010, v24;
	[tilespmem:$0x1FE50] =	vst v1;
	v1 =	vadd.s32 s0, v36  }
0x16: {  	[smem:$0x7FF] =	sst s9;
	v38 =	vor.u32 $0x1410, v24;
	[tilespmem:$0x1FE70] =	vst v1;
	v1 =	vadd.s32 s0, v37  }
0x17: {  	v42 =	vor.u32 $0x2010, v24;
	s1 =	rddreg [dreg:$0x0];
	v39 =	vadd.s32 s0, v38;
	_ =	strace $0x80000047;
	[tilespmem:$0x1FE80] =	vst v1  }
0x18: {  	v46 =	vor.u32 $0x2C10, v24;
	v43 =	vadd.s32 s0, v42;
	[tilespmem:$0x1FE90] =	vst v39  }
0x19: {  	v33 =	vor.u32 $0x10, v24;
	s26 =	sand.u32 $0x68, s12;
	v47 =	vadd.s32 s0, v46;
	[tilespmem:$0x1FEC0] =	vst v43  }
0x1a: {  	v3 =	vadd.s32 s26, v24;
	v0 =	vadd.s32 s26, v33;
	[tilespmem:$0x1FEF0] =	vst v47  }
0x1b: {  	v51 =	vor.u32 $0x400, v0;
	[tilespmem:$0x1FF10] =	vst v3  }
0x1c: {  	v52 =	vor.u32 $0x800, v0;
	[tilespmem:$0x1FF20] =	vst v51  }
0x1d: {  	v53 =	vor.u32 $0xC00, v0;
	[tilespmem:$0x1FF30] =	vst v52  }
0x1e: {  	v54 =	vor.u32 $0x1000, v0;
	[tilespmem:$0x1FF40] =	vst v53  }
0x1f: {  	v55 =	vor.u32 $0x1400, v0;
	[tilespmem:$0x1FF50] =	vst v54  }
0x20: {  	v56 =	vor.u32 $0x1800, v0;
	[tilespmem:$0x1FF60] =	vst v55  }
0x21: {  	v40 =	vor.u32 $0x1810, v24;
	v57 =	vor.u32 $0x1C00, v0;
	[tilespmem:$0x1FF70] =	vst v56  }
0x22: {  	s19 =	simm.s32 $0x4;
	s28 =	simm.s32 $0x5180;
	s31 =	simm.s32 $0x3;
	v41 =	vor.u32 $0x1C10, v24;
	v1 =	vadd.s32 s0, v40;
	[tilespmem:$0x1FF80] =	vst v57  }
0x23: {  	s29 =	simm.s32 $0x1180;
	s30 =	simm.s32 $0x2180;
	v44 =	vor.u32 $0x2410, v24;
	s5 =	sshrl.u32 s12, $0x3;
	[tilespmem:$0x1FEA0] =	vst v1;
	v1 =	vadd.s32 s0, v41  }
0x24: {  	s3 =	sadd.s32 $0x600, s3;
	v45 =	vor.u32 $0x2810, v24;
	s2 =	ssub.s32 $0x2, s2;
	s10 =	smul.u32 $0x27400, s5;
	[tilespmem:$0x1FEB0] =	vst v1;
	v1 =	vadd.s32 s0, v44  }
0x25: {  	v49 =	vimm.s32 $0x3210BA98;
	s24 =	sadd.s32 $0x380, s14;
	v48 =	vor.u32 $0x3010, v24;
	s6 =	sshrl.u32 s2, $0x1;
	s11 =	smul.u32 $0x13C00, s5;
	[tilespmem:$0x1FED0] =	vst v1;
	v1 =	vadd.s32 s0, v45  }
0x26: {  	v50 =	vimm.s32 $0x76543210;
	p0 =	sgt.u32 s8, $0xD;
	s2 =	ssub.s32 s2, s6;
	s25 =	sshll.u32 s12, $0x3;
	[tilespmem:$0x1FEE0] =	vst v1;
	v1 =	vadd.s32 s0, v48  }
0x27: {  	s18 =	smax.u32 s2, $0x1;
	v2 =	vunpack.c.l.s4.s8 v50;
	s22 =	sshrl.u32 s10, $0x3;
	s7 =	sshrl.u32 s11, $0x3;
	v58 =	vor.u32 $0x2000, v0;
	[tilespmem:$0x1FF00] =	vst v1;
	v1 =	vunpack.c.l.s4.s8 v49  }
0x28: {  	vm0 =	vmmov $0x1;
	vm12 =	vcmask $0x308;
	s23 =	sadd.s32 s13, s7;
	s13 =	simm.s32 $0x13C00;
	v59 =	vor.u32 $0x2400, v0;
	[dreg:$0xa] =	wrdreg s3;
	[tilespmem:$0x1FF90] =	vst v58  }
0x29: {  	v2 =	vunpack.c.0.s8.s32 v2;
	v60 =	vor.u32 $0x2800, v0;
	s7 =	simm.s32 $0x1;
	s3 =	sadd.s32 s1, s22;
	[dreg:$0xd] =	wrdreg s24;
	[tilespmem:$0x1FFA0] =	vst v59;
	v1 =	vunpack.c.0.s8.s32 v1  }
.Ltmp0:
0x2a: {  	vm2 =	vcmask $0x70C;
	vm3 =	vcmask $0xB10;
	v61 =	vor.u32 $0x2C00, v0;
	[dreg:$0x9] =	wrdreg s12;
	s12 =	sadd.s32 s4, s5;
	[tilespmem:$0x1FFB0] =	vst v60;
	(pc) =	sbr.rel .LBB2_1-.Ltmp0, $4  }
0x2b: {  	vm4 =	vcmask $0xF14;
	v0 =	vor.u32 $0x3000, v0;
	s4 =	simm.s32 $0xCA80;
	s24 =	simm.s32 $0x27400;
	[tilespmem:$0x1FFC0] =	vst v61;
	s3 =	sadd.s32 $0x4E00, s3;
	v1 =	vcombine.low v2, v1  }
0x2c: {  	vm5 =	vcmask $0x1318;
	vm6 =	vcmask $0x171C;
	v62 =	vand.u32 $0x7, v24;
	[tilespmem:$0x1FFD0] =	vst v0;
	s5 =	simm.s32 $0x3180;
	[dreg:$0xb] =	wrdreg s3;
	s3 =	sadd.s32 $0x2700, s23  }
0x2d: {  	vm7 =	vcmask $0x1B20;
	vm8 =	vcmask $0x1F24;
	[tilespmem:$0x1FFE0] =	vst v62;
	s23 =	simm.s32 $0x400;
	[dreg:$0xc] =	wrdreg s3;
	s3 =	sand.u32 $0x1C00, s25;
	v63 =	vand.u32 $0xF, v1  }
0x2e: {  	vm9 =	vcmask $0x2328;
	vm11 =	vcmask $0x272C;
	vm1 =	vcmask $0x2B30;
	s25 =	simm.s32 $0x4180;
	[dreg:$0xe] =	wrdreg s3;
	s0 =	simm.s32 $0x180;
	[tilespmem:$0x1FFF0] =	vst v63  }
.LBB2_3:
0x2f: {  	s15 =	sshll.u32 s15, $0x7  }
0x30: {  	s8 =	rddreg [dreg:$0xd];
	s15 =	sand.u32 $0x1FFFFC00, s15  }
0x31: {  	s16 =	simm.s32 $0x9980;
	s15 =	sadd.s32 s15, s8  }
0x32: {  	[tilespmem:s16], [sflag:$0x3] =	stream.linear.gather [hbm4b:s15+s9], $0x400, $0x38;
	[tilespmem:$0xCF00] =	vst v63  }
0x33: {  	s16 =	sshll.u32 s26, $0x7  }
0x34: {  	s15 =	sand.u32 $0x1FFFFC00, s16  }
0x35: {  	s26 =	simm.s32 $0x9D80;
	s16 =	sshll.u32 s22, $0x7;
	s15 =	sadd.s32 s15, s8  }
0x36: {  	[tilespmem:s26], [sflag:$0x3] =	stream.linear.gather [hbm4b:s15+s9], $0x400, $0x38;
	[tilespmem:$0xCF00] =	vst v63  }
0x37: {  	s3 =	sshll.u32 s3, $0x7;
	s15 =	sand.u32 $0x1FFFFC00, s16  }
0x38: {  	s3 =	sand.u32 $0x1FFFFC00, s3;
	s22 =	simm.s32 $0xA180;
	s15 =	sadd.s32 s15, s8  }
0x39: {  	[tilespmem:s22], [sflag:$0x3] =	stream.linear.gather [hbm4b:s15+s9], $0x400, $0x38;
	[tilespmem:$0xCF00] =	vst v63  }
0x3a: {  	s6 =	sshll.u32 s6, $0x7;
	s3 =	sadd.s32 s3, s8;
	s26 =	simm.s32 $0xA580  }
0x3b: {  	[tilespmem:s26], [sflag:$0x3] =	stream.linear.gather [hbm4b:s3+s9], $0x400, $0x38;
	[tilespmem:$0xCF00] =	vst v63  }
0x3c: {  	s3 =	sand.u32 $0x1FFFFC00, s6  }
0x3d: {  	s16 =	sshll.u32 s4, $0x7;
	s15 =	simm.s32 $0xA980;
	s3 =	sadd.s32 s3, s8  }
0x3e: {  	[tilespmem:s15], [sflag:$0x3] =	stream.linear.gather [hbm4b:s3+s9], $0x400, $0x38;
	[tilespmem:$0xCF00] =	vst v63  }
0x3f: {  	s2 =	sshll.u32 s2, $0x7;
	s3 =	sand.u32 $0x1FFFFC00, s16  }
0x40: {  	s2 =	sand.u32 $0x1FFFFC00, s2;
	s22 =	simm.s32 $0xAD80;
	s3 =	sadd.s32 s3, s8  }
0x41: {  	[tilespmem:s22], [sflag:$0x3] =	stream.linear.gather [hbm4b:s3+s9], $0x400, $0x38;
	[tilespmem:$0xCF00] =	vst v63  }
0x42: {  	s2 =	sadd.s32 s2, s8;
	s26 =	simm.s32 $0xB180;
	s3 =	sshll.u32 s17, $0x7  }
0x43: {  	[tilespmem:s26], [sflag:$0x3] =	stream.linear.gather [hbm4b:s2+s9], $0x400, $0x38;
	[tilespmem:$0xCF00] =	vst v63  }
0x44: {  	s2 =	sand.u32 $0x1FFFFC00, s3  }
0x45: {  	s4 =	simm.s32 $0xB580;
	s6 =	sshll.u32 s14, $0x7;
	s2 =	sadd.s32 s2, s8  }
0x46: {  	[tilespmem:s4], [sflag:$0x3] =	stream.linear.gather [hbm4b:s2+s9], $0x400, $0x38;
	[tilespmem:$0xCF00] =	vst v63  }
0x47: {  	s2 =	sand.u32 $0x1FFFFC00, s6  }
0x48: {  	s14 =	simm.s32 $0xB980;
	s15 =	sshll.u32 s21, $0x7;
	s2 =	sadd.s32 s2, s8  }
0x49: {  	[tilespmem:s14], [sflag:$0x3] =	stream.linear.gather [hbm4b:s2+s9], $0x400, $0x38;
	[tilespmem:$0xCF00] =	vst v63  }
0x4a: {  	s2 =	sand.u32 $0x1FFFFC00, s15  }
0x4b: {  	s16 =	simm.s32 $0xBD80;
	s17 =	sshll.u32 s20, $0x7;
	s2 =	sadd.s32 s2, s8  }
0x4c: {  	[tilespmem:s16], [sflag:$0x3] =	stream.linear.gather [hbm4b:s2+s9], $0x400, $0x38;
	[tilespmem:$0xCF00] =	vst v63  }
0x4d: {  	s2 =	sand.u32 $0x1FFFFC00, s17  }
0x4e: {  	s21 =	sshll.u32 s13, $0x7;
	s20 =	simm.s32 $0xC180;
	s2 =	sadd.s32 s2, s8  }
0x4f: {  	[tilespmem:s20], [sflag:$0x3] =	stream.linear.gather [hbm4b:s2+s9], $0x400, $0x38;
	[tilespmem:$0xCF00] =	vst v63  }
0x50: {  	s2 =	sand.u32 $0x1FFFFC00, s21  }
0x51: {  	s22 =	simm.s32 $0xC580;
	s2 =	sadd.s32 s2, s8  }
0x52: {  	[tilespmem:s22], [sflag:$0x3] =	stream.linear.gather [hbm4b:s2+s9], $0x400, $0x38;
	[tilespmem:$0xCF00] =	vst v63  }
0x53: {  	_ =	swait.ge [sflag:s31], $0x400  }
0x54: {  	[sflag:s31] =	ssyncset.done $0x0  }
0x55: {  	[sflag:s31] =	ssyncadd.s32 $0xFFFFFC00  }
0x56: {  	_ =	swait.ge [sflag:s31], $0x400  }
0x57: {  	[sflag:s31] =	ssyncset.done $0x0  }
0x58: {  	[sflag:s31] =	ssyncadd.s32 $0xFFFFFC00  }
0x59: {  	_ =	swait.ge [sflag:s31], $0x400  }
0x5a: {  	[sflag:s31] =	ssyncset.done $0x0  }
0x5b: {  	[sflag:s31] =	ssyncadd.s32 $0xFFFFFC00  }
0x5c: {  	_ =	swait.ge [sflag:s31], $0x400  }
0x5d: {  	[sflag:s31] =	ssyncset.done $0x0  }
0x5e: {  	[sflag:s31] =	ssyncadd.s32 $0xFFFFFC00  }
0x5f: {  	_ =	swait.ge [sflag:s31], $0x400  }
0x60: {  	[sflag:s31] =	ssyncset.done $0x0  }
0x61: {  	[sflag:s31] =	ssyncadd.s32 $0xFFFFFC00  }
0x62: {  	_ =	swait.ge [sflag:s31], $0x400  }
0x63: {  	[sflag:s31] =	ssyncset.done $0x0  }
0x64: {  	[sflag:s31] =	ssyncadd.s32 $0xFFFFFC00  }
0x65: {  	_ =	swait.ge [sflag:s31], $0x400  }
0x66: {  	[sflag:s31] =	ssyncset.done $0x0  }
0x67: {  	[sflag:s31] =	ssyncadd.s32 $0xFFFFFC00  }
0x68: {  	_ =	swait.ge [sflag:s31], $0x400  }
0x69: {  	[sflag:s31] =	ssyncset.done $0x0  }
0x6a: {  	[sflag:s31] =	ssyncadd.s32 $0xFFFFFC00  }
0x6b: {  	_ =	swait.ge [sflag:s31], $0x400  }
0x6c: {  	[sflag:s31] =	ssyncset.done $0x0  }
0x6d: {  	[sflag:s31] =	ssyncadd.s32 $0xFFFFFC00  }
0x6e: {  	_ =	swait.ge [sflag:s31], $0x400  }
0x6f: {  	[sflag:s31] =	ssyncset.done $0x0  }
0x70: {  	[sflag:s31] =	ssyncadd.s32 $0xFFFFFC00  }
0x71: {  	_ =	swait.ge [sflag:s31], $0x400  }
0x72: {  	[sflag:s31] =	ssyncset.done $0x0  }
0x73: {  	v12 =	vld [tilespmem:$0x1FD90];
	[sflag:s31] =	ssyncadd.s32 $0xFFFFFC00  }
0x74: {  	v13 =	vld [tilespmem:$0x1FDA0];
	_ =	swait.ge [sflag:s31], $0x400  }
0x75: {  	v14 =	vld [tilespmem:$0x1FDB0]  }
0x76: {  	v15 =	vld [tilespmem:$0x1FDC0]  }
0x77: {  	v16 =	vld [tilespmem:$0x1FDD0]  }
0x78: {  	v17 =	vld [tilespmem:$0x1FDE0]  }
0x79: {  	v18 =	vld [tilespmem:$0x1FDF0]  }
0x7a: {  	v19 =	vld [tilespmem:$0x1FE00]  }
0x7b: {  	v20 =	vld [tilespmem:$0x1FE10]  }
0x7c: {  	v21 =	vld [tilespmem:$0x1FE20]  }
0x7d: {  	v22 =	vld [tilespmem:$0x1FE30]  }
0x7e: {  	v45 =	vld [tilespmem:$0x1FE40]  }
0x7f: {  	v11 =	vshll.u32 v11, $0x7;
	v52 =	vld [tilespmem:$0x1FE50]  }
0x80: {  	v10 =	vshll.u32 v10, $0x7;
	v53 =	vld [tilespmem:$0x1FE60];
	v12 =	vadd.s32 v12, v11  }
0x81: {  	v9 =	vshll.u32 v9, $0x7;
	v54 =	vld [tilespmem:$0x1FE70];
	v13 =	vadd.s32 v13, v10  }
0x82: {  	v8 =	vshll.u32 v8, $0x7;
	v55 =	vld [tilespmem:$0x1FE80];
	v14 =	vadd.s32 v14, v9  }
0x83: {  	v7 =	vshll.u32 v7, $0x7;
	[sflag:s31] =	ssyncset.done $0x0;
	v56 =	vld [tilespmem:$0x1FE90];
	v15 =	vadd.s32 v15, v8  }
0x84: {  	v6 =	vshll.u32 v6, $0x7;
	s26 =	simm.s32 $0x9580;
	v57 =	vld [tilespmem:$0x1FEA0];
	[sflag:s31] =	ssyncadd.s32 $0xFFFFFC00;
	v16 =	vadd.s32 v16, v7  }
0x85: {  	v5 =	vshll.u32 v5, $0x7;
	v17 =	vadd.s32 v17, v6;
	v12 =	vld.idx.msk [tilespmem:v12+s26+$0x0], $0xffff  }
0x86: {  	v4 =	vshll.u32 v4, $0x7;
	v18 =	vadd.s32 v18, v5;
	v13 =	vld.idx.msk [tilespmem:v13+s26+$0x0], $0xffff  }
0x87: {  	v3 =	vshll.u32 v3, $0x7;
	v19 =	vadd.s32 v19, v4;
	v14 =	vld.idx.msk [tilespmem:v14+s26+$0x0], $0xffff  }
0x88: {  	v2 =	vshll.u32 v2, $0x7;
	v20 =	vadd.s32 v20, v3;
	v15 =	vld.idx.msk [tilespmem:v15+s26+$0x0], $0xffff  }
0x89: {  	v1 =	vshll.u32 v1, $0x7;
	v21 =	vadd.s32 v21, v2;
	v16 =	vld.idx.msk [tilespmem:v16+s26+$0x0], $0xffff  }
0x8a: {  	v0 =	vshll.u32 v0, $0x7;
	v22 =	vadd.s32 v22, v1;
	v17 =	vld.idx.msk [tilespmem:v17+s26+$0x0], $0xffff  }
0x8b: {  	v44 =	vld.idx.msk [tilespmem:v18+s26+$0x0], $0xffff;
	v18 =	vadd.s32 v45, v0;
	v12 =	vmax.f32 v12, v13  }
0x8c: {  	v46 =	vld.idx.msk [tilespmem:v19+s26+$0x0], $0xffff;
	v12 =	vmax.f32 v12, v14  }
0x8d: {  	v47 =	vld.idx.msk [tilespmem:v20+s26+$0x0], $0xffff;
	v12 =	vmax.f32 v12, v15  }
0x8e: {  	v48 =	vld.idx.msk [tilespmem:v21+s26+$0x0], $0xffff;
	v12 =	vmax.f32 v12, v16  }
0x8f: {  	v49 =	vld.idx.msk [tilespmem:v22+s26+$0x0], $0xffff;
	v12 =	vmax.f32 v12, v17  }
0x90: {  	v51 =	vld.idx.msk [tilespmem:v18+s26+$0x0], $0xffff;
	v12 =	vmax.f32 v12, v44  }
0x91: {  	v58 =	vld [tilespmem:$0x1FEB0];
	v12 =	vmax.f32 v12, v46  }
0x92: {  	v59 =	vld [tilespmem:$0x1FEC0];
	v11 =	vadd.s32 v52, v11;
	v12 =	vmax.f32 v12, v47  }
0x93: {  	v60 =	vld [tilespmem:$0x1FED0];
	v10 =	vadd.s32 v53, v10;
	v12 =	vmax.f32 v12, v48  }
0x94: {  	v61 =	vld [tilespmem:$0x1FEE0];
	v9 =	vadd.s32 v54, v9;
	v12 =	vmax.f32 v12, v49  }
0x95: {  	v62 =	vld [tilespmem:$0x1FEF0];
	v8 =	vadd.s32 v55, v8;
	v12 =	vmax.f32 v12, v51  }
0x96: {  	v63 =	vld [tilespmem:$0x1FF00];
	v7 =	vadd.s32 v56, v7;
	[tilespmem:$0xC980] =	vst v12  }
0x97: {  	v6 =	vadd.s32 v57, v6;
	v11 =	vld.idx.msk [tilespmem:v11+s26+$0x0], $0xffff  }
0x98: {  	v5 =	vadd.s32 v58, v5;
	v10 =	vld.idx.msk [tilespmem:v10+s26+$0x0], $0xffff  }
0x99: {  	v4 =	vadd.s32 v59, v4;
	v9 =	vld.idx.msk [tilespmem:v9+s26+$0x0], $0xffff  }
0x9a: {  	v3 =	vadd.s32 v60, v3;
	v8 =	vld.idx.msk [tilespmem:v8+s26+$0x0], $0xffff  }
0x9b: {  	v2 =	vadd.s32 v61, v2;
	v7 =	vld.idx.msk [tilespmem:v7+s26+$0x0], $0xffff  }
0x9c: {  	v1 =	vadd.s32 v62, v1;
	v6 =	vld.idx.msk [tilespmem:v6+s26+$0x0], $0xffff  }
0x9d: {  	v0 =	vadd.s32 v63, v0;
	v5 =	vld.idx.msk [tilespmem:v5+s26+$0x0], $0xffff;
	v10 =	vmax.f32 v11, v10  }
0x9e: {  	v4 =	vld.idx.msk [tilespmem:v4+s26+$0x0], $0xffff;
	v9 =	vmax.f32 v10, v9  }
0x9f: {  	v3 =	vld.idx.msk [tilespmem:v3+s26+$0x0], $0xffff;
	v8 =	vmax.f32 v9, v8  }
0xa0: {  	v2 =	vld.idx.msk [tilespmem:v2+s26+$0x0], $0xffff;
	v7 =	vmax.f32 v8, v7  }
0xa1: {  	v1 =	vld.idx.msk [tilespmem:v1+s26+$0x0], $0xffff;
	v6 =	vmax.f32 v7, v6  }
0xa2: {  	v0 =	vld.idx.msk [tilespmem:v0+s26+$0x0], $0xffff;
	v5 =	vmax.f32 v6, v5  }
0xa3: {  	v4 =	vmax.f32 v5, v4  }
0xa4: {  	v3 =	vmax.f32 v4, v3  }
0xa5: {  	v2 =	vmax.f32 v3, v2  }
0xa6: {  	v1 =	vmax.f32 v2, v1  }
0xa7: {  	v0 =	vmax.f32 v1, v0  }
.LBB2_4:
0xa8: {  	v1 =	vnsel vm0, $0x0, v50  }
0xa9: {  	(xrf0) =	vmax.scan.msk.f32 $0xffff, v1;
	_ =	sdelay $0x5  }
0xaa: {  	v2 =	vsel vm12, $0x0, v50;
	v1, _, _ =	vpop (xrf0)  }
0xab: {  	(xrf0) =	vmax.scan.msk.f32 $0xffff, v2;
	(v2sf) =	vpush v1, $0xF;
	_ =	sdelay $0x5  }
0xac: {  	v2, _, _ =	vpop (xrf0)  }
0xad: {  	(v2sf) =	vpush v2, $0xF;
	_ =	sdelay $0x1  }
0xae: {  	v3 =	vsel vm2, $0x0, v50  }
0xaf: {  	(xrf0) =	vmax.scan.msk.f32 $0xffff, v3;
	_ =	sdelay $0x4  }
0xb0: {  	s2 =	spop (v2sf)  }
0xb1: {  	v4 =	vsel vm3, $0x0, v50;
	v3, _, _ =	vpop (xrf0);
	s2 =	sshra.s32 s2, $0x7  }
0xb2: {  	(xrf0) =	vmax.scan.msk.f32 $0xffff, v4;
	(v2sf) =	vpush v3, $0xF;
	p1 =	slt.s32 s2, $0x9B  }
0xb3: {  	s2 =	simm.s32 @!p1 $0x9B  }
0xb4: {  	s2 =	sshll.u32 s2, $0xA  }
0xb5: {  	s2 =	sadd.s32 s10, s2  }
0xb6: {  	s2 =	sshrl.u32 s2, $0x3  }
0xb7: {  	[tilespmem:$0xCA00] =	vst v0;
	s26 =	spop (v2sf);
	s2 =	sadd.s32 s1, s2  }
0xb8: {  	v18, _, _ =	vpop (xrf0);
	[tilespmem:s0], [sflag:$0x1] =	stream.strided.gather [hbm4b:s2+s23], $0x1000, s24, s23, $0x38;
	[tilespmem:$0xCF00] =	vst v63  }
0xb9: {  	(v2sf) =	vpush v18, $0xF;
	s2 =	sshra.s32 s26, $0x7  }
0xba: {  	p1 =	slt.s32 s2, $0x9B  }
0xbb: {  	s2 =	simm.s32 @!p1 $0x9B  }
0xbc: {  	s2 =	sshll.u32 s2, $0xA  }
0xbd: {  	s2 =	sadd.s32 s10, s2  }
0xbe: {  	s2 =	sshrl.u32 s2, $0x3  }
0xbf: {  	s2 =	sadd.s32 s1, s2  }
0xc0: {  	[tilespmem:s29], [sflag:$0x1] =	stream.strided.gather [hbm4b:s2+s23], $0x1000, s24, s23, $0x38;
	[tilespmem:$0xCF00] =	vst v63  }
0xc1: {  	s3 =	spop (v2sf)  }
0xc2: {  	s2 =	sshra.s32 s3, $0x7  }
0xc3: {  	p1 =	slt.s32 s2, $0x9B  }
0xc4: {  	s2 =	simm.s32 @!p1 $0x9B  }
0xc5: {  	s2 =	sshll.u32 s2, $0xA  }
0xc6: {  	s2 =	sadd.s32 s10, s2  }
0xc7: {  	s2 =	sshrl.u32 s2, $0x3  }
0xc8: {  	s4 =	spop (v2sf);
	s2 =	sadd.s32 s1, s2  }
0xc9: {  	[tilespmem:s30], [sflag:$0x1] =	stream.strided.gather [hbm4b:s2+s23], $0x1000, s24, s23, $0x38;
	[tilespmem:$0xCF00] =	vst v63  }
0xca: {  	s2 =	sshra.s32 s4, $0x7  }
0xcb: {  	p1 =	slt.s32 s2, $0x9B  }
0xcc: {  	s2 =	simm.s32 @!p1 $0x9B  }
0xcd: {  	s2 =	sshll.u32 s2, $0xA  }
0xce: {  	s2 =	sadd.s32 s10, s2  }
0xcf: {  	s2 =	sshrl.u32 s2, $0x3  }
0xd0: {  	s6 =	simm.s32 $0x2;
	s2 =	sadd.s32 s1, s2  }
0xd1: {  	[tilespmem:s5], [sflag:$0x1] =	stream.strided.gather [hbm4b:s2+s23], $0x1000, s24, s23, $0x38;
	[tilespmem:$0xCF00] =	vst v63  }
0xd2: {  	_ =	swait.ge [sflag:s6], $0x1000  }
0xd3: {  	[sflag:s6] =	ssyncset.done $0x0  }
0xd4: {  	[sflag:s6] =	ssyncadd.s32 $0xFFFFF000  }
0xd5: {  	_ =	swait.ge [sflag:s6], $0x1000  }
0xd6: {  	[sflag:s6] =	ssyncset.done $0x0  }
0xd7: {  	[sflag:s6] =	ssyncadd.s32 $0xFFFFF000  }
0xd8: {  	v19 =	vsel vm4, $0x0, v50;
	_ =	swait.ge [sflag:s7], $0x1000  }
0xd9: {  	(xrf0) =	vmax.scan.msk.f32 $0xffff, v19;
	_ =	sdelay $0x5  }
0xda: {  	v4, _, _ =	vpop (xrf0)  }
0xdb: {  	(v2sf) =	vpush v4, $0xF;
	_ =	sdelay $0xe  }
0xdc: {  	s8 =	spop (v2sf)  }
0xdd: {  	v53 =	vbroadcast v1, $0xF;
	s2 =	sshra.s32 s8, $0x7  }
0xde: {  	v52 =	vmul.u32 $0x80, v24;
	p1 =	slt.s32 s2, $0x9B  }
0xdf: {  	v1 =	vand.u32 $0x7F, v53;
	s2 =	simm.s32 @!p1 $0x9B  }
0xe0: {  	v5 =	vand.u32 $0x1F, v53;
	v6 =	vor.u32 v52, v1;
	s2 =	sshll.u32 s2, $0xA  }
0xe1: {  	v51 =	vor.u32 $0x800, v52;
	v7 =	vor.u32 v52, v5;
	s2 =	sadd.s32 s10, s2  }
0xe2: {  	v1 =	vor.u32 v51, v1;
	[sflag:s7] =	ssyncset.done $0x0;
	s2 =	sshrl.u32 s2, $0x3  }
0xe3: {  	v5 =	vor.u32 v51, v5;
	[sflag:s7] =	ssyncadd.s32 $0xFFFFF000;
	s2 =	sadd.s32 s1, s2  }
0xe4: {  	[tilespmem:s0], [sflag:$0x1] =	stream.strided.gather [hbm4b:s2+s23], $0x1000, s24, s23, $0x38;
	[tilespmem:$0xCF00] =	vst v63  }
0xe5: {  	v6 =	vld.idx.msk [tilespmem:v6+s0+$0x0], $0xffff  }
0xe6: {  	v20 =	vld.idx.msk [tilespmem:v7+s25+$0x0], $0xffff  }
0xe7: {  	v1 =	vld.idx.msk [tilespmem:v1+s0+$0x0], $0xffff  }
0xe8: {  	v21 =	vld.idx.msk [tilespmem:v5+s25+$0x0], $0xffff;
	_ =	sdelay $0x1  }
0xe9: {  	[tilespmem:$0x1FB60] =	vst v6  }
0xea: {  	[tilespmem:$0x1FB70] =	vst v20  }
0xeb: {  	[tilespmem:$0x1FAC0] =	vst v1  }
0xec: {  	[tilespmem:$0x1FAD0] =	vst v21  }
0xed: {  	v22 =	vsel vm5, $0x0, v50;
	_ =	swait.ge [sflag:s7], $0x1000  }
0xee: {  	(xrf0) =	vmax.scan.msk.f32 $0xffff, v22;
	_ =	sdelay $0x5  }
0xef: {  	v1, _, _ =	vpop (xrf0)  }
0xf0: {  	(v2sf) =	vpush v1, $0xF;
	_ =	sdelay $0xe  }
0xf1: {  	s13 =	spop (v2sf)  }
0xf2: {  	v60 =	vbroadcast v2, $0xF;
	s2 =	sshra.s32 s13, $0x7  }
0xf3: {  	p1 =	slt.s32 s2, $0x9B  }
0xf4: {  	v2 =	vand.u32 $0x7F, v60;
	s2 =	simm.s32 @!p1 $0x9B  }
0xf5: {  	v23 =	vand.u32 $0x1F, v60;
	v28 =	vor.u32 v52, v2;
	s2 =	sshll.u32 s2, $0xA  }
0xf6: {  	v29 =	vor.u32 v52, v23;
	s2 =	sadd.s32 s10, s2  }
0xf7: {  	v2 =	vor.u32 v51, v2;
	[sflag:s7] =	ssyncset.done $0x0;
	s2 =	sshrl.u32 s2, $0x3  }
0xf8: {  	v5 =	vor.u32 v51, v23;
	[sflag:s7] =	ssyncadd.s32 $0xFFFFF000;
	s2 =	sadd.s32 s1, s2  }
0xf9: {  	[tilespmem:s29], [sflag:$0x1] =	stream.strided.gather [hbm4b:s2+s23], $0x1000, s24, s23, $0x38;
	[tilespmem:$0xCF00] =	vst v63  }
0xfa: {  	v6 =	vld.idx.msk [tilespmem:v28+s29+$0x0], $0xffff  }
0xfb: {  	v30 =	vld.idx.msk [tilespmem:v29+s25+$0x0], $0xffff  }
0xfc: {  	v2 =	vld.idx.msk [tilespmem:v2+s29+$0x0], $0xffff  }
0xfd: {  	v31 =	vld.idx.msk [tilespmem:v5+s25+$0x0], $0xffff;
	_ =	sdelay $0x1  }
0xfe: {  	[tilespmem:$0x1FBA0] =	vst v6  }
0xff: {  	[tilespmem:$0x1FBB0] =	vst v30  }
0x100: {  	[tilespmem:$0x1FAE0] =	vst v2  }
0x101: {  	[tilespmem:$0x1FAF0] =	vst v31  }
0x102: {  	v32 =	vsel vm6, $0x0, v50;
	_ =	swait.ge [sflag:s7], $0x1000  }
0x103: {  	(xrf0) =	vmax.scan.msk.f32 $0xffff, v32;
	_ =	sdelay $0x5  }
0x104: {  	v2, _, _ =	vpop (xrf0)  }
0x105: {  	(v2sf) =	vpush v2, $0xF;
	_ =	sdelay $0xe  }
0x106: {  	s14 =	spop (v2sf)  }
0x107: {  	v8 =	vbroadcast v3, $0xF;
	s2 =	sshra.s32 s14, $0x7  }
0x108: {  	p1 =	slt.s32 s2, $0x9B  }
0x109: {  	v3 =	vand.u32 $0x7F, v8;
	s2 =	simm.s32 @!p1 $0x9B  }
0x10a: {  	v33 =	vand.u32 $0x1F, v8;
	v34 =	vor.u32 v52, v3;
	s2 =	sshll.u32 s2, $0xA  }
0x10b: {  	v35 =	vor.u32 v52, v33;
	s2 =	sadd.s32 s10, s2  }
0x10c: {  	v3 =	vor.u32 v51, v3;
	[sflag:s7] =	ssyncset.done $0x0;
	s2 =	sshrl.u32 s2, $0x3  }
0x10d: {  	v5 =	vor.u32 v51, v33;
	[sflag:s7] =	ssyncadd.s32 $0xFFFFF000;
	s2 =	sadd.s32 s1, s2  }
0x10e: {  	[tilespmem:s30], [sflag:$0x1] =	stream.strided.gather [hbm4b:s2+s23], $0x1000, s24, s23, $0x38;
	[tilespmem:$0xCF00] =	vst v63  }
0x10f: {  	v6 =	vld.idx.msk [tilespmem:v34+s30+$0x0], $0xffff  }
0x110: {  	v36 =	vld.idx.msk [tilespmem:v35+s25+$0x0], $0xffff  }
0x111: {  	v3 =	vld.idx.msk [tilespmem:v3+s30+$0x0], $0xffff  }
0x112: {  	v37 =	vld.idx.msk [tilespmem:v5+s25+$0x0], $0xffff;
	_ =	sdelay $0x1  }
0x113: {  	[tilespmem:$0x1FBE0] =	vst v6  }
0x114: {  	[tilespmem:$0x1FBF0] =	vst v36  }
0x115: {  	[tilespmem:$0x1FB00] =	vst v3  }
0x116: {  	[tilespmem:$0x1FB10] =	vst v37  }
0x117: {  	v38 =	vsel vm7, $0x0, v50;
	_ =	swait.ge [sflag:s7], $0x1000  }
0x118: {  	(xrf0) =	vmax.scan.msk.f32 $0xffff, v38;
	_ =	sdelay $0x5  }
0x119: {  	v3, _, _ =	vpop (xrf0)  }
0x11a: {  	(v2sf) =	vpush v3, $0xF;
	_ =	sdelay $0xe  }
0x11b: {  	s15 =	spop (v2sf)  }
0x11c: {  	v7 =	vbroadcast v18, $0xF;
	s2 =	sshra.s32 s15, $0x7  }
0x11d: {  	p1 =	slt.s32 s2, $0x9B  }
0x11e: {  	v0 =	vand.u32 $0x7F, v7;
	s2 =	simm.s32 @!p1 $0x9B  }
0x11f: {  	v39 =	vand.u32 $0x1F, v7;
	v40 =	vor.u32 v52, v0;
	s2 =	sshll.u32 s2, $0xA  }
0x120: {  	v9 =	vor.u32 v52, v39;
	s2 =	sadd.s32 s10, s2  }
0x121: {  	v0 =	vor.u32 v51, v0;
	[sflag:s7] =	ssyncset.done $0x0;
	s2 =	sshrl.u32 s2, $0x3  }
0x122: {  	v5 =	vor.u32 v51, v39;
	[sflag:s7] =	ssyncadd.s32 $0xFFFFF000;
	s2 =	sadd.s32 s1, s2  }
0x123: {  	[tilespmem:s5], [sflag:$0x1] =	stream.strided.gather [hbm4b:s2+s23], $0x1000, s24, s23, $0x38;
	[tilespmem:$0xCF00] =	vst v63  }
0x124: {  	v6 =	vld.idx.msk [tilespmem:v40+s5+$0x0], $0xffff  }
0x125: {  	v41 =	vld.idx.msk [tilespmem:v9+s25+$0x0], $0xffff  }
0x126: {  	v0 =	vld.idx.msk [tilespmem:v0+s5+$0x0], $0xffff  }
0x127: {  	v43 =	vld.idx.msk [tilespmem:v5+s25+$0x0], $0xffff;
	_ =	sdelay $0x1  }
0x128: {  	[tilespmem:$0x1FC00] =	vst v6  }
0x129: {  	[tilespmem:$0x1FC10] =	vst v41  }
0x12a: {  	[tilespmem:$0x1FB20] =	vst v0  }
0x12b: {  	[tilespmem:$0x1FB30] =	vst v43  }
0x12c: {  	v44 =	vsel vm8, $0x0, v50;
	_ =	swait.ge [sflag:s7], $0x1000  }
0x12d: {  	(xrf0) =	vmax.scan.msk.f32 $0xffff, v44;
	_ =	sdelay $0x5  }
0x12e: {  	v0, _, _ =	vpop (xrf0)  }
0x12f: {  	(v2sf) =	vpush v0, $0xF;
	_ =	sdelay $0xe  }
0x130: {  	s16 =	spop (v2sf)  }
0x131: {  	v14 =	vbroadcast v4, $0xF;
	s2 =	sshra.s32 s16, $0x7  }
0x132: {  	p1 =	slt.s32 s2, $0x9B  }
0x133: {  	v4 =	vand.u32 $0x7F, v14;
	s2 =	simm.s32 @!p1 $0x9B  }
0x134: {  	v45 =	vand.u32 $0x1F, v14;
	v46 =	vor.u32 v52, v4;
	s2 =	sshll.u32 s2, $0xA  }
0x135: {  	v47 =	vor.u32 v52, v45;
	s2 =	sadd.s32 s10, s2  }
0x136: {  	v4 =	vor.u32 v51, v4;
	[sflag:s7] =	ssyncset.done $0x0;
	s2 =	sshrl.u32 s2, $0x3  }
0x137: {  	v5 =	vor.u32 v51, v45;
	[sflag:s7] =	ssyncadd.s32 $0xFFFFF000;
	s2 =	sadd.s32 s1, s2  }
0x138: {  	[tilespmem:s0], [sflag:$0x1] =	stream.strided.gather [hbm4b:s2+s23], $0x1000, s24, s23, $0x38;
	[tilespmem:$0xCF00] =	vst v63  }
0x139: {  	v6 =	vld.idx.msk [tilespmem:v46+s0+$0x0], $0xffff  }
0x13a: {  	v48 =	vld.idx.msk [tilespmem:v47+s25+$0x0], $0xffff  }
0x13b: {  	v4 =	vld.idx.msk [tilespmem:v4+s0+$0x0], $0xffff  }
0x13c: {  	v49 =	vld.idx.msk [tilespmem:v5+s25+$0x0], $0xffff;
	_ =	sdelay $0x1  }
0x13d: {  	[tilespmem:$0x1FC40] =	vst v6  }
0x13e: {  	[tilespmem:$0x1FC50] =	vst v48  }
0x13f: {  	[tilespmem:$0x1FB40] =	vst v4  }
0x140: {  	[tilespmem:$0x1FB50] =	vst v49  }
0x141: {  	v54 =	vsel vm9, $0x0, v50;
	_ =	swait.ge [sflag:s7], $0x1000  }
0x142: {  	(xrf0) =	vmax.scan.msk.f32 $0xffff, v54;
	_ =	sdelay $0x5  }
0x143: {  	v4, _, _ =	vpop (xrf0)  }
0x144: {  	(v2sf) =	vpush v4, $0xF;
	_ =	sdelay $0xe  }
0x145: {  	s17 =	spop (v2sf)  }
0x146: {  	v19 =	vbroadcast v1, $0xF;
	s2 =	sshra.s32 s17, $0x7  }
0x147: {  	p1 =	slt.s32 s2, $0x9B  }
0x148: {  	v1 =	vand.u32 $0x7F, v19;
	s2 =	simm.s32 @!p1 $0x9B  }
0x149: {  	v55 =	vand.u32 $0x1F, v19;
	v56 =	vor.u32 v52, v1;
	s2 =	sshll.u32 s2, $0xA  }
0x14a: {  	v57 =	vor.u32 v52, v55;
	s2 =	sadd.s32 s10, s2  }
0x14b: {  	v1 =	vor.u32 v51, v1;
	[sflag:s7] =	ssyncset.done $0x0;
	s2 =	sshrl.u32 s2, $0x3  }
0x14c: {  	v5 =	vor.u32 v51, v55;
	[sflag:s7] =	ssyncadd.s32 $0xFFFFF000;
	s2 =	sadd.s32 s1, s2  }
0x14d: {  	[tilespmem:s29], [sflag:$0x1] =	stream.strided.gather [hbm4b:s2+s23], $0x1000, s24, s23, $0x38;
	[tilespmem:$0xCF00] =	vst v63  }
0x14e: {  	v6 =	vld.idx.msk [tilespmem:v56+s29+$0x0], $0xffff  }
0x14f: {  	v58 =	vld.idx.msk [tilespmem:v57+s25+$0x0], $0xffff  }
0x150: {  	v1 =	vld.idx.msk [tilespmem:v1+s29+$0x0], $0xffff  }
0x151: {  	v59 =	vld.idx.msk [tilespmem:v5+s25+$0x0], $0xffff;
	_ =	sdelay $0x1  }
0x152: {  	[tilespmem:$0x1FCA0] =	vst v6  }
0x153: {  	[tilespmem:$0x1FCB0] =	vst v58  }
0x154: {  	[tilespmem:$0x1FB80] =	vst v1  }
0x155: {  	[tilespmem:$0x1FB90] =	vst v59  }
0x156: {  	v61 =	vsel vm11, $0x0, v50;
	_ =	swait.ge [sflag:s7], $0x1000  }
0x157: {  	(xrf0) =	vmax.scan.msk.f32 $0xffff, v61;
	_ =	sdelay $0x5  }
0x158: {  	v1, _, _ =	vpop (xrf0)  }
0x159: {  	(v2sf) =	vpush v1, $0xF;
	_ =	sdelay $0xe  }
0x15a: {  	s20 =	spop (v2sf)  }
0x15b: {  	v22 =	vbroadcast v2, $0xF;
	s2 =	sshra.s32 s20, $0x7  }
0x15c: {  	p1 =	slt.s32 s2, $0x9B  }
0x15d: {  	v2 =	vand.u32 $0x7F, v22;
	s2 =	simm.s32 @!p1 $0x9B  }
0x15e: {  	v62 =	vand.u32 $0x1F, v22;
	v63 =	vor.u32 v52, v2;
	s2 =	sshll.u32 s2, $0xA  }
0x15f: {  	v12 =	vor.u32 v52, v62;
	s2 =	sadd.s32 s10, s2  }
0x160: {  	v2 =	vor.u32 v51, v2;
	[sflag:s7] =	ssyncset.done $0x0;
	s2 =	sshrl.u32 s2, $0x3  }
0x161: {  	v5 =	vor.u32 v51, v62;
	[sflag:s7] =	ssyncadd.s32 $0xFFFFF000;
	s2 =	sadd.s32 s1, s2  }
0x162: {  	[tilespmem:s30], [sflag:$0x1] =	stream.strided.gather [hbm4b:s2+s23], $0x1000, s24, s23, $0x38;
	[tilespmem:$0xCF00] =	vst v63  }
0x163: {  	v6 =	vld.idx.msk [tilespmem:v63+s30+$0x0], $0xffff  }
0x164: {  	v13 =	vld.idx.msk [tilespmem:v12+s25+$0x0], $0xffff  }
0x165: {  	v2 =	vld.idx.msk [tilespmem:v2+s30+$0x0], $0xffff  }
0x166: {  	v15 =	vld.idx.msk [tilespmem:v5+s25+$0x0], $0xffff;
	_ =	sdelay $0x1  }
0x167: {  	[tilespmem:$0x1FCC0] =	vst v6  }
0x168: {  	[tilespmem:$0x1FCD0] =	vst v13  }
0x169: {  	[tilespmem:$0x1FBC0] =	vst v2  }
0x16a: {  	[tilespmem:$0x1FBD0] =	vst v15  }
0x16b: {  	v16 =	vsel vm1, $0x0, v50;
	_ =	swait.ge [sflag:s7], $0x1000  }
0x16c: {  	(xrf0) =	vmax.scan.msk.f32 $0xffff, v16;
	_ =	sdelay $0x5  }
0x16d: {  	v2, _, _ =	vpop (xrf0)  }
0x16e: {  	(v2sf) =	vpush v2, $0xF;
	_ =	sdelay $0xe  }
0x16f: {  	s21 =	spop (v2sf)  }
0x170: {  	v28 =	vbroadcast v3, $0xF;
	s2 =	sshra.s32 s21, $0x7  }
0x171: {  	p1 =	slt.s32 s2, $0x9B  }
0x172: {  	v3 =	vand.u32 $0x7F, v28;
	s2 =	simm.s32 @!p1 $0x9B  }
0x173: {  	v17 =	vand.u32 $0x1F, v28;
	v18 =	vor.u32 v52, v3;
	s2 =	sshll.u32 s2, $0xA  }
0x174: {  	v20 =	vor.u32 v52, v17;
	s2 =	sadd.s32 s10, s2  }
0x175: {  	v3 =	vor.u32 v51, v3;
	[sflag:s7] =	ssyncset.done $0x0;
	s2 =	sshrl.u32 s2, $0x3  }
0x176: {  	v5 =	vor.u32 v51, v17;
	[sflag:s7] =	ssyncadd.s32 $0xFFFFF000;
	s2 =	sadd.s32 s1, s2  }
0x177: {  	[tilespmem:s5], [sflag:$0x1] =	stream.strided.gather [hbm4b:s2+s23], $0x1000, s24, s23, $0x38;
	[tilespmem:$0xCF00] =	vst v63  }
0x178: {  	v6 =	vld.idx.msk [tilespmem:v18+s5+$0x0], $0xffff  }
0x179: {  	v21 =	vld.idx.msk [tilespmem:v20+s25+$0x0], $0xffff  }
0x17a: {  	v3 =	vld.idx.msk [tilespmem:v3+s5+$0x0], $0xffff  }
0x17b: {  	v23 =	vld.idx.msk [tilespmem:v5+s25+$0x0], $0xffff;
	_ =	sdelay $0x1  }
0x17c: {  	[tilespmem:$0x1FCE0] =	vst v6  }
0x17d: {  	[tilespmem:$0x1FCF0] =	vst v21  }
0x17e: {  	[tilespmem:$0x1FC20] =	vst v3  }
0x17f: {  	vm1 =	vcmask $0x2F34;
	[tilespmem:$0x1FC30] =	vst v23  }
0x180: {  	v29 =	vsel vm1, $0x0, v50;
	_ =	swait.ge [sflag:s7], $0x1000  }
0x181: {  	(xrf0) =	vmax.scan.msk.f32 $0xffff, v29;
	_ =	sdelay $0x5  }
0x182: {  	v3, _, _ =	vpop (xrf0)  }
0x183: {  	(v2sf) =	vpush v3, $0xF;
	_ =	sdelay $0xe  }
0x184: {  	s22 =	spop (v2sf)  }
0x185: {  	v41 =	vbroadcast v0, $0xF;
	s2 =	sshra.s32 s22, $0x7  }
0x186: {  	p1 =	slt.s32 s2, $0x9B  }
0x187: {  	v0 =	vand.u32 $0x7F, v41;
	s2 =	simm.s32 @!p1 $0x9B  }
0x188: {  	v30 =	vand.u32 $0x1F, v41;
	v31 =	vor.u32 v52, v0;
	s2 =	sshll.u32 s2, $0xA  }
0x189: {  	v32 =	vor.u32 v52, v30;
	s2 =	sadd.s32 s10, s2  }
0x18a: {  	v0 =	vor.u32 v51, v0;
	[sflag:s7] =	ssyncset.done $0x0;
	s2 =	sshrl.u32 s2, $0x3  }
0x18b: {  	v5 =	vor.u32 v51, v30;
	[sflag:s7] =	ssyncadd.s32 $0xFFFFF000;
	s2 =	sadd.s32 s1, s2  }
0x18c: {  	[tilespmem:s0], [sflag:$0x1] =	stream.strided.gather [hbm4b:s2+s23], $0x1000, s24, s23, $0x38;
	[tilespmem:$0xCF00] =	vst v63  }
0x18d: {  	v6 =	vld.idx.msk [tilespmem:v31+s0+$0x0], $0xffff  }
0x18e: {  	v33 =	vld.idx.msk [tilespmem:v32+s25+$0x0], $0xffff  }
0x18f: {  	v0 =	vld.idx.msk [tilespmem:v0+s0+$0x0], $0xffff  }
0x190: {  	v34 =	vld.idx.msk [tilespmem:v5+s25+$0x0], $0xffff;
	_ =	sdelay $0x1  }
0x191: {  	[tilespmem:$0x1FD00] =	vst v6  }
0x192: {  	[tilespmem:$0x1FD10] =	vst v33  }
0x193: {  	[tilespmem:$0x1FC60] =	vst v0  }
0x194: {  	vm1 =	vcmask $0x3338;
	[tilespmem:$0x1FC70] =	vst v34  }
0x195: {  	v35 =	vsel vm1, $0x0, v50;
	_ =	swait.ge [sflag:s7], $0x1000  }
0x196: {  	(xrf0) =	vmax.scan.msk.f32 $0xffff, v35;
	_ =	sdelay $0x5  }
0x197: {  	v0, _, _ =	vpop (xrf0)  }
0x198: {  	(v2sf) =	vpush v0, $0xF;
	_ =	sdelay $0xe  }
0x199: {  	s26 =	spop (v2sf)  }
0x19a: {  	v43 =	vbroadcast v4, $0xF;
	s2 =	sshra.s32 s26, $0x7  }
0x19b: {  	p1 =	slt.s32 s2, $0x9B  }
0x19c: {  	v4 =	vand.u32 $0x7F, v43;
	s2 =	simm.s32 @!p1 $0x9B  }
0x19d: {  	v36 =	vand.u32 $0x1F, v43;
	v37 =	vor.u32 v52, v4;
	s2 =	sshll.u32 s2, $0xA  }
0x19e: {  	v38 =	vor.u32 v52, v36;
	s2 =	sadd.s32 s10, s2  }
0x19f: {  	v4 =	vor.u32 v51, v4;
	[sflag:s7] =	ssyncset.done $0x0;
	s2 =	sshrl.u32 s2, $0x3  }
0x1a0: {  	v5 =	vor.u32 v51, v36;
	[sflag:s7] =	ssyncadd.s32 $0xFFFFF000;
	s2 =	sadd.s32 s1, s2  }
0x1a1: {  	[tilespmem:s29], [sflag:$0x1] =	stream.strided.gather [hbm4b:s2+s23], $0x1000, s24, s23, $0x38;
	[tilespmem:$0xCF00] =	vst v63  }
0x1a2: {  	v6 =	vld.idx.msk [tilespmem:v37+s29+$0x0], $0xffff  }
0x1a3: {  	v39 =	vld.idx.msk [tilespmem:v38+s25+$0x0], $0xffff  }
0x1a4: {  	v4 =	vld.idx.msk [tilespmem:v4+s29+$0x0], $0xffff  }
0x1a5: {  	v40 =	vld.idx.msk [tilespmem:v5+s25+$0x0], $0xffff;
	_ =	sdelay $0x1  }
0x1a6: {  	[tilespmem:$0x1FD20] =	vst v6  }
0x1a7: {  	[tilespmem:$0x1FD30] =	vst v39  }
0x1a8: {  	[tilespmem:$0x1FC80] =	vst v4  }
0x1a9: {  	vm1 =	vcmask $0x373C;
	[tilespmem:$0x1FC90] =	vst v40  }
0x1aa: {  	v44 =	vsel vm1, $0x0, v50;
	_ =	swait.ge [sflag:s7], $0x1000  }
0x1ab: {  	(xrf0) =	vmax.scan.msk.f32 $0xffff, v44;
	_ =	sdelay $0x5  }
0x1ac: {  	v4, _, _ =	vpop (xrf0)  }
0x1ad: {  	(v2sf) =	vpush v4, $0xF;
	_ =	sdelay $0xe  }
0x1ae: {  	s3 =	spop (v2sf)  }
0x1af: {  	v47 =	vbroadcast v1, $0xF;
	s2 =	sshra.s32 s3, $0x7  }
0x1b0: {  	p1 =	slt.s32 s2, $0x9B  }
0x1b1: {  	v1 =	vand.u32 $0x7F, v47;
	s2 =	simm.s32 @!p1 $0x9B  }
0x1b2: {  	v45 =	vand.u32 $0x1F, v47;
	v46 =	vor.u32 v52, v1;
	s2 =	sshll.u32 s2, $0xA  }
0x1b3: {  	v48 =	vor.u32 v52, v45;
	s2 =	sadd.s32 s10, s2  }
0x1b4: {  	[sflag:s7] =	ssyncset.done $0x0;
	s2 =	sshrl.u32 s2, $0x3  }
0x1b5: {  	[sflag:s7] =	ssyncadd.s32 $0xFFFFF000;
	s2 =	sadd.s32 s1, s2  }
0x1b6: {  	[tilespmem:s30], [sflag:$0x1] =	stream.strided.gather [hbm4b:s2+s23], $0x1000, s24, s23, $0x38;
	[tilespmem:$0xCF00] =	vst v63  }
0x1b7: {  	v6 =	vld.idx.msk [tilespmem:v46+s30+$0x0], $0xffff  }
0x1b8: {  	v1 =	vor.u32 v51, v1;
	v49 =	vld.idx.msk [tilespmem:v48+s25+$0x0], $0xffff  }
0x1b9: {  	v5 =	vor.u32 v51, v45;
	_ =	sdelay $0x2  }
0x1ba: {  	[tilespmem:$0x1FD40] =	vst v6  }
0x1bb: {  	vm10 =	vmmov vm9;
	vm9 =	vmmov vm8;
	vm8 =	vmmov $0x7fff;
	v46 =	vld.idx.msk [tilespmem:v1+s30+$0x0], $0xffff;
	[tilespmem:$0x1FD50] =	vst v49  }
0x1bc: {  	v54 =	vsel vm8, $0x0, v50;
	v45 =	vld.idx.msk [tilespmem:v5+s25+$0x0], $0xffff;
	_ =	swait.ge [sflag:s7], $0x1000  }
0x1bd: {  	(xrf0) =	vmax.scan.msk.f32 $0xffff, v54;
	_ =	sdelay $0x5  }
0x1be: {  	v1, _, _ =	vpop (xrf0)  }
0x1bf: {  	(v2sf) =	vpush v1, $0xF;
	_ =	sdelay $0xe  }
0x1c0: {  	s4 =	spop (v2sf)  }
0x1c1: {  	v40 =	vbroadcast v2, $0xF;
	s2 =	sshra.s32 s4, $0x7  }
0x1c2: {  	p1 =	slt.s32 s2, $0x9B  }
0x1c3: {  	v2 =	vand.u32 $0x7F, v40;
	s2 =	simm.s32 @!p1 $0x9B  }
0x1c4: {  	v55 =	vand.u32 $0x1F, v40;
	v56 =	vor.u32 v52, v2;
	s2 =	sshll.u32 s2, $0xA  }
0x1c5: {  	v57 =	vor.u32 v52, v55;
	s2 =	sadd.s32 s10, s2  }
0x1c6: {  	[sflag:s7] =	ssyncset.done $0x0;
	s2 =	sshrl.u32 s2, $0x3  }
0x1c7: {  	[sflag:s7] =	ssyncadd.s32 $0xFFFFF000;
	s2 =	sadd.s32 s1, s2  }
0x1c8: {  	[tilespmem:s5], [sflag:$0x1] =	stream.strided.gather [hbm4b:s2+s23], $0x1000, s24, s23, $0x38;
	[tilespmem:$0xCF00] =	vst v63  }
0x1c9: {  	v6 =	vld.idx.msk [tilespmem:v56+s5+$0x0], $0xffff  }
0x1ca: {  	v2 =	vor.u32 v51, v2;
	v58 =	vld.idx.msk [tilespmem:v57+s25+$0x0], $0xffff  }
0x1cb: {  	v5 =	vor.u32 v51, v55;
	_ =	sdelay $0x2  }
0x1cc: {  	[tilespmem:$0x1FD60] =	vst v6  }
0x1cd: {  	v56 =	vld.idx.msk [tilespmem:v2+s5+$0x0], $0xffff;
	[tilespmem:$0x1FD70] =	vst v58  }
0x1ce: {  	v59 =	vnsel vm0, $0x0, v42;
	v57 =	vld.idx.msk [tilespmem:v5+s25+$0x0], $0xffff;
	_ =	swait.ge [sflag:s7], $0x1000  }
0x1cf: {  	(xrf0) =	vmax.scan.msk.f32 $0xffff, v59;
	_ =	sdelay $0x5  }
0x1d0: {  	v2, _, _ =	vpop (xrf0)  }
0x1d1: {  	(v2sf) =	vpush v2, $0xF;
	_ =	sdelay $0xe  }
0x1d2: {  	s6 =	spop (v2sf)  }
0x1d3: {  	v55 =	vbroadcast v3, $0xF;
	s2 =	sshra.s32 s6, $0x7  }
0x1d4: {  	p1 =	slt.s32 s2, $0x4D  }
0x1d5: {  	v3 =	vand.u32 $0x7F, v55;
	s2 =	simm.s32 @!p1 $0x4D  }
0x1d6: {  	v62 =	vor.u32 v52, v3;
	[sflag:s7] =	ssyncset.done $0x0;
	s2 =	sshll.u32 s2, $0xA  }
0x1d7: {  	[sflag:s7] =	ssyncadd.s32 $0xFFFFF000;
	s2 =	sadd.s32 s11, s2  }
0x1d8: {  	s3 =	rddreg [dreg:$0x1];
	s2 =	sshrl.u32 s2, $0x3  }
0x1d9: {  	s13 =	simm.s32 $0x13C00;
	v61 =	vand.u32 $0x1F, v55;
	s2 =	sadd.s32 s3, s2  }
0x1da: {  	v63 =	vor.u32 v52, v61;
	[tilespmem:s0], [sflag:$0x1] =	stream.strided.gather [hbm4b:s2+s23], $0x1000, s13, s23, $0x38;
	[tilespmem:$0xCF00] =	vst v63  }
0x1db: {  	v3 =	vor.u32 v51, v3;
	v6 =	vld.idx.msk [tilespmem:v62+s0+$0x0], $0xffff  }
0x1dc: {  	v5 =	vor.u32 v51, v61;
	_ =	sdelay $0x2  }
0x1dd: {  	v48 =	vld.idx.msk [tilespmem:v63+s25+$0x0], $0xffff  }
0x1de: {  	v58 =	vld.idx.msk [tilespmem:v3+s0+$0x0], $0xffff;
	[tilespmem:$0x1FD80] =	vst v6  }
0x1df: {  	v61 =	vld.idx.msk [tilespmem:v5+s25+$0x0], $0xffff;
	v6 =	vsel vm12, $0x0, v42;
	_ =	swait.ge [sflag:s7], $0x1000  }
0x1e0: {  	(xrf0) =	vmax.scan.msk.f32 $0xffff, v6;
	_ =	sdelay $0x5  }
0x1e1: {  	v13, _, _ =	vpop (xrf0)  }
0x1e2: {  	(v2sf) =	vpush v13, $0xF;
	_ =	sdelay $0xe  }
0x1e3: {  	s8 =	spop (v2sf)  }
0x1e4: {  	v59 =	vbroadcast v0, $0xF;
	s2 =	sshra.s32 s8, $0x7  }
0x1e5: {  	p1 =	slt.s32 s2, $0x4D  }
0x1e6: {  	v0 =	vand.u32 $0x7F, v59;
	s2 =	simm.s32 @!p1 $0x4D  }
0x1e7: {  	v9 =	vand.u32 $0x1F, v59;
	v10 =	vor.u32 v52, v0;
	s2 =	sshll.u32 s2, $0xA  }
0x1e8: {  	v11 =	vor.u32 v52, v9;
	s2 =	sadd.s32 s11, s2  }
0x1e9: {  	v0 =	vor.u32 v51, v0;
	[sflag:s7] =	ssyncset.done $0x0;
	s2 =	sshrl.u32 s2, $0x3  }
0x1ea: {  	v3 =	vor.u32 v51, v9;
	[sflag:s7] =	ssyncadd.s32 $0xFFFFF000;
	s2 =	sadd.s32 s3, s2  }
0x1eb: {  	[tilespmem:s29], [sflag:$0x1] =	stream.strided.gather [hbm4b:s2+s23], $0x1000, s13, s23, $0x38;
	[tilespmem:$0xCF00] =	vst v63  }
0x1ec: {  	v44 =	vld.idx.msk [tilespmem:v10+s29+$0x0], $0xffff  }
0x1ed: {  	v54 =	vld.idx.msk [tilespmem:v11+s25+$0x0], $0xffff  }
0x1ee: {  	v39 =	vld.idx.msk [tilespmem:v0+s29+$0x0], $0xffff  }
0x1ef: {  	v12 =	vsel vm2, $0x0, v42;
	v38 =	vld.idx.msk [tilespmem:v3+s25+$0x0], $0xffff;
	_ =	swait.ge [sflag:s7], $0x1000  }
0x1f0: {  	(xrf0) =	vmax.scan.msk.f32 $0xffff, v12;
	_ =	sdelay $0x5  }
0x1f1: {  	v26, _, _ =	vpop (xrf0)  }
0x1f2: {  	(v2sf) =	vpush v26, $0xF;
	_ =	sdelay $0xe  }
0x1f3: {  	s14 =	spop (v2sf)  }
0x1f4: {  	v10 =	vbroadcast v4, $0xF;
	s2 =	sshra.s32 s14, $0x7  }
0x1f5: {  	p1 =	slt.s32 s2, $0x4D  }
0x1f6: {  	v15 =	vand.u32 $0x7F, v10;
	s2 =	simm.s32 @!p1 $0x4D  }
0x1f7: {  	v4 =	vand.u32 $0x1F, v10;
	v16 =	vor.u32 v52, v15;
	s2 =	sshll.u32 s2, $0xA  }
0x1f8: {  	v17 =	vor.u32 v52, v4;
	s2 =	sadd.s32 s11, s2  }
0x1f9: {  	[sflag:s7] =	ssyncset.done $0x0;
	v0 =	vor.u32 v51, v15;
	s2 =	sshrl.u32 s2, $0x3  }
0x1fa: {  	[sflag:s7] =	ssyncadd.s32 $0xFFFFF000;
	v4 =	vor.u32 v51, v4;
	s2 =	sadd.s32 s3, s2  }
0x1fb: {  	[tilespmem:s30], [sflag:$0x1] =	stream.strided.gather [hbm4b:s2+s23], $0x1000, s13, s23, $0x38;
	[tilespmem:$0xCF00] =	vst v63  }
0x1fc: {  	v62 =	vld.idx.msk [tilespmem:v16+s30+$0x0], $0xffff  }
0x1fd: {  	v63 =	vld.idx.msk [tilespmem:v17+s25+$0x0], $0xffff  }
0x1fe: {  	v37 =	vld.idx.msk [tilespmem:v0+s30+$0x0], $0xffff  }
0x1ff: {  	v18 =	vsel vm3, $0x0, v42;
	v36 =	vld.idx.msk [tilespmem:v4+s25+$0x0], $0xffff;
	_ =	swait.ge [sflag:s7], $0x1000  }
0x200: {  	(xrf0) =	vmax.scan.msk.f32 $0xffff, v18;
	_ =	sdelay $0x5  }
0x201: {  	v32, _, _ =	vpop (xrf0)  }
0x202: {  	(v2sf) =	vpush v32, $0xF;
	_ =	sdelay $0xe  }
0x203: {  	s15 =	spop (v2sf)  }
0x204: {  	v9 =	vbroadcast v1, $0xF;
	s2 =	sshra.s32 s15, $0x7  }
0x205: {  	p1 =	slt.s32 s2, $0x4D  }
0x206: {  	v1 =	vand.u32 $0x7F, v9;
	s2 =	simm.s32 @!p1 $0x4D  }
0x207: {  	v20 =	vand.u32 $0x1F, v9;
	v21 =	vor.u32 v52, v1;
	s2 =	sshll.u32 s2, $0xA  }
0x208: {  	v23 =	vor.u32 v52, v20;
	s2 =	sadd.s32 s11, s2  }
0x209: {  	v1 =	vor.u32 v51, v1;
	[sflag:s7] =	ssyncset.done $0x0;
	s2 =	sshrl.u32 s2, $0x3  }
0x20a: {  	v4 =	vor.u32 v51, v20;
	[sflag:s7] =	ssyncadd.s32 $0xFFFFF000;
	s2 =	sadd.s32 s3, s2  }
0x20b: {  	[tilespmem:s5], [sflag:$0x1] =	stream.strided.gather [hbm4b:s2+s23], $0x1000, s13, s23, $0x38;
	[tilespmem:$0xCF00] =	vst v63  }
0x20c: {  	v25 =	vld.idx.msk [tilespmem:v21+s5+$0x0], $0xffff  }
0x20d: {  	v18 =	vld.idx.msk [tilespmem:v23+s25+$0x0], $0xffff  }
0x20e: {  	v21 =	vld.idx.msk [tilespmem:v1+s5+$0x0], $0xffff  }
0x20f: {  	v29 =	vsel vm4, $0x0, v42;
	v17 =	vld.idx.msk [tilespmem:v4+s25+$0x0], $0xffff;
	_ =	swait.ge [sflag:s7], $0x1000  }
0x210: {  	(xrf0) =	vmax.scan.msk.f32 $0xffff, v29;
	_ =	sdelay $0x5  }
0x211: {  	v33, _, _ =	vpop (xrf0)  }
0x212: {  	(v2sf) =	vpush v33, $0xF;
	_ =	sdelay $0xe  }
0x213: {  	s16 =	spop (v2sf)  }
0x214: {  	v49 =	vbroadcast v2, $0xF;
	s2 =	sshra.s32 s16, $0x7  }
0x215: {  	p1 =	slt.s32 s2, $0x4D  }
0x216: {  	v30 =	vand.u32 $0x7F, v49;
	s2 =	simm.s32 @!p1 $0x4D  }
0x217: {  	v2 =	vand.u32 $0xF, v49;
	v31 =	vor.u32 v52, v30;
	s2 =	sshll.u32 s2, $0xA  }
0x218: {  	v34 =	vor.u32 v52, v2;
	s2 =	sadd.s32 s11, s2  }
0x219: {  	v1 =	vor.u32 v51, v30;
	[sflag:s7] =	ssyncset.done $0x0;
	s2 =	sshrl.u32 s2, $0x3  }
0x21a: {  	v2 =	vor.u32 v51, v2;
	[sflag:s7] =	ssyncadd.s32 $0xFFFFF000;
	s2 =	sadd.s32 s3, s2  }
0x21b: {  	[tilespmem:s0], [sflag:$0x1] =	stream.strided.gather [hbm4b:s2+s23], $0x1000, s13, s23, $0x38;
	[tilespmem:$0xCF00] =	vst v63  }
0x21c: {  	v16 =	vld.idx.msk [tilespmem:v31+s0+$0x0], $0xffff  }
0x21d: {  	v15 =	vld.idx.msk [tilespmem:v34+s28+$0x0], $0xffff  }
0x21e: {  	v12 =	vld.idx.msk [tilespmem:v1+s0+$0x0], $0xffff  }
0x21f: {  	v35 =	vsel vm5, $0x0, v42;
	v11 =	vld.idx.msk [tilespmem:v2+s28+$0x0], $0xffff;
	_ =	swait.ge [sflag:s7], $0x1000  }
0x220: {  	(xrf0) =	vmax.scan.msk.f32 $0xffff, v35;
	_ =	sdelay $0x5  }
0x221: {  	v34, _, _ =	vpop (xrf0)  }
0x222: {  	(v2sf) =	vpush v34, $0xF;
	_ =	sdelay $0xe  }
0x223: {  	s17 =	spop (v2sf)  }
0x224: {  	v13 =	vbroadcast v13, $0xF;
	s2 =	sshra.s32 s17, $0x7  }
0x225: {  	p1 =	slt.s32 s2, $0x4D  }
0x226: {  	v50 =	vand.u32 $0x7F, v13;
	s2 =	simm.s32 @!p1 $0x4D  }
0x227: {  	v20 =	vand.u32 $0xF, v13;
	v23 =	vor.u32 v52, v50;
	s2 =	sshll.u32 s2, $0xA  }
0x228: {  	v24 =	vor.u32 v52, v20;
	s2 =	sadd.s32 s11, s2  }
0x229: {  	v27 =	vor.u32 v51, v50;
	[sflag:s7] =	ssyncset.done $0x0;
	s2 =	sshrl.u32 s2, $0x3  }
0x22a: {  	v29 =	vor.u32 v51, v20;
	[sflag:s7] =	ssyncadd.s32 $0xFFFFF000;
	s2 =	sadd.s32 s3, s2  }
0x22b: {  	[tilespmem:s29], [sflag:$0x1] =	stream.strided.gather [hbm4b:s2+s23], $0x1000, s13, s23, $0x38;
	[tilespmem:$0xCF00] =	vst v63  }
0x22c: {  	v6 =	vld.idx.msk [tilespmem:v23+s29+$0x0], $0xffff  }
0x22d: {  	v20 =	vld.idx.msk [tilespmem:v24+s28+$0x0], $0xffff  }
0x22e: {  	v23 =	vld.idx.msk [tilespmem:v27+s29+$0x0], $0xffff  }
0x22f: {  	v24 =	vld.idx.msk [tilespmem:v29+s28+$0x0], $0xffff;
	_ =	swait.ge [sflag:s7], $0x1000;
	v27 =	vsel vm6, $0x0, v42  }
0x230: {  	(xrf0) =	vmax.scan.msk.f32 $0xffff, v27;
	_ =	sdelay $0x5  }
0x231: {  	v35, _, _ =	vpop (xrf0)  }
0x232: {  	(v2sf) =	vpush v35, $0xF;
	_ =	sdelay $0xe  }
0x233: {  	s20 =	spop (v2sf)  }
0x234: {  	v26 =	vbroadcast v26, $0xF;
	s2 =	sshra.s32 s20, $0x7  }
0x235: {  	p1 =	slt.s32 s2, $0x4D  }
0x236: {  	v27 =	vand.u32 $0x7F, v26;
	s2 =	simm.s32 @!p1 $0x4D  }
0x237: {  	v2 =	vand.u32 $0xF, v26;
	v30 =	vor.u32 v52, v27;
	s2 =	sshll.u32 s2, $0xA  }
0x238: {  	v31 =	vor.u32 v52, v2;
	s2 =	sadd.s32 s11, s2  }
0x239: {  	[sflag:s7] =	ssyncset.done $0x0;
	v27 =	vor.u32 v51, v27;
	s2 =	sshrl.u32 s2, $0x3  }
0x23a: {  	v29 =	vor.u32 v51, v2;
	[sflag:s7] =	ssyncadd.s32 $0xFFFFF000;
	s2 =	sadd.s32 s3, s2  }
0x23b: {  	[tilespmem:s30], [sflag:$0x1] =	stream.strided.gather [hbm4b:s2+s23], $0x1000, s13, s23, $0x38;
	[tilespmem:$0xCF00] =	vst v63  }
0x23c: {  	v30 =	vld.idx.msk [tilespmem:v30+s30+$0x0], $0xffff  }
0x23d: {  	v31 =	vld.idx.msk [tilespmem:v31+s28+$0x0], $0xffff  }
0x23e: {  	v27 =	vld.idx.msk [tilespmem:v27+s30+$0x0], $0xffff  }
0x23f: {  	v29 =	vld.idx.msk [tilespmem:v29+s28+$0x0], $0xffff;
	_ =	swait.ge [sflag:s7], $0x1000  }
0x240: {  	v4 =	vld [tilespmem:$0x1FAC0]  }
0x241: {  	v5 =	vld [tilespmem:$0x1FAD0]  }
0x242: {  	vm14 =	vgt.s32 v60, $0x4DFF;
	vm1 =	vmmov vm0;
	v50 =	vld [tilespmem:$0x1FAE0]  }
0x243: {  	vm0 =	vmmov vm7;
	v3 =	vsel vm7, $0x0, v42;
	vm7 =	vmmov vm6;
	v60 =	vld [tilespmem:$0x1FAF0]  }
0x244: {  	vm6 =	vmmov vm5;
	vm5 =	vmmov vm4;
	vm4 =	vmmov vm3  }
0x245: {  	vm3 =	vmmov vm2;
	vm2 =	vmmov vm12;
	vm12 =	vgt.s32 v53, $0x4DFF  }
0x246: {  	v53 =	vsel vm12, v5, v4;
	v4 =	vld [tilespmem:$0x1FB00]  }
0x247: {  	v5 =	vld [tilespmem:$0x1FB10]  }
0x248: {  	(xrf0) =	vmax.scan.msk.f32 $0xffff, v3;
	v60 =	vsel vm14, v60, v50;
	v3 =	vmax.f32 v53, $0.0e+00;
	v53 =	vld [tilespmem:$0x1FB20]  }
0x249: {  	vm15 =	vgt.s32 v8, $0x4DFF;
	v8 =	vmax.f32 v3, v60;
	v60 =	vld [tilespmem:$0x1FB30];
	_ =	sdelay $0x2  }
0x24a: {  	v50 =	vsel vm15, v5, v4  }
0x24b: {  	vm8 =	vgt.s32 v7, $0x4DFF;
	v8 =	vmax.f32 v8, v50;
	v50 =	vld [tilespmem:$0x1FB40]  }
0x24c: {  	v3 =	vsel vm8, v60, v53;
	v53 =	vld [tilespmem:$0x1FB50];
	_ =	sdelay $0x2  }
0x24d: {  	v4 =	vld [tilespmem:$0x1FB70]  }
0x24e: {  	vm13 =	vgt.s32 v14, $0x4DFF;
	v5 =	vld [tilespmem:$0x1FB80]  }
0x24f: {  	v60 =	vld [tilespmem:$0x1FB60];
	v8 =	vmax.f32 v8, v3;
	v14 =	vsel vm13, v53, v50  }
0x250: {  	v8 =	vmax.f32 v8, v14;
	v14 =	vld [tilespmem:$0x1FB90];
	_ =	sdelay $0x3  }
0x251: {  	v7 =	vbroadcast v32, $0xF;
	v32 =	vsel vm12, v4, v60;
	vm12 =	vgt.s32 v19, $0x4DFF;
	v4 =	vld [tilespmem:$0x1FBA0]  }
0x252: {  	v50 =	vsel vm12, v14, v5;
	v5 =	vld [tilespmem:$0x1FBB0];
	_ =	sdelay $0x2  }
0x253: {  	v53 =	vand.u32 $0x7F, v7;
	v14 =	vld [tilespmem:$0x1FBC0]  }
0x254: {  	v60 =	vor.u32 v52, v53;
	v8 =	vmax.f32 v8, v50;
	v50 =	vld [tilespmem:$0x1FBD0]  }
0x255: {  	v4 =	vsel vm14, v5, v4;
	vm14 =	vgt.s32 v22, $0x4DFF;
	v22 =	vor.u32 v51, v53;
	v53 =	vld [tilespmem:$0x1FBE0]  }
0x256: {  	v5 =	vld [tilespmem:$0x1FBF0]  }
0x257: {  	v42, _, _ =	vpop (xrf0)  }
0x258: {  	(v2sf) =	vpush v42, $0xF;
	_ =	sdelay $0x1  }
0x259: {  	v14 =	vsel vm14, v50, v14;
	v50 =	vld [tilespmem:$0x1FC00]  }
0x25a: {  	v53 =	vsel vm15, v5, v53;
	v5 =	vld [tilespmem:$0x1FC10];
	_ =	sdelay $0x3  }
0x25b: {  	v8 =	vmax.f32 v8, v14;
	v14 =	vld [tilespmem:$0x1FC20]  }
0x25c: {  	vm15 =	vgt.s32 v28, $0x4DFF;
	v28 =	vbroadcast v33, $0xF;
	v33 =	vsel vm8, v5, v50;
	v50 =	vld [tilespmem:$0x1FC30];
	_ =	sdelay $0x3  }
0x25d: {  	vm8 =	vgt.s32 v41, $0x4DFF;
	v41 =	vld [tilespmem:$0x1FC50]  }
0x25e: {  	v5 =	vsel vm15, v50, v14;
	v50 =	vld [tilespmem:$0x1FC40];
	_ =	sdelay $0x1  }
0x25f: {  	s21 =	spop (v2sf)  }
0x260: {  	s2 =	sshra.s32 s21, $0x7  }
0x261: {  	v1 =	vld [tilespmem:$0x1FC60];
	p1 =	slt.s32 s2, $0x4D  }
0x262: {  	s2 =	simm.s32 @!p1 $0x4D;
	v41 =	vsel vm13, v41, v50;
	v50 =	vld [tilespmem:$0x1FC70]  }
0x263: {  	v19 =	vand.u32 $0xF, v7;
	s2 =	sshll.u32 s2, $0xA  }
0x264: {  	v0 =	vor.u32 v52, v19;
	v19 =	vor.u32 v51, v19;
	s2 =	sadd.s32 s11, s2  }
0x265: {  	[sflag:s7] =	ssyncset.done $0x0;
	s2 =	sshrl.u32 s2, $0x3  }
0x266: {  	[sflag:s7] =	ssyncadd.s32 $0xFFFFF000;
	v3 =	vld [tilespmem:$0x1FC80];
	s2 =	sadd.s32 s3, s2  }
0x267: {  	[tilespmem:s5], [sflag:$0x1] =	stream.strided.gather [hbm4b:s2+s23], $0x1000, s13, s23, $0x38;
	v1 =	vsel vm8, v50, v1;
	v50 =	vld [tilespmem:$0x1FC90]  }
0x268: {  	v60 =	vld.idx.msk [tilespmem:v60+s5+$0x0], $0xffff  }
0x269: {  	v19 =	vld.idx.msk [tilespmem:v19+s28+$0x0], $0xffff  }
0x26a: {  	v22 =	vld.idx.msk [tilespmem:v22+s5+$0x0], $0xffff  }
0x26b: {  	v8 =	vmax.f32 v8, v5;
	v5 =	vld.idx.msk [tilespmem:v0+s28+$0x0], $0xffff;
	vm13 =	vgt.s32 v43, $0x4DFF;
	_ =	swait.ge [sflag:s7], $0x1000  }
0x26c: {  	v1 =	vmax.f32 v8, v1;
	v8 =	vsel vm13, v50, v3;
	v3 =	vld [tilespmem:$0x1FCA0]  }
0x26d: {  	v50 =	vld [tilespmem:$0x1FCB0];
	_ =	sdelay $0x3  }
0x26e: {  	v1 =	vmax.f32 v1, v8;
	v8 =	vld [tilespmem:$0x1FCC0]  }
0x26f: {  	v3 =	vsel vm12, v50, v3;
	v50 =	vld [tilespmem:$0x1FCD0];
	_ =	sdelay $0x2  }
0x270: {  	vm12 =	vgt.s32 v47, $0x4DFF  }
0x271: {  	v45 =	vsel vm12, v45, v46;
	v46 =	vld [tilespmem:$0x1FCE0]  }
0x272: {  	v8 =	vsel vm14, v50, v8;
	v50 =	vld [tilespmem:$0x1FCF0];
	_ =	sdelay $0x2  }
0x273: {  	v14 =	vand.u32 $0x7F, v28  }
0x274: {  	v0 =	vand.u32 $0xF, v28;
	v2 =	vor.u32 v52, v14  }
0x275: {  	v43 =	vor.u32 v52, v0;
	v46 =	vsel vm15, v50, v46;
	vm15 =	vgt.s32 v40, $0x4DFF  }
0x276: {  	v14 =	vor.u32 v51, v14;
	v40 =	vsel vm15, v57, v56;
	v56 =	vld [tilespmem:$0x1FD00]  }
0x277: {  	v0 =	vor.u32 v51, v0;
	[sflag:s7] =	ssyncset.done $0x0;
	v57 =	vld [tilespmem:$0x1FD10]  }
0x278: {  	[sflag:s7] =	ssyncadd.s32 $0xFFFFF000  }
0x279: {  	v34 =	vbroadcast v34, $0xF;
	v2 =	vld.idx.msk [tilespmem:v2+s0+$0x0], $0xffff  }
0x27a: {  	v32 =	vmax.f32 v32, $0.0e+00;
	v43 =	vld.idx.msk [tilespmem:v43+s28+$0x0], $0xffff  }
0x27b: {  	v4 =	vmax.f32 v32, v4;
	v14 =	vld.idx.msk [tilespmem:v14+s0+$0x0], $0xffff;
	v1 =	vmax.f32 v1, v45;
	v45 =	vand.u32 $0x7F, v34  }
0x27c: {  	v0 =	vld.idx.msk [tilespmem:v0+s28+$0x0], $0xffff;
	vm14 =	vgt.s32 v55, $0x4DFF;
	_ =	swait.ge [sflag:s7], $0x1000;
	v47 =	vsel vm8, v57, v56;
	v57 =	vor.u32 v52, v45  }
0x27d: {  	v4 =	vmax.f32 v4, v53;
	v50 =	vsel vm14, v61, v58;
	v58 =	vld [tilespmem:$0x1FD30];
	v56 =	vand.u32 $0xF, v34  }
0x27e: {  	v1 =	vmax.f32 v1, v40;
	v40 =	vor.u32 v52, v56;
	v53 =	vor.u32 v51, v56;
	v56 =	vld [tilespmem:$0x1FD20]  }
0x27f: {  	[sflag:s7] =	ssyncset.done $0x0  }
0x280: {  	v4 =	vmax.f32 v4, v33;
	v32 =	vor.u32 v51, v45;
	[sflag:s7] =	ssyncadd.s32 $0xFFFFF000  }
0x281: {  	v33 =	vbroadcast v35, $0xF;
	v4 =	vmax.f32 v4, v41;
	v41 =	vld.idx.msk [tilespmem:v57+s29+$0x0], $0xffff  }
0x282: {  	v3 =	vmax.f32 v4, v3;
	v57 =	vld [tilespmem:$0x1FD40]  }
0x283: {  	v3 =	vmax.f32 v3, v8;
	v61 =	vand.u32 $0x7F, v33;
	v35 =	vsel vm13, v58, v56;
	v58 =	vld [tilespmem:$0x1FD50]  }
0x284: {  	v55 =	vor.u32 v52, v61;
	v1 =	vmax.f32 v1, v50;
	v50 =	vand.u32 $0xF, v33  }
0x285: {  	v3 =	vmax.f32 v3, v46;
	v8 =	vld.idx.msk [tilespmem:v32+s29+$0x0], $0xffff;
	vm8 =	vgt.s32 v59, $0x4DFF;
	v59 =	vor.u32 v51, v50  }
0x286: {  	v38 =	vsel vm8, v38, v39;
	v3 =	vmax.f32 v3, v47;
	v39 =	vor.u32 v51, v61;
	v4 =	vld.idx.msk [tilespmem:v40+s28+$0x0], $0xffff  }
0x287: {  	v1 =	vmax.f32 v1, v38;
	v38 =	vld.idx.msk [tilespmem:v53+s28+$0x0], $0xffff;
	_ =	swait.ge [sflag:s7], $0x1000;
	v3 =	vmax.f32 v3, v35;
	v35 =	vbroadcast v42, $0xF  }
0x288: {  	v56 =	vor.u32 v52, v50;
	v40 =	vimm.s32 $0xA;
	v61 =	vld [tilespmem:$0x1FD60];
	v46 =	vsel vm12, v58, v57  }
0x289: {  	[sflag:s7] =	ssyncset.done $0x0;
	v42 =	vand.u32 $0x7F, v35;
	v53 =	vand.u32 $0xF, v35;
	v3 =	vmax.f32 v3, v46;
	v46 =	vld [tilespmem:$0x1FD70]  }
0x28a: {  	v47 =	vld [tilespmem:$0x1FD80];
	[sflag:s7] =	ssyncadd.s32 $0xFFFFF000;
	vm13 =	vgt.s32 v35, $0x26FF;
	vm12 =	vgt.s32 v10, $0x4DFF;
	v57 =	vor.u32 v52, v53  }
0x28b: {  	v36 =	vsel vm12, v36, v37;
	v37 =	vld.idx.msk [tilespmem:v55+s30+$0x0], $0xffff;
	v55 =	vsel vm12, v63, v62;
	vm12 =	vgt.s32 v13, $0x26FF  }
0x28c: {  	v1 =	vmax.f32 v1, v36;
	v58 =	vsel vm12, v24, v23;
	v6 =	vsel vm12, v20, v6  }
0x28d: {  	vm12 =	vgt.s32 v7, $0x26FF;
	v23 =	vimm.s32 $0xB;
	v36 =	vor.u32 v51, v42  }
0x28e: {  	v5 =	vsel vm12, v5, v60;
	v32 =	vsel vm15, v46, v61;
	vm15 =	vgt.s32 v34, $0x26FF  }
0x28f: {  	v50 =	vld.idx.msk [tilespmem:v56+s28+$0x0], $0xffff;
	v3 =	vmax.f32 v3, v32;
	v32 =	vsel vm14, v48, v47;
	v48 =	vsel vm8, v54, v44  }
0x290: {  	v56 =	vld.idx.msk [tilespmem:v59+s28+$0x0], $0xffff;
	v54 =	vor.u32 v52, v42;
	vm8 =	vgt.s32 v9, $0x4DFF;
	vm14 =	vgt.s32 v28, $0x26FF  }
0x291: {  	v28 =	vimm.s32 $0xC;
	v4 =	vsel vm15, v4, v41;
	v3 =	vmax.f32 v3, v32;
	v32 =	vld.idx.msk [tilespmem:v39+s30+$0x0], $0xffff;
	_ =	swait.ge [sflag:s7], $0x1000  }
0x292: {  	v18 =	vsel vm8, v18, v25;
	v17 =	vsel vm8, v17, v21;
	vm8 =	vgt.s32 v49, $0x26FF;
	[sflag:s7] =	ssyncset.done $0x0  }
0x293: {  	v11 =	vsel vm8, v11, v12;
	v59 =	vsel vm8, v15, v16;
	vm8 =	vgt.s32 v26, $0x26FF;
	[sflag:s7] =	ssyncadd.s32 $0xFFFFF000  }
0x294: {  	s4 =	simm.s32 $0xCA80;
	v8 =	vsel vm15, v38, v8;
	v62 =	vsel vm8, v31, v30;
	v30 =	vimm.s32 $0xD;
	v63 =	vld.idx.msk [tilespmem:v57+s28+$0x0], $0xffff  }
0x295: {  	v41 =	vimm.s32 $0x8;
	v47 =	vimm.s32 $0xE;
	v13 =	vmax.f32 v59, $0.0e+00;
	v10 =	vld.idx.msk [tilespmem:v23+s4+$0x0], $0xffff  }
0x296: {  	v2 =	vsel vm14, v43, v2;
	v39 =	vimm.s32 $0x9;
	v6 =	vmax.f32 v13, v6;
	v61 =	vld.idx.msk [tilespmem:v54+s5+$0x0], $0xffff  }
0x297: {  	v31 =	vsel vm12, v19, v22;
	vm12 =	vgt.s32 v33, $0x26FF;
	v33 =	vld [tilespmem:$0xC980];
	v6 =	vmax.f32 v6, v62  }
0x298: {  	v0 =	vsel vm14, v0, v14;
	v3 =	vmax.f32 v3, v48;
	v5 =	vmax.f32 v6, v5;
	v6 =	vld.idx.msk [tilespmem:v28+s4+$0x0], $0xffff  }
0x299: {  	v49 =	vimm.s32 $0xF;
	v3 =	vmax.f32 v3, v55;
	v2 =	vmax.f32 v5, v2;
	v5 =	vld.idx.msk [tilespmem:v30+s4+$0x0], $0xffff  }
0x29a: {  	v34 =	vsel vm12, v50, v37;
	v37 =	vor.u32 v51, v53;
	v2 =	vmax.f32 v2, v4  }
0x29b: {  	v29 =	vsel vm8, v29, v27;
	v19 =	vld.idx.msk [tilespmem:v39+s4+$0x0], $0xffff;
	v2 =	vmax.f32 v2, v34;
	v7 =	vsel vm13, v63, v61  }
0x29c: {  	v11 =	vmax.f32 v11, $0.0e+00;
	v3 =	vmax.f32 v3, v18;
	v2 =	vmax.f32 v2, v7;
	v7 =	vld.idx.msk [tilespmem:v40+s4+$0x0], $0xffff  }
0x29d: {  	v11 =	vmax.f32 v11, v58;
	v14 =	vld.idx.msk [tilespmem:v41+s4+$0x0], $0xffff;
	vm8 =	vlt.f32 v3, v10;
	vm14 =	vlt.f32 v2, v6  }
0x29e: {  	v42 =	vld.idx.msk [tilespmem:v36+s5+$0x0], $0xffff;
	v11 =	vmax.f32 v11, v29;
	vm8 =	vmand vm8, vm14;
	vm14 =	vlt.f32 v33, v5  }
0x29f: {  	v44 =	vimm.f32 $0.0e+00;
	v46 =	vmax.f32 v11, v31;
	v43 =	vld.idx.msk [tilespmem:v37+s28+$0x0], $0xffff;
	vm8 =	vmand vm8, vm14  }
0x2a0: {  	v51 =	vld [tilespmem:$0xCA00];
	v52 =	vsel vm12, v56, v32;
	v45 =	vsel vm8, $0x3F800000, v44;
	vm8 =	vgt.f32 v2, v19  }
0x2a1: {  	v11 =	vld.idx.msk [tilespmem:v47+s4+$0x0], $0xffff;
	v0 =	vmax.f32 v46, v0;
	v48 =	vsel vm8, $0x3F800000, v44;
	vm8 =	vgt.f32 v33, v7  }
0x2a2: {  	v0 =	vmax.f32 v0, v8;
	v2 =	vld.idx.msk [tilespmem:v49+s4+$0x0], $0xffff;
	v4 =	vsel vm8, $0x3F800000, v44;
	vm8 =	vgt.f32 v3, v14  }
0x2a3: {  	v50 =	vsub.f32 $1.000000000e+00, v45;
	v3 =	vsel vm8, $0x3F800000, v44;
	v4 =	vmax.f32 v48, v4  }
0x2a4: {  	v0 =	vmax.f32 v0, v52;
	v53 =	vsel vm13, v43, v42;
	v3 =	vmax.f32 v3, v4  }
0x2a5: {  	v1 =	vmax.f32 v1, v17;
	s22 =	rddreg [dreg:$0x9];
	v0 =	vmax.f32 v0, v53;
	v3 =	vmul.f32 v3, v50  }
0x2a6: {  	v55 =	vld [tilespmem:s22+$0xCA90];
	vm13 =	vlt.f32 v51, v5;
	vm12 =	vlt.f32 v0, v6;
	vm8 =	vlt.f32 v1, v10  }
0x2a7: {  	v54 =	vmul.f32 v45, v11;
	vm8 =	vmand vm8, vm12;
	v3 =	vmul.f32 v3, v2  }
0x2a8: {  	vm12 =	vgt.f32 v1, v14;
	vm8 =	vmand vm8, vm13;
	vm13 =	vgt.f32 v0, v19  }
0x2a9: {  	v57 =	vsel vm8, $0x3F800000, v44;
	vm8 =	vgt.f32 v51, v7;
	v56 =	vadd.f32 v3, v54  }
0x2aa: {  	v58 =	vsel vm12, $0x3F800000, v44;
	v59 =	vsel vm13, $0x3F800000, v44;
	v60 =	vsel vm8, $0x3F800000, v44  }
0x2ab: {  	v61 =	vsub.f32 $1.000000000e+00, v57;
	v4 =	vmax.f32 v59, v60;
	v1 =	vadd.f32 v56, v55  }
0x2ac: {  	v3 =	vmax.f32 v58, v4  }
0x2ad: {  	v62 =	vmul.f32 v3, v61;
	[tilespmem:$0xCE80] =	vst v1  }
0x2ae: {  	v63 =	vld [tilespmem:s22+$0xCAA0]  }
0x2af: {  	v0 =	vmul.f32 v57, v11;
	v1 =	vmul.f32 v62, v2;
	_ =	sdelay $0x1  }
0x2b0: {  	v0 =	vadd.f32 v1, v0;
	_ =	sdelay $0x1  }
0x2b1: {  	s18 =	sadd.s32 $0xFFFFFFFF, s18;
	v0 =	vadd.f32 v0, v63  }
0x2b2: {  	p1 =	sne.s32 s18, $0x0  }
.Ltmp1:
0x2b3: {  	s26 =	simm.s32 $0xCE80;
	[tilespmem:$0xCE90] =	vst v0;
	(pc) =	sbr.rel @!p1 .LBB2_5-.Ltmp1, $4  }
0x2b4: {  	v24 =	vlaneseq.u32;
	vm12 =	vmmov vm2;
	vm2 =	vmmov vm3;
	[hbm4b:s12+s9] =	stream.linear.scatter [tilespmem:s26], [sflag:$0x4], $0x20, $0x38;
	[tilespmem:$0xCF00] =	vst v63  }
0x2b5: {  	vm3 =	vmmov vm4;
	vm4 =	vmmov vm5;
	vm5 =	vmmov vm6;
	_ =	swait.ge [sflag:s19], $0x20  }
0x2b6: {  	vm6 =	vmmov vm7;
	vm7 =	vmmov vm0;
	vm0 =	vmmov vm1;
	[sflag:s19] =	ssyncset.done $0x0  }
0x2b7: {  	vm1 =	vcmask $0x2B30;
	vm8 =	vmmov vm9;
	vm9 =	vmmov vm10;
	[sflag:s19] =	ssyncadd.s32 $0xFFFFFFE0  }
.LBB2_1:
0x2b8: {  	s2 =	rddreg [dreg:$0x3]  }
0x2b9: {  	[tilespmem:s9], [sflag:$0x4] =	stream.linear.gather [hbm4b:s2+s9], $0x80, $0x38;
	[tilespmem:$0xCF00] =	vst v63  }
0x2ba: {  	_ =	swait.ge [sflag:s19], $0x80  }
0x2bb: {  	[sflag:s19] =	ssyncset.done $0x0  }
0x2bc: {  	[sflag:s19] =	ssyncadd.s32 $0xFFFFFF80  }
0x2bd: {  	s8 =	simm.s32 $0x80;
	s6 =	rddreg [dreg:$0x4]  }
0x2be: {  	[tilespmem:s8], [sflag:$0x4] =	stream.linear.gather [hbm4b:s6+s9], $0x80, $0x38;
	[tilespmem:$0xCF00] =	vst v63  }
0x2bf: {  	_ =	swait.ge [sflag:s19], $0x80  }
0x2c0: {  	[sflag:s19] =	ssyncset.done $0x0  }
0x2c1: {  	[sflag:s19] =	ssyncadd.s32 $0xFFFFFF80  }
0x2c2: {  	s3 =	simm.s32 $0x100;
	s14 =	rddreg [dreg:$0x5]  }
0x2c3: {  	[tilespmem:s3], [sflag:$0x4] =	stream.linear.gather [hbm4b:s14+s9], $0x80, $0x38;
	[tilespmem:$0xCF00] =	vst v63  }
0x2c4: {  	_ =	swait.ge [sflag:s19], $0x80  }
0x2c5: {  	[sflag:s19] =	ssyncset.done $0x0  }
0x2c6: {  	s15 =	rddreg [dreg:$0xa];
	[sflag:s19] =	ssyncadd.s32 $0xFFFFFF80  }
0x2c7: {  	[tilespmem:s4], [sflag:$0x4] =	stream.linear.gather [hbm4b:s15+s9], $0x400, $0x38;
	[tilespmem:$0xCF00] =	vst v63  }
0x2c8: {  	_ =	swait.ge [sflag:s19], $0x400  }
0x2c9: {  	v0 =	vld [tilespmem:$0x1FFF0];
	_ =	sdelay $0x5  }
0x2ca: {  	[sflag:s19] =	ssyncset.done $0x0  }
0x2cb: {  	[sflag:s19] =	ssyncadd.s32 $0xFFFFFC00  }
0x2cc: {  	v0 =	vld.idx.msk [tilespmem:v0+s3+$0x0], $0xffff;
	_ =	sdelay $0x4  }
0x2cd: {  	v1 =	vnsel vm0, $0x0, v0  }
0x2ce: {  	(xrf0) =	vmax.scan.msk.f32 $0xffff, v1;
	v1 =	vsel vm12, $0x0, v0  }
0x2cf: {  	(xrf0) =	vmax.scan.msk.f32 $0xffff, v1;
	v1 =	vsel vm2, $0x0, v0  }
0x2d0: {  	(xrf0) =	vmax.scan.msk.f32 $0xffff, v1;
	v1 =	vsel vm3, $0x0, v0  }
0x2d1: {  	(xrf0) =	vmax.scan.msk.f32 $0xffff, v1;
	v1 =	vsel vm4, $0x0, v0  }
0x2d2: {  	v7 =	vld [tilespmem:$0x1FFE0];
	(xrf0) =	vmax.scan.msk.f32 $0xffff, v1;
	v1 =	vsel vm5, $0x0, v0  }
0x2d3: {  	(xrf0) =	vmax.scan.msk.f32 $0xffff, v1;
	v1 =	vsel vm6, $0x0, v0  }
0x2d4: {  	v2, _, _ =	vpop (xrf0);
	(xrf0) =	vmax.scan.msk.f32 $0xffff, v1;
	v1 =	vsel vm7, $0x0, v0  }
0x2d5: {  	(v2sf) =	vpush v2, $0xF;
	v2, _, _ =	vpop (xrf0);
	(xrf0) =	vmax.scan.msk.f32 $0xffff, v1;
	v1 =	vsel vm8, $0x0, v0  }
0x2d6: {  	(v2sf) =	vpush v2, $0xF;
	v2, _, _ =	vpop (xrf0)  }
0x2d7: {  	(xrf0) =	vmax.scan.msk.f32 $0xffff, v1;
	(v2sf) =	vpush v2, $0xF;
	v2 =	vsel vm9, $0x0, v0  }
0x2d8: {  	v1, _, _ =	vpop (xrf0);
	(xrf0) =	vmax.scan.msk.f32 $0xffff, v2  }
0x2d9: {  	s16 =	rddreg [dreg:$0xb];
	v50 =	vld.idx.msk [tilespmem:v24+s9+$0x0], $0xffff;
	(v2sf) =	vpush v1, $0xF;
	v1, _, _ =	vpop (xrf0)  }
0x2da: {  	v42 =	vld.idx.msk [tilespmem:v7+s8+$0x0], $0xffff;
	[tilespmem:s25], [sflag:$0x2] =	stream.strided.gather [hbm4b:s16+s23], $0x1000, s24, s23, $0x38;
	v2 =	vsel vm11, $0x0, v0;
	(v2sf) =	vpush v1, $0xF;
	v1, _, _ =	vpop (xrf0)  }
0x2db: {  	(xrf0) =	vmax.scan.msk.f32 $0xffff, v2;
	v2 =	vsel vm1, $0x0, v0;
	(v2sf) =	vpush v1, $0xF;
	v1, _, _ =	vpop (xrf0)  }
0x2dc: {  	(xrf0) =	vmax.scan.msk.f32 $0xffff, v2;
	(v2sf) =	vpush v1, $0xF;
	v1, _, _ =	vpop (xrf0)  }
0x2dd: {  	s20 =	rddreg [dreg:$0xc];
	v0 =	vand.u32 $0x7, v0;
	(v2sf) =	vpush v1, $0xF;
	v1, _, _ =	vpop (xrf0)  }
0x2de: {  	[tilespmem:s28], [sflag:$0x2] =	stream.strided.gather [hbm4b:s20+s23], $0x1000, s13, s23, $0x38;
	v2 =	vnsel vm0, $0x0, v0;
	(v2sf) =	vpush v1, $0xF;
	v1, _, _ =	vpop (xrf0);
	[tilespmem:$0xCF00] =	vst v63  }
0x2df: {  	(xrf0) =	vmax.scan.msk.f32 $0xffff, v2;
	(v2sf) =	vpush v1, $0xF;
	v1 =	vsel vm12, $0x0, v0  }
0x2e0: {  	(xrf0) =	vmax.scan.msk.f32 $0xffff, v1;
	v1 =	vsel vm2, $0x0, v0  }
0x2e1: {  	v2, _, _ =	vpop (xrf0);
	(xrf0) =	vmax.scan.msk.f32 $0xffff, v1;
	v1 =	vsel vm3, $0x0, v0  }
0x2e2: {  	(v2sf) =	vpush v2, $0xF;
	v2, _, _ =	vpop (xrf0);
	(xrf0) =	vmax.scan.msk.f32 $0xffff, v1;
	v1 =	vsel vm4, $0x0, v0  }
0x2e3: {  	(v2sf) =	vpush v2, $0xF;
	(xrf0) =	vmax.scan.msk.f32 $0xffff, v1;
	v1 =	vsel vm5, $0x0, v0  }
0x2e4: {  	(xrf0) =	vmax.scan.msk.f32 $0xffff, v1;
	v1 =	vsel vm6, $0x0, v0  }
0x2e5: {  	v2, _, _ =	vpop (xrf0);
	(xrf0) =	vmax.scan.msk.f32 $0xffff, v1;
	v1 =	vsel vm7, $0x0, v0  }
0x2e6: {  	v3, _, _ =	vpop (xrf0);
	(xrf0) =	vmax.scan.msk.f32 $0xffff, v1;
	v1 =	vsel vm8, $0x0, v0  }
0x2e7: {  	s15 =	spop (v2sf);
	v4, _, _ =	vpop (xrf0);
	(xrf0) =	vmax.scan.msk.f32 $0xffff, v1;
	v1 =	vsel vm9, $0x0, v0  }
0x2e8: {  	s26 =	spop (v2sf);
	v5, _, _ =	vpop (xrf0);
	(xrf0) =	vmax.scan.msk.f32 $0xffff, v1;
	v1 =	vsel vm11, $0x0, v0  }
0x2e9: {  	s22 =	spop (v2sf);
	v0 =	vsel vm1, $0x0, v0  }
0x2ea: {  	s3 =	spop (v2sf);
	v6, _, _ =	vpop (xrf0);
	(xrf0) =	vmax.scan.msk.f32 $0xffff, v1  }
0x2eb: {  	s6 =	spop (v2sf);
	v1, _, _ =	vpop (xrf0);
	(xrf0) =	vmax.scan.msk.f32 $0xffff, v0  }
0x2ec: {  	s4 =	spop (v2sf);
	v0, _, _ =	vpop (xrf0)  }
0x2ed: {  	v11 =	vbroadcast v2, $0xF;
	v10 =	vbroadcast v3, $0xF;
	s2 =	spop (v2sf);
	v12, _, _ =	vpop (xrf0)  }
.Ltmp2:
0x2ee: {  	v9 =	vbroadcast v4, $0xF;
	v8 =	vbroadcast v5, $0xF;
	s17 =	spop (v2sf);
	v2, _, _ =	vpop (xrf0);
	(pc) =	sbr.rel @p0 .LBB2_3-.Ltmp2, $4  }
0x2ef: {  	v7 =	vbroadcast v6, $0xF;
	v6 =	vbroadcast v1, $0xF;
	s14 =	spop (v2sf);
	v13, _, _ =	vpop (xrf0)  }
0x2f0: {  	v5 =	vbroadcast v0, $0xF;
	s21 =	spop (v2sf);
	v4 =	vbroadcast v12, $0xF;
	v1, _, _ =	vpop (xrf0)  }
0x2f1: {  	s20 =	spop (v2sf);
	v3 =	vbroadcast v2, $0xF;
	v2 =	vbroadcast v13, $0xF;
	v0, _, _ =	vpop (xrf0)  }
0x2f2: {  	s13 =	spop (v2sf);
	v1 =	vbroadcast v1, $0xF;
	v0 =	vbroadcast v0, $0xF  }
0x2f3: {  	s15 =	sshll.u32 s15, $0xA;
	s19 =	smov.u32 s18  }
0x2f4: {  	s18 =	smov.u32 s12;
	s12 =	rddreg [dreg:$0xe];
	s15 =	sand.u32 $0xFFFFE000, s15  }
0x2f5: {  	s15 =	sor.u32 s12, s15  }
0x2f6: {  	s16 =	rddreg [dreg:$0x2];
	s15 =	sshrl.u32 s15, $0x3  }
0x2f7: {  	s8 =	simm.s32 $0x6580;
	s26 =	sshll.u32 s26, $0xA;
	s15 =	sadd.s32 s16, s15  }
0x2f8: {  	[tilespmem:s8], [sflag:$0x3] =	stream.linear.gather [hbm4b:s15+s9], $0x400, $0x38;
	[tilespmem:$0xCF00] =	vst v63  }
0x2f9: {  	s15 =	sand.u32 $0xFFFFE000, s26  }
0x2fa: {  	s15 =	sor.u32 s12, s15  }
0x2fb: {  	s15 =	sshrl.u32 s15, $0x3  }
0x2fc: {  	s8 =	simm.s32 $0x6980;
	s26 =	sshll.u32 s22, $0xA;
	s15 =	sadd.s32 s16, s15  }
0x2fd: {  	[tilespmem:s8], [sflag:$0x3] =	stream.linear.gather [hbm4b:s15+s9], $0x400, $0x38;
	[tilespmem:$0xCF00] =	vst v63  }
0x2fe: {  	s3 =	sshll.u32 s3, $0xA;
	s15 =	sand.u32 $0xFFFFE000, s26  }
0x2ff: {  	s3 =	sand.u32 $0xFFFFE000, s3;
	s15 =	sor.u32 s12, s15  }
0x300: {  	s3 =	sor.u32 s12, s3;
	s15 =	sshrl.u32 s15, $0x3  }
0x301: {  	s3 =	sshrl.u32 s3, $0x3;
	s8 =	simm.s32 $0x6D80;
	s15 =	sadd.s32 s16, s15  }
0x302: {  	[tilespmem:s8], [sflag:$0x3] =	stream.linear.gather [hbm4b:s15+s9], $0x400, $0x38;
	[tilespmem:$0xCF00] =	vst v63  }
0x303: {  	s6 =	sshll.u32 s6, $0xA;
	s3 =	sadd.s32 s16, s3;
	s26 =	simm.s32 $0x7180  }
0x304: {  	[tilespmem:s26], [sflag:$0x3] =	stream.linear.gather [hbm4b:s3+s9], $0x400, $0x38;
	[tilespmem:$0xCF00] =	vst v63  }
0x305: {  	s3 =	sand.u32 $0xFFFFE000, s6  }
0x306: {  	s3 =	sor.u32 s12, s3  }
0x307: {  	s3 =	sshrl.u32 s3, $0x3  }
0x308: {  	s8 =	simm.s32 $0x7580;
	s15 =	sshll.u32 s4, $0xA;
	s3 =	sadd.s32 s16, s3  }
0x309: {  	[tilespmem:s8], [sflag:$0x3] =	stream.linear.gather [hbm4b:s3+s9], $0x400, $0x38;
	[tilespmem:$0xCF00] =	vst v63  }
0x30a: {  	s2 =	sshll.u32 s2, $0xA;
	s3 =	sand.u32 $0xFFFFE000, s15  }
0x30b: {  	s2 =	sand.u32 $0xFFFFE000, s2;
	s3 =	sor.u32 s12, s3  }
0x30c: {  	s2 =	sor.u32 s12, s2;
	s3 =	sshrl.u32 s3, $0x3  }
0x30d: {  	s2 =	sshrl.u32 s2, $0x3;
	s22 =	simm.s32 $0x7980;
	s3 =	sadd.s32 s16, s3  }
0x30e: {  	[tilespmem:s22], [sflag:$0x3] =	stream.linear.gather [hbm4b:s3+s9], $0x400, $0x38;
	[tilespmem:$0xCF00] =	vst v63  }
0x30f: {  	s2 =	sadd.s32 s16, s2;
	s26 =	simm.s32 $0x7D80;
	s3 =	sshll.u32 s17, $0xA  }
0x310: {  	[tilespmem:s26], [sflag:$0x3] =	stream.linear.gather [hbm4b:s2+s9], $0x400, $0x38;
	[tilespmem:$0xCF00] =	vst v63  }
0x311: {  	s2 =	sand.u32 $0xFFFFE000, s3  }
0x312: {  	s2 =	sor.u32 s12, s2  }
0x313: {  	s2 =	sshrl.u32 s2, $0x3  }
0x314: {  	s4 =	simm.s32 $0x8180;
	s6 =	sshll.u32 s14, $0xA;
	s2 =	sadd.s32 s16, s2  }
0x315: {  	[tilespmem:s4], [sflag:$0x3] =	stream.linear.gather [hbm4b:s2+s9], $0x400, $0x38;
	[tilespmem:$0xCF00] =	vst v63  }
0x316: {  	s2 =	sand.u32 $0xFFFFE000, s6  }
0x317: {  	s2 =	sor.u32 s12, s2  }
0x318: {  	s2 =	sshrl.u32 s2, $0x3  }
0x319: {  	s14 =	sshll.u32 s21, $0xA;
	s8 =	simm.s32 $0x8580;
	s2 =	sadd.s32 s16, s2  }
0x31a: {  	[tilespmem:s8], [sflag:$0x3] =	stream.linear.gather [hbm4b:s2+s9], $0x400, $0x38;
	[tilespmem:$0xCF00] =	vst v63  }
0x31b: {  	s2 =	sand.u32 $0xFFFFE000, s14  }
0x31c: {  	s2 =	sor.u32 s12, s2  }
0x31d: {  	s2 =	sshrl.u32 s2, $0x3  }
0x31e: {  	s15 =	simm.s32 $0x8980;
	s17 =	sshll.u32 s20, $0xA;
	s2 =	sadd.s32 s16, s2  }
0x31f: {  	[tilespmem:s15], [sflag:$0x3] =	stream.linear.gather [hbm4b:s2+s9], $0x400, $0x38;
	[tilespmem:$0xCF00] =	vst v63  }
0x320: {  	s2 =	sand.u32 $0xFFFFE000, s17  }
0x321: {  	s2 =	sor.u32 s12, s2  }
0x322: {  	s2 =	sshrl.u32 s2, $0x3  }
0x323: {  	s21 =	sshll.u32 s13, $0xA;
	s20 =	simm.s32 $0x8D80;
	s2 =	sadd.s32 s16, s2  }
0x324: {  	[tilespmem:s20], [sflag:$0x3] =	stream.linear.gather [hbm4b:s2+s9], $0x400, $0x38;
	[tilespmem:$0xCF00] =	vst v63  }
0x325: {  	s2 =	sand.u32 $0xFFFFE000, s21  }
0x326: {  	s2 =	sor.u32 s12, s2  }
0x327: {  	s2 =	sshrl.u32 s2, $0x3  }
0x328: {  	s22 =	simm.s32 $0x9180;
	s2 =	sadd.s32 s16, s2  }
0x329: {  	[tilespmem:s22], [sflag:$0x3] =	stream.linear.gather [hbm4b:s2+s9], $0x400, $0x38;
	[tilespmem:$0xCF00] =	vst v63  }
0x32a: {  	_ =	swait.ge [sflag:s31], $0x400  }
0x32b: {  	[sflag:s31] =	ssyncset.done $0x0  }
0x32c: {  	[sflag:s31] =	ssyncadd.s32 $0xFFFFFC00  }
0x32d: {  	_ =	swait.ge [sflag:s31], $0x400  }
0x32e: {  	[sflag:s31] =	ssyncset.done $0x0  }
0x32f: {  	[sflag:s31] =	ssyncadd.s32 $0xFFFFFC00  }
0x330: {  	_ =	swait.ge [sflag:s31], $0x400  }
0x331: {  	[sflag:s31] =	ssyncset.done $0x0  }
0x332: {  	[sflag:s31] =	ssyncadd.s32 $0xFFFFFC00  }
0x333: {  	_ =	swait.ge [sflag:s31], $0x400  }
0x334: {  	[sflag:s31] =	ssyncset.done $0x0  }
0x335: {  	[sflag:s31] =	ssyncadd.s32 $0xFFFFFC00  }
0x336: {  	_ =	swait.ge [sflag:s31], $0x400  }
0x337: {  	[sflag:s31] =	ssyncset.done $0x0  }
0x338: {  	[sflag:s31] =	ssyncadd.s32 $0xFFFFFC00  }
0x339: {  	_ =	swait.ge [sflag:s31], $0x400  }
0x33a: {  	[sflag:s31] =	ssyncset.done $0x0  }
0x33b: {  	[sflag:s31] =	ssyncadd.s32 $0xFFFFFC00  }
0x33c: {  	_ =	swait.ge [sflag:s31], $0x400  }
0x33d: {  	[sflag:s31] =	ssyncset.done $0x0  }
0x33e: {  	[sflag:s31] =	ssyncadd.s32 $0xFFFFFC00  }
0x33f: {  	_ =	swait.ge [sflag:s31], $0x400  }
0x340: {  	[sflag:s31] =	ssyncset.done $0x0  }
0x341: {  	[sflag:s31] =	ssyncadd.s32 $0xFFFFFC00  }
0x342: {  	_ =	swait.ge [sflag:s31], $0x400  }
0x343: {  	[sflag:s31] =	ssyncset.done $0x0  }
0x344: {  	[sflag:s31] =	ssyncadd.s32 $0xFFFFFC00  }
0x345: {  	_ =	swait.ge [sflag:s31], $0x400  }
0x346: {  	[sflag:s31] =	ssyncset.done $0x0  }
0x347: {  	[sflag:s31] =	ssyncadd.s32 $0xFFFFFC00  }
0x348: {  	_ =	swait.ge [sflag:s31], $0x400  }
0x349: {  	v23 =	vld [tilespmem:$0x1FF10];
	_ =	sdelay $0x1  }
0x34a: {  	[sflag:s31] =	ssyncset.done $0x0  }
0x34b: {  	[sflag:s31] =	ssyncadd.s32 $0xFFFFFC00  }
0x34c: {  	v11 =	vshll.u32 v11, $0x7;
	_ =	swait.ge [sflag:s31], $0x400  }
0x34d: {  	v10 =	vshll.u32 v10, $0x7;
	v52 =	vld [tilespmem:$0x1FF20];
	v12 =	vor.u32 v23, v11  }
0x34e: {  	v9 =	vshll.u32 v9, $0x7;
	v53 =	vld [tilespmem:$0x1FF30];
	v13 =	vor.u32 v23, v10;
	v12 =	vadd.s32 $0x400, v12  }
0x34f: {  	v8 =	vshll.u32 v8, $0x7;
	v54 =	vld [tilespmem:$0x1FF40];
	v14 =	vor.u32 v23, v9;
	v13 =	vadd.s32 $0x800, v13  }
0x350: {  	v7 =	vshll.u32 v7, $0x7;
	v55 =	vld [tilespmem:$0x1FF50];
	v15 =	vor.u32 v23, v8;
	v14 =	vadd.s32 $0xC00, v14  }
0x351: {  	v6 =	vshll.u32 v6, $0x7;
	[sflag:s31] =	ssyncset.done $0x0;
	v56 =	vld [tilespmem:$0x1FF60];
	v16 =	vor.u32 v23, v7;
	v15 =	vadd.s32 $0x1000, v15  }
0x352: {  	v5 =	vshll.u32 v5, $0x7;
	s26 =	simm.s32 $0x6180;
	v57 =	vld [tilespmem:$0x1FF70];
	[sflag:s31] =	ssyncadd.s32 $0xFFFFFC00;
	v17 =	vor.u32 v23, v6;
	v16 =	vadd.s32 $0x1400, v16  }
0x353: {  	v4 =	vshll.u32 v4, $0x7;
	v18 =	vor.u32 v23, v5;
	v17 =	vadd.s32 $0x1800, v17;
	v12 =	vld.idx.msk [tilespmem:v12+s26+$0x0], $0xffff  }
0x354: {  	v3 =	vshll.u32 v3, $0x7;
	v19 =	vor.u32 v23, v4;
	v18 =	vadd.s32 $0x1C00, v18;
	v13 =	vld.idx.msk [tilespmem:v13+s26+$0x0], $0xffff  }
0x355: {  	v2 =	vshll.u32 v2, $0x7;
	v20 =	vor.u32 v23, v3;
	v19 =	vadd.s32 $0x2000, v19;
	v14 =	vld.idx.msk [tilespmem:v14+s26+$0x0], $0xffff  }
0x356: {  	v1 =	vshll.u32 v1, $0x7;
	v21 =	vor.u32 v23, v2;
	v20 =	vadd.s32 $0x2400, v20;
	v15 =	vld.idx.msk [tilespmem:v15+s26+$0x0], $0xffff  }
0x357: {  	v0 =	vshll.u32 v0, $0x7;
	v22 =	vor.u32 v23, v1;
	v21 =	vadd.s32 $0x2800, v21;
	v16 =	vld.idx.msk [tilespmem:v16+s26+$0x0], $0xffff  }
0x358: {  	v23 =	vor.u32 v23, v0;
	v22 =	vadd.s32 $0x2C00, v22;
	v17 =	vld.idx.msk [tilespmem:v17+s26+$0x0], $0xffff  }
0x359: {  	v45 =	vadd.s32 $0x3000, v23;
	v44 =	vld.idx.msk [tilespmem:v18+s26+$0x0], $0xffff;
	v12 =	vmax.f32 v12, v13  }
0x35a: {  	v46 =	vld.idx.msk [tilespmem:v19+s26+$0x0], $0xffff;
	v12 =	vmax.f32 v12, v14  }
0x35b: {  	v47 =	vld.idx.msk [tilespmem:v20+s26+$0x0], $0xffff;
	v12 =	vmax.f32 v12, v15  }
0x35c: {  	v48 =	vld.idx.msk [tilespmem:v21+s26+$0x0], $0xffff;
	v12 =	vmax.f32 v12, v16  }
0x35d: {  	v49 =	vld.idx.msk [tilespmem:v22+s26+$0x0], $0xffff;
	v12 =	vmax.f32 v12, v17  }
0x35e: {  	v51 =	vld.idx.msk [tilespmem:v45+s26+$0x0], $0xffff;
	v12 =	vmax.f32 v12, v44  }
0x35f: {  	v58 =	vld [tilespmem:$0x1FF80];
	v12 =	vmax.f32 v12, v46  }
0x360: {  	v59 =	vld [tilespmem:$0x1FF90];
	v11 =	vadd.s32 v52, v11;
	v12 =	vmax.f32 v12, v47  }
0x361: {  	v60 =	vld [tilespmem:$0x1FFA0];
	v10 =	vadd.s32 v53, v10;
	v12 =	vmax.f32 v12, v48  }
0x362: {  	v61 =	vld [tilespmem:$0x1FFB0];
	v9 =	vadd.s32 v54, v9;
	v12 =	vmax.f32 v12, v49  }
0x363: {  	v62 =	vld [tilespmem:$0x1FFC0];
	v8 =	vadd.s32 v55, v8;
	v12 =	vmax.f32 v12, v51  }
0x364: {  	v63 =	vld [tilespmem:$0x1FFD0];
	v7 =	vadd.s32 v56, v7;
	[tilespmem:$0xC980] =	vst v12  }
0x365: {  	v6 =	vadd.s32 v57, v6;
	v11 =	vld.idx.msk [tilespmem:v11+s26+$0x0], $0xffff  }
0x366: {  	v5 =	vadd.s32 v58, v5;
	v10 =	vld.idx.msk [tilespmem:v10+s26+$0x0], $0xffff  }
0x367: {  	v4 =	vadd.s32 v59, v4;
	v9 =	vld.idx.msk [tilespmem:v9+s26+$0x0], $0xffff  }
0x368: {  	v3 =	vadd.s32 v60, v3;
	v8 =	vld.idx.msk [tilespmem:v8+s26+$0x0], $0xffff  }
0x369: {  	v2 =	vadd.s32 v61, v2;
	v7 =	vld.idx.msk [tilespmem:v7+s26+$0x0], $0xffff  }
0x36a: {  	v1 =	vadd.s32 v62, v1;
	v6 =	vld.idx.msk [tilespmem:v6+s26+$0x0], $0xffff  }
0x36b: {  	v0 =	vadd.s32 v63, v0;
	v5 =	vld.idx.msk [tilespmem:v5+s26+$0x0], $0xffff;
	v10 =	vmax.f32 v11, v10  }
0x36c: {  	v4 =	vld.idx.msk [tilespmem:v4+s26+$0x0], $0xffff;
	v9 =	vmax.f32 v10, v9  }
0x36d: {  	v3 =	vld.idx.msk [tilespmem:v3+s26+$0x0], $0xffff;
	v8 =	vmax.f32 v9, v8  }
0x36e: {  	v2 =	vld.idx.msk [tilespmem:v2+s26+$0x0], $0xffff;
	v7 =	vmax.f32 v8, v7  }
0x36f: {  	v1 =	vld.idx.msk [tilespmem:v1+s26+$0x0], $0xffff;
	v6 =	vmax.f32 v7, v6  }
0x370: {  	v0 =	vld.idx.msk [tilespmem:v0+s26+$0x0], $0xffff;
	v5 =	vmax.f32 v6, v5  }
.Ltmp3:
0x371: {  	v4 =	vmax.f32 v5, v4;
	(pc) =	sbr.rel .LBB2_4-.Ltmp3, $4  }
0x372: {  	v3 =	vmax.f32 v4, v3  }
0x373: {  	s24 =	smov.u32 s11;
	s11 =	smov.u32 s1;
	v2 =	vmax.f32 v3, v2  }
0x374: {  	s1 =	smov.u32 s11;
	s11 =	smov.u32 s24;
	s24 =	simm.s32 $0x27400;
	v1 =	vmax.f32 v2, v1  }
0x375: {  	s12 =	smov.u32 s18;
	s18 =	smov.u32 s19;
	s19 =	simm.s32 $0x4;
	v0 =	vmax.f32 v1, v0  }
.LBB2_5:
0x376: {  	_ =	sfence.sel $0x180000  }
0x377: {  	[bflag:$0x0] =	sbarrier.arrive $0xFFFF  }
0x378: {  	_ =	strace $0x90000047  }
0x379: {  	s0 =	stileid.u32;
	[bflag:$0x2] =	sbarrier.arrive $0xFFFF  }
0x37a: {  	p0 =	sne.s32 s0, $0x0;
	s0 =	rddreg [dreg:$0x8]  }
0x37b: {  	s0 =	sadd.s32 @!p0 $0x100000, s0  }
0x37c: {  	[sflag:s0] =	ssyncadd.tile.s32 @!p0 $0x1;
	_ =	shalt  }
.Lfunc_end2:
_tile_overlayer_lowered:
.L_overlay_start_2:
0x37d: {  	(tag) =	ssettag $0x2  }
0x37e: {  	s0 =	rddreg [dreg:$0x0];
	s2 =	stileid.u32  }
0x37f: {  	s1 =	rddreg [dreg:$0x1];
	p0 =	sne.s32 s2, $0x0  }
0x380: {  	s3 =	rddreg [dreg:$0x2];
	[bflag:$0x3] =	sbarrier.arrive $0xFFFF;
	s2 =	simm.s32 @!p0 $0x1C04  }
0x381: {  	[timem:s3], [sflag:s2] =	dma.local @!p0 [hbm:s0], s1  }
0x382: {  	s0 =	simm.s32 @!p0 $0x4  }
0x383: {  	_ =	swait.ge @!p0 [sflag:s0], s1  }
0x384: {  	s1 =	ssub.s32 @!p0 $0x0, s1;
	[sflag:s0] =	ssyncset.done @!p0 $0x0  }
0x385: {  	[sflag:s0] =	ssyncadd.s32 @!p0 s1  }
0x386: {  	[bflag:$0x3] =	sbarrier.arrive $0xFFFF  }
0x387: {  	_ =	shalt  }

</sc_bundles>
